<compile_context>
chip_gen: v7x
topology: tpu7x:2x2x1
jax: 0.10.2.dev20260603
libtpu: 0.0.44.dev20260713+nightly
codegen_flags: <defaults>
</compile_context>

<pallas_src>
import functools

import jax
import jax.numpy as jnp
from jax import lax
from jax.experimental import pallas as pl
from jax.experimental.pallas import tpu as pltpu
from jax.experimental.pallas import tpu_sc as plsc

_NC = 2
_NS = 16
_NW = _NC * _NS
_CH = 128

_N = 10000
_E = 320000
_D = 128
_NPAD = 10112
_ROWS_PER_TILE = _NPAD // _NS
_NCHUNK = 79
_EPT = _NCHUNK * _CH
_EPAD = _EPT * _NW

_mesh = plsc.VectorSubcoreMesh(core_axis_name="c", subcore_axis_name="s")


def _zero_rows(rows_v, nrow, ncol16):
    def body(i, carry):
        for k in range(ncol16):
            rows_v[i, pl.ds(k * 16, 16)] = jnp.zeros((16,), jnp.float32)
        return carry
    lax.fori_loop(0, nrow, body, 0)


def _spmem_zero_and_barrier(zsrc_v, shared, s, width):
    base = s * _ROWS_PER_TILE
    off = 0
    while off < _ROWS_PER_TILE:
        m = min(_CH, _ROWS_PER_TILE - off)
        pltpu.sync_copy(zsrc_v.at[pl.ds(0, m)], shared.at[pl.ds(base + off, m)])
        off += m
    plsc.subcore_barrier()


def _spmem_writeout(shared, rows_v, out_slice, s):
    base = s * _ROWS_PER_TILE
    off = 0
    while off < _ROWS_PER_TILE:
        m = min(_CH, _ROWS_PER_TILE - off)
        pltpu.sync_copy(shared.at[pl.ds(base + off, m)], rows_v.at[pl.ds(0, m)])
        pltpu.sync_copy(rows_v.at[pl.ds(0, m)], out_slice.at[pl.ds(base + off, m)])
        off += m


@functools.partial(
    pl.kernel,
    out_type=jax.ShapeDtypeStruct((_NC, _NPAD, _D), jnp.float32),
    mesh=_mesh,
    scratch_types=[
        pltpu.VMEM((_NCHUNK, _CH), jnp.int32),
        pltpu.VMEM((_NCHUNK, _CH), jnp.int32),
        pltpu.VMEM((_CH, _D), jnp.float32),
        pltpu.VMEM_SHARED((_NPAD, _D), jnp.float32),
    ],
)
def _sc_agg(h_hbm, src_hbm, dst_hbm, out_hbm, src_v, dst_v, rows, acc_sh):
    c = lax.axis_index("c")
    s = lax.axis_index("s")
    wid = c * _NS + s
    pltpu.sync_copy(src_hbm.at[wid], src_v)
    pltpu.sync_copy(dst_hbm.at[wid], dst_v)
    _zero_rows(rows, _CH, _D // 16)
    _spmem_zero_and_barrier(rows, acc_sh, s, _D)

    def body(j, carry):
        pltpu.sync_copy(h_hbm.at[src_v.at[j]], rows)
        pltpu.sync_copy(rows, acc_sh.at[dst_v.at[j]], add=True)
        return carry
    lax.fori_loop(0, _NCHUNK, body, 0)

    plsc.subcore_barrier()
    _spmem_writeout(acc_sh, rows, out_hbm.at[c], s)


@functools.partial(
    pl.kernel,
    out_type=jax.ShapeDtypeStruct((_NC, _NPAD, _D), jnp.float32),
    mesh=_mesh,
    scratch_types=[
        pltpu.VMEM((_NCHUNK, _CH), jnp.int32),
        pltpu.VMEM((_CH, _D), jnp.float32),
        pltpu.VMEM((_CH, _D), jnp.float32),
        pltpu.VMEM_SHARED((_NPAD, _D), jnp.float32),
    ],
)
def _sc_deg(dst_hbm, out_hbm, dst_v, ones_v, zero_v, acc_sh):
    c = lax.axis_index("c")
    s = lax.axis_index("s")
    wid = c * _NS + s
    pltpu.sync_copy(dst_hbm.at[wid], dst_v)

    def fill(i, carry):
        for k in range(_D // 16):
            ones_v[i, pl.ds(k * 16, 16)] = jnp.ones((16,), jnp.float32)
            zero_v[i, pl.ds(k * 16, 16)] = jnp.zeros((16,), jnp.float32)
        return carry
    lax.fori_loop(0, _CH, fill, 0)
    _spmem_zero_and_barrier(zero_v, acc_sh, s, _D)

    def body(j, carry):
        pltpu.sync_copy(ones_v, acc_sh.at[dst_v.at[j]], add=True)
        return carry
    lax.fori_loop(0, _NCHUNK, body, 0)

    plsc.subcore_barrier()
    _spmem_writeout(acc_sh, zero_v, out_hbm.at[c], s)


def _matmul(a, w):
    return lax.dot_general(
        a, w, (((1,), (0,)), ((), ())),
        precision=lax.Precision.HIGHEST,
        preferred_element_type=jnp.float32,
    )


_BM = 2000
_NBLK = _N // _BM


def _linear_body(h_ref, pp_ref, dd_ref, wl_ref, bl_ref, wr_ref,
                 t_ref, st_ref, acc_ref):
    j = pl.program_id(0)
    agg = pp_ref[0] + pp_ref[1]
    deg = dd_ref[0, :, 0:1] + dd_ref[1, :, 0:1]
    mean = agg * (1.0 / jnp.maximum(deg, 1.0))
    t = _matmul(mean, wl_ref[...]) + _matmul(h_ref[...], wr_ref[...]) \
        + bl_ref[...]
    t_ref[...] = t

    @pl.when(j == 0)
    def _():
        acc_ref[...] = jnp.zeros_like(acc_ref)

    acc_ref[0:1, :] += jnp.sum(t, axis=0, keepdims=True)
    acc_ref[1:2, :] += jnp.sum(t * t, axis=0, keepdims=True)

    @pl.when(j == _NBLK - 1)
    def _():
        mu = acc_ref[0:1, :] * (1.0 / _N)
        st_ref[0:1, :] = mu
        st_ref[1:2, :] = acc_ref[1:2, :] * (1.0 / _N) - mu * mu


def _bn_body(t_ref, st_ref, g_ref, b_ref, wc_ref, bc_ref, o_ref, *, last):
    mu = st_ref[0:1, :]
    var = st_ref[1:2, :]
    y = (t_ref[...] - mu) * lax.rsqrt(var + 1e-5) * g_ref[...] + b_ref[...]
    y = jnp.maximum(y, 0.0)
    if last:
        o_ref[...] = _matmul(y, wc_ref[...]) + bc_ref[...]
    else:
        o_ref[...] = y


def _dense_layer(h, pp, dd, Wl, bl, Wr, g, b, Wc, bc, last):
    t, st = pl.pallas_call(
        _linear_body,
        grid=(_NBLK,),
        in_specs=[
            pl.BlockSpec((_BM, _D), lambda j: (j, 0)),
            pl.BlockSpec((_NC, _BM, _D), lambda j: (0, j, 0)),
            pl.BlockSpec((_NC, _BM, 16), lambda j: (0, j, 0)),
            pl.BlockSpec((_D, _D), lambda j: (0, 0)),
            pl.BlockSpec((1, _D), lambda j: (0, 0)),
            pl.BlockSpec((_D, _D), lambda j: (0, 0)),
        ],
        out_specs=[
            pl.BlockSpec((_BM, _D), lambda j: (j, 0)),
            pl.BlockSpec((2, _D), lambda j: (0, 0)),
        ],
        out_shape=[
            jax.ShapeDtypeStruct((_N, _D), jnp.float32),
            jax.ShapeDtypeStruct((2, _D), jnp.float32),
        ],
        scratch_shapes=[pltpu.VMEM((2, _D), jnp.float32)],
    )(h, pp, dd, Wl, bl.reshape(1, -1), Wr)

    return pl.pallas_call(
        functools.partial(_bn_body, last=last),
        grid=(_NBLK,),
        in_specs=[
            pl.BlockSpec((_BM, _D), lambda j: (j, 0)),
            pl.BlockSpec((2, _D), lambda j: (0, 0)),
            pl.BlockSpec((1, _D), lambda j: (0, 0)),
            pl.BlockSpec((1, _D), lambda j: (0, 0)),
            pl.BlockSpec((_D, _D), lambda j: (0, 0)),
            pl.BlockSpec((1, _D), lambda j: (0, 0)),
        ],
        out_specs=pl.BlockSpec((_BM, _D), lambda j: (j, 0)),
        out_shape=jax.ShapeDtypeStruct((_N, _D), jnp.float32),
    )(t, st, g.reshape(1, -1), b.reshape(1, -1), Wc, bc.reshape(1, -1))


def kernel(x, edge_index, Wl0, bl0, Wr0, g0, b0, Wl1, bl1, Wr1, g1, b1,
           Wl2, bl2, Wr2, g2, b2, Wc, bc):
    src = edge_index[0]
    dst = edge_index[1]
    pad = _EPAD - _E
    src3 = jnp.concatenate([src, jnp.zeros((pad,), jnp.int32)]).reshape(
        _NW, _NCHUNK, _CH)
    dst3 = jnp.concatenate([dst, jnp.full((pad,), _N, jnp.int32)]).reshape(
        _NW, _NCHUNK, _CH)

    dd = _sc_deg(dst3)[:, :, :16]

    c = Wc.shape[1]
    Wcp = jnp.zeros((_D, 128), jnp.float32).at[:, :c].set(Wc)
    bcp = jnp.zeros((128,), jnp.float32).at[:c].set(bc)

    h = x
    params = [(Wl0, bl0, Wr0, g0, b0), (Wl1, bl1, Wr1, g1, b1),
              (Wl2, bl2, Wr2, g2, b2)]
    for i, (Wl, bl, Wr, g, b) in enumerate(params):
        pp = _sc_agg(h, src3, dst3)
        h = _dense_layer(h, pp, dd, Wl, bl, Wr, g, b, Wcp, bcp,
                         last=(i == 2))
    return h[:, :c]

# --- scband reference (transcript-rebuilt; emitter-appended) ---
"""Pipeline reference for scband-graph-sage-8787503088149 (READ-ONLY COPY).

The authoritative reference and input builder live on the scoring server;
editing this copy changes nothing except your own understanding.
"""

import jax, jax.numpy as jnp
import numpy as np

N = 10000
E = 320000
D = 128
H = 128
C = 40


def setup_inputs(seed: int = 0) -> dict:
    key = jax.random.key(seed)
    ks = jax.random.split(key, 32)
    inp = {}
    inp["x"] = jax.random.normal(ks[0], (N, D), dtype=jnp.float32)
    inp["edge_index"] = jax.random.randint(ks[1], (2, E), 0, N, dtype=jnp.int32)
    dims = [(D, H), (H, H), (H, H)]
    ki = 2
    for i, (fi, fo) in enumerate(dims):
        inp[f"Wl{i}"] = jax.random.normal(ks[ki], (fi, fo), dtype=jnp.float32) / np.sqrt(fi); ki += 1
        inp[f"bl{i}"] = jnp.zeros((fo,), dtype=jnp.float32)
        inp[f"Wr{i}"] = jax.random.normal(ks[ki], (fi, fo), dtype=jnp.float32) / np.sqrt(fi); ki += 1
        inp[f"g{i}"] = jnp.ones((fo,), dtype=jnp.float32)
        inp[f"b{i}"] = jnp.zeros((fo,), dtype=jnp.float32)
    inp["Wc"] = jax.random.normal(ks[ki], (H, C), dtype=jnp.float32) / np.sqrt(H)
    inp["bc"] = jnp.zeros((C,), dtype=jnp.float32)
    return inp


def reference(x, edge_index, Wl0, bl0, Wr0, g0, b0, Wl1, bl1, Wr1, g1, b1, Wl2, bl2, Wr2, g2, b2, Wc, bc):
    src = edge_index[0]
    dst = edge_index[1]
    n = x.shape[0]

    def conv(h, Wl, bl, Wr):
        msg = h[src]
        agg = jax.ops.segment_sum(msg, dst, num_segments=n)
        deg = jax.ops.segment_sum(jnp.ones((src.shape[0],), dtype=h.dtype), dst, num_segments=n)
        mean = agg / jnp.clip(deg, 1.0)[:, None]
        return mean @ Wl + bl + h @ Wr

    def bn(h, g, b):
        mu = jnp.mean(h, axis=0)
        var = jnp.var(h, axis=0)
        return (h - mu) / jnp.sqrt(var + 1e-5) * g + b

    h = x
    for Wl, bl, Wr, g, b in [(Wl0, bl0, Wr0, g0, b0), (Wl1, bl1, Wr1, g1, b1), (Wl2, bl2, Wr2, g2, b2)]:
        h = conv(h, Wl, bl, Wr)
        h = bn(h, g, b)
        h = jax.nn.relu(h)
        # dropout is identity in eval mode
    return h @ Wc + bc

if __name__ == "__main__":
    import jax
    _d = setup_inputs()
    print(jax.jit(kernel)(*tuple(_d.values())))

</pallas_src>

<mosaic_0001>
#map = affine_map<(d0, d1) -> (0, 0)>
#map1 = affine_map<(d0, d1) -> (0, 0, 0)>
module attributes {stable_mosaic.version = 14 : i64} {
  func.func @_sc_agg(%arg0: i32, %arg1: i32, %arg2: memref<10000x128xf32, #tpu.memory_space<hbm>>, %arg3: memref<32x79x128xi32, #tpu.memory_space<hbm>>, %arg4: memref<32x79x128xi32, #tpu.memory_space<hbm>>, %arg5: memref<2x10112x128xf32, #tpu.memory_space<hbm>>, %arg6: memref<79x128xi32, #tpu.memory_space<vmem>>, %arg7: memref<79x128xi32, #tpu.memory_space<vmem>>, %arg8: memref<128x128xf32, #tpu.memory_space<vmem>>, %arg9: memref<10112x128xf32, #tpu.memory_space<vmem_shared>>) attributes {dimension_semantics = [#tpu.dimension_semantics<core_parallel>, #tpu.dimension_semantics<subcore_parallel>], iteration_bounds = array<i64: 2, 16>, scalar_prefetch = 0 : i64, scratch_operands = 4 : i64, tpu.core_type = #tpu.core_type<sc_vector_subcore>, window_params = [{transform_indices = #map}, {transform_indices = #map1}, {transform_indices = #map1}, {transform_indices = #map1}]} {
    %mul3A = arith.constant 16 : i32
    %mul3A_0 = arith.muli %arg0, %mul3A : i32
    %add3A = arith.addi %mul3A_0, %arg1 : i32
    "tpu.region"() ({
      %run_scoped3A = tpu.sem_alloc : memref<!tpu.dma_semaphore, #tpu.memory_space<semaphore_mem>>
      %dma_start3A = arith.constant 0 : i32
      %dma_start3A_47 = arith.constant 0 : i32
      %dma_start3A_48 = tpu.memref_slice %arg3[%add3A, %dma_start3A, %dma_start3A_47] : memref<32x79x128xi32, #tpu.memory_space<hbm>> -> memref<1x79x128xi32, #tpu.memory_space<hbm>>
      %dma_start3A_49 = tpu.memref_squeeze %dma_start3A_48 : memref<1x79x128xi32, #tpu.memory_space<hbm>> -> memref<79x128xi32, #tpu.memory_space<hbm>>
      %dma_start3A_50 = arith.constant 0 : i32
      %dma_start3A_51 = arith.constant 0 : i32
      %dma_start3A_52 = tpu.memref_slice %arg3[%add3A, %dma_start3A_50, %dma_start3A_51] : memref<32x79x128xi32, #tpu.memory_space<hbm>> -> memref<1x79x128xi32, #tpu.memory_space<hbm>>
      %dma_start3A_53 = tpu.memref_squeeze %dma_start3A_52 : memref<1x79x128xi32, #tpu.memory_space<hbm>> -> memref<79x128xi32, #tpu.memory_space<hbm>>
      tpu.enqueue_dma source(%dma_start3A_53 : memref<79x128xi32, #tpu.memory_space<hbm>>) target(%arg6 : memref<79x128xi32, #tpu.memory_space<vmem>>) target_semaphore(%run_scoped3A : memref<!tpu.dma_semaphore, #tpu.memory_space<semaphore_mem>>)
      %dma_wait3A = arith.constant 0 : i32
      %dma_wait3A_54 = arith.constant 0 : i32
      %dma_wait3A_55 = tpu.memref_slice %arg3[%add3A, %dma_wait3A, %dma_wait3A_54] : memref<32x79x128xi32, #tpu.memory_space<hbm>> -> memref<1x79x128xi32, #tpu.memory_space<hbm>>
      %dma_wait3A_56 = tpu.memref_squeeze %dma_wait3A_55 : memref<1x79x128xi32, #tpu.memory_space<hbm>> -> memref<79x128xi32, #tpu.memory_space<hbm>>
      %dma_wait3A_57 = arith.constant 0 : i32
      %dma_wait3A_58 = arith.constant 0 : i32
      %dma_wait3A_59 = tpu.memref_slice %arg3[%add3A, %dma_wait3A_57, %dma_wait3A_58] : memref<32x79x128xi32, #tpu.memory_space<hbm>> -> memref<1x79x128xi32, #tpu.memory_space<hbm>>
      %dma_wait3A_60 = tpu.memref_squeeze %dma_wait3A_59 : memref<1x79x128xi32, #tpu.memory_space<hbm>> -> memref<79x128xi32, #tpu.memory_space<hbm>>
      tpu.wait_dma2 semaphore(%run_scoped3A : memref<!tpu.dma_semaphore, #tpu.memory_space<semaphore_mem>>) src(%dma_wait3A_60 : memref<79x128xi32, #tpu.memory_space<hbm>>) dst(%arg6 : memref<79x128xi32, #tpu.memory_space<vmem>>)
      tpu.yield
    }) : () -> ()
    "tpu.region"() ({
      %run_scoped3A = tpu.sem_alloc : memref<!tpu.dma_semaphore, #tpu.memory_space<semaphore_mem>>
      %dma_start3A = arith.constant 0 : i32
      %dma_start3A_47 = arith.constant 0 : i32
      %dma_start3A_48 = tpu.memref_slice %arg4[%add3A, %dma_start3A, %dma_start3A_47] : memref<32x79x128xi32, #tpu.memory_space<hbm>> -> memref<1x79x128xi32, #tpu.memory_space<hbm>>
      %dma_start3A_49 = tpu.memref_squeeze %dma_start3A_48 : memref<1x79x128xi32, #tpu.memory_space<hbm>> -> memref<79x128xi32, #tpu.memory_space<hbm>>
      %dma_start3A_50 = arith.constant 0 : i32
      %dma_start3A_51 = arith.constant 0 : i32
      %dma_start3A_52 = tpu.memref_slice %arg4[%add3A, %dma_start3A_50, %dma_start3A_51] : memref<32x79x128xi32, #tpu.memory_space<hbm>> -> memref<1x79x128xi32, #tpu.memory_space<hbm>>
      %dma_start3A_53 = tpu.memref_squeeze %dma_start3A_52 : memref<1x79x128xi32, #tpu.memory_space<hbm>> -> memref<79x128xi32, #tpu.memory_space<hbm>>
      tpu.enqueue_dma source(%dma_start3A_53 : memref<79x128xi32, #tpu.memory_space<hbm>>) target(%arg7 : memref<79x128xi32, #tpu.memory_space<vmem>>) target_semaphore(%run_scoped3A : memref<!tpu.dma_semaphore, #tpu.memory_space<semaphore_mem>>)
      %dma_wait3A = arith.constant 0 : i32
      %dma_wait3A_54 = arith.constant 0 : i32
      %dma_wait3A_55 = tpu.memref_slice %arg4[%add3A, %dma_wait3A, %dma_wait3A_54] : memref<32x79x128xi32, #tpu.memory_space<hbm>> -> memref<1x79x128xi32, #tpu.memory_space<hbm>>
      %dma_wait3A_56 = tpu.memref_squeeze %dma_wait3A_55 : memref<1x79x128xi32, #tpu.memory_space<hbm>> -> memref<79x128xi32, #tpu.memory_space<hbm>>
      %dma_wait3A_57 = arith.constant 0 : i32
      %dma_wait3A_58 = arith.constant 0 : i32
      %dma_wait3A_59 = tpu.memref_slice %arg4[%add3A, %dma_wait3A_57, %dma_wait3A_58] : memref<32x79x128xi32, #tpu.memory_space<hbm>> -> memref<1x79x128xi32, #tpu.memory_space<hbm>>
      %dma_wait3A_60 = tpu.memref_squeeze %dma_wait3A_59 : memref<1x79x128xi32, #tpu.memory_space<hbm>> -> memref<79x128xi32, #tpu.memory_space<hbm>>
      tpu.wait_dma2 semaphore(%run_scoped3A : memref<!tpu.dma_semaphore, #tpu.memory_space<semaphore_mem>>) src(%dma_wait3A_60 : memref<79x128xi32, #tpu.memory_space<hbm>>) dst(%arg7 : memref<79x128xi32, #tpu.memory_space<vmem>>)
      tpu.yield
    }) : () -> ()
    %scan3A = arith.constant 0 : i32
    %scan3A_1 = arith.constant 0 : i32
    %scan3A_2 = arith.constant 128 : i32
    %scan3A_3 = arith.addi %scan3A_1, %scan3A_2 : i32
    %scan3A_4 = arith.constant 1 : i32
    scf.for %scan3A_47 = %scan3A_1 to %scan3A_3 step %scan3A_4  : i32 {
      %broadcast_in_dim3A = arith.constant 0.000000e+00 : f32
      %broadcast_in_dim3A_48 = vector.broadcast %broadcast_in_dim3A : f32 to vector<16xf32>
      %swap3A = arith.index_cast %scan3A_47 : i32 to index
      %swap3A_49 = arith.constant 0 : index
      %swap3A_50 = tpu.vector_load %arg8[%swap3A, %swap3A_49] {strides = array<i32>} : memref<128x128xf32, #tpu.memory_space<vmem>>, vector<1x16xf32>,
      %swap3A_51 = vector.shape_cast %swap3A_50 : vector<1x16xf32> to vector<16xf32>
      %swap3A_52 = vector.shape_cast %broadcast_in_dim3A_48 : vector<16xf32> to vector<1x16xf32>
      tpu.vector_store %arg8[%swap3A, %swap3A_49], %swap3A_52 {strides = array<i32>} : memref<128x128xf32, #tpu.memory_space<vmem>>, vector<1x16xf32>,
      %broadcast_in_dim3A_53 = arith.constant 0.000000e+00 : f32
      %broadcast_in_dim3A_54 = vector.broadcast %broadcast_in_dim3A_53 : f32 to vector<16xf32>
      %swap3A_55 = arith.index_cast %scan3A_47 : i32 to index
      %swap3A_56 = arith.constant 16 : index
      %swap3A_57 = tpu.vector_load %arg8[%swap3A_55, %swap3A_56] {strides = array<i32>} : memref<128x128xf32, #tpu.memory_space<vmem>>, vector<1x16xf32>,
      %swap3A_58 = vector.shape_cast %swap3A_57 : vector<1x16xf32> to vector<16xf32>
      %swap3A_59 = vector.shape_cast %broadcast_in_dim3A_54 : vector<16xf32> to vector<1x16xf32>
      tpu.vector_store %arg8[%swap3A_55, %swap3A_56], %swap3A_59 {strides = array<i32>} : memref<128x128xf32, #tpu.memory_space<vmem>>, vector<1x16xf32>,
      %broadcast_in_dim3A_60 = arith.constant 0.000000e+00 : f32
      %broadcast_in_dim3A_61 = vector.broadcast %broadcast_in_dim3A_60 : f32 to vector<16xf32>
      %swap3A_62 = arith.index_cast %scan3A_47 : i32 to index
      %swap3A_63 = arith.constant 32 : index
      %swap3A_64 = tpu.vector_load %arg8[%swap3A_62, %swap3A_63] {strides = array<i32>} : memref<128x128xf32, #tpu.memory_space<vmem>>, vector<1x16xf32>,
      %swap3A_65 = vector.shape_cast %swap3A_64 : vector<1x16xf32> to vector<16xf32>
      %swap3A_66 = vector.shape_cast %broadcast_in_dim3A_61 : vector<16xf32> to vector<1x16xf32>
      tpu.vector_store %arg8[%swap3A_62, %swap3A_63], %swap3A_66 {strides = array<i32>} : memref<128x128xf32, #tpu.memory_space<vmem>>, vector<1x16xf32>,
      %broadcast_in_dim3A_67 = arith.constant 0.000000e+00 : f32
      %broadcast_in_dim3A_68 = vector.broadcast %broadcast_in_dim3A_67 : f32 to vector<16xf32>
      %swap3A_69 = arith.index_cast %scan3A_47 : i32 to index
      %swap3A_70 = arith.constant 48 : index
      %swap3A_71 = tpu.vector_load %arg8[%swap3A_69, %swap3A_70] {strides = array<i32>} : memref<128x128xf32, #tpu.memory_space<vmem>>, vector<1x16xf32>,
      %swap3A_72 = vector.shape_cast %swap3A_71 : vector<1x16xf32> to vector<16xf32>
      %swap3A_73 = vector.shape_cast %broadcast_in_dim3A_68 : vector<16xf32> to vector<1x16xf32>
      tpu.vector_store %arg8[%swap3A_69, %swap3A_70], %swap3A_73 {strides = array<i32>} : memref<128x128xf32, #tpu.memory_space<vmem>>, vector<1x16xf32>,
      %broadcast_in_dim3A_74 = arith.constant 0.000000e+00 : f32
      %broadcast_in_dim3A_75 = vector.broadcast %broadcast_in_dim3A_74 : f32 to vector<16xf32>
      %swap3A_76 = arith.index_cast %scan3A_47 : i32 to index
      %swap3A_77 = arith.constant 64 : index
      %swap3A_78 = tpu.vector_load %arg8[%swap3A_76, %swap3A_77] {strides = array<i32>} : memref<128x128xf32, #tpu.memory_space<vmem>>, vector<1x16xf32>,
      %swap3A_79 = vector.shape_cast %swap3A_78 : vector<1x16xf32> to vector<16xf32>
      %swap3A_80 = vector.shape_cast %broadcast_in_dim3A_75 : vector<16xf32> to vector<1x16xf32>
      tpu.vector_store %arg8[%swap3A_76, %swap3A_77], %swap3A_80 {strides = array<i32>} : memref<128x128xf32, #tpu.memory_space<vmem>>, vector<1x16xf32>,
      %broadcast_in_dim3A_81 = arith.constant 0.000000e+00 : f32
      %broadcast_in_dim3A_82 = vector.broadcast %broadcast_in_dim3A_81 : f32 to vector<16xf32>
      %swap3A_83 = arith.index_cast %scan3A_47 : i32 to index
      %swap3A_84 = arith.constant 80 : index
      %swap3A_85 = tpu.vector_load %arg8[%swap3A_83, %swap3A_84] {strides = array<i32>} : memref<128x128xf32, #tpu.memory_space<vmem>>, vector<1x16xf32>,
      %swap3A_86 = vector.shape_cast %swap3A_85 : vector<1x16xf32> to vector<16xf32>
      %swap3A_87 = vector.shape_cast %broadcast_in_dim3A_82 : vector<16xf32> to vector<1x16xf32>
      tpu.vector_store %arg8[%swap3A_83, %swap3A_84], %swap3A_87 {strides = array<i32>} : memref<128x128xf32, #tpu.memory_space<vmem>>, vector<1x16xf32>,
      %broadcast_in_dim3A_88 = arith.constant 0.000000e+00 : f32
      %broadcast_in_dim3A_89 = vector.broadcast %broadcast_in_dim3A_88 : f32 to vector<16xf32>
      %swap3A_90 = arith.index_cast %scan3A_47 : i32 to index
      %swap3A_91 = arith.constant 96 : index
      %swap3A_92 = tpu.vector_load %arg8[%swap3A_90, %swap3A_91] {strides = array<i32>} : memref<128x128xf32, #tpu.memory_space<vmem>>, vector<1x16xf32>,
      %swap3A_93 = vector.shape_cast %swap3A_92 : vector<1x16xf32> to vector<16xf32>
      %swap3A_94 = vector.shape_cast %broadcast_in_dim3A_89 : vector<16xf32> to vector<1x16xf32>
      tpu.vector_store %arg8[%swap3A_90, %swap3A_91], %swap3A_94 {strides = array<i32>} : memref<128x128xf32, #tpu.memory_space<vmem>>, vector<1x16xf32>,
      %broadcast_in_dim3A_95 = arith.constant 0.000000e+00 : f32
      %broadcast_in_dim3A_96 = vector.broadcast %broadcast_in_dim3A_95 : f32 to vector<16xf32>
      %swap3A_97 = arith.index_cast %scan3A_47 : i32 to index
      %swap3A_98 = arith.constant 112 : index
      %swap3A_99 = tpu.vector_load %arg8[%swap3A_97, %swap3A_98] {strides = array<i32>} : memref<128x128xf32, #tpu.memory_space<vmem>>, vector<1x16xf32>,
      %swap3A_100 = vector.shape_cast %swap3A_99 : vector<1x16xf32> to vector<16xf32>
      %swap3A_101 = vector.shape_cast %broadcast_in_dim3A_96 : vector<16xf32> to vector<1x16xf32>
      tpu.vector_store %arg8[%swap3A_97, %swap3A_98], %swap3A_101 {strides = array<i32>} : memref<128x128xf32, #tpu.memory_space<vmem>>, vector<1x16xf32>,
    }
    %scan3A_5 = arith.constant 128 : i32
    %mul3A_6 = arith.constant 632 : i32
    %mul3A_7 = arith.muli %arg1, %mul3A_6 : i32
    %add3A_8 = arith.constant 0 : i32
    %add3A_9 = arith.addi %mul3A_7, %add3A_8 : i32
    "tpu.region"() ({
      %run_scoped3A = tpu.sem_alloc : memref<!tpu.dma_semaphore, #tpu.memory_space<semaphore_mem>>
      %dma_start3A = arith.constant 0 : i32
      %dma_start3A_47 = arith.constant 0 : i32
      %dma_start3A_48 = tpu.memref_slice %arg8[%dma_start3A, %dma_start3A_47] : memref<128x128xf32, #tpu.memory_space<vmem>> -> memref<128x128xf32, #tpu.memory_space<vmem>>
      %dma_start3A_49 = arith.constant 0 : i32
      %dma_start3A_50 = tpu.memref_slice %arg9[%add3A_9, %dma_start3A_49] : memref<10112x128xf32, #tpu.memory_space<vmem_shared>> -> memref<128x128xf32, #tpu.memory_space<vmem_shared>>
      %dma_start3A_51 = arith.constant 0 : i32
      %dma_start3A_52 = tpu.memref_slice %arg9[%add3A_9, %dma_start3A_51] : memref<10112x128xf32, #tpu.memory_space<vmem_shared>> -> memref<128x128xf32, #tpu.memory_space<vmem_shared>>
      %dma_start3A_53 = arith.constant 0 : i32
      %dma_start3A_54 = arith.constant 0 : i32
      %dma_start3A_55 = tpu.memref_slice %arg8[%dma_start3A_53, %dma_start3A_54] : memref<128x128xf32, #tpu.memory_space<vmem>> -> memref<128x128xf32, #tpu.memory_space<vmem>>
      tpu.enqueue_dma source(%dma_start3A_55 : memref<128x128xf32, #tpu.memory_space<vmem>>) target(%dma_start3A_52 : memref<128x128xf32, #tpu.memory_space<vmem_shared>>) target_semaphore(%run_scoped3A : memref<!tpu.dma_semaphore, #tpu.memory_space<semaphore_mem>>)
      %dma_wait3A = arith.constant 0 : i32
      %dma_wait3A_56 = arith.constant 0 : i32
      %dma_wait3A_57 = tpu.memref_slice %arg8[%dma_wait3A, %dma_wait3A_56] : memref<128x128xf32, #tpu.memory_space<vmem>> -> memref<128x128xf32, #tpu.memory_space<vmem>>
      %dma_wait3A_58 = arith.constant 0 : i32
      %dma_wait3A_59 = tpu.memref_slice %arg9[%add3A_9, %dma_wait3A_58] : memref<10112x128xf32, #tpu.memory_space<vmem_shared>> -> memref<128x128xf32, #tpu.memory_space<vmem_shared>>
      %dma_wait3A_60 = arith.constant 0 : i32
      %dma_wait3A_61 = tpu.memref_slice %arg9[%add3A_9, %dma_wait3A_60] : memref<10112x128xf32, #tpu.memory_space<vmem_shared>> -> memref<128x128xf32, #tpu.memory_space<vmem_shared>>
      %dma_wait3A_62 = arith.constant 0 : i32
      %dma_wait3A_63 = arith.constant 0 : i32
      %dma_wait3A_64 = tpu.memref_slice %arg8[%dma_wait3A_62, %dma_wait3A_63] : memref<128x128xf32, #tpu.memory_space<vmem>> -> memref<128x128xf32, #tpu.memory_space<vmem>>
      tpu.wait_dma2 semaphore(%run_scoped3A : memref<!tpu.dma_semaphore, #tpu.memory_space<semaphore_mem>>) src(%dma_wait3A_64 : memref<128x128xf32, #tpu.memory_space<vmem>>) dst(%dma_wait3A_61 : memref<128x128xf32, #tpu.memory_space<vmem_shared>>)
      tpu.yield
    }) : () -> ()
    %add3A_10 = arith.constant 128 : i32
    %add3A_11 = arith.addi %mul3A_7, %add3A_10 : i32
    "tpu.region"() ({
      %run_scoped3A = tpu.sem_alloc : memref<!tpu.dma_semaphore, #tpu.memory_space<semaphore_mem>>
      %dma_start3A = arith.constant 0 : i32
      %dma_start3A_47 = arith.constant 0 : i32
      %dma_start3A_48 = tpu.memref_slice %arg8[%dma_start3A, %dma_start3A_47] : memref<128x128xf32, #tpu.memory_space<vmem>> -> memref<128x128xf32, #tpu.memory_space<vmem>>
      %dma_start3A_49 = arith.constant 0 : i32
      %dma_start3A_50 = tpu.memref_slice %arg9[%add3A_11, %dma_start3A_49] : memref<10112x128xf32, #tpu.memory_space<vmem_shared>> -> memref<128x128xf32, #tpu.memory_space<vmem_shared>>
      %dma_start3A_51 = arith.constant 0 : i32
      %dma_start3A_52 = tpu.memref_slice %arg9[%add3A_11, %dma_start3A_51] : memref<10112x128xf32, #tpu.memory_space<vmem_shared>> -> memref<128x128xf32, #tpu.memory_space<vmem_shared>>
      %dma_start3A_53 = arith.constant 0 : i32
      %dma_start3A_54 = arith.constant 0 : i32
      %dma_start3A_55 = tpu.memref_slice %arg8[%dma_start3A_53, %dma_start3A_54] : memref<128x128xf32, #tpu.memory_space<vmem>> -> memref<128x128xf32, #tpu.memory_space<vmem>>
      tpu.enqueue_dma source(%dma_start3A_55 : memref<128x128xf32, #tpu.memory_space<vmem>>) target(%dma_start3A_52 : memref<128x128xf32, #tpu.memory_space<vmem_shared>>) target_semaphore(%run_scoped3A : memref<!tpu.dma_semaphore, #tpu.memory_space<semaphore_mem>>)
      %dma_wait3A = arith.constant 0 : i32
      %dma_wait3A_56 = arith.constant 0 : i32
      %dma_wait3A_57 = tpu.memref_slice %arg8[%dma_wait3A, %dma_wait3A_56] : memref<128x128xf32, #tpu.memory_space<vmem>> -> memref<128x128xf32, #tpu.memory_space<vmem>>
      %dma_wait3A_58 = arith.constant 0 : i32
      %dma_wait3A_59 = tpu.memref_slice %arg9[%add3A_11, %dma_wait3A_58] : memref<10112x128xf32, #tpu.memory_space<vmem_shared>> -> memref<128x128xf32, #tpu.memory_space<vmem_shared>>
      %dma_wait3A_60 = arith.constant 0 : i32
      %dma_wait3A_61 = tpu.memref_slice %arg9[%add3A_11, %dma_wait3A_60] : memref<10112x128xf32, #tpu.memory_space<vmem_shared>> -> memref<128x128xf32, #tpu.memory_space<vmem_shared>>
      %dma_wait3A_62 = arith.constant 0 : i32
      %dma_wait3A_63 = arith.constant 0 : i32
      %dma_wait3A_64 = tpu.memref_slice %arg8[%dma_wait3A_62, %dma_wait3A_63] : memref<128x128xf32, #tpu.memory_space<vmem>> -> memref<128x128xf32, #tpu.memory_space<vmem>>
      tpu.wait_dma2 semaphore(%run_scoped3A : memref<!tpu.dma_semaphore, #tpu.memory_space<semaphore_mem>>) src(%dma_wait3A_64 : memref<128x128xf32, #tpu.memory_space<vmem>>) dst(%dma_wait3A_61 : memref<128x128xf32, #tpu.memory_space<vmem_shared>>)
      tpu.yield
    }) : () -> ()
    %add3A_12 = arith.constant 256 : i32
    %add3A_13 = arith.addi %mul3A_7, %add3A_12 : i32
    "tpu.region"() ({
      %run_scoped3A = tpu.sem_alloc : memref<!tpu.dma_semaphore, #tpu.memory_space<semaphore_mem>>
      %dma_start3A = arith.constant 0 : i32
      %dma_start3A_47 = arith.constant 0 : i32
      %dma_start3A_48 = tpu.memref_slice %arg8[%dma_start3A, %dma_start3A_47] : memref<128x128xf32, #tpu.memory_space<vmem>> -> memref<128x128xf32, #tpu.memory_space<vmem>>
      %dma_start3A_49 = arith.constant 0 : i32
      %dma_start3A_50 = tpu.memref_slice %arg9[%add3A_13, %dma_start3A_49] : memref<10112x128xf32, #tpu.memory_space<vmem_shared>> -> memref<128x128xf32, #tpu.memory_space<vmem_shared>>
      %dma_start3A_51 = arith.constant 0 : i32
      %dma_start3A_52 = tpu.memref_slice %arg9[%add3A_13, %dma_start3A_51] : memref<10112x128xf32, #tpu.memory_space<vmem_shared>> -> memref<128x128xf32, #tpu.memory_space<vmem_shared>>
      %dma_start3A_53 = arith.constant 0 : i32
      %dma_start3A_54 = arith.constant 0 : i32
      %dma_start3A_55 = tpu.memref_slice %arg8[%dma_start3A_53, %dma_start3A_54] : memref<128x128xf32, #tpu.memory_space<vmem>> -> memref<128x128xf32, #tpu.memory_space<vmem>>
      tpu.enqueue_dma source(%dma_start3A_55 : memref<128x128xf32, #tpu.memory_space<vmem>>) target(%dma_start3A_52 : memref<128x128xf32, #tpu.memory_space<vmem_shared>>) target_semaphore(%run_scoped3A : memref<!tpu.dma_semaphore, #tpu.memory_space<semaphore_mem>>)
      %dma_wait3A = arith.constant 0 : i32
      %dma_wait3A_56 = arith.constant 0 : i32
      %dma_wait3A_57 = tpu.memref_slice %arg8[%dma_wait3A, %dma_wait3A_56] : memref<128x128xf32, #tpu.memory_space<vmem>> -> memref<128x128xf32, #tpu.memory_space<vmem>>
      %dma_wait3A_58 = arith.constant 0 : i32
      %dma_wait3A_59 = tpu.memref_slice %arg9[%add3A_13, %dma_wait3A_58] : memref<10112x128xf32, #tpu.memory_space<vmem_shared>> -> memref<128x128xf32, #tpu.memory_space<vmem_shared>>
      %dma_wait3A_60 = arith.constant 0 : i32
      %dma_wait3A_61 = tpu.memref_slice %arg9[%add3A_13, %dma_wait3A_60] : memref<10112x128xf32, #tpu.memory_space<vmem_shared>> -> memref<128x128xf32, #tpu.memory_space<vmem_shared>>
      %dma_wait3A_62 = arith.constant 0 : i32
      %dma_wait3A_63 = arith.constant 0 : i32
      %dma_wait3A_64 = tpu.memref_slice %arg8[%dma_wait3A_62, %dma_wait3A_63] : memref<128x128xf32, #tpu.memory_space<vmem>> -> memref<128x128xf32, #tpu.memory_space<vmem>>
      tpu.wait_dma2 semaphore(%run_scoped3A : memref<!tpu.dma_semaphore, #tpu.memory_space<semaphore_mem>>) src(%dma_wait3A_64 : memref<128x128xf32, #tpu.memory_space<vmem>>) dst(%dma_wait3A_61 : memref<128x128xf32, #tpu.memory_space<vmem_shared>>)
      tpu.yield
    }) : () -> ()
    %add3A_14 = arith.constant 384 : i32
    %add3A_15 = arith.addi %mul3A_7, %add3A_14 : i32
    "tpu.region"() ({
      %run_scoped3A = tpu.sem_alloc : memref<!tpu.dma_semaphore, #tpu.memory_space<semaphore_mem>>
      %dma_start3A = arith.constant 0 : i32
      %dma_start3A_47 = arith.constant 0 : i32
      %dma_start3A_48 = tpu.memref_slice %arg8[%dma_start3A, %dma_start3A_47] : memref<128x128xf32, #tpu.memory_space<vmem>> -> memref<128x128xf32, #tpu.memory_space<vmem>>
      %dma_start3A_49 = arith.constant 0 : i32
      %dma_start3A_50 = tpu.memref_slice %arg9[%add3A_15, %dma_start3A_49] : memref<10112x128xf32, #tpu.memory_space<vmem_shared>> -> memref<128x128xf32, #tpu.memory_space<vmem_shared>>
      %dma_start3A_51 = arith.constant 0 : i32
      %dma_start3A_52 = tpu.memref_slice %arg9[%add3A_15, %dma_start3A_51] : memref<10112x128xf32, #tpu.memory_space<vmem_shared>> -> memref<128x128xf32, #tpu.memory_space<vmem_shared>>
      %dma_start3A_53 = arith.constant 0 : i32
      %dma_start3A_54 = arith.constant 0 : i32
      %dma_start3A_55 = tpu.memref_slice %arg8[%dma_start3A_53, %dma_start3A_54] : memref<128x128xf32, #tpu.memory_space<vmem>> -> memref<128x128xf32, #tpu.memory_space<vmem>>
      tpu.enqueue_dma source(%dma_start3A_55 : memref<128x128xf32, #tpu.memory_space<vmem>>) target(%dma_start3A_52 : memref<128x128xf32, #tpu.memory_space<vmem_shared>>) target_semaphore(%run_scoped3A : memref<!tpu.dma_semaphore, #tpu.memory_space<semaphore_mem>>)
      %dma_wait3A = arith.constant 0 : i32
      %dma_wait3A_56 = arith.constant 0 : i32
      %dma_wait3A_57 = tpu.memref_slice %arg8[%dma_wait3A, %dma_wait3A_56] : memref<128x128xf32, #tpu.memory_space<vmem>> -> memref<128x128xf32, #tpu.memory_space<vmem>>
      %dma_wait3A_58 = arith.constant 0 : i32
      %dma_wait3A_59 = tpu.memref_slice %arg9[%add3A_15, %dma_wait3A_58] : memref<10112x128xf32, #tpu.memory_space<vmem_shared>> -> memref<128x128xf32, #tpu.memory_space<vmem_shared>>
      %dma_wait3A_60 = arith.constant 0 : i32
      %dma_wait3A_61 = tpu.memref_slice %arg9[%add3A_15, %dma_wait3A_60] : memref<10112x128xf32, #tpu.memory_space<vmem_shared>> -> memref<128x128xf32, #tpu.memory_space<vmem_shared>>
      %dma_wait3A_62 = arith.constant 0 : i32
      %dma_wait3A_63 = arith.constant 0 : i32
      %dma_wait3A_64 = tpu.memref_slice %arg8[%dma_wait3A_62, %dma_wait3A_63] : memref<128x128xf32, #tpu.memory_space<vmem>> -> memref<128x128xf32, #tpu.memory_space<vmem>>
      tpu.wait_dma2 semaphore(%run_scoped3A : memref<!tpu.dma_semaphore, #tpu.memory_space<semaphore_mem>>) src(%dma_wait3A_64 : memref<128x128xf32, #tpu.memory_space<vmem>>) dst(%dma_wait3A_61 : memref<128x128xf32, #tpu.memory_space<vmem_shared>>)
      tpu.yield
    }) : () -> ()
    %add3A_16 = arith.constant 512 : i32
    %add3A_17 = arith.addi %mul3A_7, %add3A_16 : i32
    "tpu.region"() ({
      %run_scoped3A = tpu.sem_alloc : memref<!tpu.dma_semaphore, #tpu.memory_space<semaphore_mem>>
      %dma_start3A = arith.constant 0 : i32
      %dma_start3A_47 = arith.constant 0 : i32
      %dma_start3A_48 = tpu.memref_slice %arg8[%dma_start3A, %dma_start3A_47] : memref<128x128xf32, #tpu.memory_space<vmem>> -> memref<120x128xf32, #tpu.memory_space<vmem>>
      %dma_start3A_49 = arith.constant 0 : i32
      %dma_start3A_50 = tpu.memref_slice %arg9[%add3A_17, %dma_start3A_49] : memref<10112x128xf32, #tpu.memory_space<vmem_shared>> -> memref<120x128xf32, #tpu.memory_space<vmem_shared>>
      %dma_start3A_51 = arith.constant 0 : i32
      %dma_start3A_52 = tpu.memref_slice %arg9[%add3A_17, %dma_start3A_51] : memref<10112x128xf32, #tpu.memory_space<vmem_shared>> -> memref<120x128xf32, #tpu.memory_space<vmem_shared>>
      %dma_start3A_53 = arith.constant 0 : i32
      %dma_start3A_54 = arith.constant 0 : i32
      %dma_start3A_55 = tpu.memref_slice %arg8[%dma_start3A_53, %dma_start3A_54] : memref<128x128xf32, #tpu.memory_space<vmem>> -> memref<120x128xf32, #tpu.memory_space<vmem>>
      tpu.enqueue_dma source(%dma_start3A_55 : memref<120x128xf32, #tpu.memory_space<vmem>>) target(%dma_start3A_52 : memref<120x128xf32, #tpu.memory_space<vmem_shared>>) target_semaphore(%run_scoped3A : memref<!tpu.dma_semaphore, #tpu.memory_space<semaphore_mem>>)
      %dma_wait3A = arith.constant 0 : i32
      %dma_wait3A_56 = arith.constant 0 : i32
      %dma_wait3A_57 = tpu.memref_slice %arg8[%dma_wait3A, %dma_wait3A_56] : memref<128x128xf32, #tpu.memory_space<vmem>> -> memref<120x128xf32, #tpu.memory_space<vmem>>
      %dma_wait3A_58 = arith.constant 0 : i32
      %dma_wait3A_59 = tpu.memref_slice %arg9[%add3A_17, %dma_wait3A_58] : memref<10112x128xf32, #tpu.memory_space<vmem_shared>> -> memref<120x128xf32, #tpu.memory_space<vmem_shared>>
      %dma_wait3A_60 = arith.constant 0 : i32
      %dma_wait3A_61 = tpu.memref_slice %arg9[%add3A_17, %dma_wait3A_60] : memref<10112x128xf32, #tpu.memory_space<vmem_shared>> -> memref<120x128xf32, #tpu.memory_space<vmem_shared>>
      %dma_wait3A_62 = arith.constant 0 : i32
      %dma_wait3A_63 = arith.constant 0 : i32
      %dma_wait3A_64 = tpu.memref_slice %arg8[%dma_wait3A_62, %dma_wait3A_63] : memref<128x128xf32, #tpu.memory_space<vmem>> -> memref<120x128xf32, #tpu.memory_space<vmem>>
      tpu.wait_dma2 semaphore(%run_scoped3A : memref<!tpu.dma_semaphore, #tpu.memory_space<semaphore_mem>>) src(%dma_wait3A_64 : memref<120x128xf32, #tpu.memory_space<vmem>>) dst(%dma_wait3A_61 : memref<120x128xf32, #tpu.memory_space<vmem_shared>>)
      tpu.yield
    }) : () -> ()
    %barrier3A = arith.constant 0 : index
    tpu.barrier barrier_id(%barrier3A)
    %scan3A_18 = arith.constant 0 : i32
    %scan3A_19 = arith.constant 0 : i32
    %scan3A_20 = arith.constant 79 : i32
    %scan3A_21 = arith.addi %scan3A_19, %scan3A_20 : i32
    %scan3A_22 = arith.constant 1 : i32
    scf.for %scan3A_47 = %scan3A_19 to %scan3A_21 step %scan3A_22  : i32 {
      "tpu.region"() ({
        %run_scoped3A = tpu.sem_alloc : memref<!tpu.dma_semaphore, #tpu.memory_space<semaphore_mem>>
        %dma_start3A = arith.constant 0 : i32
        %dma_start3A_48 = tpu.memref_slice %arg6[%scan3A_47, %dma_start3A] : memref<79x128xi32, #tpu.memory_space<vmem>> -> memref<1x128xi32, #tpu.memory_space<vmem>>
        %dma_start3A_49 = tpu.memref_squeeze %dma_start3A_48 : memref<1x128xi32, #tpu.memory_space<vmem>> -> memref<128xi32, #tpu.memory_space<vmem>>
        %dma_start3A_50 = arith.constant 0 : i32
        %dma_start3A_51 = arith.constant 0 : i32
        %dma_start3A_52 = tpu.memref_slice %arg2[%dma_start3A_50, %dma_start3A_51] : memref<10000x128xf32, #tpu.memory_space<hbm>> -> memref<10000x128xf32, #tpu.memory_space<hbm>>
        tpu.enqueue_indirect_dma source(%dma_start3A_52 : memref<10000x128xf32, #tpu.memory_space<hbm>>) target(%arg8 : memref<128x128xf32, #tpu.memory_space<vmem>>) offsets(%dma_start3A_49 : memref<128xi32, #tpu.memory_space<vmem>>) semaphore(%run_scoped3A : memref<!tpu.dma_semaphore, #tpu.memory_space<semaphore_mem>>)
        %dma_wait3A = arith.constant 0 : i32
        %dma_wait3A_53 = tpu.memref_slice %arg6[%scan3A_47, %dma_wait3A] : memref<79x128xi32, #tpu.memory_space<vmem>> -> memref<1x128xi32, #tpu.memory_space<vmem>>
        %dma_wait3A_54 = tpu.memref_squeeze %dma_wait3A_53 : memref<1x128xi32, #tpu.memory_space<vmem>> -> memref<128xi32, #tpu.memory_space<vmem>>
        %dma_wait3A_55 = arith.constant 0 : i32
        %dma_wait3A_56 = arith.constant 0 : i32
        %dma_wait3A_57 = tpu.memref_slice %arg2[%dma_wait3A_55, %dma_wait3A_56] : memref<10000x128xf32, #tpu.memory_space<hbm>> -> memref<10000x128xf32, #tpu.memory_space<hbm>>
        tpu.wait_indirect_dma semaphore(%run_scoped3A : memref<!tpu.dma_semaphore, #tpu.memory_space<semaphore_mem>>) src(%dma_wait3A_57 : memref<10000x128xf32, #tpu.memory_space<hbm>>) dst(%arg8 : memref<128x128xf32, #tpu.memory_space<vmem>>)
        tpu.yield
      }) : () -> ()
      "tpu.region"() ({
        %run_scoped3A = tpu.sem_alloc : memref<!tpu.dma_semaphore, #tpu.memory_space<semaphore_mem>>
        %dma_start3A = arith.constant 0 : i32
        %dma_start3A_48 = tpu.memref_slice %arg7[%scan3A_47, %dma_start3A] : memref<79x128xi32, #tpu.memory_space<vmem>> -> memref<1x128xi32, #tpu.memory_space<vmem>>
        %dma_start3A_49 = tpu.memref_squeeze %dma_start3A_48 : memref<1x128xi32, #tpu.memory_space<vmem>> -> memref<128xi32, #tpu.memory_space<vmem>>
        %dma_start3A_50 = arith.constant 0 : i32
        %dma_start3A_51 = arith.constant 0 : i32
        %dma_start3A_52 = tpu.memref_slice %arg9[%dma_start3A_50, %dma_start3A_51] : memref<10112x128xf32, #tpu.memory_space<vmem_shared>> -> memref<10112x128xf32, #tpu.memory_space<vmem_shared>>
        tpu.enqueue_indirect_dma source(%arg8 : memref<128x128xf32, #tpu.memory_space<vmem>>) target(%dma_start3A_52 : memref<10112x128xf32, #tpu.memory_space<vmem_shared>>) offsets(%dma_start3A_49 : memref<128xi32, #tpu.memory_space<vmem>>) semaphore(%run_scoped3A : memref<!tpu.dma_semaphore, #tpu.memory_space<semaphore_mem>>) {add = true}
        %dma_wait3A = arith.constant 0 : i32
        %dma_wait3A_53 = tpu.memref_slice %arg7[%scan3A_47, %dma_wait3A] : memref<79x128xi32, #tpu.memory_space<vmem>> -> memref<1x128xi32, #tpu.memory_space<vmem>>
        %dma_wait3A_54 = tpu.memref_squeeze %dma_wait3A_53 : memref<1x128xi32, #tpu.memory_space<vmem>> -> memref<128xi32, #tpu.memory_space<vmem>>
        %dma_wait3A_55 = arith.constant 0 : i32
        %dma_wait3A_56 = arith.constant 0 : i32
        %dma_wait3A_57 = tpu.memref_slice %arg9[%dma_wait3A_55, %dma_wait3A_56] : memref<10112x128xf32, #tpu.memory_space<vmem_shared>> -> memref<10112x128xf32, #tpu.memory_space<vmem_shared>>
        tpu.wait_indirect_dma semaphore(%run_scoped3A : memref<!tpu.dma_semaphore, #tpu.memory_space<semaphore_mem>>) src(%arg8 : memref<128x128xf32, #tpu.memory_space<vmem>>) dst(%dma_wait3A_57 : memref<10112x128xf32, #tpu.memory_space<vmem_shared>>)
        tpu.yield
      }) : () -> ()
    }
    %scan3A_23 = arith.constant 79 : i32
    %barrier3A_24 = arith.constant 0 : index
    tpu.barrier barrier_id(%barrier3A_24)
    %mul3A_25 = arith.constant 632 : i32
    %mul3A_26 = arith.muli %arg1, %mul3A_25 : i32
    %add3A_27 = arith.constant 0 : i32
    %add3A_28 = arith.addi %mul3A_26, %add3A_27 : i32
    "tpu.region"() ({
      %run_scoped3A = tpu.sem_alloc : memref<!tpu.dma_semaphore, #tpu.memory_space<semaphore_mem>>
      %dma_start3A = arith.constant 0 : i32
      %dma_start3A_47 = arith.constant 0 : i32
      %dma_start3A_48 = tpu.memref_slice %arg8[%dma_start3A, %dma_start3A_47] : memref<128x128xf32, #tpu.memory_space<vmem>> -> memref<128x128xf32, #tpu.memory_space<vmem>>
      %dma_start3A_49 = arith.constant 0 : i32
      %dma_start3A_50 = tpu.memref_slice %arg9[%add3A_28, %dma_start3A_49] : memref<10112x128xf32, #tpu.memory_space<vmem_shared>> -> memref<128x128xf32, #tpu.memory_space<vmem_shared>>
      %dma_start3A_51 = arith.constant 0 : i32
      %dma_start3A_52 = arith.constant 0 : i32
      %dma_start3A_53 = tpu.memref_slice %arg8[%dma_start3A_51, %dma_start3A_52] : memref<128x128xf32, #tpu.memory_space<vmem>> -> memref<128x128xf32, #tpu.memory_space<vmem>>
      %dma_start3A_54 = arith.constant 0 : i32
      %dma_start3A_55 = tpu.memref_slice %arg9[%add3A_28, %dma_start3A_54] : memref<10112x128xf32, #tpu.memory_space<vmem_shared>> -> memref<128x128xf32, #tpu.memory_space<vmem_shared>>
      tpu.enqueue_dma source(%dma_start3A_55 : memref<128x128xf32, #tpu.memory_space<vmem_shared>>) target(%dma_start3A_53 : memref<128x128xf32, #tpu.memory_space<vmem>>) target_semaphore(%run_scoped3A : memref<!tpu.dma_semaphore, #tpu.memory_space<semaphore_mem>>)
      %dma_wait3A = arith.constant 0 : i32
      %dma_wait3A_56 = arith.constant 0 : i32
      %dma_wait3A_57 = tpu.memref_slice %arg8[%dma_wait3A, %dma_wait3A_56] : memref<128x128xf32, #tpu.memory_space<vmem>> -> memref<128x128xf32, #tpu.memory_space<vmem>>
      %dma_wait3A_58 = arith.constant 0 : i32
      %dma_wait3A_59 = tpu.memref_slice %arg9[%add3A_28, %dma_wait3A_58] : memref<10112x128xf32, #tpu.memory_space<vmem_shared>> -> memref<128x128xf32, #tpu.memory_space<vmem_shared>>
      %dma_wait3A_60 = arith.constant 0 : i32
      %dma_wait3A_61 = arith.constant 0 : i32
      %dma_wait3A_62 = tpu.memref_slice %arg8[%dma_wait3A_60, %dma_wait3A_61] : memref<128x128xf32, #tpu.memory_space<vmem>> -> memref<128x128xf32, #tpu.memory_space<vmem>>
      %dma_wait3A_63 = arith.constant 0 : i32
      %dma_wait3A_64 = tpu.memref_slice %arg9[%add3A_28, %dma_wait3A_63] : memref<10112x128xf32, #tpu.memory_space<vmem_shared>> -> memref<128x128xf32, #tpu.memory_space<vmem_shared>>
      tpu.wait_dma2 semaphore(%run_scoped3A : memref<!tpu.dma_semaphore, #tpu.memory_space<semaphore_mem>>) src(%dma_wait3A_64 : memref<128x128xf32, #tpu.memory_space<vmem_shared>>) dst(%dma_wait3A_62 : memref<128x128xf32, #tpu.memory_space<vmem>>)
      tpu.yield
    }) : () -> ()
    %add3A_29 = arith.constant 0 : i32
    %add3A_30 = arith.addi %mul3A_26, %add3A_29 : i32
    "tpu.region"() ({
      %run_scoped3A = tpu.sem_alloc : memref<!tpu.dma_semaphore, #tpu.memory_space<semaphore_mem>>
      %dma_start3A = arith.constant 0 : i32
      %dma_start3A_47 = arith.constant 0 : i32
      %dma_start3A_48 = tpu.memref_slice %arg8[%dma_start3A, %dma_start3A_47] : memref<128x128xf32, #tpu.memory_space<vmem>> -> memref<128x128xf32, #tpu.memory_space<vmem>>
      %dma_start3A_49 = arith.constant 0 : i32
      %dma_start3A_50 = arith.constant 0 : i32
      %dma_start3A_51 = tpu.memref_slice %arg5[%arg0, %dma_start3A_49, %dma_start3A_50] : memref<2x10112x128xf32, #tpu.memory_space<hbm>> -> memref<1x10112x128xf32, #tpu.memory_space<hbm>>
      %dma_start3A_52 = tpu.memref_squeeze %dma_start3A_51 : memref<1x10112x128xf32, #tpu.memory_space<hbm>> -> memref<10112x128xf32, #tpu.memory_space<hbm>>
      %dma_start3A_53 = arith.constant 0 : i32
      %dma_start3A_54 = tpu.memref_slice %dma_start3A_52[%add3A_30, %dma_start3A_53] : memref<10112x128xf32, #tpu.memory_space<hbm>> -> memref<128x128xf32, #tpu.memory_space<hbm>>
      %dma_start3A_55 = arith.constant 0 : i32
      %dma_start3A_56 = arith.constant 0 : i32
      %dma_start3A_57 = tpu.memref_slice %arg5[%arg0, %dma_start3A_55, %dma_start3A_56] : memref<2x10112x128xf32, #tpu.memory_space<hbm>> -> memref<1x10112x128xf32, #tpu.memory_space<hbm>>
      %dma_start3A_58 = tpu.memref_squeeze %dma_start3A_57 : memref<1x10112x128xf32, #tpu.memory_space<hbm>> -> memref<10112x128xf32, #tpu.memory_space<hbm>>
      %dma_start3A_59 = arith.constant 0 : i32
      %dma_start3A_60 = tpu.memref_slice %dma_start3A_58[%add3A_30, %dma_start3A_59] : memref<10112x128xf32, #tpu.memory_space<hbm>> -> memref<128x128xf32, #tpu.memory_space<hbm>>
      %dma_start3A_61 = arith.constant 0 : i32
      %dma_start3A_62 = arith.constant 0 : i32
      %dma_start3A_63 = tpu.memref_slice %arg8[%dma_start3A_61, %dma_start3A_62] : memref<128x128xf32, #tpu.memory_space<vmem>> -> memref<128x128xf32, #tpu.memory_space<vmem>>
      tpu.enqueue_dma source(%dma_start3A_63 : memref<128x128xf32, #tpu.memory_space<vmem>>) target(%dma_start3A_60 : memref<128x128xf32, #tpu.memory_space<hbm>>) target_semaphore(%run_scoped3A : memref<!tpu.dma_semaphore, #tpu.memory_space<semaphore_mem>>)
      %dma_wait3A = arith.constant 0 : i32
      %dma_wait3A_64 = arith.constant 0 : i32
      %dma_wait3A_65 = tpu.memref_slice %arg8[%dma_wait3A, %dma_wait3A_64] : memref<128x128xf32, #tpu.memory_space<vmem>> -> memref<128x128xf32, #tpu.memory_space<vmem>>
      %dma_wait3A_66 = arith.constant 0 : i32
      %dma_wait3A_67 = arith.constant 0 : i32
      %dma_wait3A_68 = tpu.memref_slice %arg5[%arg0, %dma_wait3A_66, %dma_wait3A_67] : memref<2x10112x128xf32, #tpu.memory_space<hbm>> -> memref<1x10112x128xf32, #tpu.memory_space<hbm>>
      %dma_wait3A_69 = tpu.memref_squeeze %dma_wait3A_68 : memref<1x10112x128xf32, #tpu.memory_space<hbm>> -> memref<10112x128xf32, #tpu.memory_space<hbm>>
      %dma_wait3A_70 = arith.constant 0 : i32
      %dma_wait3A_71 = tpu.memref_slice %dma_wait3A_69[%add3A_30, %dma_wait3A_70] : memref<10112x128xf32, #tpu.memory_space<hbm>> -> memref<128x128xf32, #tpu.memory_space<hbm>>
      %dma_wait3A_72 = arith.constant 0 : i32
      %dma_wait3A_73 = arith.constant 0 : i32
      %dma_wait3A_74 = tpu.memref_slice %arg5[%arg0, %dma_wait3A_72, %dma_wait3A_73] : memref<2x10112x128xf32, #tpu.memory_space<hbm>> -> memref<1x10112x128xf32, #tpu.memory_space<hbm>>
      %dma_wait3A_75 = tpu.memref_squeeze %dma_wait3A_74 : memref<1x10112x128xf32, #tpu.memory_space<hbm>> -> memref<10112x128xf32, #tpu.memory_space<hbm>>
      %dma_wait3A_76 = arith.constant 0 : i32
      %dma_wait3A_77 = tpu.memref_slice %dma_wait3A_75[%add3A_30, %dma_wait3A_76] : memref<10112x128xf32, #tpu.memory_space<hbm>> -> memref<128x128xf32, #tpu.memory_space<hbm>>
      %dma_wait3A_78 = arith.constant 0 : i32
      %dma_wait3A_79 = arith.constant 0 : i32
      %dma_wait3A_80 = tpu.memref_slice %arg8[%dma_wait3A_78, %dma_wait3A_79] : memref<128x128xf32, #tpu.memory_space<vmem>> -> memref<128x128xf32, #tpu.memory_space<vmem>>
      tpu.wait_dma2 semaphore(%run_scoped3A : memref<!tpu.dma_semaphore, #tpu.memory_space<semaphore_mem>>) src(%dma_wait3A_80 : memref<128x128xf32, #tpu.memory_space<vmem>>) dst(%dma_wait3A_77 : memref<128x128xf32, #tpu.memory_space<hbm>>)
      tpu.yield
    }) : () -> ()
    %add3A_31 = arith.constant 128 : i32
    %add3A_32 = arith.addi %mul3A_26, %add3A_31 : i32
    "tpu.region"() ({
      %run_scoped3A = tpu.sem_alloc : memref<!tpu.dma_semaphore, #tpu.memory_space<semaphore_mem>>
      %dma_start3A = arith.constant 0 : i32
      %dma_start3A_47 = arith.constant 0 : i32
      %dma_start3A_48 = tpu.memref_slice %arg8[%dma_start3A, %dma_start3A_47] : memref<128x128xf32, #tpu.memory_space<vmem>> -> memref<128x128xf32, #tpu.memory_space<vmem>>
      %dma_start3A_49 = arith.constant 0 : i32
      %dma_start3A_50 = tpu.memref_slice %arg9[%add3A_32, %dma_start3A_49] : memref<10112x128xf32, #tpu.memory_space<vmem_shared>> -> memref<128x128xf32, #tpu.memory_space<vmem_shared>>
      %dma_start3A_51 = arith.constant 0 : i32
      %dma_start3A_52 = arith.constant 0 : i32
      %dma_start3A_53 = tpu.memref_slice %arg8[%dma_start3A_51, %dma_start3A_52] : memref<128x128xf32, #tpu.memory_space<vmem>> -> memref<128x128xf32, #tpu.memory_space<vmem>>
      %dma_start3A_54 = arith.constant 0 : i32
      %dma_start3A_55 = tpu.memref_slice %arg9[%add3A_32, %dma_start3A_54] : memref<10112x128xf32, #tpu.memory_space<vmem_shared>> -> memref<128x128xf32, #tpu.memory_space<vmem_shared>>
      tpu.enqueue_dma source(%dma_start3A_55 : memref<128x128xf32, #tpu.memory_space<vmem_shared>>) target(%dma_start3A_53 : memref<128x128xf32, #tpu.memory_space<vmem>>) target_semaphore(%run_scoped3A : memref<!tpu.dma_semaphore, #tpu.memory_space<semaphore_mem>>)
      %dma_wait3A = arith.constant 0 : i32
      %dma_wait3A_56 = arith.constant 0 : i32
      %dma_wait3A_57 = tpu.memref_slice %arg8[%dma_wait3A, %dma_wait3A_56] : memref<128x128xf32, #tpu.memory_space<vmem>> -> memref<128x128xf32, #tpu.memory_space<vmem>>
      %dma_wait3A_58 = arith.constant 0 : i32
      %dma_wait3A_59 = tpu.memref_slice %arg9[%add3A_32, %dma_wait3A_58] : memref<10112x128xf32, #tpu.memory_space<vmem_shared>> -> memref<128x128xf32, #tpu.memory_space<vmem_shared>>
      %dma_wait3A_60 = arith.constant 0 : i32
      %dma_wait3A_61 = arith.constant 0 : i32
      %dma_wait3A_62 = tpu.memref_slice %arg8[%dma_wait3A_60, %dma_wait3A_61] : memref<128x128xf32, #tpu.memory_space<vmem>> -> memref<128x128xf32, #tpu.memory_space<vmem>>
      %dma_wait3A_63 = arith.constant 0 : i32
      %dma_wait3A_64 = tpu.memref_slice %arg9[%add3A_32, %dma_wait3A_63] : memref<10112x128xf32, #tpu.memory_space<vmem_shared>> -> memref<128x128xf32, #tpu.memory_space<vmem_shared>>
      tpu.wait_dma2 semaphore(%run_scoped3A : memref<!tpu.dma_semaphore, #tpu.memory_space<semaphore_mem>>) src(%dma_wait3A_64 : memref<128x128xf32, #tpu.memory_space<vmem_shared>>) dst(%dma_wait3A_62 : memref<128x128xf32, #tpu.memory_space<vmem>>)
      tpu.yield
    }) : () -> ()
    %add3A_33 = arith.constant 128 : i32
    %add3A_34 = arith.addi %mul3A_26, %add3A_33 : i32
    "tpu.region"() ({
      %run_scoped3A = tpu.sem_alloc : memref<!tpu.dma_semaphore, #tpu.memory_space<semaphore_mem>>
      %dma_start3A = arith.constant 0 : i32
      %dma_start3A_47 = arith.constant 0 : i32
      %dma_start3A_48 = tpu.memref_slice %arg8[%dma_start3A, %dma_start3A_47] : memref<128x128xf32, #tpu.memory_space<vmem>> -> memref<128x128xf32, #tpu.memory_space<vmem>>
      %dma_start3A_49 = arith.constant 0 : i32
      %dma_start3A_50 = arith.constant 0 : i32
      %dma_start3A_51 = tpu.memref_slice %arg5[%arg0, %dma_start3A_49, %dma_start3A_50] : memref<2x10112x128xf32, #tpu.memory_space<hbm>> -> memref<1x10112x128xf32, #tpu.memory_space<hbm>>
      %dma_start3A_52 = tpu.memref_squeeze %dma_start3A_51 : memref<1x10112x128xf32, #tpu.memory_space<hbm>> -> memref<10112x128xf32, #tpu.memory_space<hbm>>
      %dma_start3A_53 = arith.constant 0 : i32
      %dma_start3A_54 = tpu.memref_slice %dma_start3A_52[%add3A_34, %dma_start3A_53] : memref<10112x128xf32, #tpu.memory_space<hbm>> -> memref<128x128xf32, #tpu.memory_space<hbm>>
      %dma_start3A_55 = arith.constant 0 : i32
      %dma_start3A_56 = arith.constant 0 : i32
      %dma_start3A_57 = tpu.memref_slice %arg5[%arg0, %dma_start3A_55, %dma_start3A_56] : memref<2x10112x128xf32, #tpu.memory_space<hbm>> -> memref<1x10112x128xf32, #tpu.memory_space<hbm>>
      %dma_start3A_58 = tpu.memref_squeeze %dma_start3A_57 : memref<1x10112x128xf32, #tpu.memory_space<hbm>> -> memref<10112x128xf32, #tpu.memory_space<hbm>>
      %dma_start3A_59 = arith.constant 0 : i32
      %dma_start3A_60 = tpu.memref_slice %dma_start3A_58[%add3A_34, %dma_start3A_59] : memref<10112x128xf32, #tpu.memory_space<hbm>> -> memref<128x128xf32, #tpu.memory_space<hbm>>
      %dma_start3A_61 = arith.constant 0 : i32
      %dma_start3A_62 = arith.constant 0 : i32
      %dma_start3A_63 = tpu.memref_slice %arg8[%dma_start3A_61, %dma_start3A_62] : memref<128x128xf32, #tpu.memory_space<vmem>> -> memref<128x128xf32, #tpu.memory_space<vmem>>
      tpu.enqueue_dma source(%dma_start3A_63 : memref<128x128xf32, #tpu.memory_space<vmem>>) target(%dma_start3A_60 : memref<128x128xf32, #tpu.memory_space<hbm>>) target_semaphore(%run_scoped3A : memref<!tpu.dma_semaphore, #tpu.memory_space<semaphore_mem>>)
      %dma_wait3A = arith.constant 0 : i32
      %dma_wait3A_64 = arith.constant 0 : i32
      %dma_wait3A_65 = tpu.memref_slice %arg8[%dma_wait3A, %dma_wait3A_64] : memref<128x128xf32, #tpu.memory_space<vmem>> -> memref<128x128xf32, #tpu.memory_space<vmem>>
      %dma_wait3A_66 = arith.constant 0 : i32
      %dma_wait3A_67 = arith.constant 0 : i32
      %dma_wait3A_68 = tpu.memref_slice %arg5[%arg0, %dma_wait3A_66, %dma_wait3A_67] : memref<2x10112x128xf32, #tpu.memory_space<hbm>> -> memref<1x10112x128xf32, #tpu.memory_space<hbm>>
      %dma_wait3A_69 = tpu.memref_squeeze %dma_wait3A_68 : memref<1x10112x128xf32, #tpu.memory_space<hbm>> -> memref<10112x128xf32, #tpu.memory_space<hbm>>
      %dma_wait3A_70 = arith.constant 0 : i32
      %dma_wait3A_71 = tpu.memref_slice %dma_wait3A_69[%add3A_34, %dma_wait3A_70] : memref<10112x128xf32, #tpu.memory_space<hbm>> -> memref<128x128xf32, #tpu.memory_space<hbm>>
      %dma_wait3A_72 = arith.constant 0 : i32
      %dma_wait3A_73 = arith.constant 0 : i32
      %dma_wait3A_74 = tpu.memref_slice %arg5[%arg0, %dma_wait3A_72, %dma_wait3A_73] : memref<2x10112x128xf32, #tpu.memory_space<hbm>> -> memref<1x10112x128xf32, #tpu.memory_space<hbm>>
      %dma_wait3A_75 = tpu.memref_squeeze %dma_wait3A_74 : memref<1x10112x128xf32, #tpu.memory_space<hbm>> -> memref<10112x128xf32, #tpu.memory_space<hbm>>
      %dma_wait3A_76 = arith.constant 0 : i32
      %dma_wait3A_77 = tpu.memref_slice %dma_wait3A_75[%add3A_34, %dma_wait3A_76] : memref<10112x128xf32, #tpu.memory_space<hbm>> -> memref<128x128xf32, #tpu.memory_space<hbm>>
      %dma_wait3A_78 = arith.constant 0 : i32
      %dma_wait3A_79 = arith.constant 0 : i32
      %dma_wait3A_80 = tpu.memref_slice %arg8[%dma_wait3A_78, %dma_wait3A_79] : memref<128x128xf32, #tpu.memory_space<vmem>> -> memref<128x128xf32, #tpu.memory_space<vmem>>
      tpu.wait_dma2 semaphore(%run_scoped3A : memref<!tpu.dma_semaphore, #tpu.memory_space<semaphore_mem>>) src(%dma_wait3A_80 : memref<128x128xf32, #tpu.memory_space<vmem>>) dst(%dma_wait3A_77 : memref<128x128xf32, #tpu.memory_space<hbm>>)
      tpu.yield
    }) : () -> ()
    %add3A_35 = arith.constant 256 : i32
    %add3A_36 = arith.addi %mul3A_26, %add3A_35 : i32
    "tpu.region"() ({
      %run_scoped3A = tpu.sem_alloc : memref<!tpu.dma_semaphore, #tpu.memory_space<semaphore_mem>>
      %dma_start3A = arith.constant 0 : i32
      %dma_start3A_47 = arith.constant 0 : i32
      %dma_start3A_48 = tpu.memref_slice %arg8[%dma_start3A, %dma_start3A_47] : memref<128x128xf32, #tpu.memory_space<vmem>> -> memref<128x128xf32, #tpu.memory_space<vmem>>
      %dma_start3A_49 = arith.constant 0 : i32
      %dma_start3A_50 = tpu.memref_slice %arg9[%add3A_36, %dma_start3A_49] : memref<10112x128xf32, #tpu.memory_space<vmem_shared>> -> memref<128x128xf32, #tpu.memory_space<vmem_shared>>
      %dma_start3A_51 = arith.constant 0 : i32
      %dma_start3A_52 = arith.constant 0 : i32
      %dma_start3A_53 = tpu.memref_slice %arg8[%dma_start3A_51, %dma_start3A_52] : memref<128x128xf32, #tpu.memory_space<vmem>> -> memref<128x128xf32, #tpu.memory_space<vmem>>
      %dma_start3A_54 = arith.constant 0 : i32
      %dma_start3A_55 = tpu.memref_slice %arg9[%add3A_36, %dma_start3A_54] : memref<10112x128xf32, #tpu.memory_space<vmem_shared>> -> memref<128x128xf32, #tpu.memory_space<vmem_shared>>
      tpu.enqueue_dma source(%dma_start3A_55 : memref<128x128xf32, #tpu.memory_space<vmem_shared>>) target(%dma_start3A_53 : memref<128x128xf32, #tpu.memory_space<vmem>>) target_semaphore(%run_scoped3A : memref<!tpu.dma_semaphore, #tpu.memory_space<semaphore_mem>>)
      %dma_wait3A = arith.constant 0 : i32
      %dma_wait3A_56 = arith.constant 0 : i32
      %dma_wait3A_57 = tpu.memref_slice %arg8[%dma_wait3A, %dma_wait3A_56] : memref<128x128xf32, #tpu.memory_space<vmem>> -> memref<128x128xf32, #tpu.memory_space<vmem>>
      %dma_wait3A_58 = arith.constant 0 : i32
      %dma_wait3A_59 = tpu.memref_slice %arg9[%add3A_36, %dma_wait3A_58] : memref<10112x128xf32, #tpu.memory_space<vmem_shared>> -> memref<128x128xf32, #tpu.memory_space<vmem_shared>>
      %dma_wait3A_60 = arith.constant 0 : i32
      %dma_wait3A_61 = arith.constant 0 : i32
      %dma_wait3A_62 = tpu.memref_slice %arg8[%dma_wait3A_60, %dma_wait3A_61] : memref<128x128xf32, #tpu.memory_space<vmem>> -> memref<128x128xf32, #tpu.memory_space<vmem>>
      %dma_wait3A_63 = arith.constant 0 : i32
      %dma_wait3A_64 = tpu.memref_slice %arg9[%add3A_36, %dma_wait3A_63] : memref<10112x128xf32, #tpu.memory_space<vmem_shared>> -> memref<128x128xf32, #tpu.memory_space<vmem_shared>>
      tpu.wait_dma2 semaphore(%run_scoped3A : memref<!tpu.dma_semaphore, #tpu.memory_space<semaphore_mem>>) src(%dma_wait3A_64 : memref<128x128xf32, #tpu.memory_space<vmem_shared>>) dst(%dma_wait3A_62 : memref<128x128xf32, #tpu.memory_space<vmem>>)
      tpu.yield
    }) : () -> ()
    %add3A_37 = arith.constant 256 : i32
    %add3A_38 = arith.addi %mul3A_26, %add3A_37 : i32
    "tpu.region"() ({
      %run_scoped3A = tpu.sem_alloc : memref<!tpu.dma_semaphore, #tpu.memory_space<semaphore_mem>>
      %dma_start3A = arith.constant 0 : i32
      %dma_start3A_47 = arith.constant 0 : i32
      %dma_start3A_48 = tpu.memref_slice %arg8[%dma_start3A, %dma_start3A_47] : memref<128x128xf32, #tpu.memory_space<vmem>> -> memref<128x128xf32, #tpu.memory_space<vmem>>
      %dma_start3A_49 = arith.constant 0 : i32
      %dma_start3A_50 = arith.constant 0 : i32
      %dma_start3A_51 = tpu.memref_slice %arg5[%arg0, %dma_start3A_49, %dma_start3A_50] : memref<2x10112x128xf32, #tpu.memory_space<hbm>> -> memref<1x10112x128xf32, #tpu.memory_space<hbm>>
      %dma_start3A_52 = tpu.memref_squeeze %dma_start3A_51 : memref<1x10112x128xf32, #tpu.memory_space<hbm>> -> memref<10112x128xf32, #tpu.memory_space<hbm>>
      %dma_start3A_53 = arith.constant 0 : i32
      %dma_start3A_54 = tpu.memref_slice %dma_start3A_52[%add3A_38, %dma_start3A_53] : memref<10112x128xf32, #tpu.memory_space<hbm>> -> memref<128x128xf32, #tpu.memory_space<hbm>>
      %dma_start3A_55 = arith.constant 0 : i32
      %dma_start3A_56 = arith.constant 0 : i32
      %dma_start3A_57 = tpu.memref_slice %arg5[%arg0, %dma_start3A_55, %dma_start3A_56] : memref<2x10112x128xf32, #tpu.memory_space<hbm>> -> memref<1x10112x128xf32, #tpu.memory_space<hbm>>
      %dma_start3A_58 = tpu.memref_squeeze %dma_start3A_57 : memref<1x10112x128xf32, #tpu.memory_space<hbm>> -> memref<10112x128xf32, #tpu.memory_space<hbm>>
      %dma_start3A_59 = arith.constant 0 : i32
      %dma_start3A_60 = tpu.memref_slice %dma_start3A_58[%add3A_38, %dma_start3A_59] : memref<10112x128xf32, #tpu.memory_space<hbm>> -> memref<128x128xf32, #tpu.memory_space<hbm>>
      %dma_start3A_61 = arith.constant 0 : i32
      %dma_start3A_62 = arith.constant 0 : i32
      %dma_start3A_63 = tpu.memref_slice %arg8[%dma_start3A_61, %dma_start3A_62] : memref<128x128xf32, #tpu.memory_space<vmem>> -> memref<128x128xf32, #tpu.memory_space<vmem>>
      tpu.enqueue_dma source(%dma_start3A_63 : memref<128x128xf32, #tpu.memory_space<vmem>>) target(%dma_start3A_60 : memref<128x128xf32, #tpu.memory_space<hbm>>) target_semaphore(%run_scoped3A : memref<!tpu.dma_semaphore, #tpu.memory_space<semaphore_mem>>)
      %dma_wait3A = arith.constant 0 : i32
      %dma_wait3A_64 = arith.constant 0 : i32
      %dma_wait3A_65 = tpu.memref_slice %arg8[%dma_wait3A, %dma_wait3A_64] : memref<128x128xf32, #tpu.memory_space<vmem>> -> memref<128x128xf32, #tpu.memory_space<vmem>>
      %dma_wait3A_66 = arith.constant 0 : i32
      %dma_wait3A_67 = arith.constant 0 : i32
      %dma_wait3A_68 = tpu.memref_slice %arg5[%arg0, %dma_wait3A_66, %dma_wait3A_67] : memref<2x10112x128xf32, #tpu.memory_space<hbm>> -> memref<1x10112x128xf32, #tpu.memory_space<hbm>>
      %dma_wait3A_69 = tpu.memref_squeeze %dma_wait3A_68 : memref<1x10112x128xf32, #tpu.memory_space<hbm>> -> memref<10112x128xf32, #tpu.memory_space<hbm>>
      %dma_wait3A_70 = arith.constant 0 : i32
      %dma_wait3A_71 = tpu.memref_slice %dma_wait3A_69[%add3A_38, %dma_wait3A_70] : memref<10112x128xf32, #tpu.memory_space<hbm>> -> memref<128x128xf32, #tpu.memory_space<hbm>>
      %dma_wait3A_72 = arith.constant 0 : i32
      %dma_wait3A_73 = arith.constant 0 : i32
      %dma_wait3A_74 = tpu.memref_slice %arg5[%arg0, %dma_wait3A_72, %dma_wait3A_73] : memref<2x10112x128xf32, #tpu.memory_space<hbm>> -> memref<1x10112x128xf32, #tpu.memory_space<hbm>>
      %dma_wait3A_75 = tpu.memref_squeeze %dma_wait3A_74 : memref<1x10112x128xf32, #tpu.memory_space<hbm>> -> memref<10112x128xf32, #tpu.memory_space<hbm>>
      %dma_wait3A_76 = arith.constant 0 : i32
      %dma_wait3A_77 = tpu.memref_slice %dma_wait3A_75[%add3A_38, %dma_wait3A_76] : memref<10112x128xf32, #tpu.memory_space<hbm>> -> memref<128x128xf32, #tpu.memory_space<hbm>>
      %dma_wait3A_78 = arith.constant 0 : i32
      %dma_wait3A_79 = arith.constant 0 : i32
      %dma_wait3A_80 = tpu.memref_slice %arg8[%dma_wait3A_78, %dma_wait3A_79] : memref<128x128xf32, #tpu.memory_space<vmem>> -> memref<128x128xf32, #tpu.memory_space<vmem>>
      tpu.wait_dma2 semaphore(%run_scoped3A : memref<!tpu.dma_semaphore, #tpu.memory_space<semaphore_mem>>) src(%dma_wait3A_80 : memref<128x128xf32, #tpu.memory_space<vmem>>) dst(%dma_wait3A_77 : memref<128x128xf32, #tpu.memory_space<hbm>>)
      tpu.yield
    }) : () -> ()
    %add3A_39 = arith.constant 384 : i32
    %add3A_40 = arith.addi %mul3A_26, %add3A_39 : i32
    "tpu.region"() ({
      %run_scoped3A = tpu.sem_alloc : memref<!tpu.dma_semaphore, #tpu.memory_space<semaphore_mem>>
      %dma_start3A = arith.constant 0 : i32
      %dma_start3A_47 = arith.constant 0 : i32
      %dma_start3A_48 = tpu.memref_slice %arg8[%dma_start3A, %dma_start3A_47] : memref<128x128xf32, #tpu.memory_space<vmem>> -> memref<128x128xf32, #tpu.memory_space<vmem>>
      %dma_start3A_49 = arith.constant 0 : i32
      %dma_start3A_50 = tpu.memref_slice %arg9[%add3A_40, %dma_start3A_49] : memref<10112x128xf32, #tpu.memory_space<vmem_shared>> -> memref<128x128xf32, #tpu.memory_space<vmem_shared>>
      %dma_start3A_51 = arith.constant 0 : i32
      %dma_start3A_52 = arith.constant 0 : i32
      %dma_start3A_53 = tpu.memref_slice %arg8[%dma_start3A_51, %dma_start3A_52] : memref<128x128xf32, #tpu.memory_space<vmem>> -> memref<128x128xf32, #tpu.memory_space<vmem>>
      %dma_start3A_54 = arith.constant 0 : i32
      %dma_start3A_55 = tpu.memref_slice %arg9[%add3A_40, %dma_start3A_54] : memref<10112x128xf32, #tpu.memory_space<vmem_shared>> -> memref<128x128xf32, #tpu.memory_space<vmem_shared>>
      tpu.enqueue_dma source(%dma_start3A_55 : memref<128x128xf32, #tpu.memory_space<vmem_shared>>) target(%dma_start3A_53 : memref<128x128xf32, #tpu.memory_space<vmem>>) target_semaphore(%run_scoped3A : memref<!tpu.dma_semaphore, #tpu.memory_space<semaphore_mem>>)
      %dma_wait3A = arith.constant 0 : i32
      %dma_wait3A_56 = arith.constant 0 : i32
      %dma_wait3A_57 = tpu.memref_slice %arg8[%dma_wait3A, %dma_wait3A_56] : memref<128x128xf32, #tpu.memory_space<vmem>> -> memref<128x128xf32, #tpu.memory_space<vmem>>
      %dma_wait3A_58 = arith.constant 0 : i32
      %dma_wait3A_59 = tpu.memref_slice %arg9[%add3A_40, %dma_wait3A_58] : memref<10112x128xf32, #tpu.memory_space<vmem_shared>> -> memref<128x128xf32, #tpu.memory_space<vmem_shared>>
      %dma_wait3A_60 = arith.constant 0 : i32
      %dma_wait3A_61 = arith.constant 0 : i32
      %dma_wait3A_62 = tpu.memref_slice %arg8[%dma_wait3A_60, %dma_wait3A_61] : memref<128x128xf32, #tpu.memory_space<vmem>> -> memref<128x128xf32, #tpu.memory_space<vmem>>
      %dma_wait3A_63 = arith.constant 0 : i32
      %dma_wait3A_64 = tpu.memref_slice %arg9[%add3A_40, %dma_wait3A_63] : memref<10112x128xf32, #tpu.memory_space<vmem_shared>> -> memref<128x128xf32, #tpu.memory_space<vmem_shared>>
      tpu.wait_dma2 semaphore(%run_scoped3A : memref<!tpu.dma_semaphore, #tpu.memory_space<semaphore_mem>>) src(%dma_wait3A_64 : memref<128x128xf32, #tpu.memory_space<vmem_shared>>) dst(%dma_wait3A_62 : memref<128x128xf32, #tpu.memory_space<vmem>>)
      tpu.yield
    }) : () -> ()
    %add3A_41 = arith.constant 384 : i32
    %add3A_42 = arith.addi %mul3A_26, %add3A_41 : i32
    "tpu.region"() ({
      %run_scoped3A = tpu.sem_alloc : memref<!tpu.dma_semaphore, #tpu.memory_space<semaphore_mem>>
      %dma_start3A = arith.constant 0 : i32
      %dma_start3A_47 = arith.constant 0 : i32
      %dma_start3A_48 = tpu.memref_slice %arg8[%dma_start3A, %dma_start3A_47] : memref<128x128xf32, #tpu.memory_space<vmem>> -> memref<128x128xf32, #tpu.memory_space<vmem>>
      %dma_start3A_49 = arith.constant 0 : i32
      %dma_start3A_50 = arith.constant 0 : i32
      %dma_start3A_51 = tpu.memref_slice %arg5[%arg0, %dma_start3A_49, %dma_start3A_50] : memref<2x10112x128xf32, #tpu.memory_space<hbm>> -> memref<1x10112x128xf32, #tpu.memory_space<hbm>>
      %dma_start3A_52 = tpu.memref_squeeze %dma_start3A_51 : memref<1x10112x128xf32, #tpu.memory_space<hbm>> -> memref<10112x128xf32, #tpu.memory_space<hbm>>
      %dma_start3A_53 = arith.constant 0 : i32
      %dma_start3A_54 = tpu.memref_slice %dma_start3A_52[%add3A_42, %dma_start3A_53] : memref<10112x128xf32, #tpu.memory_space<hbm>> -> memref<128x128xf32, #tpu.memory_space<hbm>>
      %dma_start3A_55 = arith.constant 0 : i32
      %dma_start3A_56 = arith.constant 0 : i32
      %dma_start3A_57 = tpu.memref_slice %arg5[%arg0, %dma_start3A_55, %dma_start3A_56] : memref<2x10112x128xf32, #tpu.memory_space<hbm>> -> memref<1x10112x128xf32, #tpu.memory_space<hbm>>
      %dma_start3A_58 = tpu.memref_squeeze %dma_start3A_57 : memref<1x10112x128xf32, #tpu.memory_space<hbm>> -> memref<10112x128xf32, #tpu.memory_space<hbm>>
      %dma_start3A_59 = arith.constant 0 : i32
      %dma_start3A_60 = tpu.memref_slice %dma_start3A_58[%add3A_42, %dma_start3A_59] : memref<10112x128xf32, #tpu.memory_space<hbm>> -> memref<128x128xf32, #tpu.memory_space<hbm>>
      %dma_start3A_61 = arith.constant 0 : i32
      %dma_start3A_62 = arith.constant 0 : i32
      %dma_start3A_63 = tpu.memref_slice %arg8[%dma_start3A_61, %dma_start3A_62] : memref<128x128xf32, #tpu.memory_space<vmem>> -> memref<128x128xf32, #tpu.memory_space<vmem>>
      tpu.enqueue_dma source(%dma_start3A_63 : memref<128x128xf32, #tpu.memory_space<vmem>>) target(%dma_start3A_60 : memref<128x128xf32, #tpu.memory_space<hbm>>) target_semaphore(%run_scoped3A : memref<!tpu.dma_semaphore, #tpu.memory_space<semaphore_mem>>)
      %dma_wait3A = arith.constant 0 : i32
      %dma_wait3A_64 = arith.constant 0 : i32
      %dma_wait3A_65 = tpu.memref_slice %arg8[%dma_wait3A, %dma_wait3A_64] : memref<128x128xf32, #tpu.memory_space<vmem>> -> memref<128x128xf32, #tpu.memory_space<vmem>>
      %dma_wait3A_66 = arith.constant 0 : i32
      %dma_wait3A_67 = arith.constant 0 : i32
      %dma_wait3A_68 = tpu.memref_slice %arg5[%arg0, %dma_wait3A_66, %dma_wait3A_67] : memref<2x10112x128xf32, #tpu.memory_space<hbm>> -> memref<1x10112x128xf32, #tpu.memory_space<hbm>>
      %dma_wait3A_69 = tpu.memref_squeeze %dma_wait3A_68 : memref<1x10112x128xf32, #tpu.memory_space<hbm>> -> memref<10112x128xf32, #tpu.memory_space<hbm>>
      %dma_wait3A_70 = arith.constant 0 : i32
      %dma_wait3A_71 = tpu.memref_slice %dma_wait3A_69[%add3A_42, %dma_wait3A_70] : memref<10112x128xf32, #tpu.memory_space<hbm>> -> memref<128x128xf32, #tpu.memory_space<hbm>>
      %dma_wait3A_72 = arith.constant 0 : i32
      %dma_wait3A_73 = arith.constant 0 : i32
      %dma_wait3A_74 = tpu.memref_slice %arg5[%arg0, %dma_wait3A_72, %dma_wait3A_73] : memref<2x10112x128xf32, #tpu.memory_space<hbm>> -> memref<1x10112x128xf32, #tpu.memory_space<hbm>>
      %dma_wait3A_75 = tpu.memref_squeeze %dma_wait3A_74 : memref<1x10112x128xf32, #tpu.memory_space<hbm>> -> memref<10112x128xf32, #tpu.memory_space<hbm>>
      %dma_wait3A_76 = arith.constant 0 : i32
      %dma_wait3A_77 = tpu.memref_slice %dma_wait3A_75[%add3A_42, %dma_wait3A_76] : memref<10112x128xf32, #tpu.memory_space<hbm>> -> memref<128x128xf32, #tpu.memory_space<hbm>>
      %dma_wait3A_78 = arith.constant 0 : i32
      %dma_wait3A_79 = arith.constant 0 : i32
      %dma_wait3A_80 = tpu.memref_slice %arg8[%dma_wait3A_78, %dma_wait3A_79] : memref<128x128xf32, #tpu.memory_space<vmem>> -> memref<128x128xf32, #tpu.memory_space<vmem>>
      tpu.wait_dma2 semaphore(%run_scoped3A : memref<!tpu.dma_semaphore, #tpu.memory_space<semaphore_mem>>) src(%dma_wait3A_80 : memref<128x128xf32, #tpu.memory_space<vmem>>) dst(%dma_wait3A_77 : memref<128x128xf32, #tpu.memory_space<hbm>>)
      tpu.yield
    }) : () -> ()
    %add3A_43 = arith.constant 512 : i32
    %add3A_44 = arith.addi %mul3A_26, %add3A_43 : i32
    "tpu.region"() ({
      %run_scoped3A = tpu.sem_alloc : memref<!tpu.dma_semaphore, #tpu.memory_space<semaphore_mem>>
      %dma_start3A = arith.constant 0 : i32
      %dma_start3A_47 = arith.constant 0 : i32
      %dma_start3A_48 = tpu.memref_slice %arg8[%dma_start3A, %dma_start3A_47] : memref<128x128xf32, #tpu.memory_space<vmem>> -> memref<120x128xf32, #tpu.memory_space<vmem>>
      %dma_start3A_49 = arith.constant 0 : i32
      %dma_start3A_50 = tpu.memref_slice %arg9[%add3A_44, %dma_start3A_49] : memref<10112x128xf32, #tpu.memory_space<vmem_shared>> -> memref<120x128xf32, #tpu.memory_space<vmem_shared>>
      %dma_start3A_51 = arith.constant 0 : i32
      %dma_start3A_52 = arith.constant 0 : i32
      %dma_start3A_53 = tpu.memref_slice %arg8[%dma_start3A_51, %dma_start3A_52] : memref<128x128xf32, #tpu.memory_space<vmem>> -> memref<120x128xf32, #tpu.memory_space<vmem>>
      %dma_start3A_54 = arith.constant 0 : i32
      %dma_start3A_55 = tpu.memref_slice %arg9[%add3A_44, %dma_start3A_54] : memref<10112x128xf32, #tpu.memory_space<vmem_shared>> -> memref<120x128xf32, #tpu.memory_space<vmem_shared>>
      tpu.enqueue_dma source(%dma_start3A_55 : memref<120x128xf32, #tpu.memory_space<vmem_shared>>) target(%dma_start3A_53 : memref<120x128xf32, #tpu.memory_space<vmem>>) target_semaphore(%run_scoped3A : memref<!tpu.dma_semaphore, #tpu.memory_space<semaphore_mem>>)
      %dma_wait3A = arith.constant 0 : i32
      %dma_wait3A_56 = arith.constant 0 : i32
      %dma_wait3A_57 = tpu.memref_slice %arg8[%dma_wait3A, %dma_wait3A_56] : memref<128x128xf32, #tpu.memory_space<vmem>> -> memref<120x128xf32, #tpu.memory_space<vmem>>
      %dma_wait3A_58 = arith.constant 0 : i32
      %dma_wait3A_59 = tpu.memref_slice %arg9[%add3A_44, %dma_wait3A_58] : memref<10112x128xf32, #tpu.memory_space<vmem_shared>> -> memref<120x128xf32, #tpu.memory_space<vmem_shared>>
      %dma_wait3A_60 = arith.constant 0 : i32
      %dma_wait3A_61 = arith.constant 0 : i32
      %dma_wait3A_62 = tpu.memref_slice %arg8[%dma_wait3A_60, %dma_wait3A_61] : memref<128x128xf32, #tpu.memory_space<vmem>> -> memref<120x128xf32, #tpu.memory_space<vmem>>
      %dma_wait3A_63 = arith.constant 0 : i32
      %dma_wait3A_64 = tpu.memref_slice %arg9[%add3A_44, %dma_wait3A_63] : memref<10112x128xf32, #tpu.memory_space<vmem_shared>> -> memref<120x128xf32, #tpu.memory_space<vmem_shared>>
      tpu.wait_dma2 semaphore(%run_scoped3A : memref<!tpu.dma_semaphore, #tpu.memory_space<semaphore_mem>>) src(%dma_wait3A_64 : memref<120x128xf32, #tpu.memory_space<vmem_shared>>) dst(%dma_wait3A_62 : memref<120x128xf32, #tpu.memory_space<vmem>>)
      tpu.yield
    }) : () -> ()
    %add3A_45 = arith.constant 512 : i32
    %add3A_46 = arith.addi %mul3A_26, %add3A_45 : i32
    "tpu.region"() ({
      %run_scoped3A = tpu.sem_alloc : memref<!tpu.dma_semaphore, #tpu.memory_space<semaphore_mem>>
      %dma_start3A = arith.constant 0 : i32
      %dma_start3A_47 = arith.constant 0 : i32
      %dma_start3A_48 = tpu.memref_slice %arg8[%dma_start3A, %dma_start3A_47] : memref<128x128xf32, #tpu.memory_space<vmem>> -> memref<120x128xf32, #tpu.memory_space<vmem>>
      %dma_start3A_49 = arith.constant 0 : i32
      %dma_start3A_50 = arith.constant 0 : i32
      %dma_start3A_51 = tpu.memref_slice %arg5[%arg0, %dma_start3A_49, %dma_start3A_50] : memref<2x10112x128xf32, #tpu.memory_space<hbm>> -> memref<1x10112x128xf32, #tpu.memory_space<hbm>>
      %dma_start3A_52 = tpu.memref_squeeze %dma_start3A_51 : memref<1x10112x128xf32, #tpu.memory_space<hbm>> -> memref<10112x128xf32, #tpu.memory_space<hbm>>
      %dma_start3A_53 = arith.constant 0 : i32
      %dma_start3A_54 = tpu.memref_slice %dma_start3A_52[%add3A_46, %dma_start3A_53] : memref<10112x128xf32, #tpu.memory_space<hbm>> -> memref<120x128xf32, #tpu.memory_space<hbm>>
      %dma_start3A_55 = arith.constant 0 : i32
      %dma_start3A_56 = arith.constant 0 : i32
      %dma_start3A_57 = tpu.memref_slice %arg5[%arg0, %dma_start3A_55, %dma_start3A_56] : memref<2x10112x128xf32, #tpu.memory_space<hbm>> -> memref<1x10112x128xf32, #tpu.memory_space<hbm>>
      %dma_start3A_58 = tpu.memref_squeeze %dma_start3A_57 : memref<1x10112x128xf32, #tpu.memory_space<hbm>> -> memref<10112x128xf32, #tpu.memory_space<hbm>>
      %dma_start3A_59 = arith.constant 0 : i32
      %dma_start3A_60 = tpu.memref_slice %dma_start3A_58[%add3A_46, %dma_start3A_59] : memref<10112x128xf32, #tpu.memory_space<hbm>> -> memref<120x128xf32, #tpu.memory_space<hbm>>
      %dma_start3A_61 = arith.constant 0 : i32
      %dma_start3A_62 = arith.constant 0 : i32
      %dma_start3A_63 = tpu.memref_slice %arg8[%dma_start3A_61, %dma_start3A_62] : memref<128x128xf32, #tpu.memory_space<vmem>> -> memref<120x128xf32, #tpu.memory_space<vmem>>
      tpu.enqueue_dma source(%dma_start3A_63 : memref<120x128xf32, #tpu.memory_space<vmem>>) target(%dma_start3A_60 : memref<120x128xf32, #tpu.memory_space<hbm>>) target_semaphore(%run_scoped3A : memref<!tpu.dma_semaphore, #tpu.memory_space<semaphore_mem>>)
      %dma_wait3A = arith.constant 0 : i32
      %dma_wait3A_64 = arith.constant 0 : i32
      %dma_wait3A_65 = tpu.memref_slice %arg8[%dma_wait3A, %dma_wait3A_64] : memref<128x128xf32, #tpu.memory_space<vmem>> -> memref<120x128xf32, #tpu.memory_space<vmem>>
      %dma_wait3A_66 = arith.constant 0 : i32
      %dma_wait3A_67 = arith.constant 0 : i32
      %dma_wait3A_68 = tpu.memref_slice %arg5[%arg0, %dma_wait3A_66, %dma_wait3A_67] : memref<2x10112x128xf32, #tpu.memory_space<hbm>> -> memref<1x10112x128xf32, #tpu.memory_space<hbm>>
      %dma_wait3A_69 = tpu.memref_squeeze %dma_wait3A_68 : memref<1x10112x128xf32, #tpu.memory_space<hbm>> -> memref<10112x128xf32, #tpu.memory_space<hbm>>
      %dma_wait3A_70 = arith.constant 0 : i32
      %dma_wait3A_71 = tpu.memref_slice %dma_wait3A_69[%add3A_46, %dma_wait3A_70] : memref<10112x128xf32, #tpu.memory_space<hbm>> -> memref<120x128xf32, #tpu.memory_space<hbm>>
      %dma_wait3A_72 = arith.constant 0 : i32
      %dma_wait3A_73 = arith.constant 0 : i32
      %dma_wait3A_74 = tpu.memref_slice %arg5[%arg0, %dma_wait3A_72, %dma_wait3A_73] : memref<2x10112x128xf32, #tpu.memory_space<hbm>> -> memref<1x10112x128xf32, #tpu.memory_space<hbm>>
      %dma_wait3A_75 = tpu.memref_squeeze %dma_wait3A_74 : memref<1x10112x128xf32, #tpu.memory_space<hbm>> -> memref<10112x128xf32, #tpu.memory_space<hbm>>
      %dma_wait3A_76 = arith.constant 0 : i32
      %dma_wait3A_77 = tpu.memref_slice %dma_wait3A_75[%add3A_46, %dma_wait3A_76] : memref<10112x128xf32, #tpu.memory_space<hbm>> -> memref<120x128xf32, #tpu.memory_space<hbm>>
      %dma_wait3A_78 = arith.constant 0 : i32
      %dma_wait3A_79 = arith.constant 0 : i32
      %dma_wait3A_80 = tpu.memref_slice %arg8[%dma_wait3A_78, %dma_wait3A_79] : memref<128x128xf32, #tpu.memory_space<vmem>> -> memref<120x128xf32, #tpu.memory_space<vmem>>
      tpu.wait_dma2 semaphore(%run_scoped3A : memref<!tpu.dma_semaphore, #tpu.memory_space<semaphore_mem>>) src(%dma_wait3A_80 : memref<120x128xf32, #tpu.memory_space<vmem>>) dst(%dma_wait3A_77 : memref<120x128xf32, #tpu.memory_space<hbm>>)
      tpu.yield
    }) : () -> ()
    return
  }
}

#map = affine_map<(d0, d1) -> (0, 0)>
#map1 = affine_map<(d0, d1) -> (0, 0, 0)>
module attributes {stable_mosaic.version = 14 : i64} {
  func.func @_sc_agg(%arg0: i32, %arg1: i32, %arg2: memref<10000x128xf32, #tpu.memory_space<hbm>>, %arg3: memref<32x79x128xi32, #tpu.memory_space<hbm>>, %arg4: memref<32x79x128xi32, #tpu.memory_space<hbm>>, %arg5: memref<2x10112x128xf32, #tpu.memory_space<hbm>>, %arg6: memref<79x128xi32, #tpu.memory_space<vmem>>, %arg7: memref<79x128xi32, #tpu.memory_space<vmem>>, %arg8: memref<128x128xf32, #tpu.memory_space<vmem>>, %arg9: memref<10112x128xf32, #tpu.memory_space<vmem_shared>>) attributes {dimension_semantics = [#tpu.dimension_semantics<core_parallel>, #tpu.dimension_semantics<subcore_parallel>], iteration_bounds = array<i64: 2, 16>, scalar_prefetch = 0 : i64, scratch_operands = 4 : i64, tpu.core_type = #tpu.core_type<sc_vector_subcore>, window_params = [{transform_indices = #map}, {transform_indices = #map1}, {transform_indices = #map1}, {transform_indices = #map1}]} {
    %mul3A = arith.constant 16 : i32
    %mul3A_0 = arith.muli %arg0, %mul3A : i32
    %add3A = arith.addi %mul3A_0, %arg1 : i32
    "tpu.region"() ({
      %run_scoped3A = tpu.sem_alloc : memref<!tpu.dma_semaphore, #tpu.memory_space<semaphore_mem>>
      %dma_start3A = arith.constant 0 : i32
      %dma_start3A_47 = arith.constant 0 : i32
      %dma_start3A_48 = tpu.memref_slice %arg3[%add3A, %dma_start3A, %dma_start3A_47] : memref<32x79x128xi32, #tpu.memory_space<hbm>> -> memref<1x79x128xi32, #tpu.memory_space<hbm>>
      %dma_start3A_49 = tpu.memref_squeeze %dma_start3A_48 : memref<1x79x128xi32, #tpu.memory_space<hbm>> -> memref<79x128xi32, #tpu.memory_space<hbm>>
      %dma_start3A_50 = arith.constant 0 : i32
      %dma_start3A_51 = arith.constant 0 : i32
      %dma_start3A_52 = tpu.memref_slice %arg3[%add3A, %dma_start3A_50, %dma_start3A_51] : memref<32x79x128xi32, #tpu.memory_space<hbm>> -> memref<1x79x128xi32, #tpu.memory_space<hbm>>
      %dma_start3A_53 = tpu.memref_squeeze %dma_start3A_52 : memref<1x79x128xi32, #tpu.memory_space<hbm>> -> memref<79x128xi32, #tpu.memory_space<hbm>>
      tpu.enqueue_dma source(%dma_start3A_53 : memref<79x128xi32, #tpu.memory_space<hbm>>) target(%arg6 : memref<79x128xi32, #tpu.memory_space<vmem>>) target_semaphore(%run_scoped3A : memref<!tpu.dma_semaphore, #tpu.memory_space<semaphore_mem>>)
      %dma_wait3A = arith.constant 0 : i32
      %dma_wait3A_54 = arith.constant 0 : i32
      %dma_wait3A_55 = tpu.memref_slice %arg3[%add3A, %dma_wait3A, %dma_wait3A_54] : memref<32x79x128xi32, #tpu.memory_space<hbm>> -> memref<1x79x128xi32, #tpu.memory_space<hbm>>
      %dma_wait3A_56 = tpu.memref_squeeze %dma_wait3A_55 : memref<1x79x128xi32, #tpu.memory_space<hbm>> -> memref<79x128xi32, #tpu.memory_space<hbm>>
      %dma_wait3A_57 = arith.constant 0 : i32
      %dma_wait3A_58 = arith.constant 0 : i32
      %dma_wait3A_59 = tpu.memref_slice %arg3[%add3A, %dma_wait3A_57, %dma_wait3A_58] : memref<32x79x128xi32, #tpu.memory_space<hbm>> -> memref<1x79x128xi32, #tpu.memory_space<hbm>>
      %dma_wait3A_60 = tpu.memref_squeeze %dma_wait3A_59 : memref<1x79x128xi32, #tpu.memory_space<hbm>> -> memref<79x128xi32, #tpu.memory_space<hbm>>
      tpu.wait_dma2 semaphore(%run_scoped3A : memref<!tpu.dma_semaphore, #tpu.memory_space<semaphore_mem>>) src(%dma_wait3A_60 : memref<79x128xi32, #tpu.memory_space<hbm>>) dst(%arg6 : memref<79x128xi32, #tpu.memory_space<vmem>>)
      tpu.yield
    }) : () -> ()
    "tpu.region"() ({
      %run_scoped3A = tpu.sem_alloc : memref<!tpu.dma_semaphore, #tpu.memory_space<semaphore_mem>>
      %dma_start3A = arith.constant 0 : i32
      %dma_start3A_47 = arith.constant 0 : i32
      %dma_start3A_48 = tpu.memref_slice %arg4[%add3A, %dma_start3A, %dma_start3A_47] : memref<32x79x128xi32, #tpu.memory_space<hbm>> -> memref<1x79x128xi32, #tpu.memory_space<hbm>>
      %dma_start3A_49 = tpu.memref_squeeze %dma_start3A_48 : memref<1x79x128xi32, #tpu.memory_space<hbm>> -> memref<79x128xi32, #tpu.memory_space<hbm>>
      %dma_start3A_50 = arith.constant 0 : i32
      %dma_start3A_51 = arith.constant 0 : i32
      %dma_start3A_52 = tpu.memref_slice %arg4[%add3A, %dma_start3A_50, %dma_start3A_51] : memref<32x79x128xi32, #tpu.memory_space<hbm>> -> memref<1x79x128xi32, #tpu.memory_space<hbm>>
      %dma_start3A_53 = tpu.memref_squeeze %dma_start3A_52 : memref<1x79x128xi32, #tpu.memory_space<hbm>> -> memref<79x128xi32, #tpu.memory_space<hbm>>
      tpu.enqueue_dma source(%dma_start3A_53 : memref<79x128xi32, #tpu.memory_space<hbm>>) target(%arg7 : memref<79x128xi32, #tpu.memory_space<vmem>>) target_semaphore(%run_scoped3A : memref<!tpu.dma_semaphore, #tpu.memory_space<semaphore_mem>>)
      %dma_wait3A = arith.constant 0 : i32
      %dma_wait3A_54 = arith.constant 0 : i32
      %dma_wait3A_55 = tpu.memref_slice %arg4[%add3A, %dma_wait3A, %dma_wait3A_54] : memref<32x79x128xi32, #tpu.memory_space<hbm>> -> memref<1x79x128xi32, #tpu.memory_space<hbm>>
      %dma_wait3A_56 = tpu.memref_squeeze %dma_wait3A_55 : memref<1x79x128xi32, #tpu.memory_space<hbm>> -> memref<79x128xi32, #tpu.memory_space<hbm>>
      %dma_wait3A_57 = arith.constant 0 : i32
      %dma_wait3A_58 = arith.constant 0 : i32
      %dma_wait3A_59 = tpu.memref_slice %arg4[%add3A, %dma_wait3A_57, %dma_wait3A_58] : memref<32x79x128xi32, #tpu.memory_space<hbm>> -> memref<1x79x128xi32, #tpu.memory_space<hbm>>
      %dma_wait3A_60 = tpu.memref_squeeze %dma_wait3A_59 : memref<1x79x128xi32, #tpu.memory_space<hbm>> -> memref<79x128xi32, #tpu.memory_space<hbm>>
      tpu.wait_dma2 semaphore(%run_scoped3A : memref<!tpu.dma_semaphore, #tpu.memory_space<semaphore_mem>>) src(%dma_wait3A_60 : memref<79x128xi32, #tpu.memory_space<hbm>>) dst(%arg7 : memref<79x128xi32, #tpu.memory_space<vmem>>)
      tpu.yield
    }) : () -> ()
    %scan3A = arith.constant 0 : i32
    %scan3A_1 = arith.constant 0 : i32
    %scan3A_2 = arith.constant 128 : i32
    %scan3A_3 = arith.addi %scan3A_1, %scan3A_2 : i32
    %scan3A_4 = arith.constant 1 : i32
    scf.for %scan3A_47 = %scan3A_1 to %scan3A_3 step %scan3A_4  : i32 {
      %broadcast_in_dim3A = arith.constant 0.000000e+00 : f32
      %broadcast_in_dim3A_48 = vector.broadcast %broadcast_in_dim3A : f32 to vector<16xf32>
      %swap3A = arith.index_cast %scan3A_47 : i32 to index
      %swap3A_49 = arith.constant 0 : index
      %swap3A_50 = tpu.vector_load %arg8[%swap3A, %swap3A_49] {strides = array<i32>} : memref<128x128xf32, #tpu.memory_space<vmem>>, vector<1x16xf32>,
      %swap3A_51 = vector.shape_cast %swap3A_50 : vector<1x16xf32> to vector<16xf32>
      %swap3A_52 = vector.shape_cast %broadcast_in_dim3A_48 : vector<16xf32> to vector<1x16xf32>
      tpu.vector_store %arg8[%swap3A, %swap3A_49], %swap3A_52 {strides = array<i32>} : memref<128x128xf32, #tpu.memory_space<vmem>>, vector<1x16xf32>,
      %broadcast_in_dim3A_53 = arith.constant 0.000000e+00 : f32
      %broadcast_in_dim3A_54 = vector.broadcast %broadcast_in_dim3A_53 : f32 to vector<16xf32>
      %swap3A_55 = arith.index_cast %scan3A_47 : i32 to index
      %swap3A_56 = arith.constant 16 : index
      %swap3A_57 = tpu.vector_load %arg8[%swap3A_55, %swap3A_56] {strides = array<i32>} : memref<128x128xf32, #tpu.memory_space<vmem>>, vector<1x16xf32>,
      %swap3A_58 = vector.shape_cast %swap3A_57 : vector<1x16xf32> to vector<16xf32>
      %swap3A_59 = vector.shape_cast %broadcast_in_dim3A_54 : vector<16xf32> to vector<1x16xf32>
      tpu.vector_store %arg8[%swap3A_55, %swap3A_56], %swap3A_59 {strides = array<i32>} : memref<128x128xf32, #tpu.memory_space<vmem>>, vector<1x16xf32>,
      %broadcast_in_dim3A_60 = arith.constant 0.000000e+00 : f32
      %broadcast_in_dim3A_61 = vector.broadcast %broadcast_in_dim3A_60 : f32 to vector<16xf32>
      %swap3A_62 = arith.index_cast %scan3A_47 : i32 to index
      %swap3A_63 = arith.constant 32 : index
      %swap3A_64 = tpu.vector_load %arg8[%swap3A_62, %swap3A_63] {strides = array<i32>} : memref<128x128xf32, #tpu.memory_space<vmem>>, vector<1x16xf32>,
      %swap3A_65 = vector.shape_cast %swap3A_64 : vector<1x16xf32> to vector<16xf32>
      %swap3A_66 = vector.shape_cast %broadcast_in_dim3A_61 : vector<16xf32> to vector<1x16xf32>
      tpu.vector_store %arg8[%swap3A_62, %swap3A_63], %swap3A_66 {strides = array<i32>} : memref<128x128xf32, #tpu.memory_space<vmem>>, vector<1x16xf32>,
      %broadcast_in_dim3A_67 = arith.constant 0.000000e+00 : f32
      %broadcast_in_dim3A_68 = vector.broadcast %broadcast_in_dim3A_67 : f32 to vector<16xf32>
      %swap3A_69 = arith.index_cast %scan3A_47 : i32 to index
      %swap3A_70 = arith.constant 48 : index
      %swap3A_71 = tpu.vector_load %arg8[%swap3A_69, %swap3A_70] {strides = array<i32>} : memref<128x128xf32, #tpu.memory_space<vmem>>, vector<1x16xf32>,
      %swap3A_72 = vector.shape_cast %swap3A_71 : vector<1x16xf32> to vector<16xf32>
      %swap3A_73 = vector.shape_cast %broadcast_in_dim3A_68 : vector<16xf32> to vector<1x16xf32>
      tpu.vector_store %arg8[%swap3A_69, %swap3A_70], %swap3A_73 {strides = array<i32>} : memref<128x128xf32, #tpu.memory_space<vmem>>, vector<1x16xf32>,
      %broadcast_in_dim3A_74 = arith.constant 0.000000e+00 : f32
      %broadcast_in_dim3A_75 = vector.broadcast %broadcast_in_dim3A_74 : f32 to vector<16xf32>
      %swap3A_76 = arith.index_cast %scan3A_47 : i32 to index
      %swap3A_77 = arith.constant 64 : index
      %swap3A_78 = tpu.vector_load %arg8[%swap3A_76, %swap3A_77] {strides = array<i32>} : memref<128x128xf32, #tpu.memory_space<vmem>>, vector<1x16xf32>,
      %swap3A_79 = vector.shape_cast %swap3A_78 : vector<1x16xf32> to vector<16xf32>
      %swap3A_80 = vector.shape_cast %broadcast_in_dim3A_75 : vector<16xf32> to vector<1x16xf32>
      tpu.vector_store %arg8[%swap3A_76, %swap3A_77], %swap3A_80 {strides = array<i32>} : memref<128x128xf32, #tpu.memory_space<vmem>>, vector<1x16xf32>,
      %broadcast_in_dim3A_81 = arith.constant 0.000000e+00 : f32
      %broadcast_in_dim3A_82 = vector.broadcast %broadcast_in_dim3A_81 : f32 to vector<16xf32>
      %swap3A_83 = arith.index_cast %scan3A_47 : i32 to index
      %swap3A_84 = arith.constant 80 : index
      %swap3A_85 = tpu.vector_load %arg8[%swap3A_83, %swap3A_84] {strides = array<i32>} : memref<128x128xf32, #tpu.memory_space<vmem>>, vector<1x16xf32>,
      %swap3A_86 = vector.shape_cast %swap3A_85 : vector<1x16xf32> to vector<16xf32>
      %swap3A_87 = vector.shape_cast %broadcast_in_dim3A_82 : vector<16xf32> to vector<1x16xf32>
      tpu.vector_store %arg8[%swap3A_83, %swap3A_84], %swap3A_87 {strides = array<i32>} : memref<128x128xf32, #tpu.memory_space<vmem>>, vector<1x16xf32>,
      %broadcast_in_dim3A_88 = arith.constant 0.000000e+00 : f32
      %broadcast_in_dim3A_89 = vector.broadcast %broadcast_in_dim3A_88 : f32 to vector<16xf32>
      %swap3A_90 = arith.index_cast %scan3A_47 : i32 to index
      %swap3A_91 = arith.constant 96 : index
      %swap3A_92 = tpu.vector_load %arg8[%swap3A_90, %swap3A_91] {strides = array<i32>} : memref<128x128xf32, #tpu.memory_space<vmem>>, vector<1x16xf32>,
      %swap3A_93 = vector.shape_cast %swap3A_92 : vector<1x16xf32> to vector<16xf32>
      %swap3A_94 = vector.shape_cast %broadcast_in_dim3A_89 : vector<16xf32> to vector<1x16xf32>
      tpu.vector_store %arg8[%swap3A_90, %swap3A_91], %swap3A_94 {strides = array<i32>} : memref<128x128xf32, #tpu.memory_space<vmem>>, vector<1x16xf32>,
      %broadcast_in_dim3A_95 = arith.constant 0.000000e+00 : f32
      %broadcast_in_dim3A_96 = vector.broadcast %broadcast_in_dim3A_95 : f32 to vector<16xf32>
      %swap3A_97 = arith.index_cast %scan3A_47 : i32 to index
      %swap3A_98 = arith.constant 112 : index
      %swap3A_99 = tpu.vector_load %arg8[%swap3A_97, %swap3A_98] {strides = array<i32>} : memref<128x128xf32, #tpu.memory_space<vmem>>, vector<1x16xf32>,
      %swap3A_100 = vector.shape_cast %swap3A_99 : vector<1x16xf32> to vector<16xf32>
      %swap3A_101 = vector.shape_cast %broadcast_in_dim3A_96 : vector<16xf32> to vector<1x16xf32>
      tpu.vector_store %arg8[%swap3A_97, %swap3A_98], %swap3A_101 {strides = array<i32>} : memref<128x128xf32, #tpu.memory_space<vmem>>, vector<1x16xf32>,
    }
    %scan3A_5 = arith.constant 128 : i32
    %mul3A_6 = arith.constant 632 : i32
    %mul3A_7 = arith.muli %arg1, %mul3A_6 : i32
    %add3A_8 = arith.constant 0 : i32
    %add3A_9 = arith.addi %mul3A_7, %add3A_8 : i32
    "tpu.region"() ({
      %run_scoped3A = tpu.sem_alloc : memref<!tpu.dma_semaphore, #tpu.memory_space<semaphore_mem>>
      %dma_start3A = arith.constant 0 : i32
      %dma_start3A_47 = arith.constant 0 : i32
      %dma_start3A_48 = tpu.memref_slice %arg8[%dma_start3A, %dma_start3A_47] : memref<128x128xf32, #tpu.memory_space<vmem>> -> memref<128x128xf32, #tpu.memory_space<vmem>>
      %dma_start3A_49 = arith.constant 0 : i32
      %dma_start3A_50 = tpu.memref_slice %arg9[%add3A_9, %dma_start3A_49] : memref<10112x128xf32, #tpu.memory_space<vmem_shared>> -> memref<128x128xf32, #tpu.memory_space<vmem_shared>>
      %dma_start3A_51 = arith.constant 0 : i32
      %dma_start3A_52 = tpu.memref_slice %arg9[%add3A_9, %dma_start3A_51] : memref<10112x128xf32, #tpu.memory_space<vmem_shared>> -> memref<128x128xf32, #tpu.memory_space<vmem_shared>>
      %dma_start3A_53 = arith.constant 0 : i32
      %dma_start3A_54 = arith.constant 0 : i32
      %dma_start3A_55 = tpu.memref_slice %arg8[%dma_start3A_53, %dma_start3A_54] : memref<128x128xf32, #tpu.memory_space<vmem>> -> memref<128x128xf32, #tpu.memory_space<vmem>>
      tpu.enqueue_dma source(%dma_start3A_55 : memref<128x128xf32, #tpu.memory_space<vmem>>) target(%dma_start3A_52 : memref<128x128xf32, #tpu.memory_space<vmem_shared>>) target_semaphore(%run_scoped3A : memref<!tpu.dma_semaphore, #tpu.memory_space<semaphore_mem>>)
      %dma_wait3A = arith.constant 0 : i32
      %dma_wait3A_56 = arith.constant 0 : i32
      %dma_wait3A_57 = tpu.memref_slice %arg8[%dma_wait3A, %dma_wait3A_56] : memref<128x128xf32, #tpu.memory_space<vmem>> -> memref<128x128xf32, #tpu.memory_space<vmem>>
      %dma_wait3A_58 = arith.constant 0 : i32
      %dma_wait3A_59 = tpu.memref_slice %arg9[%add3A_9, %dma_wait3A_58] : memref<10112x128xf32, #tpu.memory_space<vmem_shared>> -> memref<128x128xf32, #tpu.memory_space<vmem_shared>>
      %dma_wait3A_60 = arith.constant 0 : i32
      %dma_wait3A_61 = tpu.memref_slice %arg9[%add3A_9, %dma_wait3A_60] : memref<10112x128xf32, #tpu.memory_space<vmem_shared>> -> memref<128x128xf32, #tpu.memory_space<vmem_shared>>
      %dma_wait3A_62 = arith.constant 0 : i32
      %dma_wait3A_63 = arith.constant 0 : i32
      %dma_wait3A_64 = tpu.memref_slice %arg8[%dma_wait3A_62, %dma_wait3A_63] : memref<128x128xf32, #tpu.memory_space<vmem>> -> memref<128x128xf32, #tpu.memory_space<vmem>>
      tpu.wait_dma2 semaphore(%run_scoped3A : memref<!tpu.dma_semaphore, #tpu.memory_space<semaphore_mem>>) src(%dma_wait3A_64 : memref<128x128xf32, #tpu.memory_space<vmem>>) dst(%dma_wait3A_61 : memref<128x128xf32, #tpu.memory_space<vmem_shared>>)
      tpu.yield
    }) : () -> ()
    %add3A_10 = arith.constant 128 : i32
    %add3A_11 = arith.addi %mul3A_7, %add3A_10 : i32
    "tpu.region"() ({
      %run_scoped3A = tpu.sem_alloc : memref<!tpu.dma_semaphore, #tpu.memory_space<semaphore_mem>>
      %dma_start3A = arith.constant 0 : i32
      %dma_start3A_47 = arith.constant 0 : i32
      %dma_start3A_48 = tpu.memref_slice %arg8[%dma_start3A, %dma_start3A_47] : memref<128x128xf32, #tpu.memory_space<vmem>> -> memref<128x128xf32, #tpu.memory_space<vmem>>
      %dma_start3A_49 = arith.constant 0 : i32
      %dma_start3A_50 = tpu.memref_slice %arg9[%add3A_11, %dma_start3A_49] : memref<10112x128xf32, #tpu.memory_space<vmem_shared>> -> memref<128x128xf32, #tpu.memory_space<vmem_shared>>
      %dma_start3A_51 = arith.constant 0 : i32
      %dma_start3A_52 = tpu.memref_slice %arg9[%add3A_11, %dma_start3A_51] : memref<10112x128xf32, #tpu.memory_space<vmem_shared>> -> memref<128x128xf32, #tpu.memory_space<vmem_shared>>
      %dma_start3A_53 = arith.constant 0 : i32
      %dma_start3A_54 = arith.constant 0 : i32
      %dma_start3A_55 = tpu.memref_slice %arg8[%dma_start3A_53, %dma_start3A_54] : memref<128x128xf32, #tpu.memory_space<vmem>> -> memref<128x128xf32, #tpu.memory_space<vmem>>
      tpu.enqueue_dma source(%dma_start3A_55 : memref<128x128xf32, #tpu.memory_space<vmem>>) target(%dma_start3A_52 : memref<128x128xf32, #tpu.memory_space<vmem_shared>>) target_semaphore(%run_scoped3A : memref<!tpu.dma_semaphore, #tpu.memory_space<semaphore_mem>>)
      %dma_wait3A = arith.constant 0 : i32
      %dma_wait3A_56 = arith.constant 0 : i32
      %dma_wait3A_57 = tpu.memref_slice %arg8[%dma_wait3A, %dma_wait3A_56] : memref<128x128xf32, #tpu.memory_space<vmem>> -> memref<128x128xf32, #tpu.memory_space<vmem>>
      %dma_wait3A_58 = arith.constant 0 : i32
      %dma_wait3A_59 = tpu.memref_slice %arg9[%add3A_11, %dma_wait3A_58] : memref<10112x128xf32, #tpu.memory_space<vmem_shared>> -> memref<128x128xf32, #tpu.memory_space<vmem_shared>>
      %dma_wait3A_60 = arith.constant 0 : i32
      %dma_wait3A_61 = tpu.memref_slice %arg9[%add3A_11, %dma_wait3A_60] : memref<10112x128xf32, #tpu.memory_space<vmem_shared>> -> memref<128x128xf32, #tpu.memory_space<vmem_shared>>
      %dma_wait3A_62 = arith.constant 0 : i32
      %dma_wait3A_63 = arith.constant 0 : i32
      %dma_wait3A_64 = tpu.memref_slice %arg8[%dma_wait3A_62, %dma_wait3A_63] : memref<128x128xf32, #tpu.memory_space<vmem>> -> memref<128x128xf32, #tpu.memory_space<vmem>>
      tpu.wait_dma2 semaphore(%run_scoped3A : memref<!tpu.dma_semaphore, #tpu.memory_space<semaphore_mem>>) src(%dma_wait3A_64 : memref<128x128xf32, #tpu.memory_space<vmem>>) dst(%dma_wait3A_61 : memref<128x128xf32, #tpu.memory_space<vmem_shared>>)
      tpu.yield
    }) : () -> ()
    %add3A_12 = arith.constant 256 : i32
    %add3A_13 = arith.addi %mul3A_7, %add3A_12 : i32
    "tpu.region"() ({
      %run_scoped3A = tpu.sem_alloc : memref<!tpu.dma_semaphore, #tpu.memory_space<semaphore_mem>>
      %dma_start3A = arith.constant 0 : i32
      %dma_start3A_47 = arith.constant 0 : i32
      %dma_start3A_48 = tpu.memref_slice %arg8[%dma_start3A, %dma_start3A_47] : memref<128x128xf32, #tpu.memory_space<vmem>> -> memref<128x128xf32, #tpu.memory_space<vmem>>
      %dma_start3A_49 = arith.constant 0 : i32
      %dma_start3A_50 = tpu.memref_slice %arg9[%add3A_13, %dma_start3A_49] : memref<10112x128xf32, #tpu.memory_space<vmem_shared>> -> memref<128x128xf32, #tpu.memory_space<vmem_shared>>
      %dma_start3A_51 = arith.constant 0 : i32
      %dma_start3A_52 = tpu.memref_slice %arg9[%add3A_13, %dma_start3A_51] : memref<10112x128xf32, #tpu.memory_space<vmem_shared>> -> memref<128x128xf32, #tpu.memory_space<vmem_shared>>
      %dma_start3A_53 = arith.constant 0 : i32
      %dma_start3A_54 = arith.constant 0 : i32
      %dma_start3A_55 = tpu.memref_slice %arg8[%dma_start3A_53, %dma_start3A_54] : memref<128x128xf32, #tpu.memory_space<vmem>> -> memref<128x128xf32, #tpu.memory_space<vmem>>
      tpu.enqueue_dma source(%dma_start3A_55 : memref<128x128xf32, #tpu.memory_space<vmem>>) target(%dma_start3A_52 : memref<128x128xf32, #tpu.memory_space<vmem_shared>>) target_semaphore(%run_scoped3A : memref<!tpu.dma_semaphore, #tpu.memory_space<semaphore_mem>>)
      %dma_wait3A = arith.constant 0 : i32
      %dma_wait3A_56 = arith.constant 0 : i32
      %dma_wait3A_57 = tpu.memref_slice %arg8[%dma_wait3A, %dma_wait3A_56] : memref<128x128xf32, #tpu.memory_space<vmem>> -> memref<128x128xf32, #tpu.memory_space<vmem>>
      %dma_wait3A_58 = arith.constant 0 : i32
      %dma_wait3A_59 = tpu.memref_slice %arg9[%add3A_13, %dma_wait3A_58] : memref<10112x128xf32, #tpu.memory_space<vmem_shared>> -> memref<128x128xf32, #tpu.memory_space<vmem_shared>>
      %dma_wait3A_60 = arith.constant 0 : i32
      %dma_wait3A_61 = tpu.memref_slice %arg9[%add3A_13, %dma_wait3A_60] : memref<10112x128xf32, #tpu.memory_space<vmem_shared>> -> memref<128x128xf32, #tpu.memory_space<vmem_shared>>
      %dma_wait3A_62 = arith.constant 0 : i32
      %dma_wait3A_63 = arith.constant 0 : i32
      %dma_wait3A_64 = tpu.memref_slice %arg8[%dma_wait3A_62, %dma_wait3A_63] : memref<128x128xf32, #tpu.memory_space<vmem>> -> memref<128x128xf32, #tpu.memory_space<vmem>>
      tpu.wait_dma2 semaphore(%run_scoped3A : memref<!tpu.dma_semaphore, #tpu.memory_space<semaphore_mem>>) src(%dma_wait3A_64 : memref<128x128xf32, #tpu.memory_space<vmem>>) dst(%dma_wait3A_61 : memref<128x128xf32, #tpu.memory_space<vmem_shared>>)
      tpu.yield
    }) : () -> ()
    %add3A_14 = arith.constant 384 : i32
    %add3A_15 = arith.addi %mul3A_7, %add3A_14 : i32
    "tpu.region"() ({
      %run_scoped3A = tpu.sem_alloc : memref<!tpu.dma_semaphore, #tpu.memory_space<semaphore_mem>>
      %dma_start3A = arith.constant 0 : i32
      %dma_start3A_47 = arith.constant 0 : i32
      %dma_start3A_48 = tpu.memref_slice %arg8[%dma_start3A, %dma_start3A_47] : memref<128x128xf32, #tpu.memory_space<vmem>> -> memref<128x128xf32, #tpu.memory_space<vmem>>
      %dma_start3A_49 = arith.constant 0 : i32
      %dma_start3A_50 = tpu.memref_slice %arg9[%add3A_15, %dma_start3A_49] : memref<10112x128xf32, #tpu.memory_space<vmem_shared>> -> memref<128x128xf32, #tpu.memory_space<vmem_shared>>
      %dma_start3A_51 = arith.constant 0 : i32
      %dma_start3A_52 = tpu.memref_slice %arg9[%add3A_15, %dma_start3A_51] : memref<10112x128xf32, #tpu.memory_space<vmem_shared>> -> memref<128x128xf32, #tpu.memory_space<vmem_shared>>
      %dma_start3A_53 = arith.constant 0 : i32
      %dma_start3A_54 = arith.constant 0 : i32
      %dma_start3A_55 = tpu.memref_slice %arg8[%dma_start3A_53, %dma_start3A_54] : memref<128x128xf32, #tpu.memory_space<vmem>> -> memref<128x128xf32, #tpu.memory_space<vmem>>
      tpu.enqueue_dma source(%dma_start3A_55 : memref<128x128xf32, #tpu.memory_space<vmem>>) target(%dma_start3A_52 : memref<128x128xf32, #tpu.memory_space<vmem_shared>>) target_semaphore(%run_scoped3A : memref<!tpu.dma_semaphore, #tpu.memory_space<semaphore_mem>>)
      %dma_wait3A = arith.constant 0 : i32
      %dma_wait3A_56 = arith.constant 0 : i32
      %dma_wait3A_57 = tpu.memref_slice %arg8[%dma_wait3A, %dma_wait3A_56] : memref<128x128xf32, #tpu.memory_space<vmem>> -> memref<128x128xf32, #tpu.memory_space<vmem>>
      %dma_wait3A_58 = arith.constant 0 : i32
      %dma_wait3A_59 = tpu.memref_slice %arg9[%add3A_15, %dma_wait3A_58] : memref<10112x128xf32, #tpu.memory_space<vmem_shared>> -> memref<128x128xf32, #tpu.memory_space<vmem_shared>>
      %dma_wait3A_60 = arith.constant 0 : i32
      %dma_wait3A_61 = tpu.memref_slice %arg9[%add3A_15, %dma_wait3A_60] : memref<10112x128xf32, #tpu.memory_space<vmem_shared>> -> memref<128x128xf32, #tpu.memory_space<vmem_shared>>
      %dma_wait3A_62 = arith.constant 0 : i32
      %dma_wait3A_63 = arith.constant 0 : i32
      %dma_wait3A_64 = tpu.memref_slice %arg8[%dma_wait3A_62, %dma_wait3A_63] : memref<128x128xf32, #tpu.memory_space<vmem>> -> memref<128x128xf32, #tpu.memory_space<vmem>>
      tpu.wait_dma2 semaphore(%run_scoped3A : memref<!tpu.dma_semaphore, #tpu.memory_space<semaphore_mem>>) src(%dma_wait3A_64 : memref<128x128xf32, #tpu.memory_space<vmem>>) dst(%dma_wait3A_61 : memref<128x128xf32, #tpu.memory_space<vmem_shared>>)
      tpu.yield
    }) : () -> ()
    %add3A_16 = arith.constant 512 : i32
    %add3A_17 = arith.addi %mul3A_7, %add3A_16 : i32
    "tpu.region"() ({
      %run_scoped3A = tpu.sem_alloc : memref<!tpu.dma_semaphore, #tpu.memory_space<semaphore_mem>>
      %dma_start3A = arith.constant 0 : i32
      %dma_start3A_47 = arith.constant 0 : i32
      %dma_start3A_48 = tpu.memref_slice %arg8[%dma_start3A, %dma_start3A_47] : memref<128x128xf32, #tpu.memory_space<vmem>> -> memref<120x128xf32, #tpu.memory_space<vmem>>
      %dma_start3A_49 = arith.constant 0 : i32
      %dma_start3A_50 = tpu.memref_slice %arg9[%add3A_17, %dma_start3A_49] : memref<10112x128xf32, #tpu.memory_space<vmem_shared>> -> memref<120x128xf32, #tpu.memory_space<vmem_shared>>
      %dma_start3A_51 = arith.constant 0 : i32
      %dma_start3A_52 = tpu.memref_slice %arg9[%add3A_17, %dma_start3A_51] : memref<10112x128xf32, #tpu.memory_space<vmem_shared>> -> memref<120x128xf32, #tpu.memory_space<vmem_shared>>
      %dma_start3A_53 = arith.constant 0 : i32
      %dma_start3A_54 = arith.constant 0 : i32
      %dma_start3A_55 = tpu.memref_slice %arg8[%dma_start3A_53, %dma_start3A_54] : memref<128x128xf32, #tpu.memory_space<vmem>> -> memref<120x128xf32, #tpu.memory_space<vmem>>
      tpu.enqueue_dma source(%dma_start3A_55 : memref<120x128xf32, #tpu.memory_space<vmem>>) target(%dma_start3A_52 : memref<120x128xf32, #tpu.memory_space<vmem_shared>>) target_semaphore(%run_scoped3A : memref<!tpu.dma_semaphore, #tpu.memory_space<semaphore_mem>>)
      %dma_wait3A = arith.constant 0 : i32
      %dma_wait3A_56 = arith.constant 0 : i32
      %dma_wait3A_57 = tpu.memref_slice %arg8[%dma_wait3A, %dma_wait3A_56] : memref<128x128xf32, #tpu.memory_space<vmem>> -> memref<120x128xf32, #tpu.memory_space<vmem>>
      %dma_wait3A_58 = arith.constant 0 : i32
      %dma_wait3A_59 = tpu.memref_slice %arg9[%add3A_17, %dma_wait3A_58] : memref<10112x128xf32, #tpu.memory_space<vmem_shared>> -> memref<120x128xf32, #tpu.memory_space<vmem_shared>>
      %dma_wait3A_60 = arith.constant 0 : i32
      %dma_wait3A_61 = tpu.memref_slice %arg9[%add3A_17, %dma_wait3A_60] : memref<10112x128xf32, #tpu.memory_space<vmem_shared>> -> memref<120x128xf32, #tpu.memory_space<vmem_shared>>
      %dma_wait3A_62 = arith.constant 0 : i32
      %dma_wait3A_63 = arith.constant 0 : i32
      %dma_wait3A_64 = tpu.memref_slice %arg8[%dma_wait3A_62, %dma_wait3A_63] : memref<128x128xf32, #tpu.memory_space<vmem>> -> memref<120x128xf32, #tpu.memory_space<vmem>>
      tpu.wait_dma2 semaphore(%run_scoped3A : memref<!tpu.dma_semaphore, #tpu.memory_space<semaphore_mem>>) src(%dma_wait3A_64 : memref<120x128xf32, #tpu.memory_space<vmem>>) dst(%dma_wait3A_61 : memref<120x128xf32, #tpu.memory_space<vmem_shared>>)
      tpu.yield
    }) : () -> ()
    %barrier3A = arith.constant 0 : index
    tpu.barrier barrier_id(%barrier3A)
    %scan3A_18 = arith.constant 0 : i32
    %scan3A_19 = arith.constant 0 : i32
    %scan3A_20 = arith.constant 79 : i32
    %scan3A_21 = arith.addi %scan3A_19, %scan3A_20 : i32
    %scan3A_22 = arith.constant 1 : i32
    scf.for %scan3A_47 = %scan3A_19 to %scan3A_21 step %scan3A_22  : i32 {
      "tpu.region"() ({
        %run_scoped3A = tpu.sem_alloc : memref<!tpu.dma_semaphore, #tpu.memory_space<semaphore_mem>>
        %dma_start3A = arith.constant 0 : i32
        %dma_start3A_48 = tpu.memref_slice %arg6[%scan3A_47, %dma_start3A] : memref<79x128xi32, #tpu.memory_space<vmem>> -> memref<1x128xi32, #tpu.memory_space<vmem>>
        %dma_start3A_49 = tpu.memref_squeeze %dma_start3A_48 : memref<1x128xi32, #tpu.memory_space<vmem>> -> memref<128xi32, #tpu.memory_space<vmem>>
        %dma_start3A_50 = arith.constant 0 : i32
        %dma_start3A_51 = arith.constant 0 : i32
        %dma_start3A_52 = tpu.memref_slice %arg2[%dma_start3A_50, %dma_start3A_51] : memref<10000x128xf32, #tpu.memory_space<hbm>> -> memref<10000x128xf32, #tpu.memory_space<hbm>>
        tpu.enqueue_indirect_dma source(%dma_start3A_52 : memref<10000x128xf32, #tpu.memory_space<hbm>>) target(%arg8 : memref<128x128xf32, #tpu.memory_space<vmem>>) offsets(%dma_start3A_49 : memref<128xi32, #tpu.memory_space<vmem>>) semaphore(%run_scoped3A : memref<!tpu.dma_semaphore, #tpu.memory_space<semaphore_mem>>)
        %dma_wait3A = arith.constant 0 : i32
        %dma_wait3A_53 = tpu.memref_slice %arg6[%scan3A_47, %dma_wait3A] : memref<79x128xi32, #tpu.memory_space<vmem>> -> memref<1x128xi32, #tpu.memory_space<vmem>>
        %dma_wait3A_54 = tpu.memref_squeeze %dma_wait3A_53 : memref<1x128xi32, #tpu.memory_space<vmem>> -> memref<128xi32, #tpu.memory_space<vmem>>
        %dma_wait3A_55 = arith.constant 0 : i32
        %dma_wait3A_56 = arith.constant 0 : i32
        %dma_wait3A_57 = tpu.memref_slice %arg2[%dma_wait3A_55, %dma_wait3A_56] : memref<10000x128xf32, #tpu.memory_space<hbm>> -> memref<10000x128xf32, #tpu.memory_space<hbm>>
        tpu.wait_indirect_dma semaphore(%run_scoped3A : memref<!tpu.dma_semaphore, #tpu.memory_space<semaphore_mem>>) src(%dma_wait3A_57 : memref<10000x128xf32, #tpu.memory_space<hbm>>) dst(%arg8 : memref<128x128xf32, #tpu.memory_space<vmem>>)
        tpu.yield
      }) : () -> ()
      "tpu.region"() ({
        %run_scoped3A = tpu.sem_alloc : memref<!tpu.dma_semaphore, #tpu.memory_space<semaphore_mem>>
        %dma_start3A = arith.constant 0 : i32
        %dma_start3A_48 = tpu.memref_slice %arg7[%scan3A_47, %dma_start3A] : memref<79x128xi32, #tpu.memory_space<vmem>> -> memref<1x128xi32, #tpu.memory_space<vmem>>
        %dma_start3A_49 = tpu.memref_squeeze %dma_start3A_48 : memref<1x128xi32, #tpu.memory_space<vmem>> -> memref<128xi32, #tpu.memory_space<vmem>>
        %dma_start3A_50 = arith.constant 0 : i32
        %dma_start3A_51 = arith.constant 0 : i32
        %dma_start3A_52 = tpu.memref_slice %arg9[%dma_start3A_50, %dma_start3A_51] : memref<10112x128xf32, #tpu.memory_space<vmem_shared>> -> memref<10112x128xf32, #tpu.memory_space<vmem_shared>>
        tpu.enqueue_indirect_dma source(%arg8 : memref<128x128xf32, #tpu.memory_space<vmem>>) target(%dma_start3A_52 : memref<10112x128xf32, #tpu.memory_space<vmem_shared>>) offsets(%dma_start3A_49 : memref<128xi32, #tpu.memory_space<vmem>>) semaphore(%run_scoped3A : memref<!tpu.dma_semaphore, #tpu.memory_space<semaphore_mem>>) {add = true}
        %dma_wait3A = arith.constant 0 : i32
        %dma_wait3A_53 = tpu.memref_slice %arg7[%scan3A_47, %dma_wait3A] : memref<79x128xi32, #tpu.memory_space<vmem>> -> memref<1x128xi32, #tpu.memory_space<vmem>>
        %dma_wait3A_54 = tpu.memref_squeeze %dma_wait3A_53 : memref<1x128xi32, #tpu.memory_space<vmem>> -> memref<128xi32, #tpu.memory_space<vmem>>
        %dma_wait3A_55 = arith.constant 0 : i32
        %dma_wait3A_56 = arith.constant 0 : i32
        %dma_wait3A_57 = tpu.memref_slice %arg9[%dma_wait3A_55, %dma_wait3A_56] : memref<10112x128xf32, #tpu.memory_space<vmem_shared>> -> memref<10112x128xf32, #tpu.memory_space<vmem_shared>>
        tpu.wait_indirect_dma semaphore(%run_scoped3A : memref<!tpu.dma_semaphore, #tpu.memory_space<semaphore_mem>>) src(%arg8 : memref<128x128xf32, #tpu.memory_space<vmem>>) dst(%dma_wait3A_57 : memref<10112x128xf32, #tpu.memory_space<vmem_shared>>)
        tpu.yield
      }) : () -> ()
    }
    %scan3A_23 = arith.constant 79 : i32
    %barrier3A_24 = arith.constant 0 : index
    tpu.barrier barrier_id(%barrier3A_24)
    %mul3A_25 = arith.constant 632 : i32
    %mul3A_26 = arith.muli %arg1, %mul3A_25 : i32
    %add3A_27 = arith.constant 0 : i32
    %add3A_28 = arith.addi %mul3A_26, %add3A_27 : i32
    "tpu.region"() ({
      %run_scoped3A = tpu.sem_alloc : memref<!tpu.dma_semaphore, #tpu.memory_space<semaphore_mem>>
      %dma_start3A = arith.constant 0 : i32
      %dma_start3A_47 = arith.constant 0 : i32
      %dma_start3A_48 = tpu.memref_slice %arg8[%dma_start3A, %dma_start3A_47] : memref<128x128xf32, #tpu.memory_space<vmem>> -> memref<128x128xf32, #tpu.memory_space<vmem>>
      %dma_start3A_49 = arith.constant 0 : i32
      %dma_start3A_50 = tpu.memref_slice %arg9[%add3A_28, %dma_start3A_49] : memref<10112x128xf32, #tpu.memory_space<vmem_shared>> -> memref<128x128xf32, #tpu.memory_space<vmem_shared>>
      %dma_start3A_51 = arith.constant 0 : i32
      %dma_start3A_52 = arith.constant 0 : i32
      %dma_start3A_53 = tpu.memref_slice %arg8[%dma_start3A_51, %dma_start3A_52] : memref<128x128xf32, #tpu.memory_space<vmem>> -> memref<128x128xf32, #tpu.memory_space<vmem>>
      %dma_start3A_54 = arith.constant 0 : i32
      %dma_start3A_55 = tpu.memref_slice %arg9[%add3A_28, %dma_start3A_54] : memref<10112x128xf32, #tpu.memory_space<vmem_shared>> -> memref<128x128xf32, #tpu.memory_space<vmem_shared>>
      tpu.enqueue_dma source(%dma_start3A_55 : memref<128x128xf32, #tpu.memory_space<vmem_shared>>) target(%dma_start3A_53 : memref<128x128xf32, #tpu.memory_space<vmem>>) target_semaphore(%run_scoped3A : memref<!tpu.dma_semaphore, #tpu.memory_space<semaphore_mem>>)
      %dma_wait3A = arith.constant 0 : i32
      %dma_wait3A_56 = arith.constant 0 : i32
      %dma_wait3A_57 = tpu.memref_slice %arg8[%dma_wait3A, %dma_wait3A_56] : memref<128x128xf32, #tpu.memory_space<vmem>> -> memref<128x128xf32, #tpu.memory_space<vmem>>
      %dma_wait3A_58 = arith.constant 0 : i32
      %dma_wait3A_59 = tpu.memref_slice %arg9[%add3A_28, %dma_wait3A_58] : memref<10112x128xf32, #tpu.memory_space<vmem_shared>> -> memref<128x128xf32, #tpu.memory_space<vmem_shared>>
      %dma_wait3A_60 = arith.constant 0 : i32
      %dma_wait3A_61 = arith.constant 0 : i32
      %dma_wait3A_62 = tpu.memref_slice %arg8[%dma_wait3A_60, %dma_wait3A_61] : memref<128x128xf32, #tpu.memory_space<vmem>> -> memref<128x128xf32, #tpu.memory_space<vmem>>
      %dma_wait3A_63 = arith.constant 0 : i32
      %dma_wait3A_64 = tpu.memref_slice %arg9[%add3A_28, %dma_wait3A_63] : memref<10112x128xf32, #tpu.memory_space<vmem_shared>> -> memref<128x128xf32, #tpu.memory_space<vmem_shared>>
      tpu.wait_dma2 semaphore(%run_scoped3A : memref<!tpu.dma_semaphore, #tpu.memory_space<semaphore_mem>>) src(%dma_wait3A_64 : memref<128x128xf32, #tpu.memory_space<vmem_shared>>) dst(%dma_wait3A_62 : memref<128x128xf32, #tpu.memory_space<vmem>>)
      tpu.yield
    }) : () -> ()
    %add3A_29 = arith.constant 0 : i32
    %add3A_30 = arith.addi %mul3A_26, %add3A_29 : i32
    "tpu.region"() ({
      %run_scoped3A = tpu.sem_alloc : memref<!tpu.dma_semaphore, #tpu.memory_space<semaphore_mem>>
      %dma_start3A = arith.constant 0 : i32
      %dma_start3A_47 = arith.constant 0 : i32
      %dma_start3A_48 = tpu.memref_slice %arg8[%dma_start3A, %dma_start3A_47] : memref<128x128xf32, #tpu.memory_space<vmem>> -> memref<128x128xf32, #tpu.memory_space<vmem>>
      %dma_start3A_49 = arith.constant 0 : i32
      %dma_start3A_50 = arith.constant 0 : i32
      %dma_start3A_51 = tpu.memref_slice %arg5[%arg0, %dma_start3A_49, %dma_start3A_50] : memref<2x10112x128xf32, #tpu.memory_space<hbm>> -> memref<1x10112x128xf32, #tpu.memory_space<hbm>>
      %dma_start3A_52 = tpu.memref_squeeze %dma_start3A_51 : memref<1x10112x128xf32, #tpu.memory_space<hbm>> -> memref<10112x128xf32, #tpu.memory_space<hbm>>
      %dma_start3A_53 = arith.constant 0 : i32
      %dma_start3A_54 = tpu.memref_slice %dma_start3A_52[%add3A_30, %dma_start3A_53] : memref<10112x128xf32, #tpu.memory_space<hbm>> -> memref<128x128xf32, #tpu.memory_space<hbm>>
      %dma_start3A_55 = arith.constant 0 : i32
      %dma_start3A_56 = arith.constant 0 : i32
      %dma_start3A_57 = tpu.memref_slice %arg5[%arg0, %dma_start3A_55, %dma_start3A_56] : memref<2x10112x128xf32, #tpu.memory_space<hbm>> -> memref<1x10112x128xf32, #tpu.memory_space<hbm>>
      %dma_start3A_58 = tpu.memref_squeeze %dma_start3A_57 : memref<1x10112x128xf32, #tpu.memory_space<hbm>> -> memref<10112x128xf32, #tpu.memory_space<hbm>>
      %dma_start3A_59 = arith.constant 0 : i32
      %dma_start3A_60 = tpu.memref_slice %dma_start3A_58[%add3A_30, %dma_start3A_59] : memref<10112x128xf32, #tpu.memory_space<hbm>> -> memref<128x128xf32, #tpu.memory_space<hbm>>
      %dma_start3A_61 = arith.constant 0 : i32
      %dma_start3A_62 = arith.constant 0 : i32
      %dma_start3A_63 = tpu.memref_slice %arg8[%dma_start3A_61, %dma_start3A_62] : memref<128x128xf32, #tpu.memory_space<vmem>> -> memref<128x128xf32, #tpu.memory_space<vmem>>
      tpu.enqueue_dma source(%dma_start3A_63 : memref<128x128xf32, #tpu.memory_space<vmem>>) target(%dma_start3A_60 : memref<128x128xf32, #tpu.memory_space<hbm>>) target_semaphore(%run_scoped3A : memref<!tpu.dma_semaphore, #tpu.memory_space<semaphore_mem>>)
      %dma_wait3A = arith.constant 0 : i32
      %dma_wait3A_64 = arith.constant 0 : i32
      %dma_wait3A_65 = tpu.memref_slice %arg8[%dma_wait3A, %dma_wait3A_64] : memref<128x128xf32, #tpu.memory_space<vmem>> -> memref<128x128xf32, #tpu.memory_space<vmem>>
      %dma_wait3A_66 = arith.constant 0 : i32
      %dma_wait3A_67 = arith.constant 0 : i32
      %dma_wait3A_68 = tpu.memref_slice %arg5[%arg0, %dma_wait3A_66, %dma_wait3A_67] : memref<2x10112x128xf32, #tpu.memory_space<hbm>> -> memref<1x10112x128xf32, #tpu.memory_space<hbm>>
      %dma_wait3A_69 = tpu.memref_squeeze %dma_wait3A_68 : memref<1x10112x128xf32, #tpu.memory_space<hbm>> -> memref<10112x128xf32, #tpu.memory_space<hbm>>
      %dma_wait3A_70 = arith.constant 0 : i32
      %dma_wait3A_71 = tpu.memref_slice %dma_wait3A_69[%add3A_30, %dma_wait3A_70] : memref<10112x128xf32, #tpu.memory_space<hbm>> -> memref<128x128xf32, #tpu.memory_space<hbm>>
      %dma_wait3A_72 = arith.constant 0 : i32
      %dma_wait3A_73 = arith.constant 0 : i32
      %dma_wait3A_74 = tpu.memref_slice %arg5[%arg0, %dma_wait3A_72, %dma_wait3A_73] : memref<2x10112x128xf32, #tpu.memory_space<hbm>> -> memref<1x10112x128xf32, #tpu.memory_space<hbm>>
      %dma_wait3A_75 = tpu.memref_squeeze %dma_wait3A_74 : memref<1x10112x128xf32, #tpu.memory_space<hbm>> -> memref<10112x128xf32, #tpu.memory_space<hbm>>
      %dma_wait3A_76 = arith.constant 0 : i32
      %dma_wait3A_77 = tpu.memref_slice %dma_wait3A_75[%add3A_30, %dma_wait3A_76] : memref<10112x128xf32, #tpu.memory_space<hbm>> -> memref<128x128xf32, #tpu.memory_space<hbm>>
      %dma_wait3A_78 = arith.constant 0 : i32
      %dma_wait3A_79 = arith.constant 0 : i32
      %dma_wait3A_80 = tpu.memref_slice %arg8[%dma_wait3A_78, %dma_wait3A_79] : memref<128x128xf32, #tpu.memory_space<vmem>> -> memref<128x128xf32, #tpu.memory_space<vmem>>
      tpu.wait_dma2 semaphore(%run_scoped3A : memref<!tpu.dma_semaphore, #tpu.memory_space<semaphore_mem>>) src(%dma_wait3A_80 : memref<128x128xf32, #tpu.memory_space<vmem>>) dst(%dma_wait3A_77 : memref<128x128xf32, #tpu.memory_space<hbm>>)
      tpu.yield
    }) : () -> ()
    %add3A_31 = arith.constant 128 : i32
    %add3A_32 = arith.addi %mul3A_26, %add3A_31 : i32
    "tpu.region"() ({
      %run_scoped3A = tpu.sem_alloc : memref<!tpu.dma_semaphore, #tpu.memory_space<semaphore_mem>>
      %dma_start3A = arith.constant 0 : i32
      %dma_start3A_47 = arith.constant 0 : i32
      %dma_start3A_48 = tpu.memref_slice %arg8[%dma_start3A, %dma_start3A_47] : memref<128x128xf32, #tpu.memory_space<vmem>> -> memref<128x128xf32, #tpu.memory_space<vmem>>
      %dma_start3A_49 = arith.constant 0 : i32
      %dma_start3A_50 = tpu.memref_slice %arg9[%add3A_32, %dma_start3A_49] : memref<10112x128xf32, #tpu.memory_space<vmem_shared>> -> memref<128x128xf32, #tpu.memory_space<vmem_shared>>
      %dma_start3A_51 = arith.constant 0 : i32
      %dma_start3A_52 = arith.constant 0 : i32
      %dma_start3A_53 = tpu.memref_slice %arg8[%dma_start3A_51, %dma_start3A_52] : memref<128x128xf32, #tpu.memory_space<vmem>> -> memref<128x128xf32, #tpu.memory_space<vmem>>
      %dma_start3A_54 = arith.constant 0 : i32
      %dma_start3A_55 = tpu.memref_slice %arg9[%add3A_32, %dma_start3A_54] : memref<10112x128xf32, #tpu.memory_space<vmem_shared>> -> memref<128x128xf32, #tpu.memory_space<vmem_shared>>
      tpu.enqueue_dma source(%dma_start3A_55 : memref<128x128xf32, #tpu.memory_space<vmem_shared>>) target(%dma_start3A_53 : memref<128x128xf32, #tpu.memory_space<vmem>>) target_semaphore(%run_scoped3A : memref<!tpu.dma_semaphore, #tpu.memory_space<semaphore_mem>>)
      %dma_wait3A = arith.constant 0 : i32
      %dma_wait3A_56 = arith.constant 0 : i32
      %dma_wait3A_57 = tpu.memref_slice %arg8[%dma_wait3A, %dma_wait3A_56] : memref<128x128xf32, #tpu.memory_space<vmem>> -> memref<128x128xf32, #tpu.memory_space<vmem>>
      %dma_wait3A_58 = arith.constant 0 : i32
      %dma_wait3A_59 = tpu.memref_slice %arg9[%add3A_32, %dma_wait3A_58] : memref<10112x128xf32, #tpu.memory_space<vmem_shared>> -> memref<128x128xf32, #tpu.memory_space<vmem_shared>>
      %dma_wait3A_60 = arith.constant 0 : i32
      %dma_wait3A_61 = arith.constant 0 : i32
      %dma_wait3A_62 = tpu.memref_slice %arg8[%dma_wait3A_60, %dma_wait3A_61] : memref<128x128xf32, #tpu.memory_space<vmem>> -> memref<128x128xf32, #tpu.memory_space<vmem>>
      %dma_wait3A_63 = arith.constant 0 : i32
      %dma_wait3A_64 = tpu.memref_slice %arg9[%add3A_32, %dma_wait3A_63] : memref<10112x128xf32, #tpu.memory_space<vmem_shared>> -> memref<128x128xf32, #tpu.memory_space<vmem_shared>>
      tpu.wait_dma2 semaphore(%run_scoped3A : memref<!tpu.dma_semaphore, #tpu.memory_space<semaphore_mem>>) src(%dma_wait3A_64 : memref<128x128xf32, #tpu.memory_space<vmem_shared>>) dst(%dma_wait3A_62 : memref<128x128xf32, #tpu.memory_space<vmem>>)
      tpu.yield
    }) : () -> ()
    %add3A_33 = arith.constant 128 : i32
    %add3A_34 = arith.addi %mul3A_26, %add3A_33 : i32
    "tpu.region"() ({
      %run_scoped3A = tpu.sem_alloc : memref<!tpu.dma_semaphore, #tpu.memory_space<semaphore_mem>>
      %dma_start3A = arith.constant 0 : i32
      %dma_start3A_47 = arith.constant 0 : i32
      %dma_start3A_48 = tpu.memref_slice %arg8[%dma_start3A, %dma_start3A_47] : memref<128x128xf32, #tpu.memory_space<vmem>> -> memref<128x128xf32, #tpu.memory_space<vmem>>
      %dma_start3A_49 = arith.constant 0 : i32
      %dma_start3A_50 = arith.constant 0 : i32
      %dma_start3A_51 = tpu.memref_slice %arg5[%arg0, %dma_start3A_49, %dma_start3A_50] : memref<2x10112x128xf32, #tpu.memory_space<hbm>> -> memref<1x10112x128xf32, #tpu.memory_space<hbm>>
      %dma_start3A_52 = tpu.memref_squeeze %dma_start3A_51 : memref<1x10112x128xf32, #tpu.memory_space<hbm>> -> memref<10112x128xf32, #tpu.memory_space<hbm>>
      %dma_start3A_53 = arith.constant 0 : i32
      %dma_start3A_54 = tpu.memref_slice %dma_start3A_52[%add3A_34, %dma_start3A_53] : memref<10112x128xf32, #tpu.memory_space<hbm>> -> memref<128x128xf32, #tpu.memory_space<hbm>>
      %dma_start3A_55 = arith.constant 0 : i32
      %dma_start3A_56 = arith.constant 0 : i32
      %dma_start3A_57 = tpu.memref_slice %arg5[%arg0, %dma_start3A_55, %dma_start3A_56] : memref<2x10112x128xf32, #tpu.memory_space<hbm>> -> memref<1x10112x128xf32, #tpu.memory_space<hbm>>
      %dma_start3A_58 = tpu.memref_squeeze %dma_start3A_57 : memref<1x10112x128xf32, #tpu.memory_space<hbm>> -> memref<10112x128xf32, #tpu.memory_space<hbm>>
      %dma_start3A_59 = arith.constant 0 : i32
      %dma_start3A_60 = tpu.memref_slice %dma_start3A_58[%add3A_34, %dma_start3A_59] : memref<10112x128xf32, #tpu.memory_space<hbm>> -> memref<128x128xf32, #tpu.memory_space<hbm>>
      %dma_start3A_61 = arith.constant 0 : i32
      %dma_start3A_62 = arith.constant 0 : i32
      %dma_start3A_63 = tpu.memref_slice %arg8[%dma_start3A_61, %dma_start3A_62] : memref<128x128xf32, #tpu.memory_space<vmem>> -> memref<128x128xf32, #tpu.memory_space<vmem>>
      tpu.enqueue_dma source(%dma_start3A_63 : memref<128x128xf32, #tpu.memory_space<vmem>>) target(%dma_start3A_60 : memref<128x128xf32, #tpu.memory_space<hbm>>) target_semaphore(%run_scoped3A : memref<!tpu.dma_semaphore, #tpu.memory_space<semaphore_mem>>)
      %dma_wait3A = arith.constant 0 : i32
      %dma_wait3A_64 = arith.constant 0 : i32
      %dma_wait3A_65 = tpu.memref_slice %arg8[%dma_wait3A, %dma_wait3A_64] : memref<128x128xf32, #tpu.memory_space<vmem>> -> memref<128x128xf32, #tpu.memory_space<vmem>>
      %dma_wait3A_66 = arith.constant 0 : i32
      %dma_wait3A_67 = arith.constant 0 : i32
      %dma_wait3A_68 = tpu.memref_slice %arg5[%arg0, %dma_wait3A_66, %dma_wait3A_67] : memref<2x10112x128xf32, #tpu.memory_space<hbm>> -> memref<1x10112x128xf32, #tpu.memory_space<hbm>>
      %dma_wait3A_69 = tpu.memref_squeeze %dma_wait3A_68 : memref<1x10112x128xf32, #tpu.memory_space<hbm>> -> memref<10112x128xf32, #tpu.memory_space<hbm>>
      %dma_wait3A_70 = arith.constant 0 : i32
      %dma_wait3A_71 = tpu.memref_slice %dma_wait3A_69[%add3A_34, %dma_wait3A_70] : memref<10112x128xf32, #tpu.memory_space<hbm>> -> memref<128x128xf32, #tpu.memory_space<hbm>>
      %dma_wait3A_72 = arith.constant 0 : i32
      %dma_wait3A_73 = arith.constant 0 : i32
      %dma_wait3A_74 = tpu.memref_slice %arg5[%arg0, %dma_wait3A_72, %dma_wait3A_73] : memref<2x10112x128xf32, #tpu.memory_space<hbm>> -> memref<1x10112x128xf32, #tpu.memory_space<hbm>>
      %dma_wait3A_75 = tpu.memref_squeeze %dma_wait3A_74 : memref<1x10112x128xf32, #tpu.memory_space<hbm>> -> memref<10112x128xf32, #tpu.memory_space<hbm>>
      %dma_wait3A_76 = arith.constant 0 : i32
      %dma_wait3A_77 = tpu.memref_slice %dma_wait3A_75[%add3A_34, %dma_wait3A_76] : memref<10112x128xf32, #tpu.memory_space<hbm>> -> memref<128x128xf32, #tpu.memory_space<hbm>>
      %dma_wait3A_78 = arith.constant 0 : i32
      %dma_wait3A_79 = arith.constant 0 : i32
      %dma_wait3A_80 = tpu.memref_slice %arg8[%dma_wait3A_78, %dma_wait3A_79] : memref<128x128xf32, #tpu.memory_space<vmem>> -> memref<128x128xf32, #tpu.memory_space<vmem>>
      tpu.wait_dma2 semaphore(%run_scoped3A : memref<!tpu.dma_semaphore, #tpu.memory_space<semaphore_mem>>) src(%dma_wait3A_80 : memref<128x128xf32, #tpu.memory_space<vmem>>) dst(%dma_wait3A_77 : memref<128x128xf32, #tpu.memory_space<hbm>>)
      tpu.yield
    }) : () -> ()
    %add3A_35 = arith.constant 256 : i32
    %add3A_36 = arith.addi %mul3A_26, %add3A_35 : i32
    "tpu.region"() ({
      %run_scoped3A = tpu.sem_alloc : memref<!tpu.dma_semaphore, #tpu.memory_space<semaphore_mem>>
      %dma_start3A = arith.constant 0 : i32
      %dma_start3A_47 = arith.constant 0 : i32
      %dma_start3A_48 = tpu.memref_slice %arg8[%dma_start3A, %dma_start3A_47] : memref<128x128xf32, #tpu.memory_space<vmem>> -> memref<128x128xf32, #tpu.memory_space<vmem>>
      %dma_start3A_49 = arith.constant 0 : i32
      %dma_start3A_50 = tpu.memref_slice %arg9[%add3A_36, %dma_start3A_49] : memref<10112x128xf32, #tpu.memory_space<vmem_shared>> -> memref<128x128xf32, #tpu.memory_space<vmem_shared>>
      %dma_start3A_51 = arith.constant 0 : i32
      %dma_start3A_52 = arith.constant 0 : i32
      %dma_start3A_53 = tpu.memref_slice %arg8[%dma_start3A_51, %dma_start3A_52] : memref<128x128xf32, #tpu.memory_space<vmem>> -> memref<128x128xf32, #tpu.memory_space<vmem>>
      %dma_start3A_54 = arith.constant 0 : i32
      %dma_start3A_55 = tpu.memref_slice %arg9[%add3A_36, %dma_start3A_54] : memref<10112x128xf32, #tpu.memory_space<vmem_shared>> -> memref<128x128xf32, #tpu.memory_space<vmem_shared>>
      tpu.enqueue_dma source(%dma_start3A_55 : memref<128x128xf32, #tpu.memory_space<vmem_shared>>) target(%dma_start3A_53 : memref<128x128xf32, #tpu.memory_space<vmem>>) target_semaphore(%run_scoped3A : memref<!tpu.dma_semaphore, #tpu.memory_space<semaphore_mem>>)
      %dma_wait3A = arith.constant 0 : i32
      %dma_wait3A_56 = arith.constant 0 : i32
      %dma_wait3A_57 = tpu.memref_slice %arg8[%dma_wait3A, %dma_wait3A_56] : memref<128x128xf32, #tpu.memory_space<vmem>> -> memref<128x128xf32, #tpu.memory_space<vmem>>
      %dma_wait3A_58 = arith.constant 0 : i32
      %dma_wait3A_59 = tpu.memref_slice %arg9[%add3A_36, %dma_wait3A_58] : memref<10112x128xf32, #tpu.memory_space<vmem_shared>> -> memref<128x128xf32, #tpu.memory_space<vmem_shared>>
      %dma_wait3A_60 = arith.constant 0 : i32
      %dma_wait3A_61 = arith.constant 0 : i32
      %dma_wait3A_62 = tpu.memref_slice %arg8[%dma_wait3A_60, %dma_wait3A_61] : memref<128x128xf32, #tpu.memory_space<vmem>> -> memref<128x128xf32, #tpu.memory_space<vmem>>
      %dma_wait3A_63 = arith.constant 0 : i32
      %dma_wait3A_64 = tpu.memref_slice %arg9[%add3A_36, %dma_wait3A_63] : memref<10112x128xf32, #tpu.memory_space<vmem_shared>> -> memref<128x128xf32, #tpu.memory_space<vmem_shared>>
      tpu.wait_dma2 semaphore(%run_scoped3A : memref<!tpu.dma_semaphore, #tpu.memory_space<semaphore_mem>>) src(%dma_wait3A_64 : memref<128x128xf32, #tpu.memory_space<vmem_shared>>) dst(%dma_wait3A_62 : memref<128x128xf32, #tpu.memory_space<vmem>>)
      tpu.yield
    }) : () -> ()
    %add3A_37 = arith.constant 256 : i32
    %add3A_38 = arith.addi %mul3A_26, %add3A_37 : i32
    "tpu.region"() ({
      %run_scoped3A = tpu.sem_alloc : memref<!tpu.dma_semaphore, #tpu.memory_space<semaphore_mem>>
      %dma_start3A = arith.constant 0 : i32
      %dma_start3A_47 = arith.constant 0 : i32
      %dma_start3A_48 = tpu.memref_slice %arg8[%dma_start3A, %dma_start3A_47] : memref<128x128xf32, #tpu.memory_space<vmem>> -> memref<128x128xf32, #tpu.memory_space<vmem>>
      %dma_start3A_49 = arith.constant 0 : i32
      %dma_start3A_50 = arith.constant 0 : i32
      %dma_start3A_51 = tpu.memref_slice %arg5[%arg0, %dma_start3A_49, %dma_start3A_50] : memref<2x10112x128xf32, #tpu.memory_space<hbm>> -> memref<1x10112x128xf32, #tpu.memory_space<hbm>>
      %dma_start3A_52 = tpu.memref_squeeze %dma_start3A_51 : memref<1x10112x128xf32, #tpu.memory_space<hbm>> -> memref<10112x128xf32, #tpu.memory_space<hbm>>
      %dma_start3A_53 = arith.constant 0 : i32
      %dma_start3A_54 = tpu.memref_slice %dma_start3A_52[%add3A_38, %dma_start3A_53] : memref<10112x128xf32, #tpu.memory_space<hbm>> -> memref<128x128xf32, #tpu.memory_space<hbm>>
      %dma_start3A_55 = arith.constant 0 : i32
      %dma_start3A_56 = arith.constant 0 : i32
      %dma_start3A_57 = tpu.memref_slice %arg5[%arg0, %dma_start3A_55, %dma_start3A_56] : memref<2x10112x128xf32, #tpu.memory_space<hbm>> -> memref<1x10112x128xf32, #tpu.memory_space<hbm>>
      %dma_start3A_58 = tpu.memref_squeeze %dma_start3A_57 : memref<1x10112x128xf32, #tpu.memory_space<hbm>> -> memref<10112x128xf32, #tpu.memory_space<hbm>>
      %dma_start3A_59 = arith.constant 0 : i32
      %dma_start3A_60 = tpu.memref_slice %dma_start3A_58[%add3A_38, %dma_start3A_59] : memref<10112x128xf32, #tpu.memory_space<hbm>> -> memref<128x128xf32, #tpu.memory_space<hbm>>
      %dma_start3A_61 = arith.constant 0 : i32
      %dma_start3A_62 = arith.constant 0 : i32
      %dma_start3A_63 = tpu.memref_slice %arg8[%dma_start3A_61, %dma_start3A_62] : memref<128x128xf32, #tpu.memory_space<vmem>> -> memref<128x128xf32, #tpu.memory_space<vmem>>
      tpu.enqueue_dma source(%dma_start3A_63 : memref<128x128xf32, #tpu.memory_space<vmem>>) target(%dma_start3A_60 : memref<128x128xf32, #tpu.memory_space<hbm>>) target_semaphore(%run_scoped3A : memref<!tpu.dma_semaphore, #tpu.memory_space<semaphore_mem>>)
      %dma_wait3A = arith.constant 0 : i32
      %dma_wait3A_64 = arith.constant 0 : i32
      %dma_wait3A_65 = tpu.memref_slice %arg8[%dma_wait3A, %dma_wait3A_64] : memref<128x128xf32, #tpu.memory_space<vmem>> -> memref<128x128xf32, #tpu.memory_space<vmem>>
      %dma_wait3A_66 = arith.constant 0 : i32
      %dma_wait3A_67 = arith.constant 0 : i32
      %dma_wait3A_68 = tpu.memref_slice %arg5[%arg0, %dma_wait3A_66, %dma_wait3A_67] : memref<2x10112x128xf32, #tpu.memory_space<hbm>> -> memref<1x10112x128xf32, #tpu.memory_space<hbm>>
      %dma_wait3A_69 = tpu.memref_squeeze %dma_wait3A_68 : memref<1x10112x128xf32, #tpu.memory_space<hbm>> -> memref<10112x128xf32, #tpu.memory_space<hbm>>
      %dma_wait3A_70 = arith.constant 0 : i32
      %dma_wait3A_71 = tpu.memref_slice %dma_wait3A_69[%add3A_38, %dma_wait3A_70] : memref<10112x128xf32, #tpu.memory_space<hbm>> -> memref<128x128xf32, #tpu.memory_space<hbm>>
      %dma_wait3A_72 = arith.constant 0 : i32
      %dma_wait3A_73 = arith.constant 0 : i32
      %dma_wait3A_74 = tpu.memref_slice %arg5[%arg0, %dma_wait3A_72, %dma_wait3A_73] : memref<2x10112x128xf32, #tpu.memory_space<hbm>> -> memref<1x10112x128xf32, #tpu.memory_space<hbm>>
      %dma_wait3A_75 = tpu.memref_squeeze %dma_wait3A_74 : memref<1x10112x128xf32, #tpu.memory_space<hbm>> -> memref<10112x128xf32, #tpu.memory_space<hbm>>
      %dma_wait3A_76 = arith.constant 0 : i32
      %dma_wait3A_77 = tpu.memref_slice %dma_wait3A_75[%add3A_38, %dma_wait3A_76] : memref<10112x128xf32, #tpu.memory_space<hbm>> -> memref<128x128xf32, #tpu.memory_space<hbm>>
      %dma_wait3A_78 = arith.constant 0 : i32
      %dma_wait3A_79 = arith.constant 0 : i32
      %dma_wait3A_80 = tpu.memref_slice %arg8[%dma_wait3A_78, %dma_wait3A_79] : memref<128x128xf32, #tpu.memory_space<vmem>> -> memref<128x128xf32, #tpu.memory_space<vmem>>
      tpu.wait_dma2 semaphore(%run_scoped3A : memref<!tpu.dma_semaphore, #tpu.memory_space<semaphore_mem>>) src(%dma_wait3A_80 : memref<128x128xf32, #tpu.memory_space<vmem>>) dst(%dma_wait3A_77 : memref<128x128xf32, #tpu.memory_space<hbm>>)
      tpu.yield
    }) : () -> ()
    %add3A_39 = arith.constant 384 : i32
    %add3A_40 = arith.addi %mul3A_26, %add3A_39 : i32
    "tpu.region"() ({
      %run_scoped3A = tpu.sem_alloc : memref<!tpu.dma_semaphore, #tpu.memory_space<semaphore_mem>>
      %dma_start3A = arith.constant 0 : i32
      %dma_start3A_47 = arith.constant 0 : i32
      %dma_start3A_48 = tpu.memref_slice %arg8[%dma_start3A, %dma_start3A_47] : memref<128x128xf32, #tpu.memory_space<vmem>> -> memref<128x128xf32, #tpu.memory_space<vmem>>
      %dma_start3A_49 = arith.constant 0 : i32
      %dma_start3A_50 = tpu.memref_slice %arg9[%add3A_40, %dma_start3A_49] : memref<10112x128xf32, #tpu.memory_space<vmem_shared>> -> memref<128x128xf32, #tpu.memory_space<vmem_shared>>
      %dma_start3A_51 = arith.constant 0 : i32
      %dma_start3A_52 = arith.constant 0 : i32
      %dma_start3A_53 = tpu.memref_slice %arg8[%dma_start3A_51, %dma_start3A_52] : memref<128x128xf32, #tpu.memory_space<vmem>> -> memref<128x128xf32, #tpu.memory_space<vmem>>
      %dma_start3A_54 = arith.constant 0 : i32
      %dma_start3A_55 = tpu.memref_slice %arg9[%add3A_40, %dma_start3A_54] : memref<10112x128xf32, #tpu.memory_space<vmem_shared>> -> memref<128x128xf32, #tpu.memory_space<vmem_shared>>
      tpu.enqueue_dma source(%dma_start3A_55 : memref<128x128xf32, #tpu.memory_space<vmem_shared>>) target(%dma_start3A_53 : memref<128x128xf32, #tpu.memory_space<vmem>>) target_semaphore(%run_scoped3A : memref<!tpu.dma_semaphore, #tpu.memory_space<semaphore_mem>>)
      %dma_wait3A = arith.constant 0 : i32
      %dma_wait3A_56 = arith.constant 0 : i32
      %dma_wait3A_57 = tpu.memref_slice %arg8[%dma_wait3A, %dma_wait3A_56] : memref<128x128xf32, #tpu.memory_space<vmem>> -> memref<128x128xf32, #tpu.memory_space<vmem>>
      %dma_wait3A_58 = arith.constant 0 : i32
      %dma_wait3A_59 = tpu.memref_slice %arg9[%add3A_40, %dma_wait3A_58] : memref<10112x128xf32, #tpu.memory_space<vmem_shared>> -> memref<128x128xf32, #tpu.memory_space<vmem_shared>>
      %dma_wait3A_60 = arith.constant 0 : i32
      %dma_wait3A_61 = arith.constant 0 : i32
      %dma_wait3A_62 = tpu.memref_slice %arg8[%dma_wait3A_60, %dma_wait3A_61] : memref<128x128xf32, #tpu.memory_space<vmem>> -> memref<128x128xf32, #tpu.memory_space<vmem>>
      %dma_wait3A_63 = arith.constant 0 : i32
      %dma_wait3A_64 = tpu.memref_slice %arg9[%add3A_40, %dma_wait3A_63] : memref<10112x128xf32, #tpu.memory_space<vmem_shared>> -> memref<128x128xf32, #tpu.memory_space<vmem_shared>>
      tpu.wait_dma2 semaphore(%run_scoped3A : memref<!tpu.dma_semaphore, #tpu.memory_space<semaphore_mem>>) src(%dma_wait3A_64 : memref<128x128xf32, #tpu.memory_space<vmem_shared>>) dst(%dma_wait3A_62 : memref<128x128xf32, #tpu.memory_space<vmem>>)
      tpu.yield
    }) : () -> ()
    %add3A_41 = arith.constant 384 : i32
    %add3A_42 = arith.addi %mul3A_26, %add3A_41 : i32
    "tpu.region"() ({
      %run_scoped3A = tpu.sem_alloc : memref<!tpu.dma_semaphore, #tpu.memory_space<semaphore_mem>>
      %dma_start3A = arith.constant 0 : i32
      %dma_start3A_47 = arith.constant 0 : i32
      %dma_start3A_48 = tpu.memref_slice %arg8[%dma_start3A, %dma_start3A_47] : memref<128x128xf32, #tpu.memory_space<vmem>> -> memref<128x128xf32, #tpu.memory_space<vmem>>
      %dma_start3A_49 = arith.constant 0 : i32
      %dma_start3A_50 = arith.constant 0 : i32
      %dma_start3A_51 = tpu.memref_slice %arg5[%arg0, %dma_start3A_49, %dma_start3A_50] : memref<2x10112x128xf32, #tpu.memory_space<hbm>> -> memref<1x10112x128xf32, #tpu.memory_space<hbm>>
      %dma_start3A_52 = tpu.memref_squeeze %dma_start3A_51 : memref<1x10112x128xf32, #tpu.memory_space<hbm>> -> memref<10112x128xf32, #tpu.memory_space<hbm>>
      %dma_start3A_53 = arith.constant 0 : i32
      %dma_start3A_54 = tpu.memref_slice %dma_start3A_52[%add3A_42, %dma_start3A_53] : memref<10112x128xf32, #tpu.memory_space<hbm>> -> memref<128x128xf32, #tpu.memory_space<hbm>>
      %dma_start3A_55 = arith.constant 0 : i32
      %dma_start3A_56 = arith.constant 0 : i32
      %dma_start3A_57 = tpu.memref_slice %arg5[%arg0, %dma_start3A_55, %dma_start3A_56] : memref<2x10112x128xf32, #tpu.memory_space<hbm>> -> memref<1x10112x128xf32, #tpu.memory_space<hbm>>
      %dma_start3A_58 = tpu.memref_squeeze %dma_start3A_57 : memref<1x10112x128xf32, #tpu.memory_space<hbm>> -> memref<10112x128xf32, #tpu.memory_space<hbm>>
      %dma_start3A_59 = arith.constant 0 : i32
      %dma_start3A_60 = tpu.memref_slice %dma_start3A_58[%add3A_42, %dma_start3A_59] : memref<10112x128xf32, #tpu.memory_space<hbm>> -> memref<128x128xf32, #tpu.memory_space<hbm>>
      %dma_start3A_61 = arith.constant 0 : i32
      %dma_start3A_62 = arith.constant 0 : i32
      %dma_start3A_63 = tpu.memref_slice %arg8[%dma_start3A_61, %dma_start3A_62] : memref<128x128xf32, #tpu.memory_space<vmem>> -> memref<128x128xf32, #tpu.memory_space<vmem>>
      tpu.enqueue_dma source(%dma_start3A_63 : memref<128x128xf32, #tpu.memory_space<vmem>>) target(%dma_start3A_60 : memref<128x128xf32, #tpu.memory_space<hbm>>) target_semaphore(%run_scoped3A : memref<!tpu.dma_semaphore, #tpu.memory_space<semaphore_mem>>)
      %dma_wait3A = arith.constant 0 : i32
      %dma_wait3A_64 = arith.constant 0 : i32
      %dma_wait3A_65 = tpu.memref_slice %arg8[%dma_wait3A, %dma_wait3A_64] : memref<128x128xf32, #tpu.memory_space<vmem>> -> memref<128x128xf32, #tpu.memory_space<vmem>>
      %dma_wait3A_66 = arith.constant 0 : i32
      %dma_wait3A_67 = arith.constant 0 : i32
      %dma_wait3A_68 = tpu.memref_slice %arg5[%arg0, %dma_wait3A_66, %dma_wait3A_67] : memref<2x10112x128xf32, #tpu.memory_space<hbm>> -> memref<1x10112x128xf32, #tpu.memory_space<hbm>>
      %dma_wait3A_69 = tpu.memref_squeeze %dma_wait3A_68 : memref<1x10112x128xf32, #tpu.memory_space<hbm>> -> memref<10112x128xf32, #tpu.memory_space<hbm>>
      %dma_wait3A_70 = arith.constant 0 : i32
      %dma_wait3A_71 = tpu.memref_slice %dma_wait3A_69[%add3A_42, %dma_wait3A_70] : memref<10112x128xf32, #tpu.memory_space<hbm>> -> memref<128x128xf32, #tpu.memory_space<hbm>>
      %dma_wait3A_72 = arith.constant 0 : i32
      %dma_wait3A_73 = arith.constant 0 : i32
      %dma_wait3A_74 = tpu.memref_slice %arg5[%arg0, %dma_wait3A_72, %dma_wait3A_73] : memref<2x10112x128xf32, #tpu.memory_space<hbm>> -> memref<1x10112x128xf32, #tpu.memory_space<hbm>>
      %dma_wait3A_75 = tpu.memref_squeeze %dma_wait3A_74 : memref<1x10112x128xf32, #tpu.memory_space<hbm>> -> memref<10112x128xf32, #tpu.memory_space<hbm>>
      %dma_wait3A_76 = arith.constant 0 : i32
      %dma_wait3A_77 = tpu.memref_slice %dma_wait3A_75[%add3A_42, %dma_wait3A_76] : memref<10112x128xf32, #tpu.memory_space<hbm>> -> memref<128x128xf32, #tpu.memory_space<hbm>>
      %dma_wait3A_78 = arith.constant 0 : i32
      %dma_wait3A_79 = arith.constant 0 : i32
      %dma_wait3A_80 = tpu.memref_slice %arg8[%dma_wait3A_78, %dma_wait3A_79] : memref<128x128xf32, #tpu.memory_space<vmem>> -> memref<128x128xf32, #tpu.memory_space<vmem>>
      tpu.wait_dma2 semaphore(%run_scoped3A : memref<!tpu.dma_semaphore, #tpu.memory_space<semaphore_mem>>) src(%dma_wait3A_80 : memref<128x128xf32, #tpu.memory_space<vmem>>) dst(%dma_wait3A_77 : memref<128x128xf32, #tpu.memory_space<hbm>>)
      tpu.yield
    }) : () -> ()
    %add3A_43 = arith.constant 512 : i32
    %add3A_44 = arith.addi %mul3A_26, %add3A_43 : i32
    "tpu.region"() ({
      %run_scoped3A = tpu.sem_alloc : memref<!tpu.dma_semaphore, #tpu.memory_space<semaphore_mem>>
      %dma_start3A = arith.constant 0 : i32
      %dma_start3A_47 = arith.constant 0 : i32
      %dma_start3A_48 = tpu.memref_slice %arg8[%dma_start3A, %dma_start3A_47] : memref<128x128xf32, #tpu.memory_space<vmem>> -> memref<120x128xf32, #tpu.memory_space<vmem>>
      %dma_start3A_49 = arith.constant 0 : i32
      %dma_start3A_50 = tpu.memref_slice %arg9[%add3A_44, %dma_start3A_49] : memref<10112x128xf32, #tpu.memory_space<vmem_shared>> -> memref<120x128xf32, #tpu.memory_space<vmem_shared>>
      %dma_start3A_51 = arith.constant 0 : i32
      %dma_start3A_52 = arith.constant 0 : i32
      %dma_start3A_53 = tpu.memref_slice %arg8[%dma_start3A_51, %dma_start3A_52] : memref<128x128xf32, #tpu.memory_space<vmem>> -> memref<120x128xf32, #tpu.memory_space<vmem>>
      %dma_start3A_54 = arith.constant 0 : i32
      %dma_start3A_55 = tpu.memref_slice %arg9[%add3A_44, %dma_start3A_54] : memref<10112x128xf32, #tpu.memory_space<vmem_shared>> -> memref<120x128xf32, #tpu.memory_space<vmem_shared>>
      tpu.enqueue_dma source(%dma_start3A_55 : memref<120x128xf32, #tpu.memory_space<vmem_shared>>) target(%dma_start3A_53 : memref<120x128xf32, #tpu.memory_space<vmem>>) target_semaphore(%run_scoped3A : memref<!tpu.dma_semaphore, #tpu.memory_space<semaphore_mem>>)
      %dma_wait3A = arith.constant 0 : i32
      %dma_wait3A_56 = arith.constant 0 : i32
      %dma_wait3A_57 = tpu.memref_slice %arg8[%dma_wait3A, %dma_wait3A_56] : memref<128x128xf32, #tpu.memory_space<vmem>> -> memref<120x128xf32, #tpu.memory_space<vmem>>
      %dma_wait3A_58 = arith.constant 0 : i32
      %dma_wait3A_59 = tpu.memref_slice %arg9[%add3A_44, %dma_wait3A_58] : memref<10112x128xf32, #tpu.memory_space<vmem_shared>> -> memref<120x128xf32, #tpu.memory_space<vmem_shared>>
      %dma_wait3A_60 = arith.constant 0 : i32
      %dma_wait3A_61 = arith.constant 0 : i32
      %dma_wait3A_62 = tpu.memref_slice %arg8[%dma_wait3A_60, %dma_wait3A_61] : memref<128x128xf32, #tpu.memory_space<vmem>> -> memref<120x128xf32, #tpu.memory_space<vmem>>
      %dma_wait3A_63 = arith.constant 0 : i32
      %dma_wait3A_64 = tpu.memref_slice %arg9[%add3A_44, %dma_wait3A_63] : memref<10112x128xf32, #tpu.memory_space<vmem_shared>> -> memref<120x128xf32, #tpu.memory_space<vmem_shared>>
      tpu.wait_dma2 semaphore(%run_scoped3A : memref<!tpu.dma_semaphore, #tpu.memory_space<semaphore_mem>>) src(%dma_wait3A_64 : memref<120x128xf32, #tpu.memory_space<vmem_shared>>) dst(%dma_wait3A_62 : memref<120x128xf32, #tpu.memory_space<vmem>>)
      tpu.yield
    }) : () -> ()
    %add3A_45 = arith.constant 512 : i32
    %add3A_46 = arith.addi %mul3A_26, %add3A_45 : i32
    "tpu.region"() ({
      %run_scoped3A = tpu.sem_alloc : memref<!tpu.dma_semaphore, #tpu.memory_space<semaphore_mem>>
      %dma_start3A = arith.constant 0 : i32
      %dma_start3A_47 = arith.constant 0 : i32
      %dma_start3A_48 = tpu.memref_slice %arg8[%dma_start3A, %dma_start3A_47] : memref<128x128xf32, #tpu.memory_space<vmem>> -> memref<120x128xf32, #tpu.memory_space<vmem>>
      %dma_start3A_49 = arith.constant 0 : i32
      %dma_start3A_50 = arith.constant 0 : i32
      %dma_start3A_51 = tpu.memref_slice %arg5[%arg0, %dma_start3A_49, %dma_start3A_50] : memref<2x10112x128xf32, #tpu.memory_space<hbm>> -> memref<1x10112x128xf32, #tpu.memory_space<hbm>>
      %dma_start3A_52 = tpu.memref_squeeze %dma_start3A_51 : memref<1x10112x128xf32, #tpu.memory_space<hbm>> -> memref<10112x128xf32, #tpu.memory_space<hbm>>
      %dma_start3A_53 = arith.constant 0 : i32
      %dma_start3A_54 = tpu.memref_slice %dma_start3A_52[%add3A_46, %dma_start3A_53] : memref<10112x128xf32, #tpu.memory_space<hbm>> -> memref<120x128xf32, #tpu.memory_space<hbm>>
      %dma_start3A_55 = arith.constant 0 : i32
      %dma_start3A_56 = arith.constant 0 : i32
      %dma_start3A_57 = tpu.memref_slice %arg5[%arg0, %dma_start3A_55, %dma_start3A_56] : memref<2x10112x128xf32, #tpu.memory_space<hbm>> -> memref<1x10112x128xf32, #tpu.memory_space<hbm>>
      %dma_start3A_58 = tpu.memref_squeeze %dma_start3A_57 : memref<1x10112x128xf32, #tpu.memory_space<hbm>> -> memref<10112x128xf32, #tpu.memory_space<hbm>>
      %dma_start3A_59 = arith.constant 0 : i32
      %dma_start3A_60 = tpu.memref_slice %dma_start3A_58[%add3A_46, %dma_start3A_59] : memref<10112x128xf32, #tpu.memory_space<hbm>> -> memref<120x128xf32, #tpu.memory_space<hbm>>
      %dma_start3A_61 = arith.constant 0 : i32
      %dma_start3A_62 = arith.constant 0 : i32
      %dma_start3A_63 = tpu.memref_slice %arg8[%dma_start3A_61, %dma_start3A_62] : memref<128x128xf32, #tpu.memory_space<vmem>> -> memref<120x128xf32, #tpu.memory_space<vmem>>
      tpu.enqueue_dma source(%dma_start3A_63 : memref<120x128xf32, #tpu.memory_space<vmem>>) target(%dma_start3A_60 : memref<120x128xf32, #tpu.memory_space<hbm>>) target_semaphore(%run_scoped3A : memref<!tpu.dma_semaphore, #tpu.memory_space<semaphore_mem>>)
      %dma_wait3A = arith.constant 0 : i32
      %dma_wait3A_64 = arith.constant 0 : i32
      %dma_wait3A_65 = tpu.memref_slice %arg8[%dma_wait3A, %dma_wait3A_64] : memref<128x128xf32, #tpu.memory_space<vmem>> -> memref<120x128xf32, #tpu.memory_space<vmem>>
      %dma_wait3A_66 = arith.constant 0 : i32
      %dma_wait3A_67 = arith.constant 0 : i32
      %dma_wait3A_68 = tpu.memref_slice %arg5[%arg0, %dma_wait3A_66, %dma_wait3A_67] : memref<2x10112x128xf32, #tpu.memory_space<hbm>> -> memref<1x10112x128xf32, #tpu.memory_space<hbm>>
      %dma_wait3A_69 = tpu.memref_squeeze %dma_wait3A_68 : memref<1x10112x128xf32, #tpu.memory_space<hbm>> -> memref<10112x128xf32, #tpu.memory_space<hbm>>
      %dma_wait3A_70 = arith.constant 0 : i32
      %dma_wait3A_71 = tpu.memref_slice %dma_wait3A_69[%add3A_46, %dma_wait3A_70] : memref<10112x128xf32, #tpu.memory_space<hbm>> -> memref<120x128xf32, #tpu.memory_space<hbm>>
      %dma_wait3A_72 = arith.constant 0 : i32
      %dma_wait3A_73 = arith.constant 0 : i32
      %dma_wait3A_74 = tpu.memref_slice %arg5[%arg0, %dma_wait3A_72, %dma_wait3A_73] : memref<2x10112x128xf32, #tpu.memory_space<hbm>> -> memref<1x10112x128xf32, #tpu.memory_space<hbm>>
      %dma_wait3A_75 = tpu.memref_squeeze %dma_wait3A_74 : memref<1x10112x128xf32, #tpu.memory_space<hbm>> -> memref<10112x128xf32, #tpu.memory_space<hbm>>
      %dma_wait3A_76 = arith.constant 0 : i32
      %dma_wait3A_77 = tpu.memref_slice %dma_wait3A_75[%add3A_46, %dma_wait3A_76] : memref<10112x128xf32, #tpu.memory_space<hbm>> -> memref<120x128xf32, #tpu.memory_space<hbm>>
      %dma_wait3A_78 = arith.constant 0 : i32
      %dma_wait3A_79 = arith.constant 0 : i32
      %dma_wait3A_80 = tpu.memref_slice %arg8[%dma_wait3A_78, %dma_wait3A_79] : memref<128x128xf32, #tpu.memory_space<vmem>> -> memref<120x128xf32, #tpu.memory_space<vmem>>
      tpu.wait_dma2 semaphore(%run_scoped3A : memref<!tpu.dma_semaphore, #tpu.memory_space<semaphore_mem>>) src(%dma_wait3A_80 : memref<120x128xf32, #tpu.memory_space<vmem>>) dst(%dma_wait3A_77 : memref<120x128xf32, #tpu.memory_space<hbm>>)
      tpu.yield
    }) : () -> ()
    return
  }
}

#map = affine_map<(d0, d1) -> (0, 0, 0)>
module attributes {stable_mosaic.version = 14 : i64} {
  func.func @_sc_deg(%arg0: i32, %arg1: i32, %arg2: memref<32x79x128xi32, #tpu.memory_space<hbm>>, %arg3: memref<2x10112x128xf32, #tpu.memory_space<hbm>>, %arg4: memref<79x128xi32, #tpu.memory_space<vmem>>, %arg5: memref<128x128xf32, #tpu.memory_space<vmem>>, %arg6: memref<128x128xf32, #tpu.memory_space<vmem>>, %arg7: memref<10112x128xf32, #tpu.memory_space<vmem_shared>>) attributes {dimension_semantics = [#tpu.dimension_semantics<core_parallel>, #tpu.dimension_semantics<subcore_parallel>], iteration_bounds = array<i64: 2, 16>, scalar_prefetch = 0 : i64, scratch_operands = 4 : i64, tpu.core_type = #tpu.core_type<sc_vector_subcore>, window_params = [{transform_indices = #map}, {transform_indices = #map}]} {
    %mul3A = arith.constant 16 : i32
    %mul3A_0 = arith.muli %arg0, %mul3A : i32
    %add3A = arith.addi %mul3A_0, %arg1 : i32
    "tpu.region"() ({
      %run_scoped3A = tpu.sem_alloc : memref<!tpu.dma_semaphore, #tpu.memory_space<semaphore_mem>>
      %dma_start3A = arith.constant 0 : i32
      %dma_start3A_47 = arith.constant 0 : i32
      %dma_start3A_48 = tpu.memref_slice %arg2[%add3A, %dma_start3A, %dma_start3A_47] : memref<32x79x128xi32, #tpu.memory_space<hbm>> -> memref<1x79x128xi32, #tpu.memory_space<hbm>>
      %dma_start3A_49 = tpu.memref_squeeze %dma_start3A_48 : memref<1x79x128xi32, #tpu.memory_space<hbm>> -> memref<79x128xi32, #tpu.memory_space<hbm>>
      %dma_start3A_50 = arith.constant 0 : i32
      %dma_start3A_51 = arith.constant 0 : i32
      %dma_start3A_52 = tpu.memref_slice %arg2[%add3A, %dma_start3A_50, %dma_start3A_51] : memref<32x79x128xi32, #tpu.memory_space<hbm>> -> memref<1x79x128xi32, #tpu.memory_space<hbm>>
      %dma_start3A_53 = tpu.memref_squeeze %dma_start3A_52 : memref<1x79x128xi32, #tpu.memory_space<hbm>> -> memref<79x128xi32, #tpu.memory_space<hbm>>
      tpu.enqueue_dma source(%dma_start3A_53 : memref<79x128xi32, #tpu.memory_space<hbm>>) target(%arg4 : memref<79x128xi32, #tpu.memory_space<vmem>>) target_semaphore(%run_scoped3A : memref<!tpu.dma_semaphore, #tpu.memory_space<semaphore_mem>>)
      %dma_wait3A = arith.constant 0 : i32
      %dma_wait3A_54 = arith.constant 0 : i32
      %dma_wait3A_55 = tpu.memref_slice %arg2[%add3A, %dma_wait3A, %dma_wait3A_54] : memref<32x79x128xi32, #tpu.memory_space<hbm>> -> memref<1x79x128xi32, #tpu.memory_space<hbm>>
      %dma_wait3A_56 = tpu.memref_squeeze %dma_wait3A_55 : memref<1x79x128xi32, #tpu.memory_space<hbm>> -> memref<79x128xi32, #tpu.memory_space<hbm>>
      %dma_wait3A_57 = arith.constant 0 : i32
      %dma_wait3A_58 = arith.constant 0 : i32
      %dma_wait3A_59 = tpu.memref_slice %arg2[%add3A, %dma_wait3A_57, %dma_wait3A_58] : memref<32x79x128xi32, #tpu.memory_space<hbm>> -> memref<1x79x128xi32, #tpu.memory_space<hbm>>
      %dma_wait3A_60 = tpu.memref_squeeze %dma_wait3A_59 : memref<1x79x128xi32, #tpu.memory_space<hbm>> -> memref<79x128xi32, #tpu.memory_space<hbm>>
      tpu.wait_dma2 semaphore(%run_scoped3A : memref<!tpu.dma_semaphore, #tpu.memory_space<semaphore_mem>>) src(%dma_wait3A_60 : memref<79x128xi32, #tpu.memory_space<hbm>>) dst(%arg4 : memref<79x128xi32, #tpu.memory_space<vmem>>)
      tpu.yield
    }) : () -> ()
    %scan3A = arith.constant 0 : i32
    %scan3A_1 = arith.constant 0 : i32
    %scan3A_2 = arith.constant 128 : i32
    %scan3A_3 = arith.addi %scan3A_1, %scan3A_2 : i32
    %scan3A_4 = arith.constant 1 : i32
    scf.for %scan3A_47 = %scan3A_1 to %scan3A_3 step %scan3A_4  : i32 {
      %broadcast_in_dim3A = arith.constant 1.000000e+00 : f32
      %broadcast_in_dim3A_48 = vector.broadcast %broadcast_in_dim3A : f32 to vector<16xf32>
      %swap3A = arith.index_cast %scan3A_47 : i32 to index
      %swap3A_49 = arith.constant 0 : index
      %swap3A_50 = tpu.vector_load %arg5[%swap3A, %swap3A_49] {strides = array<i32>} : memref<128x128xf32, #tpu.memory_space<vmem>>, vector<1x16xf32>,
      %swap3A_51 = vector.shape_cast %swap3A_50 : vector<1x16xf32> to vector<16xf32>
      %swap3A_52 = vector.shape_cast %broadcast_in_dim3A_48 : vector<16xf32> to vector<1x16xf32>
      tpu.vector_store %arg5[%swap3A, %swap3A_49], %swap3A_52 {strides = array<i32>} : memref<128x128xf32, #tpu.memory_space<vmem>>, vector<1x16xf32>,
      %broadcast_in_dim3A_53 = arith.constant 0.000000e+00 : f32
      %broadcast_in_dim3A_54 = vector.broadcast %broadcast_in_dim3A_53 : f32 to vector<16xf32>
      %swap3A_55 = arith.index_cast %scan3A_47 : i32 to index
      %swap3A_56 = arith.constant 0 : index
      %swap3A_57 = tpu.vector_load %arg6[%swap3A_55, %swap3A_56] {strides = array<i32>} : memref<128x128xf32, #tpu.memory_space<vmem>>, vector<1x16xf32>,
      %swap3A_58 = vector.shape_cast %swap3A_57 : vector<1x16xf32> to vector<16xf32>
      %swap3A_59 = vector.shape_cast %broadcast_in_dim3A_54 : vector<16xf32> to vector<1x16xf32>
      tpu.vector_store %arg6[%swap3A_55, %swap3A_56], %swap3A_59 {strides = array<i32>} : memref<128x128xf32, #tpu.memory_space<vmem>>, vector<1x16xf32>,
      %broadcast_in_dim3A_60 = arith.constant 1.000000e+00 : f32
      %broadcast_in_dim3A_61 = vector.broadcast %broadcast_in_dim3A_60 : f32 to vector<16xf32>
      %swap3A_62 = arith.index_cast %scan3A_47 : i32 to index
      %swap3A_63 = arith.constant 16 : index
      %swap3A_64 = tpu.vector_load %arg5[%swap3A_62, %swap3A_63] {strides = array<i32>} : memref<128x128xf32, #tpu.memory_space<vmem>>, vector<1x16xf32>,
      %swap3A_65 = vector.shape_cast %swap3A_64 : vector<1x16xf32> to vector<16xf32>
      %swap3A_66 = vector.shape_cast %broadcast_in_dim3A_61 : vector<16xf32> to vector<1x16xf32>
      tpu.vector_store %arg5[%swap3A_62, %swap3A_63], %swap3A_66 {strides = array<i32>} : memref<128x128xf32, #tpu.memory_space<vmem>>, vector<1x16xf32>,
      %broadcast_in_dim3A_67 = arith.constant 0.000000e+00 : f32
      %broadcast_in_dim3A_68 = vector.broadcast %broadcast_in_dim3A_67 : f32 to vector<16xf32>
      %swap3A_69 = arith.index_cast %scan3A_47 : i32 to index
      %swap3A_70 = arith.constant 16 : index
      %swap3A_71 = tpu.vector_load %arg6[%swap3A_69, %swap3A_70] {strides = array<i32>} : memref<128x128xf32, #tpu.memory_space<vmem>>, vector<1x16xf32>,
      %swap3A_72 = vector.shape_cast %swap3A_71 : vector<1x16xf32> to vector<16xf32>
      %swap3A_73 = vector.shape_cast %broadcast_in_dim3A_68 : vector<16xf32> to vector<1x16xf32>
      tpu.vector_store %arg6[%swap3A_69, %swap3A_70], %swap3A_73 {strides = array<i32>} : memref<128x128xf32, #tpu.memory_space<vmem>>, vector<1x16xf32>,
      %broadcast_in_dim3A_74 = arith.constant 1.000000e+00 : f32
      %broadcast_in_dim3A_75 = vector.broadcast %broadcast_in_dim3A_74 : f32 to vector<16xf32>
      %swap3A_76 = arith.index_cast %scan3A_47 : i32 to index
      %swap3A_77 = arith.constant 32 : index
      %swap3A_78 = tpu.vector_load %arg5[%swap3A_76, %swap3A_77] {strides = array<i32>} : memref<128x128xf32, #tpu.memory_space<vmem>>, vector<1x16xf32>,
      %swap3A_79 = vector.shape_cast %swap3A_78 : vector<1x16xf32> to vector<16xf32>
      %swap3A_80 = vector.shape_cast %broadcast_in_dim3A_75 : vector<16xf32> to vector<1x16xf32>
      tpu.vector_store %arg5[%swap3A_76, %swap3A_77], %swap3A_80 {strides = array<i32>} : memref<128x128xf32, #tpu.memory_space<vmem>>, vector<1x16xf32>,
      %broadcast_in_dim3A_81 = arith.constant 0.000000e+00 : f32
      %broadcast_in_dim3A_82 = vector.broadcast %broadcast_in_dim3A_81 : f32 to vector<16xf32>
      %swap3A_83 = arith.index_cast %scan3A_47 : i32 to index
      %swap3A_84 = arith.constant 32 : index
      %swap3A_85 = tpu.vector_load %arg6[%swap3A_83, %swap3A_84] {strides = array<i32>} : memref<128x128xf32, #tpu.memory_space<vmem>>, vector<1x16xf32>,
      %swap3A_86 = vector.shape_cast %swap3A_85 : vector<1x16xf32> to vector<16xf32>
      %swap3A_87 = vector.shape_cast %broadcast_in_dim3A_82 : vector<16xf32> to vector<1x16xf32>
      tpu.vector_store %arg6[%swap3A_83, %swap3A_84], %swap3A_87 {strides = array<i32>} : memref<128x128xf32, #tpu.memory_space<vmem>>, vector<1x16xf32>,
      %broadcast_in_dim3A_88 = arith.constant 1.000000e+00 : f32
      %broadcast_in_dim3A_89 = vector.broadcast %broadcast_in_dim3A_88 : f32 to vector<16xf32>
      %swap3A_90 = arith.index_cast %scan3A_47 : i32 to index
      %swap3A_91 = arith.constant 48 : index
      %swap3A_92 = tpu.vector_load %arg5[%swap3A_90, %swap3A_91] {strides = array<i32>} : memref<128x128xf32, #tpu.memory_space<vmem>>, vector<1x16xf32>,
      %swap3A_93 = vector.shape_cast %swap3A_92 : vector<1x16xf32> to vector<16xf32>
      %swap3A_94 = vector.shape_cast %broadcast_in_dim3A_89 : vector<16xf32> to vector<1x16xf32>
      tpu.vector_store %arg5[%swap3A_90, %swap3A_91], %swap3A_94 {strides = array<i32>} : memref<128x128xf32, #tpu.memory_space<vmem>>, vector<1x16xf32>,
      %broadcast_in_dim3A_95 = arith.constant 0.000000e+00 : f32
      %broadcast_in_dim3A_96 = vector.broadcast %broadcast_in_dim3A_95 : f32 to vector<16xf32>
      %swap3A_97 = arith.index_cast %scan3A_47 : i32 to index
      %swap3A_98 = arith.constant 48 : index
      %swap3A_99 = tpu.vector_load %arg6[%swap3A_97, %swap3A_98] {strides = array<i32>} : memref<128x128xf32, #tpu.memory_space<vmem>>, vector<1x16xf32>,
      %swap3A_100 = vector.shape_cast %swap3A_99 : vector<1x16xf32> to vector<16xf32>
      %swap3A_101 = vector.shape_cast %broadcast_in_dim3A_96 : vector<16xf32> to vector<1x16xf32>
      tpu.vector_store %arg6[%swap3A_97, %swap3A_98], %swap3A_101 {strides = array<i32>} : memref<128x128xf32, #tpu.memory_space<vmem>>, vector<1x16xf32>,
      %broadcast_in_dim3A_102 = arith.constant 1.000000e+00 : f32
      %broadcast_in_dim3A_103 = vector.broadcast %broadcast_in_dim3A_102 : f32 to vector<16xf32>
      %swap3A_104 = arith.index_cast %scan3A_47 : i32 to index
      %swap3A_105 = arith.constant 64 : index
      %swap3A_106 = tpu.vector_load %arg5[%swap3A_104, %swap3A_105] {strides = array<i32>} : memref<128x128xf32, #tpu.memory_space<vmem>>, vector<1x16xf32>,
      %swap3A_107 = vector.shape_cast %swap3A_106 : vector<1x16xf32> to vector<16xf32>
      %swap3A_108 = vector.shape_cast %broadcast_in_dim3A_103 : vector<16xf32> to vector<1x16xf32>
      tpu.vector_store %arg5[%swap3A_104, %swap3A_105], %swap3A_108 {strides = array<i32>} : memref<128x128xf32, #tpu.memory_space<vmem>>, vector<1x16xf32>,
      %broadcast_in_dim3A_109 = arith.constant 0.000000e+00 : f32
      %broadcast_in_dim3A_110 = vector.broadcast %broadcast_in_dim3A_109 : f32 to vector<16xf32>
      %swap3A_111 = arith.index_cast %scan3A_47 : i32 to index
      %swap3A_112 = arith.constant 64 : index
      %swap3A_113 = tpu.vector_load %arg6[%swap3A_111, %swap3A_112] {strides = array<i32>} : memref<128x128xf32, #tpu.memory_space<vmem>>, vector<1x16xf32>,
      %swap3A_114 = vector.shape_cast %swap3A_113 : vector<1x16xf32> to vector<16xf32>
      %swap3A_115 = vector.shape_cast %broadcast_in_dim3A_110 : vector<16xf32> to vector<1x16xf32>
      tpu.vector_store %arg6[%swap3A_111, %swap3A_112], %swap3A_115 {strides = array<i32>} : memref<128x128xf32, #tpu.memory_space<vmem>>, vector<1x16xf32>,
      %broadcast_in_dim3A_116 = arith.constant 1.000000e+00 : f32
      %broadcast_in_dim3A_117 = vector.broadcast %broadcast_in_dim3A_116 : f32 to vector<16xf32>
      %swap3A_118 = arith.index_cast %scan3A_47 : i32 to index
      %swap3A_119 = arith.constant 80 : index
      %swap3A_120 = tpu.vector_load %arg5[%swap3A_118, %swap3A_119] {strides = array<i32>} : memref<128x128xf32, #tpu.memory_space<vmem>>, vector<1x16xf32>,
      %swap3A_121 = vector.shape_cast %swap3A_120 : vector<1x16xf32> to vector<16xf32>
      %swap3A_122 = vector.shape_cast %broadcast_in_dim3A_117 : vector<16xf32> to vector<1x16xf32>
      tpu.vector_store %arg5[%swap3A_118, %swap3A_119], %swap3A_122 {strides = array<i32>} : memref<128x128xf32, #tpu.memory_space<vmem>>, vector<1x16xf32>,
      %broadcast_in_dim3A_123 = arith.constant 0.000000e+00 : f32
      %broadcast_in_dim3A_124 = vector.broadcast %broadcast_in_dim3A_123 : f32 to vector<16xf32>
      %swap3A_125 = arith.index_cast %scan3A_47 : i32 to index
      %swap3A_126 = arith.constant 80 : index
      %swap3A_127 = tpu.vector_load %arg6[%swap3A_125, %swap3A_126] {strides = array<i32>} : memref<128x128xf32, #tpu.memory_space<vmem>>, vector<1x16xf32>,
      %swap3A_128 = vector.shape_cast %swap3A_127 : vector<1x16xf32> to vector<16xf32>
      %swap3A_129 = vector.shape_cast %broadcast_in_dim3A_124 : vector<16xf32> to vector<1x16xf32>
      tpu.vector_store %arg6[%swap3A_125, %swap3A_126], %swap3A_129 {strides = array<i32>} : memref<128x128xf32, #tpu.memory_space<vmem>>, vector<1x16xf32>,
      %broadcast_in_dim3A_130 = arith.constant 1.000000e+00 : f32
      %broadcast_in_dim3A_131 = vector.broadcast %broadcast_in_dim3A_130 : f32 to vector<16xf32>
      %swap3A_132 = arith.index_cast %scan3A_47 : i32 to index
      %swap3A_133 = arith.constant 96 : index
      %swap3A_134 = tpu.vector_load %arg5[%swap3A_132, %swap3A_133] {strides = array<i32>} : memref<128x128xf32, #tpu.memory_space<vmem>>, vector<1x16xf32>,
      %swap3A_135 = vector.shape_cast %swap3A_134 : vector<1x16xf32> to vector<16xf32>
      %swap3A_136 = vector.shape_cast %broadcast_in_dim3A_131 : vector<16xf32> to vector<1x16xf32>
      tpu.vector_store %arg5[%swap3A_132, %swap3A_133], %swap3A_136 {strides = array<i32>} : memref<128x128xf32, #tpu.memory_space<vmem>>, vector<1x16xf32>,
      %broadcast_in_dim3A_137 = arith.constant 0.000000e+00 : f32
      %broadcast_in_dim3A_138 = vector.broadcast %broadcast_in_dim3A_137 : f32 to vector<16xf32>
      %swap3A_139 = arith.index_cast %scan3A_47 : i32 to index
      %swap3A_140 = arith.constant 96 : index
      %swap3A_141 = tpu.vector_load %arg6[%swap3A_139, %swap3A_140] {strides = array<i32>} : memref<128x128xf32, #tpu.memory_space<vmem>>, vector<1x16xf32>,
      %swap3A_142 = vector.shape_cast %swap3A_141 : vector<1x16xf32> to vector<16xf32>
      %swap3A_143 = vector.shape_cast %broadcast_in_dim3A_138 : vector<16xf32> to vector<1x16xf32>
      tpu.vector_store %arg6[%swap3A_139, %swap3A_140], %swap3A_143 {strides = array<i32>} : memref<128x128xf32, #tpu.memory_space<vmem>>, vector<1x16xf32>,
      %broadcast_in_dim3A_144 = arith.constant 1.000000e+00 : f32
      %broadcast_in_dim3A_145 = vector.broadcast %broadcast_in_dim3A_144 : f32 to vector<16xf32>
      %swap3A_146 = arith.index_cast %scan3A_47 : i32 to index
      %swap3A_147 = arith.constant 112 : index
      %swap3A_148 = tpu.vector_load %arg5[%swap3A_146, %swap3A_147] {strides = array<i32>} : memref<128x128xf32, #tpu.memory_space<vmem>>, vector<1x16xf32>,
      %swap3A_149 = vector.shape_cast %swap3A_148 : vector<1x16xf32> to vector<16xf32>
      %swap3A_150 = vector.shape_cast %broadcast_in_dim3A_145 : vector<16xf32> to vector<1x16xf32>
      tpu.vector_store %arg5[%swap3A_146, %swap3A_147], %swap3A_150 {strides = array<i32>} : memref<128x128xf32, #tpu.memory_space<vmem>>, vector<1x16xf32>,
      %broadcast_in_dim3A_151 = arith.constant 0.000000e+00 : f32
      %broadcast_in_dim3A_152 = vector.broadcast %broadcast_in_dim3A_151 : f32 to vector<16xf32>
      %swap3A_153 = arith.index_cast %scan3A_47 : i32 to index
      %swap3A_154 = arith.constant 112 : index
      %swap3A_155 = tpu.vector_load %arg6[%swap3A_153, %swap3A_154] {strides = array<i32>} : memref<128x128xf32, #tpu.memory_space<vmem>>, vector<1x16xf32>,
      %swap3A_156 = vector.shape_cast %swap3A_155 : vector<1x16xf32> to vector<16xf32>
      %swap3A_157 = vector.shape_cast %broadcast_in_dim3A_152 : vector<16xf32> to vector<1x16xf32>
      tpu.vector_store %arg6[%swap3A_153, %swap3A_154], %swap3A_157 {strides = array<i32>} : memref<128x128xf32, #tpu.memory_space<vmem>>, vector<1x16xf32>,
    }
    %scan3A_5 = arith.constant 128 : i32
    %mul3A_6 = arith.constant 632 : i32
    %mul3A_7 = arith.muli %arg1, %mul3A_6 : i32
    %add3A_8 = arith.constant 0 : i32
    %add3A_9 = arith.addi %mul3A_7, %add3A_8 : i32
    "tpu.region"() ({
      %run_scoped3A = tpu.sem_alloc : memref<!tpu.dma_semaphore, #tpu.memory_space<semaphore_mem>>
      %dma_start3A = arith.constant 0 : i32
      %dma_start3A_47 = arith.constant 0 : i32
      %dma_start3A_48 = tpu.memref_slice %arg6[%dma_start3A, %dma_start3A_47] : memref<128x128xf32, #tpu.memory_space<vmem>> -> memref<128x128xf32, #tpu.memory_space<vmem>>
      %dma_start3A_49 = arith.constant 0 : i32
      %dma_start3A_50 = tpu.memref_slice %arg7[%add3A_9, %dma_start3A_49] : memref<10112x128xf32, #tpu.memory_space<vmem_shared>> -> memref<128x128xf32, #tpu.memory_space<vmem_shared>>
      %dma_start3A_51 = arith.constant 0 : i32
      %dma_start3A_52 = tpu.memref_slice %arg7[%add3A_9, %dma_start3A_51] : memref<10112x128xf32, #tpu.memory_space<vmem_shared>> -> memref<128x128xf32, #tpu.memory_space<vmem_shared>>
      %dma_start3A_53 = arith.constant 0 : i32
      %dma_start3A_54 = arith.constant 0 : i32
      %dma_start3A_55 = tpu.memref_slice %arg6[%dma_start3A_53, %dma_start3A_54] : memref<128x128xf32, #tpu.memory_space<vmem>> -> memref<128x128xf32, #tpu.memory_space<vmem>>
      tpu.enqueue_dma source(%dma_start3A_55 : memref<128x128xf32, #tpu.memory_space<vmem>>) target(%dma_start3A_52 : memref<128x128xf32, #tpu.memory_space<vmem_shared>>) target_semaphore(%run_scoped3A : memref<!tpu.dma_semaphore, #tpu.memory_space<semaphore_mem>>)
      %dma_wait3A = arith.constant 0 : i32
      %dma_wait3A_56 = arith.constant 0 : i32
      %dma_wait3A_57 = tpu.memref_slice %arg6[%dma_wait3A, %dma_wait3A_56] : memref<128x128xf32, #tpu.memory_space<vmem>> -> memref<128x128xf32, #tpu.memory_space<vmem>>
      %dma_wait3A_58 = arith.constant 0 : i32
      %dma_wait3A_59 = tpu.memref_slice %arg7[%add3A_9, %dma_wait3A_58] : memref<10112x128xf32, #tpu.memory_space<vmem_shared>> -> memref<128x128xf32, #tpu.memory_space<vmem_shared>>
      %dma_wait3A_60 = arith.constant 0 : i32
      %dma_wait3A_61 = tpu.memref_slice %arg7[%add3A_9, %dma_wait3A_60] : memref<10112x128xf32, #tpu.memory_space<vmem_shared>> -> memref<128x128xf32, #tpu.memory_space<vmem_shared>>
      %dma_wait3A_62 = arith.constant 0 : i32
      %dma_wait3A_63 = arith.constant 0 : i32
      %dma_wait3A_64 = tpu.memref_slice %arg6[%dma_wait3A_62, %dma_wait3A_63] : memref<128x128xf32, #tpu.memory_space<vmem>> -> memref<128x128xf32, #tpu.memory_space<vmem>>
      tpu.wait_dma2 semaphore(%run_scoped3A : memref<!tpu.dma_semaphore, #tpu.memory_space<semaphore_mem>>) src(%dma_wait3A_64 : memref<128x128xf32, #tpu.memory_space<vmem>>) dst(%dma_wait3A_61 : memref<128x128xf32, #tpu.memory_space<vmem_shared>>)
      tpu.yield
    }) : () -> ()
    %add3A_10 = arith.constant 128 : i32
    %add3A_11 = arith.addi %mul3A_7, %add3A_10 : i32
    "tpu.region"() ({
      %run_scoped3A = tpu.sem_alloc : memref<!tpu.dma_semaphore, #tpu.memory_space<semaphore_mem>>
      %dma_start3A = arith.constant 0 : i32
      %dma_start3A_47 = arith.constant 0 : i32
      %dma_start3A_48 = tpu.memref_slice %arg6[%dma_start3A, %dma_start3A_47] : memref<128x128xf32, #tpu.memory_space<vmem>> -> memref<128x128xf32, #tpu.memory_space<vmem>>
      %dma_start3A_49 = arith.constant 0 : i32
      %dma_start3A_50 = tpu.memref_slice %arg7[%add3A_11, %dma_start3A_49] : memref<10112x128xf32, #tpu.memory_space<vmem_shared>> -> memref<128x128xf32, #tpu.memory_space<vmem_shared>>
      %dma_start3A_51 = arith.constant 0 : i32
      %dma_start3A_52 = tpu.memref_slice %arg7[%add3A_11, %dma_start3A_51] : memref<10112x128xf32, #tpu.memory_space<vmem_shared>> -> memref<128x128xf32, #tpu.memory_space<vmem_shared>>
      %dma_start3A_53 = arith.constant 0 : i32
      %dma_start3A_54 = arith.constant 0 : i32
      %dma_start3A_55 = tpu.memref_slice %arg6[%dma_start3A_53, %dma_start3A_54] : memref<128x128xf32, #tpu.memory_space<vmem>> -> memref<128x128xf32, #tpu.memory_space<vmem>>
      tpu.enqueue_dma source(%dma_start3A_55 : memref<128x128xf32, #tpu.memory_space<vmem>>) target(%dma_start3A_52 : memref<128x128xf32, #tpu.memory_space<vmem_shared>>) target_semaphore(%run_scoped3A : memref<!tpu.dma_semaphore, #tpu.memory_space<semaphore_mem>>)
      %dma_wait3A = arith.constant 0 : i32
      %dma_wait3A_56 = arith.constant 0 : i32
      %dma_wait3A_57 = tpu.memref_slice %arg6[%dma_wait3A, %dma_wait3A_56] : memref<128x128xf32, #tpu.memory_space<vmem>> -> memref<128x128xf32, #tpu.memory_space<vmem>>
      %dma_wait3A_58 = arith.constant 0 : i32
      %dma_wait3A_59 = tpu.memref_slice %arg7[%add3A_11, %dma_wait3A_58] : memref<10112x128xf32, #tpu.memory_space<vmem_shared>> -> memref<128x128xf32, #tpu.memory_space<vmem_shared>>
      %dma_wait3A_60 = arith.constant 0 : i32
      %dma_wait3A_61 = tpu.memref_slice %arg7[%add3A_11, %dma_wait3A_60] : memref<10112x128xf32, #tpu.memory_space<vmem_shared>> -> memref<128x128xf32, #tpu.memory_space<vmem_shared>>
      %dma_wait3A_62 = arith.constant 0 : i32
      %dma_wait3A_63 = arith.constant 0 : i32
      %dma_wait3A_64 = tpu.memref_slice %arg6[%dma_wait3A_62, %dma_wait3A_63] : memref<128x128xf32, #tpu.memory_space<vmem>> -> memref<128x128xf32, #tpu.memory_space<vmem>>
      tpu.wait_dma2 semaphore(%run_scoped3A : memref<!tpu.dma_semaphore, #tpu.memory_space<semaphore_mem>>) src(%dma_wait3A_64 : memref<128x128xf32, #tpu.memory_space<vmem>>) dst(%dma_wait3A_61 : memref<128x128xf32, #tpu.memory_space<vmem_shared>>)
      tpu.yield
    }) : () -> ()
    %add3A_12 = arith.constant 256 : i32
    %add3A_13 = arith.addi %mul3A_7, %add3A_12 : i32
    "tpu.region"() ({
      %run_scoped3A = tpu.sem_alloc : memref<!tpu.dma_semaphore, #tpu.memory_space<semaphore_mem>>
      %dma_start3A = arith.constant 0 : i32
      %dma_start3A_47 = arith.constant 0 : i32
      %dma_start3A_48 = tpu.memref_slice %arg6[%dma_start3A, %dma_start3A_47] : memref<128x128xf32, #tpu.memory_space<vmem>> -> memref<128x128xf32, #tpu.memory_space<vmem>>
      %dma_start3A_49 = arith.constant 0 : i32
      %dma_start3A_50 = tpu.memref_slice %arg7[%add3A_13, %dma_start3A_49] : memref<10112x128xf32, #tpu.memory_space<vmem_shared>> -> memref<128x128xf32, #tpu.memory_space<vmem_shared>>
      %dma_start3A_51 = arith.constant 0 : i32
      %dma_start3A_52 = tpu.memref_slice %arg7[%add3A_13, %dma_start3A_51] : memref<10112x128xf32, #tpu.memory_space<vmem_shared>> -> memref<128x128xf32, #tpu.memory_space<vmem_shared>>
      %dma_start3A_53 = arith.constant 0 : i32
      %dma_start3A_54 = arith.constant 0 : i32
      %dma_start3A_55 = tpu.memref_slice %arg6[%dma_start3A_53, %dma_start3A_54] : memref<128x128xf32, #tpu.memory_space<vmem>> -> memref<128x128xf32, #tpu.memory_space<vmem>>
      tpu.enqueue_dma source(%dma_start3A_55 : memref<128x128xf32, #tpu.memory_space<vmem>>) target(%dma_start3A_52 : memref<128x128xf32, #tpu.memory_space<vmem_shared>>) target_semaphore(%run_scoped3A : memref<!tpu.dma_semaphore, #tpu.memory_space<semaphore_mem>>)
      %dma_wait3A = arith.constant 0 : i32
      %dma_wait3A_56 = arith.constant 0 : i32
      %dma_wait3A_57 = tpu.memref_slice %arg6[%dma_wait3A, %dma_wait3A_56] : memref<128x128xf32, #tpu.memory_space<vmem>> -> memref<128x128xf32, #tpu.memory_space<vmem>>
      %dma_wait3A_58 = arith.constant 0 : i32
      %dma_wait3A_59 = tpu.memref_slice %arg7[%add3A_13, %dma_wait3A_58] : memref<10112x128xf32, #tpu.memory_space<vmem_shared>> -> memref<128x128xf32, #tpu.memory_space<vmem_shared>>
      %dma_wait3A_60 = arith.constant 0 : i32
      %dma_wait3A_61 = tpu.memref_slice %arg7[%add3A_13, %dma_wait3A_60] : memref<10112x128xf32, #tpu.memory_space<vmem_shared>> -> memref<128x128xf32, #tpu.memory_space<vmem_shared>>
      %dma_wait3A_62 = arith.constant 0 : i32
      %dma_wait3A_63 = arith.constant 0 : i32
      %dma_wait3A_64 = tpu.memref_slice %arg6[%dma_wait3A_62, %dma_wait3A_63] : memref<128x128xf32, #tpu.memory_space<vmem>> -> memref<128x128xf32, #tpu.memory_space<vmem>>
      tpu.wait_dma2 semaphore(%run_scoped3A : memref<!tpu.dma_semaphore, #tpu.memory_space<semaphore_mem>>) src(%dma_wait3A_64 : memref<128x128xf32, #tpu.memory_space<vmem>>) dst(%dma_wait3A_61 : memref<128x128xf32, #tpu.memory_space<vmem_shared>>)
      tpu.yield
    }) : () -> ()
    %add3A_14 = arith.constant 384 : i32
    %add3A_15 = arith.addi %mul3A_7, %add3A_14 : i32
    "tpu.region"() ({
      %run_scoped3A = tpu.sem_alloc : memref<!tpu.dma_semaphore, #tpu.memory_space<semaphore_mem>>
      %dma_start3A = arith.constant 0 : i32
      %dma_start3A_47 = arith.constant 0 : i32
      %dma_start3A_48 = tpu.memref_slice %arg6[%dma_start3A, %dma_start3A_47] : memref<128x128xf32, #tpu.memory_space<vmem>> -> memref<128x128xf32, #tpu.memory_space<vmem>>
      %dma_start3A_49 = arith.constant 0 : i32
      %dma_start3A_50 = tpu.memref_slice %arg7[%add3A_15, %dma_start3A_49] : memref<10112x128xf32, #tpu.memory_space<vmem_shared>> -> memref<128x128xf32, #tpu.memory_space<vmem_shared>>
      %dma_start3A_51 = arith.constant 0 : i32
      %dma_start3A_52 = tpu.memref_slice %arg7[%add3A_15, %dma_start3A_51] : memref<10112x128xf32, #tpu.memory_space<vmem_shared>> -> memref<128x128xf32, #tpu.memory_space<vmem_shared>>
      %dma_start3A_53 = arith.constant 0 : i32
      %dma_start3A_54 = arith.constant 0 : i32
      %dma_start3A_55 = tpu.memref_slice %arg6[%dma_start3A_53, %dma_start3A_54] : memref<128x128xf32, #tpu.memory_space<vmem>> -> memref<128x128xf32, #tpu.memory_space<vmem>>
      tpu.enqueue_dma source(%dma_start3A_55 : memref<128x128xf32, #tpu.memory_space<vmem>>) target(%dma_start3A_52 : memref<128x128xf32, #tpu.memory_space<vmem_shared>>) target_semaphore(%run_scoped3A : memref<!tpu.dma_semaphore, #tpu.memory_space<semaphore_mem>>)
      %dma_wait3A = arith.constant 0 : i32
      %dma_wait3A_56 = arith.constant 0 : i32
      %dma_wait3A_57 = tpu.memref_slice %arg6[%dma_wait3A, %dma_wait3A_56] : memref<128x128xf32, #tpu.memory_space<vmem>> -> memref<128x128xf32, #tpu.memory_space<vmem>>
      %dma_wait3A_58 = arith.constant 0 : i32
      %dma_wait3A_59 = tpu.memref_slice %arg7[%add3A_15, %dma_wait3A_58] : memref<10112x128xf32, #tpu.memory_space<vmem_shared>> -> memref<128x128xf32, #tpu.memory_space<vmem_shared>>
      %dma_wait3A_60 = arith.constant 0 : i32
      %dma_wait3A_61 = tpu.memref_slice %arg7[%add3A_15, %dma_wait3A_60] : memref<10112x128xf32, #tpu.memory_space<vmem_shared>> -> memref<128x128xf32, #tpu.memory_space<vmem_shared>>
      %dma_wait3A_62 = arith.constant 0 : i32
      %dma_wait3A_63 = arith.constant 0 : i32
      %dma_wait3A_64 = tpu.memref_slice %arg6[%dma_wait3A_62, %dma_wait3A_63] : memref<128x128xf32, #tpu.memory_space<vmem>> -> memref<128x128xf32, #tpu.memory_space<vmem>>
      tpu.wait_dma2 semaphore(%run_scoped3A : memref<!tpu.dma_semaphore, #tpu.memory_space<semaphore_mem>>) src(%dma_wait3A_64 : memref<128x128xf32, #tpu.memory_space<vmem>>) dst(%dma_wait3A_61 : memref<128x128xf32, #tpu.memory_space<vmem_shared>>)
      tpu.yield
    }) : () -> ()
    %add3A_16 = arith.constant 512 : i32
    %add3A_17 = arith.addi %mul3A_7, %add3A_16 : i32
    "tpu.region"() ({
      %run_scoped3A = tpu.sem_alloc : memref<!tpu.dma_semaphore, #tpu.memory_space<semaphore_mem>>
      %dma_start3A = arith.constant 0 : i32
      %dma_start3A_47 = arith.constant 0 : i32
      %dma_start3A_48 = tpu.memref_slice %arg6[%dma_start3A, %dma_start3A_47] : memref<128x128xf32, #tpu.memory_space<vmem>> -> memref<120x128xf32, #tpu.memory_space<vmem>>
      %dma_start3A_49 = arith.constant 0 : i32
      %dma_start3A_50 = tpu.memref_slice %arg7[%add3A_17, %dma_start3A_49] : memref<10112x128xf32, #tpu.memory_space<vmem_shared>> -> memref<120x128xf32, #tpu.memory_space<vmem_shared>>
      %dma_start3A_51 = arith.constant 0 : i32
      %dma_start3A_52 = tpu.memref_slice %arg7[%add3A_17, %dma_start3A_51] : memref<10112x128xf32, #tpu.memory_space<vmem_shared>> -> memref<120x128xf32, #tpu.memory_space<vmem_shared>>
      %dma_start3A_53 = arith.constant 0 : i32
      %dma_start3A_54 = arith.constant 0 : i32
      %dma_start3A_55 = tpu.memref_slice %arg6[%dma_start3A_53, %dma_start3A_54] : memref<128x128xf32, #tpu.memory_space<vmem>> -> memref<120x128xf32, #tpu.memory_space<vmem>>
      tpu.enqueue_dma source(%dma_start3A_55 : memref<120x128xf32, #tpu.memory_space<vmem>>) target(%dma_start3A_52 : memref<120x128xf32, #tpu.memory_space<vmem_shared>>) target_semaphore(%run_scoped3A : memref<!tpu.dma_semaphore, #tpu.memory_space<semaphore_mem>>)
      %dma_wait3A = arith.constant 0 : i32
      %dma_wait3A_56 = arith.constant 0 : i32
      %dma_wait3A_57 = tpu.memref_slice %arg6[%dma_wait3A, %dma_wait3A_56] : memref<128x128xf32, #tpu.memory_space<vmem>> -> memref<120x128xf32, #tpu.memory_space<vmem>>
      %dma_wait3A_58 = arith.constant 0 : i32
      %dma_wait3A_59 = tpu.memref_slice %arg7[%add3A_17, %dma_wait3A_58] : memref<10112x128xf32, #tpu.memory_space<vmem_shared>> -> memref<120x128xf32, #tpu.memory_space<vmem_shared>>
      %dma_wait3A_60 = arith.constant 0 : i32
      %dma_wait3A_61 = tpu.memref_slice %arg7[%add3A_17, %dma_wait3A_60] : memref<10112x128xf32, #tpu.memory_space<vmem_shared>> -> memref<120x128xf32, #tpu.memory_space<vmem_shared>>
      %dma_wait3A_62 = arith.constant 0 : i32
      %dma_wait3A_63 = arith.constant 0 : i32
      %dma_wait3A_64 = tpu.memref_slice %arg6[%dma_wait3A_62, %dma_wait3A_63] : memref<128x128xf32, #tpu.memory_space<vmem>> -> memref<120x128xf32, #tpu.memory_space<vmem>>
      tpu.wait_dma2 semaphore(%run_scoped3A : memref<!tpu.dma_semaphore, #tpu.memory_space<semaphore_mem>>) src(%dma_wait3A_64 : memref<120x128xf32, #tpu.memory_space<vmem>>) dst(%dma_wait3A_61 : memref<120x128xf32, #tpu.memory_space<vmem_shared>>)
      tpu.yield
    }) : () -> ()
    %barrier3A = arith.constant 0 : index
    tpu.barrier barrier_id(%barrier3A)
    %scan3A_18 = arith.constant 0 : i32
    %scan3A_19 = arith.constant 0 : i32
    %scan3A_20 = arith.constant 79 : i32
    %scan3A_21 = arith.addi %scan3A_19, %scan3A_20 : i32
    %scan3A_22 = arith.constant 1 : i32
    scf.for %scan3A_47 = %scan3A_19 to %scan3A_21 step %scan3A_22  : i32 {
      "tpu.region"() ({
        %run_scoped3A = tpu.sem_alloc : memref<!tpu.dma_semaphore, #tpu.memory_space<semaphore_mem>>
        %dma_start3A = arith.constant 0 : i32
        %dma_start3A_48 = tpu.memref_slice %arg4[%scan3A_47, %dma_start3A] : memref<79x128xi32, #tpu.memory_space<vmem>> -> memref<1x128xi32, #tpu.memory_space<vmem>>
        %dma_start3A_49 = tpu.memref_squeeze %dma_start3A_48 : memref<1x128xi32, #tpu.memory_space<vmem>> -> memref<128xi32, #tpu.memory_space<vmem>>
        %dma_start3A_50 = arith.constant 0 : i32
        %dma_start3A_51 = arith.constant 0 : i32
        %dma_start3A_52 = tpu.memref_slice %arg7[%dma_start3A_50, %dma_start3A_51] : memref<10112x128xf32, #tpu.memory_space<vmem_shared>> -> memref<10112x128xf32, #tpu.memory_space<vmem_shared>>
        tpu.enqueue_indirect_dma source(%arg5 : memref<128x128xf32, #tpu.memory_space<vmem>>) target(%dma_start3A_52 : memref<10112x128xf32, #tpu.memory_space<vmem_shared>>) offsets(%dma_start3A_49 : memref<128xi32, #tpu.memory_space<vmem>>) semaphore(%run_scoped3A : memref<!tpu.dma_semaphore, #tpu.memory_space<semaphore_mem>>) {add = true}
        %dma_wait3A = arith.constant 0 : i32
        %dma_wait3A_53 = tpu.memref_slice %arg4[%scan3A_47, %dma_wait3A] : memref<79x128xi32, #tpu.memory_space<vmem>> -> memref<1x128xi32, #tpu.memory_space<vmem>>
        %dma_wait3A_54 = tpu.memref_squeeze %dma_wait3A_53 : memref<1x128xi32, #tpu.memory_space<vmem>> -> memref<128xi32, #tpu.memory_space<vmem>>
        %dma_wait3A_55 = arith.constant 0 : i32
        %dma_wait3A_56 = arith.constant 0 : i32
        %dma_wait3A_57 = tpu.memref_slice %arg7[%dma_wait3A_55, %dma_wait3A_56] : memref<10112x128xf32, #tpu.memory_space<vmem_shared>> -> memref<10112x128xf32, #tpu.memory_space<vmem_shared>>
        tpu.wait_indirect_dma semaphore(%run_scoped3A : memref<!tpu.dma_semaphore, #tpu.memory_space<semaphore_mem>>) src(%arg5 : memref<128x128xf32, #tpu.memory_space<vmem>>) dst(%dma_wait3A_57 : memref<10112x128xf32, #tpu.memory_space<vmem_shared>>)
        tpu.yield
      }) : () -> ()
    }
    %scan3A_23 = arith.constant 79 : i32
    %barrier3A_24 = arith.constant 0 : index
    tpu.barrier barrier_id(%barrier3A_24)
    %mul3A_25 = arith.constant 632 : i32
    %mul3A_26 = arith.muli %arg1, %mul3A_25 : i32
    %add3A_27 = arith.constant 0 : i32
    %add3A_28 = arith.addi %mul3A_26, %add3A_27 : i32
    "tpu.region"() ({
      %run_scoped3A = tpu.sem_alloc : memref<!tpu.dma_semaphore, #tpu.memory_space<semaphore_mem>>
      %dma_start3A = arith.constant 0 : i32
      %dma_start3A_47 = arith.constant 0 : i32
      %dma_start3A_48 = tpu.memref_slice %arg6[%dma_start3A, %dma_start3A_47] : memref<128x128xf32, #tpu.memory_space<vmem>> -> memref<128x128xf32, #tpu.memory_space<vmem>>
      %dma_start3A_49 = arith.constant 0 : i32
      %dma_start3A_50 = tpu.memref_slice %arg7[%add3A_28, %dma_start3A_49] : memref<10112x128xf32, #tpu.memory_space<vmem_shared>> -> memref<128x128xf32, #tpu.memory_space<vmem_shared>>
      %dma_start3A_51 = arith.constant 0 : i32
      %dma_start3A_52 = arith.constant 0 : i32
      %dma_start3A_53 = tpu.memref_slice %arg6[%dma_start3A_51, %dma_start3A_52] : memref<128x128xf32, #tpu.memory_space<vmem>> -> memref<128x128xf32, #tpu.memory_space<vmem>>
      %dma_start3A_54 = arith.constant 0 : i32
      %dma_start3A_55 = tpu.memref_slice %arg7[%add3A_28, %dma_start3A_54] : memref<10112x128xf32, #tpu.memory_space<vmem_shared>> -> memref<128x128xf32, #tpu.memory_space<vmem_shared>>
      tpu.enqueue_dma source(%dma_start3A_55 : memref<128x128xf32, #tpu.memory_space<vmem_shared>>) target(%dma_start3A_53 : memref<128x128xf32, #tpu.memory_space<vmem>>) target_semaphore(%run_scoped3A : memref<!tpu.dma_semaphore, #tpu.memory_space<semaphore_mem>>)
      %dma_wait3A = arith.constant 0 : i32
      %dma_wait3A_56 = arith.constant 0 : i32
      %dma_wait3A_57 = tpu.memref_slice %arg6[%dma_wait3A, %dma_wait3A_56] : memref<128x128xf32, #tpu.memory_space<vmem>> -> memref<128x128xf32, #tpu.memory_space<vmem>>
      %dma_wait3A_58 = arith.constant 0 : i32
      %dma_wait3A_59 = tpu.memref_slice %arg7[%add3A_28, %dma_wait3A_58] : memref<10112x128xf32, #tpu.memory_space<vmem_shared>> -> memref<128x128xf32, #tpu.memory_space<vmem_shared>>
      %dma_wait3A_60 = arith.constant 0 : i32
      %dma_wait3A_61 = arith.constant 0 : i32
      %dma_wait3A_62 = tpu.memref_slice %arg6[%dma_wait3A_60, %dma_wait3A_61] : memref<128x128xf32, #tpu.memory_space<vmem>> -> memref<128x128xf32, #tpu.memory_space<vmem>>
      %dma_wait3A_63 = arith.constant 0 : i32
      %dma_wait3A_64 = tpu.memref_slice %arg7[%add3A_28, %dma_wait3A_63] : memref<10112x128xf32, #tpu.memory_space<vmem_shared>> -> memref<128x128xf32, #tpu.memory_space<vmem_shared>>
      tpu.wait_dma2 semaphore(%run_scoped3A : memref<!tpu.dma_semaphore, #tpu.memory_space<semaphore_mem>>) src(%dma_wait3A_64 : memref<128x128xf32, #tpu.memory_space<vmem_shared>>) dst(%dma_wait3A_62 : memref<128x128xf32, #tpu.memory_space<vmem>>)
      tpu.yield
    }) : () -> ()
    %add3A_29 = arith.constant 0 : i32
    %add3A_30 = arith.addi %mul3A_26, %add3A_29 : i32
    "tpu.region"() ({
      %run_scoped3A = tpu.sem_alloc : memref<!tpu.dma_semaphore, #tpu.memory_space<semaphore_mem>>
      %dma_start3A = arith.constant 0 : i32
      %dma_start3A_47 = arith.constant 0 : i32
      %dma_start3A_48 = tpu.memref_slice %arg6[%dma_start3A, %dma_start3A_47] : memref<128x128xf32, #tpu.memory_space<vmem>> -> memref<128x128xf32, #tpu.memory_space<vmem>>
      %dma_start3A_49 = arith.constant 0 : i32
      %dma_start3A_50 = arith.constant 0 : i32
      %dma_start3A_51 = tpu.memref_slice %arg3[%arg0, %dma_start3A_49, %dma_start3A_50] : memref<2x10112x128xf32, #tpu.memory_space<hbm>> -> memref<1x10112x128xf32, #tpu.memory_space<hbm>>
      %dma_start3A_52 = tpu.memref_squeeze %dma_start3A_51 : memref<1x10112x128xf32, #tpu.memory_space<hbm>> -> memref<10112x128xf32, #tpu.memory_space<hbm>>
      %dma_start3A_53 = arith.constant 0 : i32
      %dma_start3A_54 = tpu.memref_slice %dma_start3A_52[%add3A_30, %dma_start3A_53] : memref<10112x128xf32, #tpu.memory_space<hbm>> -> memref<128x128xf32, #tpu.memory_space<hbm>>
      %dma_start3A_55 = arith.constant 0 : i32
      %dma_start3A_56 = arith.constant 0 : i32
      %dma_start3A_57 = tpu.memref_slice %arg3[%arg0, %dma_start3A_55, %dma_start3A_56] : memref<2x10112x128xf32, #tpu.memory_space<hbm>> -> memref<1x10112x128xf32, #tpu.memory_space<hbm>>
      %dma_start3A_58 = tpu.memref_squeeze %dma_start3A_57 : memref<1x10112x128xf32, #tpu.memory_space<hbm>> -> memref<10112x128xf32, #tpu.memory_space<hbm>>
      %dma_start3A_59 = arith.constant 0 : i32
      %dma_start3A_60 = tpu.memref_slice %dma_start3A_58[%add3A_30, %dma_start3A_59] : memref<10112x128xf32, #tpu.memory_space<hbm>> -> memref<128x128xf32, #tpu.memory_space<hbm>>
      %dma_start3A_61 = arith.constant 0 : i32
      %dma_start3A_62 = arith.constant 0 : i32
      %dma_start3A_63 = tpu.memref_slice %arg6[%dma_start3A_61, %dma_start3A_62] : memref<128x128xf32, #tpu.memory_space<vmem>> -> memref<128x128xf32, #tpu.memory_space<vmem>>
      tpu.enqueue_dma source(%dma_start3A_63 : memref<128x128xf32, #tpu.memory_space<vmem>>) target(%dma_start3A_60 : memref<128x128xf32, #tpu.memory_space<hbm>>) target_semaphore(%run_scoped3A : memref<!tpu.dma_semaphore, #tpu.memory_space<semaphore_mem>>)
      %dma_wait3A = arith.constant 0 : i32
      %dma_wait3A_64 = arith.constant 0 : i32
      %dma_wait3A_65 = tpu.memref_slice %arg6[%dma_wait3A, %dma_wait3A_64] : memref<128x128xf32, #tpu.memory_space<vmem>> -> memref<128x128xf32, #tpu.memory_space<vmem>>
      %dma_wait3A_66 = arith.constant 0 : i32
      %dma_wait3A_67 = arith.constant 0 : i32
      %dma_wait3A_68 = tpu.memref_slice %arg3[%arg0, %dma_wait3A_66, %dma_wait3A_67] : memref<2x10112x128xf32, #tpu.memory_space<hbm>> -> memref<1x10112x128xf32, #tpu.memory_space<hbm>>
      %dma_wait3A_69 = tpu.memref_squeeze %dma_wait3A_68 : memref<1x10112x128xf32, #tpu.memory_space<hbm>> -> memref<10112x128xf32, #tpu.memory_space<hbm>>
      %dma_wait3A_70 = arith.constant 0 : i32
      %dma_wait3A_71 = tpu.memref_slice %dma_wait3A_69[%add3A_30, %dma_wait3A_70] : memref<10112x128xf32, #tpu.memory_space<hbm>> -> memref<128x128xf32, #tpu.memory_space<hbm>>
      %dma_wait3A_72 = arith.constant 0 : i32
      %dma_wait3A_73 = arith.constant 0 : i32
      %dma_wait3A_74 = tpu.memref_slice %arg3[%arg0, %dma_wait3A_72, %dma_wait3A_73] : memref<2x10112x128xf32, #tpu.memory_space<hbm>> -> memref<1x10112x128xf32, #tpu.memory_space<hbm>>
      %dma_wait3A_75 = tpu.memref_squeeze %dma_wait3A_74 : memref<1x10112x128xf32, #tpu.memory_space<hbm>> -> memref<10112x128xf32, #tpu.memory_space<hbm>>
      %dma_wait3A_76 = arith.constant 0 : i32
      %dma_wait3A_77 = tpu.memref_slice %dma_wait3A_75[%add3A_30, %dma_wait3A_76] : memref<10112x128xf32, #tpu.memory_space<hbm>> -> memref<128x128xf32, #tpu.memory_space<hbm>>
      %dma_wait3A_78 = arith.constant 0 : i32
      %dma_wait3A_79 = arith.constant 0 : i32
      %dma_wait3A_80 = tpu.memref_slice %arg6[%dma_wait3A_78, %dma_wait3A_79] : memref<128x128xf32, #tpu.memory_space<vmem>> -> memref<128x128xf32, #tpu.memory_space<vmem>>
      tpu.wait_dma2 semaphore(%run_scoped3A : memref<!tpu.dma_semaphore, #tpu.memory_space<semaphore_mem>>) src(%dma_wait3A_80 : memref<128x128xf32, #tpu.memory_space<vmem>>) dst(%dma_wait3A_77 : memref<128x128xf32, #tpu.memory_space<hbm>>)
      tpu.yield
    }) : () -> ()
    %add3A_31 = arith.constant 128 : i32
    %add3A_32 = arith.addi %mul3A_26, %add3A_31 : i32
    "tpu.region"() ({
      %run_scoped3A = tpu.sem_alloc : memref<!tpu.dma_semaphore, #tpu.memory_space<semaphore_mem>>
      %dma_start3A = arith.constant 0 : i32
      %dma_start3A_47 = arith.constant 0 : i32
      %dma_start3A_48 = tpu.memref_slice %arg6[%dma_start3A, %dma_start3A_47] : memref<128x128xf32, #tpu.memory_space<vmem>> -> memref<128x128xf32, #tpu.memory_space<vmem>>
      %dma_start3A_49 = arith.constant 0 : i32
      %dma_start3A_50 = tpu.memref_slice %arg7[%add3A_32, %dma_start3A_49] : memref<10112x128xf32, #tpu.memory_space<vmem_shared>> -> memref<128x128xf32, #tpu.memory_space<vmem_shared>>
      %dma_start3A_51 = arith.constant 0 : i32
      %dma_start3A_52 = arith.constant 0 : i32
      %dma_start3A_53 = tpu.memref_slice %arg6[%dma_start3A_51, %dma_start3A_52] : memref<128x128xf32, #tpu.memory_space<vmem>> -> memref<128x128xf32, #tpu.memory_space<vmem>>
      %dma_start3A_54 = arith.constant 0 : i32
      %dma_start3A_55 = tpu.memref_slice %arg7[%add3A_32, %dma_start3A_54] : memref<10112x128xf32, #tpu.memory_space<vmem_shared>> -> memref<128x128xf32, #tpu.memory_space<vmem_shared>>
      tpu.enqueue_dma source(%dma_start3A_55 : memref<128x128xf32, #tpu.memory_space<vmem_shared>>) target(%dma_start3A_53 : memref<128x128xf32, #tpu.memory_space<vmem>>) target_semaphore(%run_scoped3A : memref<!tpu.dma_semaphore, #tpu.memory_space<semaphore_mem>>)
      %dma_wait3A = arith.constant 0 : i32
      %dma_wait3A_56 = arith.constant 0 : i32
      %dma_wait3A_57 = tpu.memref_slice %arg6[%dma_wait3A, %dma_wait3A_56] : memref<128x128xf32, #tpu.memory_space<vmem>> -> memref<128x128xf32, #tpu.memory_space<vmem>>
      %dma_wait3A_58 = arith.constant 0 : i32
      %dma_wait3A_59 = tpu.memref_slice %arg7[%add3A_32, %dma_wait3A_58] : memref<10112x128xf32, #tpu.memory_space<vmem_shared>> -> memref<128x128xf32, #tpu.memory_space<vmem_shared>>
      %dma_wait3A_60 = arith.constant 0 : i32
      %dma_wait3A_61 = arith.constant 0 : i32
      %dma_wait3A_62 = tpu.memref_slice %arg6[%dma_wait3A_60, %dma_wait3A_61] : memref<128x128xf32, #tpu.memory_space<vmem>> -> memref<128x128xf32, #tpu.memory_space<vmem>>
      %dma_wait3A_63 = arith.constant 0 : i32
      %dma_wait3A_64 = tpu.memref_slice %arg7[%add3A_32, %dma_wait3A_63] : memref<10112x128xf32, #tpu.memory_space<vmem_shared>> -> memref<128x128xf32, #tpu.memory_space<vmem_shared>>
      tpu.wait_dma2 semaphore(%run_scoped3A : memref<!tpu.dma_semaphore, #tpu.memory_space<semaphore_mem>>) src(%dma_wait3A_64 : memref<128x128xf32, #tpu.memory_space<vmem_shared>>) dst(%dma_wait3A_62 : memref<128x128xf32, #tpu.memory_space<vmem>>)
      tpu.yield
    }) : () -> ()
    %add3A_33 = arith.constant 128 : i32
    %add3A_34 = arith.addi %mul3A_26, %add3A_33 : i32
    "tpu.region"() ({
      %run_scoped3A = tpu.sem_alloc : memref<!tpu.dma_semaphore, #tpu.memory_space<semaphore_mem>>
      %dma_start3A = arith.constant 0 : i32
      %dma_start3A_47 = arith.constant 0 : i32
      %dma_start3A_48 = tpu.memref_slice %arg6[%dma_start3A, %dma_start3A_47] : memref<128x128xf32, #tpu.memory_space<vmem>> -> memref<128x128xf32, #tpu.memory_space<vmem>>
      %dma_start3A_49 = arith.constant 0 : i32
      %dma_start3A_50 = arith.constant 0 : i32
      %dma_start3A_51 = tpu.memref_slice %arg3[%arg0, %dma_start3A_49, %dma_start3A_50] : memref<2x10112x128xf32, #tpu.memory_space<hbm>> -> memref<1x10112x128xf32, #tpu.memory_space<hbm>>
      %dma_start3A_52 = tpu.memref_squeeze %dma_start3A_51 : memref<1x10112x128xf32, #tpu.memory_space<hbm>> -> memref<10112x128xf32, #tpu.memory_space<hbm>>
      %dma_start3A_53 = arith.constant 0 : i32
      %dma_start3A_54 = tpu.memref_slice %dma_start3A_52[%add3A_34, %dma_start3A_53] : memref<10112x128xf32, #tpu.memory_space<hbm>> -> memref<128x128xf32, #tpu.memory_space<hbm>>
      %dma_start3A_55 = arith.constant 0 : i32
      %dma_start3A_56 = arith.constant 0 : i32
      %dma_start3A_57 = tpu.memref_slice %arg3[%arg0, %dma_start3A_55, %dma_start3A_56] : memref<2x10112x128xf32, #tpu.memory_space<hbm>> -> memref<1x10112x128xf32, #tpu.memory_space<hbm>>
      %dma_start3A_58 = tpu.memref_squeeze %dma_start3A_57 : memref<1x10112x128xf32, #tpu.memory_space<hbm>> -> memref<10112x128xf32, #tpu.memory_space<hbm>>
      %dma_start3A_59 = arith.constant 0 : i32
      %dma_start3A_60 = tpu.memref_slice %dma_start3A_58[%add3A_34, %dma_start3A_59] : memref<10112x128xf32, #tpu.memory_space<hbm>> -> memref<128x128xf32, #tpu.memory_space<hbm>>
      %dma_start3A_61 = arith.constant 0 : i32
      %dma_start3A_62 = arith.constant 0 : i32
      %dma_start3A_63 = tpu.memref_slice %arg6[%dma_start3A_61, %dma_start3A_62] : memref<128x128xf32, #tpu.memory_space<vmem>> -> memref<128x128xf32, #tpu.memory_space<vmem>>
      tpu.enqueue_dma source(%dma_start3A_63 : memref<128x128xf32, #tpu.memory_space<vmem>>) target(%dma_start3A_60 : memref<128x128xf32, #tpu.memory_space<hbm>>) target_semaphore(%run_scoped3A : memref<!tpu.dma_semaphore, #tpu.memory_space<semaphore_mem>>)
      %dma_wait3A = arith.constant 0 : i32
      %dma_wait3A_64 = arith.constant 0 : i32
      %dma_wait3A_65 = tpu.memref_slice %arg6[%dma_wait3A, %dma_wait3A_64] : memref<128x128xf32, #tpu.memory_space<vmem>> -> memref<128x128xf32, #tpu.memory_space<vmem>>
      %dma_wait3A_66 = arith.constant 0 : i32
      %dma_wait3A_67 = arith.constant 0 : i32
      %dma_wait3A_68 = tpu.memref_slice %arg3[%arg0, %dma_wait3A_66, %dma_wait3A_67] : memref<2x10112x128xf32, #tpu.memory_space<hbm>> -> memref<1x10112x128xf32, #tpu.memory_space<hbm>>
      %dma_wait3A_69 = tpu.memref_squeeze %dma_wait3A_68 : memref<1x10112x128xf32, #tpu.memory_space<hbm>> -> memref<10112x128xf32, #tpu.memory_space<hbm>>
      %dma_wait3A_70 = arith.constant 0 : i32
      %dma_wait3A_71 = tpu.memref_slice %dma_wait3A_69[%add3A_34, %dma_wait3A_70] : memref<10112x128xf32, #tpu.memory_space<hbm>> -> memref<128x128xf32, #tpu.memory_space<hbm>>
      %dma_wait3A_72 = arith.constant 0 : i32
      %dma_wait3A_73 = arith.constant 0 : i32
      %dma_wait3A_74 = tpu.memref_slice %arg3[%arg0, %dma_wait3A_72, %dma_wait3A_73] : memref<2x10112x128xf32, #tpu.memory_space<hbm>> -> memref<1x10112x128xf32, #tpu.memory_space<hbm>>
      %dma_wait3A_75 = tpu.memref_squeeze %dma_wait3A_74 : memref<1x10112x128xf32, #tpu.memory_space<hbm>> -> memref<10112x128xf32, #tpu.memory_space<hbm>>
      %dma_wait3A_76 = arith.constant 0 : i32
      %dma_wait3A_77 = tpu.memref_slice %dma_wait3A_75[%add3A_34, %dma_wait3A_76] : memref<10112x128xf32, #tpu.memory_space<hbm>> -> memref<128x128xf32, #tpu.memory_space<hbm>>
      %dma_wait3A_78 = arith.constant 0 : i32
      %dma_wait3A_79 = arith.constant 0 : i32
      %dma_wait3A_80 = tpu.memref_slice %arg6[%dma_wait3A_78, %dma_wait3A_79] : memref<128x128xf32, #tpu.memory_space<vmem>> -> memref<128x128xf32, #tpu.memory_space<vmem>>
      tpu.wait_dma2 semaphore(%run_scoped3A : memref<!tpu.dma_semaphore, #tpu.memory_space<semaphore_mem>>) src(%dma_wait3A_80 : memref<128x128xf32, #tpu.memory_space<vmem>>) dst(%dma_wait3A_77 : memref<128x128xf32, #tpu.memory_space<hbm>>)
      tpu.yield
    }) : () -> ()
    %add3A_35 = arith.constant 256 : i32
    %add3A_36 = arith.addi %mul3A_26, %add3A_35 : i32
    "tpu.region"() ({
      %run_scoped3A = tpu.sem_alloc : memref<!tpu.dma_semaphore, #tpu.memory_space<semaphore_mem>>
      %dma_start3A = arith.constant 0 : i32
      %dma_start3A_47 = arith.constant 0 : i32
      %dma_start3A_48 = tpu.memref_slice %arg6[%dma_start3A, %dma_start3A_47] : memref<128x128xf32, #tpu.memory_space<vmem>> -> memref<128x128xf32, #tpu.memory_space<vmem>>
      %dma_start3A_49 = arith.constant 0 : i32
      %dma_start3A_50 = tpu.memref_slice %arg7[%add3A_36, %dma_start3A_49] : memref<10112x128xf32, #tpu.memory_space<vmem_shared>> -> memref<128x128xf32, #tpu.memory_space<vmem_shared>>
      %dma_start3A_51 = arith.constant 0 : i32
      %dma_start3A_52 = arith.constant 0 : i32
      %dma_start3A_53 = tpu.memref_slice %arg6[%dma_start3A_51, %dma_start3A_52] : memref<128x128xf32, #tpu.memory_space<vmem>> -> memref<128x128xf32, #tpu.memory_space<vmem>>
      %dma_start3A_54 = arith.constant 0 : i32
      %dma_start3A_55 = tpu.memref_slice %arg7[%add3A_36, %dma_start3A_54] : memref<10112x128xf32, #tpu.memory_space<vmem_shared>> -> memref<128x128xf32, #tpu.memory_space<vmem_shared>>
      tpu.enqueue_dma source(%dma_start3A_55 : memref<128x128xf32, #tpu.memory_space<vmem_shared>>) target(%dma_start3A_53 : memref<128x128xf32, #tpu.memory_space<vmem>>) target_semaphore(%run_scoped3A : memref<!tpu.dma_semaphore, #tpu.memory_space<semaphore_mem>>)
      %dma_wait3A = arith.constant 0 : i32
      %dma_wait3A_56 = arith.constant 0 : i32
      %dma_wait3A_57 = tpu.memref_slice %arg6[%dma_wait3A, %dma_wait3A_56] : memref<128x128xf32, #tpu.memory_space<vmem>> -> memref<128x128xf32, #tpu.memory_space<vmem>>
      %dma_wait3A_58 = arith.constant 0 : i32
      %dma_wait3A_59 = tpu.memref_slice %arg7[%add3A_36, %dma_wait3A_58] : memref<10112x128xf32, #tpu.memory_space<vmem_shared>> -> memref<128x128xf32, #tpu.memory_space<vmem_shared>>
      %dma_wait3A_60 = arith.constant 0 : i32
      %dma_wait3A_61 = arith.constant 0 : i32
      %dma_wait3A_62 = tpu.memref_slice %arg6[%dma_wait3A_60, %dma_wait3A_61] : memref<128x128xf32, #tpu.memory_space<vmem>> -> memref<128x128xf32, #tpu.memory_space<vmem>>
      %dma_wait3A_63 = arith.constant 0 : i32
      %dma_wait3A_64 = tpu.memref_slice %arg7[%add3A_36, %dma_wait3A_63] : memref<10112x128xf32, #tpu.memory_space<vmem_shared>> -> memref<128x128xf32, #tpu.memory_space<vmem_shared>>
      tpu.wait_dma2 semaphore(%run_scoped3A : memref<!tpu.dma_semaphore, #tpu.memory_space<semaphore_mem>>) src(%dma_wait3A_64 : memref<128x128xf32, #tpu.memory_space<vmem_shared>>) dst(%dma_wait3A_62 : memref<128x128xf32, #tpu.memory_space<vmem>>)
      tpu.yield
    }) : () -> ()
    %add3A_37 = arith.constant 256 : i32
    %add3A_38 = arith.addi %mul3A_26, %add3A_37 : i32
    "tpu.region"() ({
      %run_scoped3A = tpu.sem_alloc : memref<!tpu.dma_semaphore, #tpu.memory_space<semaphore_mem>>
      %dma_start3A = arith.constant 0 : i32
      %dma_start3A_47 = arith.constant 0 : i32
      %dma_start3A_48 = tpu.memref_slice %arg6[%dma_start3A, %dma_start3A_47] : memref<128x128xf32, #tpu.memory_space<vmem>> -> memref<128x128xf32, #tpu.memory_space<vmem>>
      %dma_start3A_49 = arith.constant 0 : i32
      %dma_start3A_50 = arith.constant 0 : i32
      %dma_start3A_51 = tpu.memref_slice %arg3[%arg0, %dma_start3A_49, %dma_start3A_50] : memref<2x10112x128xf32, #tpu.memory_space<hbm>> -> memref<1x10112x128xf32, #tpu.memory_space<hbm>>
      %dma_start3A_52 = tpu.memref_squeeze %dma_start3A_51 : memref<1x10112x128xf32, #tpu.memory_space<hbm>> -> memref<10112x128xf32, #tpu.memory_space<hbm>>
      %dma_start3A_53 = arith.constant 0 : i32
      %dma_start3A_54 = tpu.memref_slice %dma_start3A_52[%add3A_38, %dma_start3A_53] : memref<10112x128xf32, #tpu.memory_space<hbm>> -> memref<128x128xf32, #tpu.memory_space<hbm>>
      %dma_start3A_55 = arith.constant 0 : i32
      %dma_start3A_56 = arith.constant 0 : i32
      %dma_start3A_57 = tpu.memref_slice %arg3[%arg0, %dma_start3A_55, %dma_start3A_56] : memref<2x10112x128xf32, #tpu.memory_space<hbm>> -> memref<1x10112x128xf32, #tpu.memory_space<hbm>>
      %dma_start3A_58 = tpu.memref_squeeze %dma_start3A_57 : memref<1x10112x128xf32, #tpu.memory_space<hbm>> -> memref<10112x128xf32, #tpu.memory_space<hbm>>
      %dma_start3A_59 = arith.constant 0 : i32
      %dma_start3A_60 = tpu.memref_slice %dma_start3A_58[%add3A_38, %dma_start3A_59] : memref<10112x128xf32, #tpu.memory_space<hbm>> -> memref<128x128xf32, #tpu.memory_space<hbm>>
      %dma_start3A_61 = arith.constant 0 : i32
      %dma_start3A_62 = arith.constant 0 : i32
      %dma_start3A_63 = tpu.memref_slice %arg6[%dma_start3A_61, %dma_start3A_62] : memref<128x128xf32, #tpu.memory_space<vmem>> -> memref<128x128xf32, #tpu.memory_space<vmem>>
      tpu.enqueue_dma source(%dma_start3A_63 : memref<128x128xf32, #tpu.memory_space<vmem>>) target(%dma_start3A_60 : memref<128x128xf32, #tpu.memory_space<hbm>>) target_semaphore(%run_scoped3A : memref<!tpu.dma_semaphore, #tpu.memory_space<semaphore_mem>>)
      %dma_wait3A = arith.constant 0 : i32
      %dma_wait3A_64 = arith.constant 0 : i32
      %dma_wait3A_65 = tpu.memref_slice %arg6[%dma_wait3A, %dma_wait3A_64] : memref<128x128xf32, #tpu.memory_space<vmem>> -> memref<128x128xf32, #tpu.memory_space<vmem>>
      %dma_wait3A_66 = arith.constant 0 : i32
      %dma_wait3A_67 = arith.constant 0 : i32
      %dma_wait3A_68 = tpu.memref_slice %arg3[%arg0, %dma_wait3A_66, %dma_wait3A_67] : memref<2x10112x128xf32, #tpu.memory_space<hbm>> -> memref<1x10112x128xf32, #tpu.memory_space<hbm>>
      %dma_wait3A_69 = tpu.memref_squeeze %dma_wait3A_68 : memref<1x10112x128xf32, #tpu.memory_space<hbm>> -> memref<10112x128xf32, #tpu.memory_space<hbm>>
      %dma_wait3A_70 = arith.constant 0 : i32
      %dma_wait3A_71 = tpu.memref_slice %dma_wait3A_69[%add3A_38, %dma_wait3A_70] : memref<10112x128xf32, #tpu.memory_space<hbm>> -> memref<128x128xf32, #tpu.memory_space<hbm>>
      %dma_wait3A_72 = arith.constant 0 : i32
      %dma_wait3A_73 = arith.constant 0 : i32
      %dma_wait3A_74 = tpu.memref_slice %arg3[%arg0, %dma_wait3A_72, %dma_wait3A_73] : memref<2x10112x128xf32, #tpu.memory_space<hbm>> -> memref<1x10112x128xf32, #tpu.memory_space<hbm>>
      %dma_wait3A_75 = tpu.memref_squeeze %dma_wait3A_74 : memref<1x10112x128xf32, #tpu.memory_space<hbm>> -> memref<10112x128xf32, #tpu.memory_space<hbm>>
      %dma_wait3A_76 = arith.constant 0 : i32
      %dma_wait3A_77 = tpu.memref_slice %dma_wait3A_75[%add3A_38, %dma_wait3A_76] : memref<10112x128xf32, #tpu.memory_space<hbm>> -> memref<128x128xf32, #tpu.memory_space<hbm>>
      %dma_wait3A_78 = arith.constant 0 : i32
      %dma_wait3A_79 = arith.constant 0 : i32
      %dma_wait3A_80 = tpu.memref_slice %arg6[%dma_wait3A_78, %dma_wait3A_79] : memref<128x128xf32, #tpu.memory_space<vmem>> -> memref<128x128xf32, #tpu.memory_space<vmem>>
      tpu.wait_dma2 semaphore(%run_scoped3A : memref<!tpu.dma_semaphore, #tpu.memory_space<semaphore_mem>>) src(%dma_wait3A_80 : memref<128x128xf32, #tpu.memory_space<vmem>>) dst(%dma_wait3A_77 : memref<128x128xf32, #tpu.memory_space<hbm>>)
      tpu.yield
    }) : () -> ()
    %add3A_39 = arith.constant 384 : i32
    %add3A_40 = arith.addi %mul3A_26, %add3A_39 : i32
    "tpu.region"() ({
      %run_scoped3A = tpu.sem_alloc : memref<!tpu.dma_semaphore, #tpu.memory_space<semaphore_mem>>
      %dma_start3A = arith.constant 0 : i32
      %dma_start3A_47 = arith.constant 0 : i32
      %dma_start3A_48 = tpu.memref_slice %arg6[%dma_start3A, %dma_start3A_47] : memref<128x128xf32, #tpu.memory_space<vmem>> -> memref<128x128xf32, #tpu.memory_space<vmem>>
      %dma_start3A_49 = arith.constant 0 : i32
      %dma_start3A_50 = tpu.memref_slice %arg7[%add3A_40, %dma_start3A_49] : memref<10112x128xf32, #tpu.memory_space<vmem_shared>> -> memref<128x128xf32, #tpu.memory_space<vmem_shared>>
      %dma_start3A_51 = arith.constant 0 : i32
      %dma_start3A_52 = arith.constant 0 : i32
      %dma_start3A_53 = tpu.memref_slice %arg6[%dma_start3A_51, %dma_start3A_52] : memref<128x128xf32, #tpu.memory_space<vmem>> -> memref<128x128xf32, #tpu.memory_space<vmem>>
      %dma_start3A_54 = arith.constant 0 : i32
      %dma_start3A_55 = tpu.memref_slice %arg7[%add3A_40, %dma_start3A_54] : memref<10112x128xf32, #tpu.memory_space<vmem_shared>> -> memref<128x128xf32, #tpu.memory_space<vmem_shared>>
      tpu.enqueue_dma source(%dma_start3A_55 : memref<128x128xf32, #tpu.memory_space<vmem_shared>>) target(%dma_start3A_53 : memref<128x128xf32, #tpu.memory_space<vmem>>) target_semaphore(%run_scoped3A : memref<!tpu.dma_semaphore, #tpu.memory_space<semaphore_mem>>)
      %dma_wait3A = arith.constant 0 : i32
      %dma_wait3A_56 = arith.constant 0 : i32
      %dma_wait3A_57 = tpu.memref_slice %arg6[%dma_wait3A, %dma_wait3A_56] : memref<128x128xf32, #tpu.memory_space<vmem>> -> memref<128x128xf32, #tpu.memory_space<vmem>>
      %dma_wait3A_58 = arith.constant 0 : i32
      %dma_wait3A_59 = tpu.memref_slice %arg7[%add3A_40, %dma_wait3A_58] : memref<10112x128xf32, #tpu.memory_space<vmem_shared>> -> memref<128x128xf32, #tpu.memory_space<vmem_shared>>
      %dma_wait3A_60 = arith.constant 0 : i32
      %dma_wait3A_61 = arith.constant 0 : i32
      %dma_wait3A_62 = tpu.memref_slice %arg6[%dma_wait3A_60, %dma_wait3A_61] : memref<128x128xf32, #tpu.memory_space<vmem>> -> memref<128x128xf32, #tpu.memory_space<vmem>>
      %dma_wait3A_63 = arith.constant 0 : i32
      %dma_wait3A_64 = tpu.memref_slice %arg7[%add3A_40, %dma_wait3A_63] : memref<10112x128xf32, #tpu.memory_space<vmem_shared>> -> memref<128x128xf32, #tpu.memory_space<vmem_shared>>
      tpu.wait_dma2 semaphore(%run_scoped3A : memref<!tpu.dma_semaphore, #tpu.memory_space<semaphore_mem>>) src(%dma_wait3A_64 : memref<128x128xf32, #tpu.memory_space<vmem_shared>>) dst(%dma_wait3A_62 : memref<128x128xf32, #tpu.memory_space<vmem>>)
      tpu.yield
    }) : () -> ()
    %add3A_41 = arith.constant 384 : i32
    %add3A_42 = arith.addi %mul3A_26, %add3A_41 : i32
    "tpu.region"() ({
      %run_scoped3A = tpu.sem_alloc : memref<!tpu.dma_semaphore, #tpu.memory_space<semaphore_mem>>
      %dma_start3A = arith.constant 0 : i32
      %dma_start3A_47 = arith.constant 0 : i32
      %dma_start3A_48 = tpu.memref_slice %arg6[%dma_start3A, %dma_start3A_47] : memref<128x128xf32, #tpu.memory_space<vmem>> -> memref<128x128xf32, #tpu.memory_space<vmem>>
      %dma_start3A_49 = arith.constant 0 : i32
      %dma_start3A_50 = arith.constant 0 : i32
      %dma_start3A_51 = tpu.memref_slice %arg3[%arg0, %dma_start3A_49, %dma_start3A_50] : memref<2x10112x128xf32, #tpu.memory_space<hbm>> -> memref<1x10112x128xf32, #tpu.memory_space<hbm>>
      %dma_start3A_52 = tpu.memref_squeeze %dma_start3A_51 : memref<1x10112x128xf32, #tpu.memory_space<hbm>> -> memref<10112x128xf32, #tpu.memory_space<hbm>>
      %dma_start3A_53 = arith.constant 0 : i32
      %dma_start3A_54 = tpu.memref_slice %dma_start3A_52[%add3A_42, %dma_start3A_53] : memref<10112x128xf32, #tpu.memory_space<hbm>> -> memref<128x128xf32, #tpu.memory_space<hbm>>
      %dma_start3A_55 = arith.constant 0 : i32
      %dma_start3A_56 = arith.constant 0 : i32
      %dma_start3A_57 = tpu.memref_slice %arg3[%arg0, %dma_start3A_55, %dma_start3A_56] : memref<2x10112x128xf32, #tpu.memory_space<hbm>> -> memref<1x10112x128xf32, #tpu.memory_space<hbm>>
      %dma_start3A_58 = tpu.memref_squeeze %dma_start3A_57 : memref<1x10112x128xf32, #tpu.memory_space<hbm>> -> memref<10112x128xf32, #tpu.memory_space<hbm>>
      %dma_start3A_59 = arith.constant 0 : i32
      %dma_start3A_60 = tpu.memref_slice %dma_start3A_58[%add3A_42, %dma_start3A_59] : memref<10112x128xf32, #tpu.memory_space<hbm>> -> memref<128x128xf32, #tpu.memory_space<hbm>>
      %dma_start3A_61 = arith.constant 0 : i32
      %dma_start3A_62 = arith.constant 0 : i32
      %dma_start3A_63 = tpu.memref_slice %arg6[%dma_start3A_61, %dma_start3A_62] : memref<128x128xf32, #tpu.memory_space<vmem>> -> memref<128x128xf32, #tpu.memory_space<vmem>>
      tpu.enqueue_dma source(%dma_start3A_63 : memref<128x128xf32, #tpu.memory_space<vmem>>) target(%dma_start3A_60 : memref<128x128xf32, #tpu.memory_space<hbm>>) target_semaphore(%run_scoped3A : memref<!tpu.dma_semaphore, #tpu.memory_space<semaphore_mem>>)
      %dma_wait3A = arith.constant 0 : i32
      %dma_wait3A_64 = arith.constant 0 : i32
      %dma_wait3A_65 = tpu.memref_slice %arg6[%dma_wait3A, %dma_wait3A_64] : memref<128x128xf32, #tpu.memory_space<vmem>> -> memref<128x128xf32, #tpu.memory_space<vmem>>
      %dma_wait3A_66 = arith.constant 0 : i32
      %dma_wait3A_67 = arith.constant 0 : i32
      %dma_wait3A_68 = tpu.memref_slice %arg3[%arg0, %dma_wait3A_66, %dma_wait3A_67] : memref<2x10112x128xf32, #tpu.memory_space<hbm>> -> memref<1x10112x128xf32, #tpu.memory_space<hbm>>
      %dma_wait3A_69 = tpu.memref_squeeze %dma_wait3A_68 : memref<1x10112x128xf32, #tpu.memory_space<hbm>> -> memref<10112x128xf32, #tpu.memory_space<hbm>>
      %dma_wait3A_70 = arith.constant 0 : i32
      %dma_wait3A_71 = tpu.memref_slice %dma_wait3A_69[%add3A_42, %dma_wait3A_70] : memref<10112x128xf32, #tpu.memory_space<hbm>> -> memref<128x128xf32, #tpu.memory_space<hbm>>
      %dma_wait3A_72 = arith.constant 0 : i32
      %dma_wait3A_73 = arith.constant 0 : i32
      %dma_wait3A_74 = tpu.memref_slice %arg3[%arg0, %dma_wait3A_72, %dma_wait3A_73] : memref<2x10112x128xf32, #tpu.memory_space<hbm>> -> memref<1x10112x128xf32, #tpu.memory_space<hbm>>
      %dma_wait3A_75 = tpu.memref_squeeze %dma_wait3A_74 : memref<1x10112x128xf32, #tpu.memory_space<hbm>> -> memref<10112x128xf32, #tpu.memory_space<hbm>>
      %dma_wait3A_76 = arith.constant 0 : i32
      %dma_wait3A_77 = tpu.memref_slice %dma_wait3A_75[%add3A_42, %dma_wait3A_76] : memref<10112x128xf32, #tpu.memory_space<hbm>> -> memref<128x128xf32, #tpu.memory_space<hbm>>
      %dma_wait3A_78 = arith.constant 0 : i32
      %dma_wait3A_79 = arith.constant 0 : i32
      %dma_wait3A_80 = tpu.memref_slice %arg6[%dma_wait3A_78, %dma_wait3A_79] : memref<128x128xf32, #tpu.memory_space<vmem>> -> memref<128x128xf32, #tpu.memory_space<vmem>>
      tpu.wait_dma2 semaphore(%run_scoped3A : memref<!tpu.dma_semaphore, #tpu.memory_space<semaphore_mem>>) src(%dma_wait3A_80 : memref<128x128xf32, #tpu.memory_space<vmem>>) dst(%dma_wait3A_77 : memref<128x128xf32, #tpu.memory_space<hbm>>)
      tpu.yield
    }) : () -> ()
    %add3A_43 = arith.constant 512 : i32
    %add3A_44 = arith.addi %mul3A_26, %add3A_43 : i32
    "tpu.region"() ({
      %run_scoped3A = tpu.sem_alloc : memref<!tpu.dma_semaphore, #tpu.memory_space<semaphore_mem>>
      %dma_start3A = arith.constant 0 : i32
      %dma_start3A_47 = arith.constant 0 : i32
      %dma_start3A_48 = tpu.memref_slice %arg6[%dma_start3A, %dma_start3A_47] : memref<128x128xf32, #tpu.memory_space<vmem>> -> memref<120x128xf32, #tpu.memory_space<vmem>>
      %dma_start3A_49 = arith.constant 0 : i32
      %dma_start3A_50 = tpu.memref_slice %arg7[%add3A_44, %dma_start3A_49] : memref<10112x128xf32, #tpu.memory_space<vmem_shared>> -> memref<120x128xf32, #tpu.memory_space<vmem_shared>>
      %dma_start3A_51 = arith.constant 0 : i32
      %dma_start3A_52 = arith.constant 0 : i32
      %dma_start3A_53 = tpu.memref_slice %arg6[%dma_start3A_51, %dma_start3A_52] : memref<128x128xf32, #tpu.memory_space<vmem>> -> memref<120x128xf32, #tpu.memory_space<vmem>>
      %dma_start3A_54 = arith.constant 0 : i32
      %dma_start3A_55 = tpu.memref_slice %arg7[%add3A_44, %dma_start3A_54] : memref<10112x128xf32, #tpu.memory_space<vmem_shared>> -> memref<120x128xf32, #tpu.memory_space<vmem_shared>>
      tpu.enqueue_dma source(%dma_start3A_55 : memref<120x128xf32, #tpu.memory_space<vmem_shared>>) target(%dma_start3A_53 : memref<120x128xf32, #tpu.memory_space<vmem>>) target_semaphore(%run_scoped3A : memref<!tpu.dma_semaphore, #tpu.memory_space<semaphore_mem>>)
      %dma_wait3A = arith.constant 0 : i32
      %dma_wait3A_56 = arith.constant 0 : i32
      %dma_wait3A_57 = tpu.memref_slice %arg6[%dma_wait3A, %dma_wait3A_56] : memref<128x128xf32, #tpu.memory_space<vmem>> -> memref<120x128xf32, #tpu.memory_space<vmem>>
      %dma_wait3A_58 = arith.constant 0 : i32
      %dma_wait3A_59 = tpu.memref_slice %arg7[%add3A_44, %dma_wait3A_58] : memref<10112x128xf32, #tpu.memory_space<vmem_shared>> -> memref<120x128xf32, #tpu.memory_space<vmem_shared>>
      %dma_wait3A_60 = arith.constant 0 : i32
      %dma_wait3A_61 = arith.constant 0 : i32
      %dma_wait3A_62 = tpu.memref_slice %arg6[%dma_wait3A_60, %dma_wait3A_61] : memref<128x128xf32, #tpu.memory_space<vmem>> -> memref<120x128xf32, #tpu.memory_space<vmem>>
      %dma_wait3A_63 = arith.constant 0 : i32
      %dma_wait3A_64 = tpu.memref_slice %arg7[%add3A_44, %dma_wait3A_63] : memref<10112x128xf32, #tpu.memory_space<vmem_shared>> -> memref<120x128xf32, #tpu.memory_space<vmem_shared>>
      tpu.wait_dma2 semaphore(%run_scoped3A : memref<!tpu.dma_semaphore, #tpu.memory_space<semaphore_mem>>) src(%dma_wait3A_64 : memref<120x128xf32, #tpu.memory_space<vmem_shared>>) dst(%dma_wait3A_62 : memref<120x128xf32, #tpu.memory_space<vmem>>)
      tpu.yield
    }) : () -> ()
    %add3A_45 = arith.constant 512 : i32
    %add3A_46 = arith.addi %mul3A_26, %add3A_45 : i32
    "tpu.region"() ({
      %run_scoped3A = tpu.sem_alloc : memref<!tpu.dma_semaphore, #tpu.memory_space<semaphore_mem>>
      %dma_start3A = arith.constant 0 : i32
      %dma_start3A_47 = arith.constant 0 : i32
      %dma_start3A_48 = tpu.memref_slice %arg6[%dma_start3A, %dma_start3A_47] : memref<128x128xf32, #tpu.memory_space<vmem>> -> memref<120x128xf32, #tpu.memory_space<vmem>>
      %dma_start3A_49 = arith.constant 0 : i32
      %dma_start3A_50 = arith.constant 0 : i32
      %dma_start3A_51 = tpu.memref_slice %arg3[%arg0, %dma_start3A_49, %dma_start3A_50] : memref<2x10112x128xf32, #tpu.memory_space<hbm>> -> memref<1x10112x128xf32, #tpu.memory_space<hbm>>
      %dma_start3A_52 = tpu.memref_squeeze %dma_start3A_51 : memref<1x10112x128xf32, #tpu.memory_space<hbm>> -> memref<10112x128xf32, #tpu.memory_space<hbm>>
      %dma_start3A_53 = arith.constant 0 : i32
      %dma_start3A_54 = tpu.memref_slice %dma_start3A_52[%add3A_46, %dma_start3A_53] : memref<10112x128xf32, #tpu.memory_space<hbm>> -> memref<120x128xf32, #tpu.memory_space<hbm>>
      %dma_start3A_55 = arith.constant 0 : i32
      %dma_start3A_56 = arith.constant 0 : i32
      %dma_start3A_57 = tpu.memref_slice %arg3[%arg0, %dma_start3A_55, %dma_start3A_56] : memref<2x10112x128xf32, #tpu.memory_space<hbm>> -> memref<1x10112x128xf32, #tpu.memory_space<hbm>>
      %dma_start3A_58 = tpu.memref_squeeze %dma_start3A_57 : memref<1x10112x128xf32, #tpu.memory_space<hbm>> -> memref<10112x128xf32, #tpu.memory_space<hbm>>
      %dma_start3A_59 = arith.constant 0 : i32
      %dma_start3A_60 = tpu.memref_slice %dma_start3A_58[%add3A_46, %dma_start3A_59] : memref<10112x128xf32, #tpu.memory_space<hbm>> -> memref<120x128xf32, #tpu.memory_space<hbm>>
      %dma_start3A_61 = arith.constant 0 : i32
      %dma_start3A_62 = arith.constant 0 : i32
      %dma_start3A_63 = tpu.memref_slice %arg6[%dma_start3A_61, %dma_start3A_62] : memref<128x128xf32, #tpu.memory_space<vmem>> -> memref<120x128xf32, #tpu.memory_space<vmem>>
      tpu.enqueue_dma source(%dma_start3A_63 : memref<120x128xf32, #tpu.memory_space<vmem>>) target(%dma_start3A_60 : memref<120x128xf32, #tpu.memory_space<hbm>>) target_semaphore(%run_scoped3A : memref<!tpu.dma_semaphore, #tpu.memory_space<semaphore_mem>>)
      %dma_wait3A = arith.constant 0 : i32
      %dma_wait3A_64 = arith.constant 0 : i32
      %dma_wait3A_65 = tpu.memref_slice %arg6[%dma_wait3A, %dma_wait3A_64] : memref<128x128xf32, #tpu.memory_space<vmem>> -> memref<120x128xf32, #tpu.memory_space<vmem>>
      %dma_wait3A_66 = arith.constant 0 : i32
      %dma_wait3A_67 = arith.constant 0 : i32
      %dma_wait3A_68 = tpu.memref_slice %arg3[%arg0, %dma_wait3A_66, %dma_wait3A_67] : memref<2x10112x128xf32, #tpu.memory_space<hbm>> -> memref<1x10112x128xf32, #tpu.memory_space<hbm>>
      %dma_wait3A_69 = tpu.memref_squeeze %dma_wait3A_68 : memref<1x10112x128xf32, #tpu.memory_space<hbm>> -> memref<10112x128xf32, #tpu.memory_space<hbm>>
      %dma_wait3A_70 = arith.constant 0 : i32
      %dma_wait3A_71 = tpu.memref_slice %dma_wait3A_69[%add3A_46, %dma_wait3A_70] : memref<10112x128xf32, #tpu.memory_space<hbm>> -> memref<120x128xf32, #tpu.memory_space<hbm>>
      %dma_wait3A_72 = arith.constant 0 : i32
      %dma_wait3A_73 = arith.constant 0 : i32
      %dma_wait3A_74 = tpu.memref_slice %arg3[%arg0, %dma_wait3A_72, %dma_wait3A_73] : memref<2x10112x128xf32, #tpu.memory_space<hbm>> -> memref<1x10112x128xf32, #tpu.memory_space<hbm>>
      %dma_wait3A_75 = tpu.memref_squeeze %dma_wait3A_74 : memref<1x10112x128xf32, #tpu.memory_space<hbm>> -> memref<10112x128xf32, #tpu.memory_space<hbm>>
      %dma_wait3A_76 = arith.constant 0 : i32
      %dma_wait3A_77 = tpu.memref_slice %dma_wait3A_75[%add3A_46, %dma_wait3A_76] : memref<10112x128xf32, #tpu.memory_space<hbm>> -> memref<120x128xf32, #tpu.memory_space<hbm>>
      %dma_wait3A_78 = arith.constant 0 : i32
      %dma_wait3A_79 = arith.constant 0 : i32
      %dma_wait3A_80 = tpu.memref_slice %arg6[%dma_wait3A_78, %dma_wait3A_79] : memref<128x128xf32, #tpu.memory_space<vmem>> -> memref<120x128xf32, #tpu.memory_space<vmem>>
      tpu.wait_dma2 semaphore(%run_scoped3A : memref<!tpu.dma_semaphore, #tpu.memory_space<semaphore_mem>>) src(%dma_wait3A_80 : memref<120x128xf32, #tpu.memory_space<vmem>>) dst(%dma_wait3A_77 : memref<120x128xf32, #tpu.memory_space<hbm>>)
      tpu.yield
    }) : () -> ()
    return
  }
}

#map = affine_map<(d0, d1) -> (0, 0)>
#map1 = affine_map<(d0, d1) -> (0, 0, 0)>
module attributes {stable_mosaic.version = 14 : i64} {
  func.func @_sc_agg(%arg0: i32, %arg1: i32, %arg2: memref<10000x128xf32, #tpu.memory_space<hbm>>, %arg3: memref<32x79x128xi32, #tpu.memory_space<hbm>>, %arg4: memref<32x79x128xi32, #tpu.memory_space<hbm>>, %arg5: memref<2x10112x128xf32, #tpu.memory_space<hbm>>, %arg6: memref<79x128xi32, #tpu.memory_space<vmem>>, %arg7: memref<79x128xi32, #tpu.memory_space<vmem>>, %arg8: memref<128x128xf32, #tpu.memory_space<vmem>>, %arg9: memref<10112x128xf32, #tpu.memory_space<vmem_shared>>) attributes {dimension_semantics = [#tpu.dimension_semantics<core_parallel>, #tpu.dimension_semantics<subcore_parallel>], iteration_bounds = array<i64: 2, 16>, scalar_prefetch = 0 : i64, scratch_operands = 4 : i64, tpu.core_type = #tpu.core_type<sc_vector_subcore>, window_params = [{transform_indices = #map}, {transform_indices = #map1}, {transform_indices = #map1}, {transform_indices = #map1}]} {
    %mul3A = arith.constant 16 : i32
    %mul3A_0 = arith.muli %arg0, %mul3A : i32
    %add3A = arith.addi %mul3A_0, %arg1 : i32
    "tpu.region"() ({
      %run_scoped3A = tpu.sem_alloc : memref<!tpu.dma_semaphore, #tpu.memory_space<semaphore_mem>>
      %dma_start3A = arith.constant 0 : i32
      %dma_start3A_47 = arith.constant 0 : i32
      %dma_start3A_48 = tpu.memref_slice %arg3[%add3A, %dma_start3A, %dma_start3A_47] : memref<32x79x128xi32, #tpu.memory_space<hbm>> -> memref<1x79x128xi32, #tpu.memory_space<hbm>>
      %dma_start3A_49 = tpu.memref_squeeze %dma_start3A_48 : memref<1x79x128xi32, #tpu.memory_space<hbm>> -> memref<79x128xi32, #tpu.memory_space<hbm>>
      %dma_start3A_50 = arith.constant 0 : i32
      %dma_start3A_51 = arith.constant 0 : i32
      %dma_start3A_52 = tpu.memref_slice %arg3[%add3A, %dma_start3A_50, %dma_start3A_51] : memref<32x79x128xi32, #tpu.memory_space<hbm>> -> memref<1x79x128xi32, #tpu.memory_space<hbm>>
      %dma_start3A_53 = tpu.memref_squeeze %dma_start3A_52 : memref<1x79x128xi32, #tpu.memory_space<hbm>> -> memref<79x128xi32, #tpu.memory_space<hbm>>
      tpu.enqueue_dma source(%dma_start3A_53 : memref<79x128xi32, #tpu.memory_space<hbm>>) target(%arg6 : memref<79x128xi32, #tpu.memory_space<vmem>>) target_semaphore(%run_scoped3A : memref<!tpu.dma_semaphore, #tpu.memory_space<semaphore_mem>>)
      %dma_wait3A = arith.constant 0 : i32
      %dma_wait3A_54 = arith.constant 0 : i32
      %dma_wait3A_55 = tpu.memref_slice %arg3[%add3A, %dma_wait3A, %dma_wait3A_54] : memref<32x79x128xi32, #tpu.memory_space<hbm>> -> memref<1x79x128xi32, #tpu.memory_space<hbm>>
      %dma_wait3A_56 = tpu.memref_squeeze %dma_wait3A_55 : memref<1x79x128xi32, #tpu.memory_space<hbm>> -> memref<79x128xi32, #tpu.memory_space<hbm>>
      %dma_wait3A_57 = arith.constant 0 : i32
      %dma_wait3A_58 = arith.constant 0 : i32
      %dma_wait3A_59 = tpu.memref_slice %arg3[%add3A, %dma_wait3A_57, %dma_wait3A_58] : memref<32x79x128xi32, #tpu.memory_space<hbm>> -> memref<1x79x128xi32, #tpu.memory_space<hbm>>
      %dma_wait3A_60 = tpu.memref_squeeze %dma_wait3A_59 : memref<1x79x128xi32, #tpu.memory_space<hbm>> -> memref<79x128xi32, #tpu.memory_space<hbm>>
      tpu.wait_dma2 semaphore(%run_scoped3A : memref<!tpu.dma_semaphore, #tpu.memory_space<semaphore_mem>>) src(%dma_wait3A_60 : memref<79x128xi32, #tpu.memory_space<hbm>>) dst(%arg6 : memref<79x128xi32, #tpu.memory_space<vmem>>)
      tpu.yield
    }) : () -> ()
    "tpu.region"() ({
      %run_scoped3A = tpu.sem_alloc : memref<!tpu.dma_semaphore, #tpu.memory_space<semaphore_mem>>
      %dma_start3A = arith.constant 0 : i32
      %dma_start3A_47 = arith.constant 0 : i32
      %dma_start3A_48 = tpu.memref_slice %arg4[%add3A, %dma_start3A, %dma_start3A_47] : memref<32x79x128xi32, #tpu.memory_space<hbm>> -> memref<1x79x128xi32, #tpu.memory_space<hbm>>
      %dma_start3A_49 = tpu.memref_squeeze %dma_start3A_48 : memref<1x79x128xi32, #tpu.memory_space<hbm>> -> memref<79x128xi32, #tpu.memory_space<hbm>>
      %dma_start3A_50 = arith.constant 0 : i32
      %dma_start3A_51 = arith.constant 0 : i32
      %dma_start3A_52 = tpu.memref_slice %arg4[%add3A, %dma_start3A_50, %dma_start3A_51] : memref<32x79x128xi32, #tpu.memory_space<hbm>> -> memref<1x79x128xi32, #tpu.memory_space<hbm>>
      %dma_start3A_53 = tpu.memref_squeeze %dma_start3A_52 : memref<1x79x128xi32, #tpu.memory_space<hbm>> -> memref<79x128xi32, #tpu.memory_space<hbm>>
      tpu.enqueue_dma source(%dma_start3A_53 : memref<79x128xi32, #tpu.memory_space<hbm>>) target(%arg7 : memref<79x128xi32, #tpu.memory_space<vmem>>) target_semaphore(%run_scoped3A : memref<!tpu.dma_semaphore, #tpu.memory_space<semaphore_mem>>)
      %dma_wait3A = arith.constant 0 : i32
      %dma_wait3A_54 = arith.constant 0 : i32
      %dma_wait3A_55 = tpu.memref_slice %arg4[%add3A, %dma_wait3A, %dma_wait3A_54] : memref<32x79x128xi32, #tpu.memory_space<hbm>> -> memref<1x79x128xi32, #tpu.memory_space<hbm>>
      %dma_wait3A_56 = tpu.memref_squeeze %dma_wait3A_55 : memref<1x79x128xi32, #tpu.memory_space<hbm>> -> memref<79x128xi32, #tpu.memory_space<hbm>>
      %dma_wait3A_57 = arith.constant 0 : i32
      %dma_wait3A_58 = arith.constant 0 : i32
      %dma_wait3A_59 = tpu.memref_slice %arg4[%add3A, %dma_wait3A_57, %dma_wait3A_58] : memref<32x79x128xi32, #tpu.memory_space<hbm>> -> memref<1x79x128xi32, #tpu.memory_space<hbm>>
      %dma_wait3A_60 = tpu.memref_squeeze %dma_wait3A_59 : memref<1x79x128xi32, #tpu.memory_space<hbm>> -> memref<79x128xi32, #tpu.memory_space<hbm>>
      tpu.wait_dma2 semaphore(%run_scoped3A : memref<!tpu.dma_semaphore, #tpu.memory_space<semaphore_mem>>) src(%dma_wait3A_60 : memref<79x128xi32, #tpu.memory_space<hbm>>) dst(%arg7 : memref<79x128xi32, #tpu.memory_space<vmem>>)
      tpu.yield
    }) : () -> ()
    %scan3A = arith.constant 0 : i32
    %scan3A_1 = arith.constant 0 : i32
    %scan3A_2 = arith.constant 128 : i32
    %scan3A_3 = arith.addi %scan3A_1, %scan3A_2 : i32
    %scan3A_4 = arith.constant 1 : i32
    scf.for %scan3A_47 = %scan3A_1 to %scan3A_3 step %scan3A_4  : i32 {
      %broadcast_in_dim3A = arith.constant 0.000000e+00 : f32
      %broadcast_in_dim3A_48 = vector.broadcast %broadcast_in_dim3A : f32 to vector<16xf32>
      %swap3A = arith.index_cast %scan3A_47 : i32 to index
      %swap3A_49 = arith.constant 0 : index
      %swap3A_50 = tpu.vector_load %arg8[%swap3A, %swap3A_49] {strides = array<i32>} : memref<128x128xf32, #tpu.memory_space<vmem>>, vector<1x16xf32>,
      %swap3A_51 = vector.shape_cast %swap3A_50 : vector<1x16xf32> to vector<16xf32>
      %swap3A_52 = vector.shape_cast %broadcast_in_dim3A_48 : vector<16xf32> to vector<1x16xf32>
      tpu.vector_store %arg8[%swap3A, %swap3A_49], %swap3A_52 {strides = array<i32>} : memref<128x128xf32, #tpu.memory_space<vmem>>, vector<1x16xf32>,
      %broadcast_in_dim3A_53 = arith.constant 0.000000e+00 : f32
      %broadcast_in_dim3A_54 = vector.broadcast %broadcast_in_dim3A_53 : f32 to vector<16xf32>
      %swap3A_55 = arith.index_cast %scan3A_47 : i32 to index
      %swap3A_56 = arith.constant 16 : index
      %swap3A_57 = tpu.vector_load %arg8[%swap3A_55, %swap3A_56] {strides = array<i32>} : memref<128x128xf32, #tpu.memory_space<vmem>>, vector<1x16xf32>,
      %swap3A_58 = vector.shape_cast %swap3A_57 : vector<1x16xf32> to vector<16xf32>
      %swap3A_59 = vector.shape_cast %broadcast_in_dim3A_54 : vector<16xf32> to vector<1x16xf32>
      tpu.vector_store %arg8[%swap3A_55, %swap3A_56], %swap3A_59 {strides = array<i32>} : memref<128x128xf32, #tpu.memory_space<vmem>>, vector<1x16xf32>,
      %broadcast_in_dim3A_60 = arith.constant 0.000000e+00 : f32
      %broadcast_in_dim3A_61 = vector.broadcast %broadcast_in_dim3A_60 : f32 to vector<16xf32>
      %swap3A_62 = arith.index_cast %scan3A_47 : i32 to index
      %swap3A_63 = arith.constant 32 : index
      %swap3A_64 = tpu.vector_load %arg8[%swap3A_62, %swap3A_63] {strides = array<i32>} : memref<128x128xf32, #tpu.memory_space<vmem>>, vector<1x16xf32>,
      %swap3A_65 = vector.shape_cast %swap3A_64 : vector<1x16xf32> to vector<16xf32>
      %swap3A_66 = vector.shape_cast %broadcast_in_dim3A_61 : vector<16xf32> to vector<1x16xf32>
      tpu.vector_store %arg8[%swap3A_62, %swap3A_63], %swap3A_66 {strides = array<i32>} : memref<128x128xf32, #tpu.memory_space<vmem>>, vector<1x16xf32>,
      %broadcast_in_dim3A_67 = arith.constant 0.000000e+00 : f32
      %broadcast_in_dim3A_68 = vector.broadcast %broadcast_in_dim3A_67 : f32 to vector<16xf32>
      %swap3A_69 = arith.index_cast %scan3A_47 : i32 to index
      %swap3A_70 = arith.constant 48 : index
      %swap3A_71 = tpu.vector_load %arg8[%swap3A_69, %swap3A_70] {strides = array<i32>} : memref<128x128xf32, #tpu.memory_space<vmem>>, vector<1x16xf32>,
      %swap3A_72 = vector.shape_cast %swap3A_71 : vector<1x16xf32> to vector<16xf32>
      %swap3A_73 = vector.shape_cast %broadcast_in_dim3A_68 : vector<16xf32> to vector<1x16xf32>
      tpu.vector_store %arg8[%swap3A_69, %swap3A_70], %swap3A_73 {strides = array<i32>} : memref<128x128xf32, #tpu.memory_space<vmem>>, vector<1x16xf32>,
      %broadcast_in_dim3A_74 = arith.constant 0.000000e+00 : f32
      %broadcast_in_dim3A_75 = vector.broadcast %broadcast_in_dim3A_74 : f32 to vector<16xf32>
      %swap3A_76 = arith.index_cast %scan3A_47 : i32 to index
      %swap3A_77 = arith.constant 64 : index
      %swap3A_78 = tpu.vector_load %arg8[%swap3A_76, %swap3A_77] {strides = array<i32>} : memref<128x128xf32, #tpu.memory_space<vmem>>, vector<1x16xf32>,
      %swap3A_79 = vector.shape_cast %swap3A_78 : vector<1x16xf32> to vector<16xf32>
      %swap3A_80 = vector.shape_cast %broadcast_in_dim3A_75 : vector<16xf32> to vector<1x16xf32>
      tpu.vector_store %arg8[%swap3A_76, %swap3A_77], %swap3A_80 {strides = array<i32>} : memref<128x128xf32, #tpu.memory_space<vmem>>, vector<1x16xf32>,
      %broadcast_in_dim3A_81 = arith.constant 0.000000e+00 : f32
      %broadcast_in_dim3A_82 = vector.broadcast %broadcast_in_dim3A_81 : f32 to vector<16xf32>
      %swap3A_83 = arith.index_cast %scan3A_47 : i32 to index
      %swap3A_84 = arith.constant 80 : index
      %swap3A_85 = tpu.vector_load %arg8[%swap3A_83, %swap3A_84] {strides = array<i32>} : memref<128x128xf32, #tpu.memory_space<vmem>>, vector<1x16xf32>,
      %swap3A_86 = vector.shape_cast %swap3A_85 : vector<1x16xf32> to vector<16xf32>
      %swap3A_87 = vector.shape_cast %broadcast_in_dim3A_82 : vector<16xf32> to vector<1x16xf32>
      tpu.vector_store %arg8[%swap3A_83, %swap3A_84], %swap3A_87 {strides = array<i32>} : memref<128x128xf32, #tpu.memory_space<vmem>>, vector<1x16xf32>,
      %broadcast_in_dim3A_88 = arith.constant 0.000000e+00 : f32
      %broadcast_in_dim3A_89 = vector.broadcast %broadcast_in_dim3A_88 : f32 to vector<16xf32>
      %swap3A_90 = arith.index_cast %scan3A_47 : i32 to index
      %swap3A_91 = arith.constant 96 : index
      %swap3A_92 = tpu.vector_load %arg8[%swap3A_90, %swap3A_91] {strides = array<i32>} : memref<128x128xf32, #tpu.memory_space<vmem>>, vector<1x16xf32>,
      %swap3A_93 = vector.shape_cast %swap3A_92 : vector<1x16xf32> to vector<16xf32>
      %swap3A_94 = vector.shape_cast %broadcast_in_dim3A_89 : vector<16xf32> to vector<1x16xf32>
      tpu.vector_store %arg8[%swap3A_90, %swap3A_91], %swap3A_94 {strides = array<i32>} : memref<128x128xf32, #tpu.memory_space<vmem>>, vector<1x16xf32>,
      %broadcast_in_dim3A_95 = arith.constant 0.000000e+00 : f32
      %broadcast_in_dim3A_96 = vector.broadcast %broadcast_in_dim3A_95 : f32 to vector<16xf32>
      %swap3A_97 = arith.index_cast %scan3A_47 : i32 to index
      %swap3A_98 = arith.constant 112 : index
      %swap3A_99 = tpu.vector_load %arg8[%swap3A_97, %swap3A_98] {strides = array<i32>} : memref<128x128xf32, #tpu.memory_space<vmem>>, vector<1x16xf32>,
      %swap3A_100 = vector.shape_cast %swap3A_99 : vector<1x16xf32> to vector<16xf32>
      %swap3A_101 = vector.shape_cast %broadcast_in_dim3A_96 : vector<16xf32> to vector<1x16xf32>
      tpu.vector_store %arg8[%swap3A_97, %swap3A_98], %swap3A_101 {strides = array<i32>} : memref<128x128xf32, #tpu.memory_space<vmem>>, vector<1x16xf32>,
    }
    %scan3A_5 = arith.constant 128 : i32
    %mul3A_6 = arith.constant 632 : i32
    %mul3A_7 = arith.muli %arg1, %mul3A_6 : i32
    %add3A_8 = arith.constant 0 : i32
    %add3A_9 = arith.addi %mul3A_7, %add3A_8 : i32
    "tpu.region"() ({
      %run_scoped3A = tpu.sem_alloc : memref<!tpu.dma_semaphore, #tpu.memory_space<semaphore_mem>>
      %dma_start3A = arith.constant 0 : i32
      %dma_start3A_47 = arith.constant 0 : i32
      %dma_start3A_48 = tpu.memref_slice %arg8[%dma_start3A, %dma_start3A_47] : memref<128x128xf32, #tpu.memory_space<vmem>> -> memref<128x128xf32, #tpu.memory_space<vmem>>
      %dma_start3A_49 = arith.constant 0 : i32
      %dma_start3A_50 = tpu.memref_slice %arg9[%add3A_9, %dma_start3A_49] : memref<10112x128xf32, #tpu.memory_space<vmem_shared>> -> memref<128x128xf32, #tpu.memory_space<vmem_shared>>
      %dma_start3A_51 = arith.constant 0 : i32
      %dma_start3A_52 = tpu.memref_slice %arg9[%add3A_9, %dma_start3A_51] : memref<10112x128xf32, #tpu.memory_space<vmem_shared>> -> memref<128x128xf32, #tpu.memory_space<vmem_shared>>
      %dma_start3A_53 = arith.constant 0 : i32
      %dma_start3A_54 = arith.constant 0 : i32
      %dma_start3A_55 = tpu.memref_slice %arg8[%dma_start3A_53, %dma_start3A_54] : memref<128x128xf32, #tpu.memory_space<vmem>> -> memref<128x128xf32, #tpu.memory_space<vmem>>
      tpu.enqueue_dma source(%dma_start3A_55 : memref<128x128xf32, #tpu.memory_space<vmem>>) target(%dma_start3A_52 : memref<128x128xf32, #tpu.memory_space<vmem_shared>>) target_semaphore(%run_scoped3A : memref<!tpu.dma_semaphore, #tpu.memory_space<semaphore_mem>>)
      %dma_wait3A = arith.constant 0 : i32
      %dma_wait3A_56 = arith.constant 0 : i32
      %dma_wait3A_57 = tpu.memref_slice %arg8[%dma_wait3A, %dma_wait3A_56] : memref<128x128xf32, #tpu.memory_space<vmem>> -> memref<128x128xf32, #tpu.memory_space<vmem>>
      %dma_wait3A_58 = arith.constant 0 : i32
      %dma_wait3A_59 = tpu.memref_slice %arg9[%add3A_9, %dma_wait3A_58] : memref<10112x128xf32, #tpu.memory_space<vmem_shared>> -> memref<128x128xf32, #tpu.memory_space<vmem_shared>>
      %dma_wait3A_60 = arith.constant 0 : i32
      %dma_wait3A_61 = tpu.memref_slice %arg9[%add3A_9, %dma_wait3A_60] : memref<10112x128xf32, #tpu.memory_space<vmem_shared>> -> memref<128x128xf32, #tpu.memory_space<vmem_shared>>
      %dma_wait3A_62 = arith.constant 0 : i32
      %dma_wait3A_63 = arith.constant 0 : i32
      %dma_wait3A_64 = tpu.memref_slice %arg8[%dma_wait3A_62, %dma_wait3A_63] : memref<128x128xf32, #tpu.memory_space<vmem>> -> memref<128x128xf32, #tpu.memory_space<vmem>>
      tpu.wait_dma2 semaphore(%run_scoped3A : memref<!tpu.dma_semaphore, #tpu.memory_space<semaphore_mem>>) src(%dma_wait3A_64 : memref<128x128xf32, #tpu.memory_space<vmem>>) dst(%dma_wait3A_61 : memref<128x128xf32, #tpu.memory_space<vmem_shared>>)
      tpu.yield
    }) : () -> ()
    %add3A_10 = arith.constant 128 : i32
    %add3A_11 = arith.addi %mul3A_7, %add3A_10 : i32
    "tpu.region"() ({
      %run_scoped3A = tpu.sem_alloc : memref<!tpu.dma_semaphore, #tpu.memory_space<semaphore_mem>>
      %dma_start3A = arith.constant 0 : i32
      %dma_start3A_47 = arith.constant 0 : i32
      %dma_start3A_48 = tpu.memref_slice %arg8[%dma_start3A, %dma_start3A_47] : memref<128x128xf32, #tpu.memory_space<vmem>> -> memref<128x128xf32, #tpu.memory_space<vmem>>
      %dma_start3A_49 = arith.constant 0 : i32
      %dma_start3A_50 = tpu.memref_slice %arg9[%add3A_11, %dma_start3A_49] : memref<10112x128xf32, #tpu.memory_space<vmem_shared>> -> memref<128x128xf32, #tpu.memory_space<vmem_shared>>
      %dma_start3A_51 = arith.constant 0 : i32
      %dma_start3A_52 = tpu.memref_slice %arg9[%add3A_11, %dma_start3A_51] : memref<10112x128xf32, #tpu.memory_space<vmem_shared>> -> memref<128x128xf32, #tpu.memory_space<vmem_shared>>
      %dma_start3A_53 = arith.constant 0 : i32
      %dma_start3A_54 = arith.constant 0 : i32
      %dma_start3A_55 = tpu.memref_slice %arg8[%dma_start3A_53, %dma_start3A_54] : memref<128x128xf32, #tpu.memory_space<vmem>> -> memref<128x128xf32, #tpu.memory_space<vmem>>
      tpu.enqueue_dma source(%dma_start3A_55 : memref<128x128xf32, #tpu.memory_space<vmem>>) target(%dma_start3A_52 : memref<128x128xf32, #tpu.memory_space<vmem_shared>>) target_semaphore(%run_scoped3A : memref<!tpu.dma_semaphore, #tpu.memory_space<semaphore_mem>>)
      %dma_wait3A = arith.constant 0 : i32
      %dma_wait3A_56 = arith.constant 0 : i32
      %dma_wait3A_57 = tpu.memref_slice %arg8[%dma_wait3A, %dma_wait3A_56] : memref<128x128xf32, #tpu.memory_space<vmem>> -> memref<128x128xf32, #tpu.memory_space<vmem>>
      %dma_wait3A_58 = arith.constant 0 : i32
      %dma_wait3A_59 = tpu.memref_slice %arg9[%add3A_11, %dma_wait3A_58] : memref<10112x128xf32, #tpu.memory_space<vmem_shared>> -> memref<128x128xf32, #tpu.memory_space<vmem_shared>>
      %dma_wait3A_60 = arith.constant 0 : i32
      %dma_wait3A_61 = tpu.memref_slice %arg9[%add3A_11, %dma_wait3A_60] : memref<10112x128xf32, #tpu.memory_space<vmem_shared>> -> memref<128x128xf32, #tpu.memory_space<vmem_shared>>
      %dma_wait3A_62 = arith.constant 0 : i32
      %dma_wait3A_63 = arith.constant 0 : i32
      %dma_wait3A_64 = tpu.memref_slice %arg8[%dma_wait3A_62, %dma_wait3A_63] : memref<128x128xf32, #tpu.memory_space<vmem>> -> memref<128x128xf32, #tpu.memory_space<vmem>>
      tpu.wait_dma2 semaphore(%run_scoped3A : memref<!tpu.dma_semaphore, #tpu.memory_space<semaphore_mem>>) src(%dma_wait3A_64 : memref<128x128xf32, #tpu.memory_space<vmem>>) dst(%dma_wait3A_61 : memref<128x128xf32, #tpu.memory_space<vmem_shared>>)
      tpu.yield
    }) : () -> ()
    %add3A_12 = arith.constant 256 : i32
    %add3A_13 = arith.addi %mul3A_7, %add3A_12 : i32
    "tpu.region"() ({
      %run_scoped3A = tpu.sem_alloc : memref<!tpu.dma_semaphore, #tpu.memory_space<semaphore_mem>>
      %dma_start3A = arith.constant 0 : i32
      %dma_start3A_47 = arith.constant 0 : i32
      %dma_start3A_48 = tpu.memref_slice %arg8[%dma_start3A, %dma_start3A_47] : memref<128x128xf32, #tpu.memory_space<vmem>> -> memref<128x128xf32, #tpu.memory_space<vmem>>
      %dma_start3A_49 = arith.constant 0 : i32
      %dma_start3A_50 = tpu.memref_slice %arg9[%add3A_13, %dma_start3A_49] : memref<10112x128xf32, #tpu.memory_space<vmem_shared>> -> memref<128x128xf32, #tpu.memory_space<vmem_shared>>
      %dma_start3A_51 = arith.constant 0 : i32
      %dma_start3A_52 = tpu.memref_slice %arg9[%add3A_13, %dma_start3A_51] : memref<10112x128xf32, #tpu.memory_space<vmem_shared>> -> memref<128x128xf32, #tpu.memory_space<vmem_shared>>
      %dma_start3A_53 = arith.constant 0 : i32
      %dma_start3A_54 = arith.constant 0 : i32
      %dma_start3A_55 = tpu.memref_slice %arg8[%dma_start3A_53, %dma_start3A_54] : memref<128x128xf32, #tpu.memory_space<vmem>> -> memref<128x128xf32, #tpu.memory_space<vmem>>
      tpu.enqueue_dma source(%dma_start3A_55 : memref<128x128xf32, #tpu.memory_space<vmem>>) target(%dma_start3A_52 : memref<128x128xf32, #tpu.memory_space<vmem_shared>>) target_semaphore(%run_scoped3A : memref<!tpu.dma_semaphore, #tpu.memory_space<semaphore_mem>>)
      %dma_wait3A = arith.constant 0 : i32
      %dma_wait3A_56 = arith.constant 0 : i32
      %dma_wait3A_57 = tpu.memref_slice %arg8[%dma_wait3A, %dma_wait3A_56] : memref<128x128xf32, #tpu.memory_space<vmem>> -> memref<128x128xf32, #tpu.memory_space<vmem>>
      %dma_wait3A_58 = arith.constant 0 : i32
      %dma_wait3A_59 = tpu.memref_slice %arg9[%add3A_13, %dma_wait3A_58] : memref<10112x128xf32, #tpu.memory_space<vmem_shared>> -> memref<128x128xf32, #tpu.memory_space<vmem_shared>>
      %dma_wait3A_60 = arith.constant 0 : i32
      %dma_wait3A_61 = tpu.memref_slice %arg9[%add3A_13, %dma_wait3A_60] : memref<10112x128xf32, #tpu.memory_space<vmem_shared>> -> memref<128x128xf32, #tpu.memory_space<vmem_shared>>
      %dma_wait3A_62 = arith.constant 0 : i32
      %dma_wait3A_63 = arith.constant 0 : i32
      %dma_wait3A_64 = tpu.memref_slice %arg8[%dma_wait3A_62, %dma_wait3A_63] : memref<128x128xf32, #tpu.memory_space<vmem>> -> memref<128x128xf32, #tpu.memory_space<vmem>>
      tpu.wait_dma2 semaphore(%run_scoped3A : memref<!tpu.dma_semaphore, #tpu.memory_space<semaphore_mem>>) src(%dma_wait3A_64 : memref<128x128xf32, #tpu.memory_space<vmem>>) dst(%dma_wait3A_61 : memref<128x128xf32, #tpu.memory_space<vmem_shared>>)
      tpu.yield
    }) : () -> ()
    %add3A_14 = arith.constant 384 : i32
    %add3A_15 = arith.addi %mul3A_7, %add3A_14 : i32
    "tpu.region"() ({
      %run_scoped3A = tpu.sem_alloc : memref<!tpu.dma_semaphore, #tpu.memory_space<semaphore_mem>>
      %dma_start3A = arith.constant 0 : i32
      %dma_start3A_47 = arith.constant 0 : i32
      %dma_start3A_48 = tpu.memref_slice %arg8[%dma_start3A, %dma_start3A_47] : memref<128x128xf32, #tpu.memory_space<vmem>> -> memref<128x128xf32, #tpu.memory_space<vmem>>
      %dma_start3A_49 = arith.constant 0 : i32
      %dma_start3A_50 = tpu.memref_slice %arg9[%add3A_15, %dma_start3A_49] : memref<10112x128xf32, #tpu.memory_space<vmem_shared>> -> memref<128x128xf32, #tpu.memory_space<vmem_shared>>
      %dma_start3A_51 = arith.constant 0 : i32
      %dma_start3A_52 = tpu.memref_slice %arg9[%add3A_15, %dma_start3A_51] : memref<10112x128xf32, #tpu.memory_space<vmem_shared>> -> memref<128x128xf32, #tpu.memory_space<vmem_shared>>
      %dma_start3A_53 = arith.constant 0 : i32
      %dma_start3A_54 = arith.constant 0 : i32
      %dma_start3A_55 = tpu.memref_slice %arg8[%dma_start3A_53, %dma_start3A_54] : memref<128x128xf32, #tpu.memory_space<vmem>> -> memref<128x128xf32, #tpu.memory_space<vmem>>
      tpu.enqueue_dma source(%dma_start3A_55 : memref<128x128xf32, #tpu.memory_space<vmem>>) target(%dma_start3A_52 : memref<128x128xf32, #tpu.memory_space<vmem_shared>>) target_semaphore(%run_scoped3A : memref<!tpu.dma_semaphore, #tpu.memory_space<semaphore_mem>>)
      %dma_wait3A = arith.constant 0 : i32
      %dma_wait3A_56 = arith.constant 0 : i32
      %dma_wait3A_57 = tpu.memref_slice %arg8[%dma_wait3A, %dma_wait3A_56] : memref<128x128xf32, #tpu.memory_space<vmem>> -> memref<128x128xf32, #tpu.memory_space<vmem>>
      %dma_wait3A_58 = arith.constant 0 : i32
      %dma_wait3A_59 = tpu.memref_slice %arg9[%add3A_15, %dma_wait3A_58] : memref<10112x128xf32, #tpu.memory_space<vmem_shared>> -> memref<128x128xf32, #tpu.memory_space<vmem_shared>>
      %dma_wait3A_60 = arith.constant 0 : i32
      %dma_wait3A_61 = tpu.memref_slice %arg9[%add3A_15, %dma_wait3A_60] : memref<10112x128xf32, #tpu.memory_space<vmem_shared>> -> memref<128x128xf32, #tpu.memory_space<vmem_shared>>
      %dma_wait3A_62 = arith.constant 0 : i32
      %dma_wait3A_63 = arith.constant 0 : i32
      %dma_wait3A_64 = tpu.memref_slice %arg8[%dma_wait3A_62, %dma_wait3A_63] : memref<128x128xf32, #tpu.memory_space<vmem>> -> memref<128x128xf32, #tpu.memory_space<vmem>>
      tpu.wait_dma2 semaphore(%run_scoped3A : memref<!tpu.dma_semaphore, #tpu.memory_space<semaphore_mem>>) src(%dma_wait3A_64 : memref<128x128xf32, #tpu.memory_space<vmem>>) dst(%dma_wait3A_61 : memref<128x128xf32, #tpu.memory_space<vmem_shared>>)
      tpu.yield
    }) : () -> ()
    %add3A_16 = arith.constant 512 : i32
    %add3A_17 = arith.addi %mul3A_7, %add3A_16 : i32
    "tpu.region"() ({
      %run_scoped3A = tpu.sem_alloc : memref<!tpu.dma_semaphore, #tpu.memory_space<semaphore_mem>>
      %dma_start3A = arith.constant 0 : i32
      %dma_start3A_47 = arith.constant 0 : i32
      %dma_start3A_48 = tpu.memref_slice %arg8[%dma_start3A, %dma_start3A_47] : memref<128x128xf32, #tpu.memory_space<vmem>> -> memref<120x128xf32, #tpu.memory_space<vmem>>
      %dma_start3A_49 = arith.constant 0 : i32
      %dma_start3A_50 = tpu.memref_slice %arg9[%add3A_17, %dma_start3A_49] : memref<10112x128xf32, #tpu.memory_space<vmem_shared>> -> memref<120x128xf32, #tpu.memory_space<vmem_shared>>
      %dma_start3A_51 = arith.constant 0 : i32
      %dma_start3A_52 = tpu.memref_slice %arg9[%add3A_17, %dma_start3A_51] : memref<10112x128xf32, #tpu.memory_space<vmem_shared>> -> memref<120x128xf32, #tpu.memory_space<vmem_shared>>
      %dma_start3A_53 = arith.constant 0 : i32
      %dma_start3A_54 = arith.constant 0 : i32
      %dma_start3A_55 = tpu.memref_slice %arg8[%dma_start3A_53, %dma_start3A_54] : memref<128x128xf32, #tpu.memory_space<vmem>> -> memref<120x128xf32, #tpu.memory_space<vmem>>
      tpu.enqueue_dma source(%dma_start3A_55 : memref<120x128xf32, #tpu.memory_space<vmem>>) target(%dma_start3A_52 : memref<120x128xf32, #tpu.memory_space<vmem_shared>>) target_semaphore(%run_scoped3A : memref<!tpu.dma_semaphore, #tpu.memory_space<semaphore_mem>>)
      %dma_wait3A = arith.constant 0 : i32
      %dma_wait3A_56 = arith.constant 0 : i32
      %dma_wait3A_57 = tpu.memref_slice %arg8[%dma_wait3A, %dma_wait3A_56] : memref<128x128xf32, #tpu.memory_space<vmem>> -> memref<120x128xf32, #tpu.memory_space<vmem>>
      %dma_wait3A_58 = arith.constant 0 : i32
      %dma_wait3A_59 = tpu.memref_slice %arg9[%add3A_17, %dma_wait3A_58] : memref<10112x128xf32, #tpu.memory_space<vmem_shared>> -> memref<120x128xf32, #tpu.memory_space<vmem_shared>>
      %dma_wait3A_60 = arith.constant 0 : i32
      %dma_wait3A_61 = tpu.memref_slice %arg9[%add3A_17, %dma_wait3A_60] : memref<10112x128xf32, #tpu.memory_space<vmem_shared>> -> memref<120x128xf32, #tpu.memory_space<vmem_shared>>
      %dma_wait3A_62 = arith.constant 0 : i32
      %dma_wait3A_63 = arith.constant 0 : i32
      %dma_wait3A_64 = tpu.memref_slice %arg8[%dma_wait3A_62, %dma_wait3A_63] : memref<128x128xf32, #tpu.memory_space<vmem>> -> memref<120x128xf32, #tpu.memory_space<vmem>>
      tpu.wait_dma2 semaphore(%run_scoped3A : memref<!tpu.dma_semaphore, #tpu.memory_space<semaphore_mem>>) src(%dma_wait3A_64 : memref<120x128xf32, #tpu.memory_space<vmem>>) dst(%dma_wait3A_61 : memref<120x128xf32, #tpu.memory_space<vmem_shared>>)
      tpu.yield
    }) : () -> ()
    %barrier3A = arith.constant 0 : index
    tpu.barrier barrier_id(%barrier3A)
    %scan3A_18 = arith.constant 0 : i32
    %scan3A_19 = arith.constant 0 : i32
    %scan3A_20 = arith.constant 79 : i32
    %scan3A_21 = arith.addi %scan3A_19, %scan3A_20 : i32
    %scan3A_22 = arith.constant 1 : i32
    scf.for %scan3A_47 = %scan3A_19 to %scan3A_21 step %scan3A_22  : i32 {
      "tpu.region"() ({
        %run_scoped3A = tpu.sem_alloc : memref<!tpu.dma_semaphore, #tpu.memory_space<semaphore_mem>>
        %dma_start3A = arith.constant 0 : i32
        %dma_start3A_48 = tpu.memref_slice %arg6[%scan3A_47, %dma_start3A] : memref<79x128xi32, #tpu.memory_space<vmem>> -> memref<1x128xi32, #tpu.memory_space<vmem>>
        %dma_start3A_49 = tpu.memref_squeeze %dma_start3A_48 : memref<1x128xi32, #tpu.memory_space<vmem>> -> memref<128xi32, #tpu.memory_space<vmem>>
        %dma_start3A_50 = arith.constant 0 : i32
        %dma_start3A_51 = arith.constant 0 : i32
        %dma_start3A_52 = tpu.memref_slice %arg2[%dma_start3A_50, %dma_start3A_51] : memref<10000x128xf32, #tpu.memory_space<hbm>> -> memref<10000x128xf32, #tpu.memory_space<hbm>>
        tpu.enqueue_indirect_dma source(%dma_start3A_52 : memref<10000x128xf32, #tpu.memory_space<hbm>>) target(%arg8 : memref<128x128xf32, #tpu.memory_space<vmem>>) offsets(%dma_start3A_49 : memref<128xi32, #tpu.memory_space<vmem>>) semaphore(%run_scoped3A : memref<!tpu.dma_semaphore, #tpu.memory_space<semaphore_mem>>)
        %dma_wait3A = arith.constant 0 : i32
        %dma_wait3A_53 = tpu.memref_slice %arg6[%scan3A_47, %dma_wait3A] : memref<79x128xi32, #tpu.memory_space<vmem>> -> memref<1x128xi32, #tpu.memory_space<vmem>>
        %dma_wait3A_54 = tpu.memref_squeeze %dma_wait3A_53 : memref<1x128xi32, #tpu.memory_space<vmem>> -> memref<128xi32, #tpu.memory_space<vmem>>
        %dma_wait3A_55 = arith.constant 0 : i32
        %dma_wait3A_56 = arith.constant 0 : i32
        %dma_wait3A_57 = tpu.memref_slice %arg2[%dma_wait3A_55, %dma_wait3A_56] : memref<10000x128xf32, #tpu.memory_space<hbm>> -> memref<10000x128xf32, #tpu.memory_space<hbm>>
        tpu.wait_indirect_dma semaphore(%run_scoped3A : memref<!tpu.dma_semaphore, #tpu.memory_space<semaphore_mem>>) src(%dma_wait3A_57 : memref<10000x128xf32, #tpu.memory_space<hbm>>) dst(%arg8 : memref<128x128xf32, #tpu.memory_space<vmem>>)
        tpu.yield
      }) : () -> ()
      "tpu.region"() ({
        %run_scoped3A = tpu.sem_alloc : memref<!tpu.dma_semaphore, #tpu.memory_space<semaphore_mem>>
        %dma_start3A = arith.constant 0 : i32
        %dma_start3A_48 = tpu.memref_slice %arg7[%scan3A_47, %dma_start3A] : memref<79x128xi32, #tpu.memory_space<vmem>> -> memref<1x128xi32, #tpu.memory_space<vmem>>
        %dma_start3A_49 = tpu.memref_squeeze %dma_start3A_48 : memref<1x128xi32, #tpu.memory_space<vmem>> -> memref<128xi32, #tpu.memory_space<vmem>>
        %dma_start3A_50 = arith.constant 0 : i32
        %dma_start3A_51 = arith.constant 0 : i32
        %dma_start3A_52 = tpu.memref_slice %arg9[%dma_start3A_50, %dma_start3A_51] : memref<10112x128xf32, #tpu.memory_space<vmem_shared>> -> memref<10112x128xf32, #tpu.memory_space<vmem_shared>>
        tpu.enqueue_indirect_dma source(%arg8 : memref<128x128xf32, #tpu.memory_space<vmem>>) target(%dma_start3A_52 : memref<10112x128xf32, #tpu.memory_space<vmem_shared>>) offsets(%dma_start3A_49 : memref<128xi32, #tpu.memory_space<vmem>>) semaphore(%run_scoped3A : memref<!tpu.dma_semaphore, #tpu.memory_space<semaphore_mem>>) {add = true}
        %dma_wait3A = arith.constant 0 : i32
        %dma_wait3A_53 = tpu.memref_slice %arg7[%scan3A_47, %dma_wait3A] : memref<79x128xi32, #tpu.memory_space<vmem>> -> memref<1x128xi32, #tpu.memory_space<vmem>>
        %dma_wait3A_54 = tpu.memref_squeeze %dma_wait3A_53 : memref<1x128xi32, #tpu.memory_space<vmem>> -> memref<128xi32, #tpu.memory_space<vmem>>
        %dma_wait3A_55 = arith.constant 0 : i32
        %dma_wait3A_56 = arith.constant 0 : i32
        %dma_wait3A_57 = tpu.memref_slice %arg9[%dma_wait3A_55, %dma_wait3A_56] : memref<10112x128xf32, #tpu.memory_space<vmem_shared>> -> memref<10112x128xf32, #tpu.memory_space<vmem_shared>>
        tpu.wait_indirect_dma semaphore(%run_scoped3A : memref<!tpu.dma_semaphore, #tpu.memory_space<semaphore_mem>>) src(%arg8 : memref<128x128xf32, #tpu.memory_space<vmem>>) dst(%dma_wait3A_57 : memref<10112x128xf32, #tpu.memory_space<vmem_shared>>)
        tpu.yield
      }) : () -> ()
    }
    %scan3A_23 = arith.constant 79 : i32
    %barrier3A_24 = arith.constant 0 : index
    tpu.barrier barrier_id(%barrier3A_24)
    %mul3A_25 = arith.constant 632 : i32
    %mul3A_26 = arith.muli %arg1, %mul3A_25 : i32
    %add3A_27 = arith.constant 0 : i32
    %add3A_28 = arith.addi %mul3A_26, %add3A_27 : i32
    "tpu.region"() ({
      %run_scoped3A = tpu.sem_alloc : memref<!tpu.dma_semaphore, #tpu.memory_space<semaphore_mem>>
      %dma_start3A = arith.constant 0 : i32
      %dma_start3A_47 = arith.constant 0 : i32
      %dma_start3A_48 = tpu.memref_slice %arg8[%dma_start3A, %dma_start3A_47] : memref<128x128xf32, #tpu.memory_space<vmem>> -> memref<128x128xf32, #tpu.memory_space<vmem>>
      %dma_start3A_49 = arith.constant 0 : i32
      %dma_start3A_50 = tpu.memref_slice %arg9[%add3A_28, %dma_start3A_49] : memref<10112x128xf32, #tpu.memory_space<vmem_shared>> -> memref<128x128xf32, #tpu.memory_space<vmem_shared>>
      %dma_start3A_51 = arith.constant 0 : i32
      %dma_start3A_52 = arith.constant 0 : i32
      %dma_start3A_53 = tpu.memref_slice %arg8[%dma_start3A_51, %dma_start3A_52] : memref<128x128xf32, #tpu.memory_space<vmem>> -> memref<128x128xf32, #tpu.memory_space<vmem>>
      %dma_start3A_54 = arith.constant 0 : i32
      %dma_start3A_55 = tpu.memref_slice %arg9[%add3A_28, %dma_start3A_54] : memref<10112x128xf32, #tpu.memory_space<vmem_shared>> -> memref<128x128xf32, #tpu.memory_space<vmem_shared>>
      tpu.enqueue_dma source(%dma_start3A_55 : memref<128x128xf32, #tpu.memory_space<vmem_shared>>) target(%dma_start3A_53 : memref<128x128xf32, #tpu.memory_space<vmem>>) target_semaphore(%run_scoped3A : memref<!tpu.dma_semaphore, #tpu.memory_space<semaphore_mem>>)
      %dma_wait3A = arith.constant 0 : i32
      %dma_wait3A_56 = arith.constant 0 : i32
      %dma_wait3A_57 = tpu.memref_slice %arg8[%dma_wait3A, %dma_wait3A_56] : memref<128x128xf32, #tpu.memory_space<vmem>> -> memref<128x128xf32, #tpu.memory_space<vmem>>
      %dma_wait3A_58 = arith.constant 0 : i32
      %dma_wait3A_59 = tpu.memref_slice %arg9[%add3A_28, %dma_wait3A_58] : memref<10112x128xf32, #tpu.memory_space<vmem_shared>> -> memref<128x128xf32, #tpu.memory_space<vmem_shared>>
      %dma_wait3A_60 = arith.constant 0 : i32
      %dma_wait3A_61 = arith.constant 0 : i32
      %dma_wait3A_62 = tpu.memref_slice %arg8[%dma_wait3A_60, %dma_wait3A_61] : memref<128x128xf32, #tpu.memory_space<vmem>> -> memref<128x128xf32, #tpu.memory_space<vmem>>
      %dma_wait3A_63 = arith.constant 0 : i32
      %dma_wait3A_64 = tpu.memref_slice %arg9[%add3A_28, %dma_wait3A_63] : memref<10112x128xf32, #tpu.memory_space<vmem_shared>> -> memref<128x128xf32, #tpu.memory_space<vmem_shared>>
      tpu.wait_dma2 semaphore(%run_scoped3A : memref<!tpu.dma_semaphore, #tpu.memory_space<semaphore_mem>>) src(%dma_wait3A_64 : memref<128x128xf32, #tpu.memory_space<vmem_shared>>) dst(%dma_wait3A_62 : memref<128x128xf32, #tpu.memory_space<vmem>>)
      tpu.yield
    }) : () -> ()
    %add3A_29 = arith.constant 0 : i32
    %add3A_30 = arith.addi %mul3A_26, %add3A_29 : i32
    "tpu.region"() ({
      %run_scoped3A = tpu.sem_alloc : memref<!tpu.dma_semaphore, #tpu.memory_space<semaphore_mem>>
      %dma_start3A = arith.constant 0 : i32
      %dma_start3A_47 = arith.constant 0 : i32
      %dma_start3A_48 = tpu.memref_slice %arg8[%dma_start3A, %dma_start3A_47] : memref<128x128xf32, #tpu.memory_space<vmem>> -> memref<128x128xf32, #tpu.memory_space<vmem>>
      %dma_start3A_49 = arith.constant 0 : i32
      %dma_start3A_50 = arith.constant 0 : i32
      %dma_start3A_51 = tpu.memref_slice %arg5[%arg0, %dma_start3A_49, %dma_start3A_50] : memref<2x10112x128xf32, #tpu.memory_space<hbm>> -> memref<1x10112x128xf32, #tpu.memory_space<hbm>>
      %dma_start3A_52 = tpu.memref_squeeze %dma_start3A_51 : memref<1x10112x128xf32, #tpu.memory_space<hbm>> -> memref<10112x128xf32, #tpu.memory_space<hbm>>
      %dma_start3A_53 = arith.constant 0 : i32
      %dma_start3A_54 = tpu.memref_slice %dma_start3A_52[%add3A_30, %dma_start3A_53] : memref<10112x128xf32, #tpu.memory_space<hbm>> -> memref<128x128xf32, #tpu.memory_space<hbm>>
      %dma_start3A_55 = arith.constant 0 : i32
      %dma_start3A_56 = arith.constant 0 : i32
      %dma_start3A_57 = tpu.memref_slice %arg5[%arg0, %dma_start3A_55, %dma_start3A_56] : memref<2x10112x128xf32, #tpu.memory_space<hbm>> -> memref<1x10112x128xf32, #tpu.memory_space<hbm>>
      %dma_start3A_58 = tpu.memref_squeeze %dma_start3A_57 : memref<1x10112x128xf32, #tpu.memory_space<hbm>> -> memref<10112x128xf32, #tpu.memory_space<hbm>>
      %dma_start3A_59 = arith.constant 0 : i32
      %dma_start3A_60 = tpu.memref_slice %dma_start3A_58[%add3A_30, %dma_start3A_59] : memref<10112x128xf32, #tpu.memory_space<hbm>> -> memref<128x128xf32, #tpu.memory_space<hbm>>
      %dma_start3A_61 = arith.constant 0 : i32
      %dma_start3A_62 = arith.constant 0 : i32
      %dma_start3A_63 = tpu.memref_slice %arg8[%dma_start3A_61, %dma_start3A_62] : memref<128x128xf32, #tpu.memory_space<vmem>> -> memref<128x128xf32, #tpu.memory_space<vmem>>
      tpu.enqueue_dma source(%dma_start3A_63 : memref<128x128xf32, #tpu.memory_space<vmem>>) target(%dma_start3A_60 : memref<128x128xf32, #tpu.memory_space<hbm>>) target_semaphore(%run_scoped3A : memref<!tpu.dma_semaphore, #tpu.memory_space<semaphore_mem>>)
      %dma_wait3A = arith.constant 0 : i32
      %dma_wait3A_64 = arith.constant 0 : i32
      %dma_wait3A_65 = tpu.memref_slice %arg8[%dma_wait3A, %dma_wait3A_64] : memref<128x128xf32, #tpu.memory_space<vmem>> -> memref<128x128xf32, #tpu.memory_space<vmem>>
      %dma_wait3A_66 = arith.constant 0 : i32
      %dma_wait3A_67 = arith.constant 0 : i32
      %dma_wait3A_68 = tpu.memref_slice %arg5[%arg0, %dma_wait3A_66, %dma_wait3A_67] : memref<2x10112x128xf32, #tpu.memory_space<hbm>> -> memref<1x10112x128xf32, #tpu.memory_space<hbm>>
      %dma_wait3A_69 = tpu.memref_squeeze %dma_wait3A_68 : memref<1x10112x128xf32, #tpu.memory_space<hbm>> -> memref<10112x128xf32, #tpu.memory_space<hbm>>
      %dma_wait3A_70 = arith.constant 0 : i32
      %dma_wait3A_71 = tpu.memref_slice %dma_wait3A_69[%add3A_30, %dma_wait3A_70] : memref<10112x128xf32, #tpu.memory_space<hbm>> -> memref<128x128xf32, #tpu.memory_space<hbm>>
      %dma_wait3A_72 = arith.constant 0 : i32
      %dma_wait3A_73 = arith.constant 0 : i32
      %dma_wait3A_74 = tpu.memref_slice %arg5[%arg0, %dma_wait3A_72, %dma_wait3A_73] : memref<2x10112x128xf32, #tpu.memory_space<hbm>> -> memref<1x10112x128xf32, #tpu.memory_space<hbm>>
      %dma_wait3A_75 = tpu.memref_squeeze %dma_wait3A_74 : memref<1x10112x128xf32, #tpu.memory_space<hbm>> -> memref<10112x128xf32, #tpu.memory_space<hbm>>
      %dma_wait3A_76 = arith.constant 0 : i32
      %dma_wait3A_77 = tpu.memref_slice %dma_wait3A_75[%add3A_30, %dma_wait3A_76] : memref<10112x128xf32, #tpu.memory_space<hbm>> -> memref<128x128xf32, #tpu.memory_space<hbm>>
      %dma_wait3A_78 = arith.constant 0 : i32
      %dma_wait3A_79 = arith.constant 0 : i32
      %dma_wait3A_80 = tpu.memref_slice %arg8[%dma_wait3A_78, %dma_wait3A_79] : memref<128x128xf32, #tpu.memory_space<vmem>> -> memref<128x128xf32, #tpu.memory_space<vmem>>
      tpu.wait_dma2 semaphore(%run_scoped3A : memref<!tpu.dma_semaphore, #tpu.memory_space<semaphore_mem>>) src(%dma_wait3A_80 : memref<128x128xf32, #tpu.memory_space<vmem>>) dst(%dma_wait3A_77 : memref<128x128xf32, #tpu.memory_space<hbm>>)
      tpu.yield
    }) : () -> ()
    %add3A_31 = arith.constant 128 : i32
    %add3A_32 = arith.addi %mul3A_26, %add3A_31 : i32
    "tpu.region"() ({
      %run_scoped3A = tpu.sem_alloc : memref<!tpu.dma_semaphore, #tpu.memory_space<semaphore_mem>>
      %dma_start3A = arith.constant 0 : i32
      %dma_start3A_47 = arith.constant 0 : i32
      %dma_start3A_48 = tpu.memref_slice %arg8[%dma_start3A, %dma_start3A_47] : memref<128x128xf32, #tpu.memory_space<vmem>> -> memref<128x128xf32, #tpu.memory_space<vmem>>
      %dma_start3A_49 = arith.constant 0 : i32
      %dma_start3A_50 = tpu.memref_slice %arg9[%add3A_32, %dma_start3A_49] : memref<10112x128xf32, #tpu.memory_space<vmem_shared>> -> memref<128x128xf32, #tpu.memory_space<vmem_shared>>
      %dma_start3A_51 = arith.constant 0 : i32
      %dma_start3A_52 = arith.constant 0 : i32
      %dma_start3A_53 = tpu.memref_slice %arg8[%dma_start3A_51, %dma_start3A_52] : memref<128x128xf32, #tpu.memory_space<vmem>> -> memref<128x128xf32, #tpu.memory_space<vmem>>
      %dma_start3A_54 = arith.constant 0 : i32
      %dma_start3A_55 = tpu.memref_slice %arg9[%add3A_32, %dma_start3A_54] : memref<10112x128xf32, #tpu.memory_space<vmem_shared>> -> memref<128x128xf32, #tpu.memory_space<vmem_shared>>
      tpu.enqueue_dma source(%dma_start3A_55 : memref<128x128xf32, #tpu.memory_space<vmem_shared>>) target(%dma_start3A_53 : memref<128x128xf32, #tpu.memory_space<vmem>>) target_semaphore(%run_scoped3A : memref<!tpu.dma_semaphore, #tpu.memory_space<semaphore_mem>>)
      %dma_wait3A = arith.constant 0 : i32
      %dma_wait3A_56 = arith.constant 0 : i32
      %dma_wait3A_57 = tpu.memref_slice %arg8[%dma_wait3A, %dma_wait3A_56] : memref<128x128xf32, #tpu.memory_space<vmem>> -> memref<128x128xf32, #tpu.memory_space<vmem>>
      %dma_wait3A_58 = arith.constant 0 : i32
      %dma_wait3A_59 = tpu.memref_slice %arg9[%add3A_32, %dma_wait3A_58] : memref<10112x128xf32, #tpu.memory_space<vmem_shared>> -> memref<128x128xf32, #tpu.memory_space<vmem_shared>>
      %dma_wait3A_60 = arith.constant 0 : i32
      %dma_wait3A_61 = arith.constant 0 : i32
      %dma_wait3A_62 = tpu.memref_slice %arg8[%dma_wait3A_60, %dma_wait3A_61] : memref<128x128xf32, #tpu.memory_space<vmem>> -> memref<128x128xf32, #tpu.memory_space<vmem>>
      %dma_wait3A_63 = arith.constant 0 : i32
      %dma_wait3A_64 = tpu.memref_slice %arg9[%add3A_32, %dma_wait3A_63] : memref<10112x128xf32, #tpu.memory_space<vmem_shared>> -> memref<128x128xf32, #tpu.memory_space<vmem_shared>>
      tpu.wait_dma2 semaphore(%run_scoped3A : memref<!tpu.dma_semaphore, #tpu.memory_space<semaphore_mem>>) src(%dma_wait3A_64 : memref<128x128xf32, #tpu.memory_space<vmem_shared>>) dst(%dma_wait3A_62 : memref<128x128xf32, #tpu.memory_space<vmem>>)
      tpu.yield
    }) : () -> ()
    %add3A_33 = arith.constant 128 : i32
    %add3A_34 = arith.addi %mul3A_26, %add3A_33 : i32
    "tpu.region"() ({
      %run_scoped3A = tpu.sem_alloc : memref<!tpu.dma_semaphore, #tpu.memory_space<semaphore_mem>>
      %dma_start3A = arith.constant 0 : i32
      %dma_start3A_47 = arith.constant 0 : i32
      %dma_start3A_48 = tpu.memref_slice %arg8[%dma_start3A, %dma_start3A_47] : memref<128x128xf32, #tpu.memory_space<vmem>> -> memref<128x128xf32, #tpu.memory_space<vmem>>
      %dma_start3A_49 = arith.constant 0 : i32
      %dma_start3A_50 = arith.constant 0 : i32
      %dma_start3A_51 = tpu.memref_slice %arg5[%arg0, %dma_start3A_49, %dma_start3A_50] : memref<2x10112x128xf32, #tpu.memory_space<hbm>> -> memref<1x10112x128xf32, #tpu.memory_space<hbm>>
      %dma_start3A_52 = tpu.memref_squeeze %dma_start3A_51 : memref<1x10112x128xf32, #tpu.memory_space<hbm>> -> memref<10112x128xf32, #tpu.memory_space<hbm>>
      %dma_start3A_53 = arith.constant 0 : i32
      %dma_start3A_54 = tpu.memref_slice %dma_start3A_52[%add3A_34, %dma_start3A_53] : memref<10112x128xf32, #tpu.memory_space<hbm>> -> memref<128x128xf32, #tpu.memory_space<hbm>>
      %dma_start3A_55 = arith.constant 0 : i32
      %dma_start3A_56 = arith.constant 0 : i32
      %dma_start3A_57 = tpu.memref_slice %arg5[%arg0, %dma_start3A_55, %dma_start3A_56] : memref<2x10112x128xf32, #tpu.memory_space<hbm>> -> memref<1x10112x128xf32, #tpu.memory_space<hbm>>
      %dma_start3A_58 = tpu.memref_squeeze %dma_start3A_57 : memref<1x10112x128xf32, #tpu.memory_space<hbm>> -> memref<10112x128xf32, #tpu.memory_space<hbm>>
      %dma_start3A_59 = arith.constant 0 : i32
      %dma_start3A_60 = tpu.memref_slice %dma_start3A_58[%add3A_34, %dma_start3A_59] : memref<10112x128xf32, #tpu.memory_space<hbm>> -> memref<128x128xf32, #tpu.memory_space<hbm>>
      %dma_start3A_61 = arith.constant 0 : i32
      %dma_start3A_62 = arith.constant 0 : i32
      %dma_start3A_63 = tpu.memref_slice %arg8[%dma_start3A_61, %dma_start3A_62] : memref<128x128xf32, #tpu.memory_space<vmem>> -> memref<128x128xf32, #tpu.memory_space<vmem>>
      tpu.enqueue_dma source(%dma_start3A_63 : memref<128x128xf32, #tpu.memory_space<vmem>>) target(%dma_start3A_60 : memref<128x128xf32, #tpu.memory_space<hbm>>) target_semaphore(%run_scoped3A : memref<!tpu.dma_semaphore, #tpu.memory_space<semaphore_mem>>)
      %dma_wait3A = arith.constant 0 : i32
      %dma_wait3A_64 = arith.constant 0 : i32
      %dma_wait3A_65 = tpu.memref_slice %arg8[%dma_wait3A, %dma_wait3A_64] : memref<128x128xf32, #tpu.memory_space<vmem>> -> memref<128x128xf32, #tpu.memory_space<vmem>>
      %dma_wait3A_66 = arith.constant 0 : i32
      %dma_wait3A_67 = arith.constant 0 : i32
      %dma_wait3A_68 = tpu.memref_slice %arg5[%arg0, %dma_wait3A_66, %dma_wait3A_67] : memref<2x10112x128xf32, #tpu.memory_space<hbm>> -> memref<1x10112x128xf32, #tpu.memory_space<hbm>>
      %dma_wait3A_69 = tpu.memref_squeeze %dma_wait3A_68 : memref<1x10112x128xf32, #tpu.memory_space<hbm>> -> memref<10112x128xf32, #tpu.memory_space<hbm>>
      %dma_wait3A_70 = arith.constant 0 : i32
      %dma_wait3A_71 = tpu.memref_slice %dma_wait3A_69[%add3A_34, %dma_wait3A_70] : memref<10112x128xf32, #tpu.memory_space<hbm>> -> memref<128x128xf32, #tpu.memory_space<hbm>>
      %dma_wait3A_72 = arith.constant 0 : i32
      %dma_wait3A_73 = arith.constant 0 : i32
      %dma_wait3A_74 = tpu.memref_slice %arg5[%arg0, %dma_wait3A_72, %dma_wait3A_73] : memref<2x10112x128xf32, #tpu.memory_space<hbm>> -> memref<1x10112x128xf32, #tpu.memory_space<hbm>>
      %dma_wait3A_75 = tpu.memref_squeeze %dma_wait3A_74 : memref<1x10112x128xf32, #tpu.memory_space<hbm>> -> memref<10112x128xf32, #tpu.memory_space<hbm>>
      %dma_wait3A_76 = arith.constant 0 : i32
      %dma_wait3A_77 = tpu.memref_slice %dma_wait3A_75[%add3A_34, %dma_wait3A_76] : memref<10112x128xf32, #tpu.memory_space<hbm>> -> memref<128x128xf32, #tpu.memory_space<hbm>>
      %dma_wait3A_78 = arith.constant 0 : i32
      %dma_wait3A_79 = arith.constant 0 : i32
      %dma_wait3A_80 = tpu.memref_slice %arg8[%dma_wait3A_78, %dma_wait3A_79] : memref<128x128xf32, #tpu.memory_space<vmem>> -> memref<128x128xf32, #tpu.memory_space<vmem>>
      tpu.wait_dma2 semaphore(%run_scoped3A : memref<!tpu.dma_semaphore, #tpu.memory_space<semaphore_mem>>) src(%dma_wait3A_80 : memref<128x128xf32, #tpu.memory_space<vmem>>) dst(%dma_wait3A_77 : memref<128x128xf32, #tpu.memory_space<hbm>>)
      tpu.yield
    }) : () -> ()
    %add3A_35 = arith.constant 256 : i32
    %add3A_36 = arith.addi %mul3A_26, %add3A_35 : i32
    "tpu.region"() ({
      %run_scoped3A = tpu.sem_alloc : memref<!tpu.dma_semaphore, #tpu.memory_space<semaphore_mem>>
      %dma_start3A = arith.constant 0 : i32
      %dma_start3A_47 = arith.constant 0 : i32
      %dma_start3A_48 = tpu.memref_slice %arg8[%dma_start3A, %dma_start3A_47] : memref<128x128xf32, #tpu.memory_space<vmem>> -> memref<128x128xf32, #tpu.memory_space<vmem>>
      %dma_start3A_49 = arith.constant 0 : i32
      %dma_start3A_50 = tpu.memref_slice %arg9[%add3A_36, %dma_start3A_49] : memref<10112x128xf32, #tpu.memory_space<vmem_shared>> -> memref<128x128xf32, #tpu.memory_space<vmem_shared>>
      %dma_start3A_51 = arith.constant 0 : i32
      %dma_start3A_52 = arith.constant 0 : i32
      %dma_start3A_53 = tpu.memref_slice %arg8[%dma_start3A_51, %dma_start3A_52] : memref<128x128xf32, #tpu.memory_space<vmem>> -> memref<128x128xf32, #tpu.memory_space<vmem>>
      %dma_start3A_54 = arith.constant 0 : i32
      %dma_start3A_55 = tpu.memref_slice %arg9[%add3A_36, %dma_start3A_54] : memref<10112x128xf32, #tpu.memory_space<vmem_shared>> -> memref<128x128xf32, #tpu.memory_space<vmem_shared>>
      tpu.enqueue_dma source(%dma_start3A_55 : memref<128x128xf32, #tpu.memory_space<vmem_shared>>) target(%dma_start3A_53 : memref<128x128xf32, #tpu.memory_space<vmem>>) target_semaphore(%run_scoped3A : memref<!tpu.dma_semaphore, #tpu.memory_space<semaphore_mem>>)
      %dma_wait3A = arith.constant 0 : i32
      %dma_wait3A_56 = arith.constant 0 : i32
      %dma_wait3A_57 = tpu.memref_slice %arg8[%dma_wait3A, %dma_wait3A_56] : memref<128x128xf32, #tpu.memory_space<vmem>> -> memref<128x128xf32, #tpu.memory_space<vmem>>
      %dma_wait3A_58 = arith.constant 0 : i32
      %dma_wait3A_59 = tpu.memref_slice %arg9[%add3A_36, %dma_wait3A_58] : memref<10112x128xf32, #tpu.memory_space<vmem_shared>> -> memref<128x128xf32, #tpu.memory_space<vmem_shared>>
      %dma_wait3A_60 = arith.constant 0 : i32
      %dma_wait3A_61 = arith.constant 0 : i32
      %dma_wait3A_62 = tpu.memref_slice %arg8[%dma_wait3A_60, %dma_wait3A_61] : memref<128x128xf32, #tpu.memory_space<vmem>> -> memref<128x128xf32, #tpu.memory_space<vmem>>
      %dma_wait3A_63 = arith.constant 0 : i32
      %dma_wait3A_64 = tpu.memref_slice %arg9[%add3A_36, %dma_wait3A_63] : memref<10112x128xf32, #tpu.memory_space<vmem_shared>> -> memref<128x128xf32, #tpu.memory_space<vmem_shared>>
      tpu.wait_dma2 semaphore(%run_scoped3A : memref<!tpu.dma_semaphore, #tpu.memory_space<semaphore_mem>>) src(%dma_wait3A_64 : memref<128x128xf32, #tpu.memory_space<vmem_shared>>) dst(%dma_wait3A_62 : memref<128x128xf32, #tpu.memory_space<vmem>>)
      tpu.yield
    }) : () -> ()
    %add3A_37 = arith.constant 256 : i32
    %add3A_38 = arith.addi %mul3A_26, %add3A_37 : i32
    "tpu.region"() ({
      %run_scoped3A = tpu.sem_alloc : memref<!tpu.dma_semaphore, #tpu.memory_space<semaphore_mem>>
      %dma_start3A = arith.constant 0 : i32
      %dma_start3A_47 = arith.constant 0 : i32
      %dma_start3A_48 = tpu.memref_slice %arg8[%dma_start3A, %dma_start3A_47] : memref<128x128xf32, #tpu.memory_space<vmem>> -> memref<128x128xf32, #tpu.memory_space<vmem>>
      %dma_start3A_49 = arith.constant 0 : i32
      %dma_start3A_50 = arith.constant 0 : i32
      %dma_start3A_51 = tpu.memref_slice %arg5[%arg0, %dma_start3A_49, %dma_start3A_50] : memref<2x10112x128xf32, #tpu.memory_space<hbm>> -> memref<1x10112x128xf32, #tpu.memory_space<hbm>>
      %dma_start3A_52 = tpu.memref_squeeze %dma_start3A_51 : memref<1x10112x128xf32, #tpu.memory_space<hbm>> -> memref<10112x128xf32, #tpu.memory_space<hbm>>
      %dma_start3A_53 = arith.constant 0 : i32
      %dma_start3A_54 = tpu.memref_slice %dma_start3A_52[%add3A_38, %dma_start3A_53] : memref<10112x128xf32, #tpu.memory_space<hbm>> -> memref<128x128xf32, #tpu.memory_space<hbm>>
      %dma_start3A_55 = arith.constant 0 : i32
      %dma_start3A_56 = arith.constant 0 : i32
      %dma_start3A_57 = tpu.memref_slice %arg5[%arg0, %dma_start3A_55, %dma_start3A_56] : memref<2x10112x128xf32, #tpu.memory_space<hbm>> -> memref<1x10112x128xf32, #tpu.memory_space<hbm>>
      %dma_start3A_58 = tpu.memref_squeeze %dma_start3A_57 : memref<1x10112x128xf32, #tpu.memory_space<hbm>> -> memref<10112x128xf32, #tpu.memory_space<hbm>>
      %dma_start3A_59 = arith.constant 0 : i32
      %dma_start3A_60 = tpu.memref_slice %dma_start3A_58[%add3A_38, %dma_start3A_59] : memref<10112x128xf32, #tpu.memory_space<hbm>> -> memref<128x128xf32, #tpu.memory_space<hbm>>
      %dma_start3A_61 = arith.constant 0 : i32
      %dma_start3A_62 = arith.constant 0 : i32
      %dma_start3A_63 = tpu.memref_slice %arg8[%dma_start3A_61, %dma_start3A_62] : memref<128x128xf32, #tpu.memory_space<vmem>> -> memref<128x128xf32, #tpu.memory_space<vmem>>
      tpu.enqueue_dma source(%dma_start3A_63 : memref<128x128xf32, #tpu.memory_space<vmem>>) target(%dma_start3A_60 : memref<128x128xf32, #tpu.memory_space<hbm>>) target_semaphore(%run_scoped3A : memref<!tpu.dma_semaphore, #tpu.memory_space<semaphore_mem>>)
      %dma_wait3A = arith.constant 0 : i32
      %dma_wait3A_64 = arith.constant 0 : i32
      %dma_wait3A_65 = tpu.memref_slice %arg8[%dma_wait3A, %dma_wait3A_64] : memref<128x128xf32, #tpu.memory_space<vmem>> -> memref<128x128xf32, #tpu.memory_space<vmem>>
      %dma_wait3A_66 = arith.constant 0 : i32
      %dma_wait3A_67 = arith.constant 0 : i32
      %dma_wait3A_68 = tpu.memref_slice %arg5[%arg0, %dma_wait3A_66, %dma_wait3A_67] : memref<2x10112x128xf32, #tpu.memory_space<hbm>> -> memref<1x10112x128xf32, #tpu.memory_space<hbm>>
      %dma_wait3A_69 = tpu.memref_squeeze %dma_wait3A_68 : memref<1x10112x128xf32, #tpu.memory_space<hbm>> -> memref<10112x128xf32, #tpu.memory_space<hbm>>
      %dma_wait3A_70 = arith.constant 0 : i32
      %dma_wait3A_71 = tpu.memref_slice %dma_wait3A_69[%add3A_38, %dma_wait3A_70] : memref<10112x128xf32, #tpu.memory_space<hbm>> -> memref<128x128xf32, #tpu.memory_space<hbm>>
      %dma_wait3A_72 = arith.constant 0 : i32
      %dma_wait3A_73 = arith.constant 0 : i32
      %dma_wait3A_74 = tpu.memref_slice %arg5[%arg0, %dma_wait3A_72, %dma_wait3A_73] : memref<2x10112x128xf32, #tpu.memory_space<hbm>> -> memref<1x10112x128xf32, #tpu.memory_space<hbm>>
      %dma_wait3A_75 = tpu.memref_squeeze %dma_wait3A_74 : memref<1x10112x128xf32, #tpu.memory_space<hbm>> -> memref<10112x128xf32, #tpu.memory_space<hbm>>
      %dma_wait3A_76 = arith.constant 0 : i32
      %dma_wait3A_77 = tpu.memref_slice %dma_wait3A_75[%add3A_38, %dma_wait3A_76] : memref<10112x128xf32, #tpu.memory_space<hbm>> -> memref<128x128xf32, #tpu.memory_space<hbm>>
      %dma_wait3A_78 = arith.constant 0 : i32
      %dma_wait3A_79 = arith.constant 0 : i32
      %dma_wait3A_80 = tpu.memref_slice %arg8[%dma_wait3A_78, %dma_wait3A_79] : memref<128x128xf32, #tpu.memory_space<vmem>> -> memref<128x128xf32, #tpu.memory_space<vmem>>
      tpu.wait_dma2 semaphore(%run_scoped3A : memref<!tpu.dma_semaphore, #tpu.memory_space<semaphore_mem>>) src(%dma_wait3A_80 : memref<128x128xf32, #tpu.memory_space<vmem>>) dst(%dma_wait3A_77 : memref<128x128xf32, #tpu.memory_space<hbm>>)
      tpu.yield
    }) : () -> ()
    %add3A_39 = arith.constant 384 : i32
    %add3A_40 = arith.addi %mul3A_26, %add3A_39 : i32
    "tpu.region"() ({
      %run_scoped3A = tpu.sem_alloc : memref<!tpu.dma_semaphore, #tpu.memory_space<semaphore_mem>>
      %dma_start3A = arith.constant 0 : i32
      %dma_start3A_47 = arith.constant 0 : i32
      %dma_start3A_48 = tpu.memref_slice %arg8[%dma_start3A, %dma_start3A_47] : memref<128x128xf32, #tpu.memory_space<vmem>> -> memref<128x128xf32, #tpu.memory_space<vmem>>
      %dma_start3A_49 = arith.constant 0 : i32
      %dma_start3A_50 = tpu.memref_slice %arg9[%add3A_40, %dma_start3A_49] : memref<10112x128xf32, #tpu.memory_space<vmem_shared>> -> memref<128x128xf32, #tpu.memory_space<vmem_shared>>
      %dma_start3A_51 = arith.constant 0 : i32
      %dma_start3A_52 = arith.constant 0 : i32
      %dma_start3A_53 = tpu.memref_slice %arg8[%dma_start3A_51, %dma_start3A_52] : memref<128x128xf32, #tpu.memory_space<vmem>> -> memref<128x128xf32, #tpu.memory_space<vmem>>
      %dma_start3A_54 = arith.constant 0 : i32
      %dma_start3A_55 = tpu.memref_slice %arg9[%add3A_40, %dma_start3A_54] : memref<10112x128xf32, #tpu.memory_space<vmem_shared>> -> memref<128x128xf32, #tpu.memory_space<vmem_shared>>
      tpu.enqueue_dma source(%dma_start3A_55 : memref<128x128xf32, #tpu.memory_space<vmem_shared>>) target(%dma_start3A_53 : memref<128x128xf32, #tpu.memory_space<vmem>>) target_semaphore(%run_scoped3A : memref<!tpu.dma_semaphore, #tpu.memory_space<semaphore_mem>>)
      %dma_wait3A = arith.constant 0 : i32
      %dma_wait3A_56 = arith.constant 0 : i32
      %dma_wait3A_57 = tpu.memref_slice %arg8[%dma_wait3A, %dma_wait3A_56] : memref<128x128xf32, #tpu.memory_space<vmem>> -> memref<128x128xf32, #tpu.memory_space<vmem>>
      %dma_wait3A_58 = arith.constant 0 : i32
      %dma_wait3A_59 = tpu.memref_slice %arg9[%add3A_40, %dma_wait3A_58] : memref<10112x128xf32, #tpu.memory_space<vmem_shared>> -> memref<128x128xf32, #tpu.memory_space<vmem_shared>>
      %dma_wait3A_60 = arith.constant 0 : i32
      %dma_wait3A_61 = arith.constant 0 : i32
      %dma_wait3A_62 = tpu.memref_slice %arg8[%dma_wait3A_60, %dma_wait3A_61] : memref<128x128xf32, #tpu.memory_space<vmem>> -> memref<128x128xf32, #tpu.memory_space<vmem>>
      %dma_wait3A_63 = arith.constant 0 : i32
      %dma_wait3A_64 = tpu.memref_slice %arg9[%add3A_40, %dma_wait3A_63] : memref<10112x128xf32, #tpu.memory_space<vmem_shared>> -> memref<128x128xf32, #tpu.memory_space<vmem_shared>>
      tpu.wait_dma2 semaphore(%run_scoped3A : memref<!tpu.dma_semaphore, #tpu.memory_space<semaphore_mem>>) src(%dma_wait3A_64 : memref<128x128xf32, #tpu.memory_space<vmem_shared>>) dst(%dma_wait3A_62 : memref<128x128xf32, #tpu.memory_space<vmem>>)
      tpu.yield
    }) : () -> ()
    %add3A_41 = arith.constant 384 : i32
    %add3A_42 = arith.addi %mul3A_26, %add3A_41 : i32
    "tpu.region"() ({
      %run_scoped3A = tpu.sem_alloc : memref<!tpu.dma_semaphore, #tpu.memory_space<semaphore_mem>>
      %dma_start3A = arith.constant 0 : i32
      %dma_start3A_47 = arith.constant 0 : i32
      %dma_start3A_48 = tpu.memref_slice %arg8[%dma_start3A, %dma_start3A_47] : memref<128x128xf32, #tpu.memory_space<vmem>> -> memref<128x128xf32, #tpu.memory_space<vmem>>
      %dma_start3A_49 = arith.constant 0 : i32
      %dma_start3A_50 = arith.constant 0 : i32
      %dma_start3A_51 = tpu.memref_slice %arg5[%arg0, %dma_start3A_49, %dma_start3A_50] : memref<2x10112x128xf32, #tpu.memory_space<hbm>> -> memref<1x10112x128xf32, #tpu.memory_space<hbm>>
      %dma_start3A_52 = tpu.memref_squeeze %dma_start3A_51 : memref<1x10112x128xf32, #tpu.memory_space<hbm>> -> memref<10112x128xf32, #tpu.memory_space<hbm>>
      %dma_start3A_53 = arith.constant 0 : i32
      %dma_start3A_54 = tpu.memref_slice %dma_start3A_52[%add3A_42, %dma_start3A_53] : memref<10112x128xf32, #tpu.memory_space<hbm>> -> memref<128x128xf32, #tpu.memory_space<hbm>>
      %dma_start3A_55 = arith.constant 0 : i32
      %dma_start3A_56 = arith.constant 0 : i32
      %dma_start3A_57 = tpu.memref_slice %arg5[%arg0, %dma_start3A_55, %dma_start3A_56] : memref<2x10112x128xf32, #tpu.memory_space<hbm>> -> memref<1x10112x128xf32, #tpu.memory_space<hbm>>
      %dma_start3A_58 = tpu.memref_squeeze %dma_start3A_57 : memref<1x10112x128xf32, #tpu.memory_space<hbm>> -> memref<10112x128xf32, #tpu.memory_space<hbm>>
      %dma_start3A_59 = arith.constant 0 : i32
      %dma_start3A_60 = tpu.memref_slice %dma_start3A_58[%add3A_42, %dma_start3A_59] : memref<10112x128xf32, #tpu.memory_space<hbm>> -> memref<128x128xf32, #tpu.memory_space<hbm>>
      %dma_start3A_61 = arith.constant 0 : i32
      %dma_start3A_62 = arith.constant 0 : i32
      %dma_start3A_63 = tpu.memref_slice %arg8[%dma_start3A_61, %dma_start3A_62] : memref<128x128xf32, #tpu.memory_space<vmem>> -> memref<128x128xf32, #tpu.memory_space<vmem>>
      tpu.enqueue_dma source(%dma_start3A_63 : memref<128x128xf32, #tpu.memory_space<vmem>>) target(%dma_start3A_60 : memref<128x128xf32, #tpu.memory_space<hbm>>) target_semaphore(%run_scoped3A : memref<!tpu.dma_semaphore, #tpu.memory_space<semaphore_mem>>)
      %dma_wait3A = arith.constant 0 : i32
      %dma_wait3A_64 = arith.constant 0 : i32
      %dma_wait3A_65 = tpu.memref_slice %arg8[%dma_wait3A, %dma_wait3A_64] : memref<128x128xf32, #tpu.memory_space<vmem>> -> memref<128x128xf32, #tpu.memory_space<vmem>>
      %dma_wait3A_66 = arith.constant 0 : i32
      %dma_wait3A_67 = arith.constant 0 : i32
      %dma_wait3A_68 = tpu.memref_slice %arg5[%arg0, %dma_wait3A_66, %dma_wait3A_67] : memref<2x10112x128xf32, #tpu.memory_space<hbm>> -> memref<1x10112x128xf32, #tpu.memory_space<hbm>>
      %dma_wait3A_69 = tpu.memref_squeeze %dma_wait3A_68 : memref<1x10112x128xf32, #tpu.memory_space<hbm>> -> memref<10112x128xf32, #tpu.memory_space<hbm>>
      %dma_wait3A_70 = arith.constant 0 : i32
      %dma_wait3A_71 = tpu.memref_slice %dma_wait3A_69[%add3A_42, %dma_wait3A_70] : memref<10112x128xf32, #tpu.memory_space<hbm>> -> memref<128x128xf32, #tpu.memory_space<hbm>>
      %dma_wait3A_72 = arith.constant 0 : i32
      %dma_wait3A_73 = arith.constant 0 : i32
      %dma_wait3A_74 = tpu.memref_slice %arg5[%arg0, %dma_wait3A_72, %dma_wait3A_73] : memref<2x10112x128xf32, #tpu.memory_space<hbm>> -> memref<1x10112x128xf32, #tpu.memory_space<hbm>>
      %dma_wait3A_75 = tpu.memref_squeeze %dma_wait3A_74 : memref<1x10112x128xf32, #tpu.memory_space<hbm>> -> memref<10112x128xf32, #tpu.memory_space<hbm>>
      %dma_wait3A_76 = arith.constant 0 : i32
      %dma_wait3A_77 = tpu.memref_slice %dma_wait3A_75[%add3A_42, %dma_wait3A_76] : memref<10112x128xf32, #tpu.memory_space<hbm>> -> memref<128x128xf32, #tpu.memory_space<hbm>>
      %dma_wait3A_78 = arith.constant 0 : i32
      %dma_wait3A_79 = arith.constant 0 : i32
      %dma_wait3A_80 = tpu.memref_slice %arg8[%dma_wait3A_78, %dma_wait3A_79] : memref<128x128xf32, #tpu.memory_space<vmem>> -> memref<128x128xf32, #tpu.memory_space<vmem>>
      tpu.wait_dma2 semaphore(%run_scoped3A : memref<!tpu.dma_semaphore, #tpu.memory_space<semaphore_mem>>) src(%dma_wait3A_80 : memref<128x128xf32, #tpu.memory_space<vmem>>) dst(%dma_wait3A_77 : memref<128x128xf32, #tpu.memory_space<hbm>>)
      tpu.yield
    }) : () -> ()
    %add3A_43 = arith.constant 512 : i32
    %add3A_44 = arith.addi %mul3A_26, %add3A_43 : i32
    "tpu.region"() ({
      %run_scoped3A = tpu.sem_alloc : memref<!tpu.dma_semaphore, #tpu.memory_space<semaphore_mem>>
      %dma_start3A = arith.constant 0 : i32
      %dma_start3A_47 = arith.constant 0 : i32
      %dma_start3A_48 = tpu.memref_slice %arg8[%dma_start3A, %dma_start3A_47] : memref<128x128xf32, #tpu.memory_space<vmem>> -> memref<120x128xf32, #tpu.memory_space<vmem>>
      %dma_start3A_49 = arith.constant 0 : i32
      %dma_start3A_50 = tpu.memref_slice %arg9[%add3A_44, %dma_start3A_49] : memref<10112x128xf32, #tpu.memory_space<vmem_shared>> -> memref<120x128xf32, #tpu.memory_space<vmem_shared>>
      %dma_start3A_51 = arith.constant 0 : i32
      %dma_start3A_52 = arith.constant 0 : i32
      %dma_start3A_53 = tpu.memref_slice %arg8[%dma_start3A_51, %dma_start3A_52] : memref<128x128xf32, #tpu.memory_space<vmem>> -> memref<120x128xf32, #tpu.memory_space<vmem>>
      %dma_start3A_54 = arith.constant 0 : i32
      %dma_start3A_55 = tpu.memref_slice %arg9[%add3A_44, %dma_start3A_54] : memref<10112x128xf32, #tpu.memory_space<vmem_shared>> -> memref<120x128xf32, #tpu.memory_space<vmem_shared>>
      tpu.enqueue_dma source(%dma_start3A_55 : memref<120x128xf32, #tpu.memory_space<vmem_shared>>) target(%dma_start3A_53 : memref<120x128xf32, #tpu.memory_space<vmem>>) target_semaphore(%run_scoped3A : memref<!tpu.dma_semaphore, #tpu.memory_space<semaphore_mem>>)
      %dma_wait3A = arith.constant 0 : i32
      %dma_wait3A_56 = arith.constant 0 : i32
      %dma_wait3A_57 = tpu.memref_slice %arg8[%dma_wait3A, %dma_wait3A_56] : memref<128x128xf32, #tpu.memory_space<vmem>> -> memref<120x128xf32, #tpu.memory_space<vmem>>
      %dma_wait3A_58 = arith.constant 0 : i32
      %dma_wait3A_59 = tpu.memref_slice %arg9[%add3A_44, %dma_wait3A_58] : memref<10112x128xf32, #tpu.memory_space<vmem_shared>> -> memref<120x128xf32, #tpu.memory_space<vmem_shared>>
      %dma_wait3A_60 = arith.constant 0 : i32
      %dma_wait3A_61 = arith.constant 0 : i32
      %dma_wait3A_62 = tpu.memref_slice %arg8[%dma_wait3A_60, %dma_wait3A_61] : memref<128x128xf32, #tpu.memory_space<vmem>> -> memref<120x128xf32, #tpu.memory_space<vmem>>
      %dma_wait3A_63 = arith.constant 0 : i32
      %dma_wait3A_64 = tpu.memref_slice %arg9[%add3A_44, %dma_wait3A_63] : memref<10112x128xf32, #tpu.memory_space<vmem_shared>> -> memref<120x128xf32, #tpu.memory_space<vmem_shared>>
      tpu.wait_dma2 semaphore(%run_scoped3A : memref<!tpu.dma_semaphore, #tpu.memory_space<semaphore_mem>>) src(%dma_wait3A_64 : memref<120x128xf32, #tpu.memory_space<vmem_shared>>) dst(%dma_wait3A_62 : memref<120x128xf32, #tpu.memory_space<vmem>>)
      tpu.yield
    }) : () -> ()
    %add3A_45 = arith.constant 512 : i32
    %add3A_46 = arith.addi %mul3A_26, %add3A_45 : i32
    "tpu.region"() ({
      %run_scoped3A = tpu.sem_alloc : memref<!tpu.dma_semaphore, #tpu.memory_space<semaphore_mem>>
      %dma_start3A = arith.constant 0 : i32
      %dma_start3A_47 = arith.constant 0 : i32
      %dma_start3A_48 = tpu.memref_slice %arg8[%dma_start3A, %dma_start3A_47] : memref<128x128xf32, #tpu.memory_space<vmem>> -> memref<120x128xf32, #tpu.memory_space<vmem>>
      %dma_start3A_49 = arith.constant 0 : i32
      %dma_start3A_50 = arith.constant 0 : i32
      %dma_start3A_51 = tpu.memref_slice %arg5[%arg0, %dma_start3A_49, %dma_start3A_50] : memref<2x10112x128xf32, #tpu.memory_space<hbm>> -> memref<1x10112x128xf32, #tpu.memory_space<hbm>>
      %dma_start3A_52 = tpu.memref_squeeze %dma_start3A_51 : memref<1x10112x128xf32, #tpu.memory_space<hbm>> -> memref<10112x128xf32, #tpu.memory_space<hbm>>
      %dma_start3A_53 = arith.constant 0 : i32
      %dma_start3A_54 = tpu.memref_slice %dma_start3A_52[%add3A_46, %dma_start3A_53] : memref<10112x128xf32, #tpu.memory_space<hbm>> -> memref<120x128xf32, #tpu.memory_space<hbm>>
      %dma_start3A_55 = arith.constant 0 : i32
      %dma_start3A_56 = arith.constant 0 : i32
      %dma_start3A_57 = tpu.memref_slice %arg5[%arg0, %dma_start3A_55, %dma_start3A_56] : memref<2x10112x128xf32, #tpu.memory_space<hbm>> -> memref<1x10112x128xf32, #tpu.memory_space<hbm>>
      %dma_start3A_58 = tpu.memref_squeeze %dma_start3A_57 : memref<1x10112x128xf32, #tpu.memory_space<hbm>> -> memref<10112x128xf32, #tpu.memory_space<hbm>>
      %dma_start3A_59 = arith.constant 0 : i32
      %dma_start3A_60 = tpu.memref_slice %dma_start3A_58[%add3A_46, %dma_start3A_59] : memref<10112x128xf32, #tpu.memory_space<hbm>> -> memref<120x128xf32, #tpu.memory_space<hbm>>
      %dma_start3A_61 = arith.constant 0 : i32
      %dma_start3A_62 = arith.constant 0 : i32
      %dma_start3A_63 = tpu.memref_slice %arg8[%dma_start3A_61, %dma_start3A_62] : memref<128x128xf32, #tpu.memory_space<vmem>> -> memref<120x128xf32, #tpu.memory_space<vmem>>
      tpu.enqueue_dma source(%dma_start3A_63 : memref<120x128xf32, #tpu.memory_space<vmem>>) target(%dma_start3A_60 : memref<120x128xf32, #tpu.memory_space<hbm>>) target_semaphore(%run_scoped3A : memref<!tpu.dma_semaphore, #tpu.memory_space<semaphore_mem>>)
      %dma_wait3A = arith.constant 0 : i32
      %dma_wait3A_64 = arith.constant 0 : i32
      %dma_wait3A_65 = tpu.memref_slice %arg8[%dma_wait3A, %dma_wait3A_64] : memref<128x128xf32, #tpu.memory_space<vmem>> -> memref<120x128xf32, #tpu.memory_space<vmem>>
      %dma_wait3A_66 = arith.constant 0 : i32
      %dma_wait3A_67 = arith.constant 0 : i32
      %dma_wait3A_68 = tpu.memref_slice %arg5[%arg0, %dma_wait3A_66, %dma_wait3A_67] : memref<2x10112x128xf32, #tpu.memory_space<hbm>> -> memref<1x10112x128xf32, #tpu.memory_space<hbm>>
      %dma_wait3A_69 = tpu.memref_squeeze %dma_wait3A_68 : memref<1x10112x128xf32, #tpu.memory_space<hbm>> -> memref<10112x128xf32, #tpu.memory_space<hbm>>
      %dma_wait3A_70 = arith.constant 0 : i32
      %dma_wait3A_71 = tpu.memref_slice %dma_wait3A_69[%add3A_46, %dma_wait3A_70] : memref<10112x128xf32, #tpu.memory_space<hbm>> -> memref<120x128xf32, #tpu.memory_space<hbm>>
      %dma_wait3A_72 = arith.constant 0 : i32
      %dma_wait3A_73 = arith.constant 0 : i32
      %dma_wait3A_74 = tpu.memref_slice %arg5[%arg0, %dma_wait3A_72, %dma_wait3A_73] : memref<2x10112x128xf32, #tpu.memory_space<hbm>> -> memref<1x10112x128xf32, #tpu.memory_space<hbm>>
      %dma_wait3A_75 = tpu.memref_squeeze %dma_wait3A_74 : memref<1x10112x128xf32, #tpu.memory_space<hbm>> -> memref<10112x128xf32, #tpu.memory_space<hbm>>
      %dma_wait3A_76 = arith.constant 0 : i32
      %dma_wait3A_77 = tpu.memref_slice %dma_wait3A_75[%add3A_46, %dma_wait3A_76] : memref<10112x128xf32, #tpu.memory_space<hbm>> -> memref<120x128xf32, #tpu.memory_space<hbm>>
      %dma_wait3A_78 = arith.constant 0 : i32
      %dma_wait3A_79 = arith.constant 0 : i32
      %dma_wait3A_80 = tpu.memref_slice %arg8[%dma_wait3A_78, %dma_wait3A_79] : memref<128x128xf32, #tpu.memory_space<vmem>> -> memref<120x128xf32, #tpu.memory_space<vmem>>
      tpu.wait_dma2 semaphore(%run_scoped3A : memref<!tpu.dma_semaphore, #tpu.memory_space<semaphore_mem>>) src(%dma_wait3A_80 : memref<120x128xf32, #tpu.memory_space<vmem>>) dst(%dma_wait3A_77 : memref<120x128xf32, #tpu.memory_space<hbm>>)
      tpu.yield
    }) : () -> ()
    return
  }
}

module attributes {stable_mosaic.version = 14 : i64} {
  func.func @_linear_body(%arg0: i32, %arg1: memref<2000x128xf32, #tpu.memory_space<vmem>>, %arg2: memref<2x2000x128xf32, #tpu.memory_space<vmem>>, %arg3: memref<2x2000x16xf32, #tpu.memory_space<vmem>>, %arg4: memref<128x128xf32, #tpu.memory_space<vmem>>, %arg5: memref<1x128xf32, #tpu.memory_space<vmem>>, %arg6: memref<128x128xf32, #tpu.memory_space<vmem>>, %arg7: memref<2000x128xf32, #tpu.memory_space<vmem>>, %arg8: memref<2x128xf32, #tpu.memory_space<vmem>>, %arg9: memref<2x128xf32, #tpu.memory_space<vmem>>) attributes {dimension_semantics = [#tpu.dimension_semantics<arbitrary>], iteration_bounds = array<i64: 5>, scalar_prefetch = 0 : i64, scratch_operands = 1 : i64, tpu.core_type = #tpu.core_type<tc>, window_params = [{transform_indices = @transform_0, window_bounds = array<i64: 2000, 128>}, {transform_indices = @transform_1, window_bounds = array<i64: 2, 2000, 128>}, {transform_indices = @transform_2, window_bounds = array<i64: 2, 2000, 16>}, {pipeline_mode = #tpu.pipeline_mode<synchronous>, transform_indices = @transform_3, window_bounds = array<i64: 128, 128>}, {pipeline_mode = #tpu.pipeline_mode<synchronous>, transform_indices = @transform_4, window_bounds = array<i64: 1, 128>}, {pipeline_mode = #tpu.pipeline_mode<synchronous>, transform_indices = @transform_5, window_bounds = array<i64: 128, 128>}, {transform_indices = @transform_6, window_bounds = array<i64: 2000, 128>}, {pipeline_mode = #tpu.pipeline_mode<synchronous>, transform_indices = @transform_7, window_bounds = array<i64: 2, 128>}]} {
    %get3A = arith.constant 0 : index
    %get3A_0 = arith.constant 0 : index
    %get3A_1 = arith.constant 0 : index
    %get3A_2 = vector.load %arg2[%get3A, %get3A_0, %get3A_1] : memref<2x2000x128xf32, #tpu.memory_space<vmem>>, vector<1x2000x128xf32>
    %get3A_3 = vector.shape_cast %get3A_2 : vector<1x2000x128xf32> to vector<2000x128xf32>
    %get3A_4 = arith.constant 1 : index
    %get3A_5 = arith.constant 0 : index
    %get3A_6 = arith.constant 0 : index
    %get3A_7 = vector.load %arg2[%get3A_4, %get3A_5, %get3A_6] : memref<2x2000x128xf32, #tpu.memory_space<vmem>>, vector<1x2000x128xf32>
    %get3A_8 = vector.shape_cast %get3A_7 : vector<1x2000x128xf32> to vector<2000x128xf32>
    %add3A = arith.addf %get3A_3, %get3A_8 : vector<2000x128xf32>
    %get3A_9 = arith.constant 0 : index
    %get3A_10 = arith.constant 0 : index
    %get3A_11 = arith.constant 0 : index
    %get3A_12 = vector.load %arg3[%get3A_9, %get3A_10, %get3A_11] : memref<2x2000x16xf32, #tpu.memory_space<vmem>>, vector<1x2000x1xf32>
    %get3A_13 = vector.shape_cast %get3A_12 : vector<1x2000x1xf32> to vector<2000x1xf32>
    %get3A_14 = arith.constant 1 : index
    %get3A_15 = arith.constant 0 : index
    %get3A_16 = arith.constant 0 : index
    %get3A_17 = vector.load %arg3[%get3A_14, %get3A_15, %get3A_16] : memref<2x2000x16xf32, #tpu.memory_space<vmem>>, vector<1x2000x1xf32>
    %get3A_18 = vector.shape_cast %get3A_17 : vector<1x2000x1xf32> to vector<2000x1xf32>
    %add3A_19 = arith.addf %get3A_13, %get3A_18 : vector<2000x1xf32>
    %max3A = arith.constant 1.000000e+00 : f32
    %max3A_20 = vector.broadcast %max3A : f32 to vector<2000x1xf32>
    %max3A_21 = arith.maximumf %add3A_19, %max3A_20 : vector<2000x1xf32>
    %div3A = arith.constant 1.000000e+00 : f32
    %div3A_22 = vector.broadcast %div3A : f32 to vector<2000x1xf32>
    %div3A_23 = arith.divf %div3A_22, %max3A_21 : vector<2000x1xf32>
    %mul3A = vector.broadcast %div3A_23 : vector<2000x1xf32> to vector<2000x128xf32>
    %mul3A_24 = arith.mulf %add3A, %mul3A : vector<2000x128xf32>
    %get3A_25 = arith.constant 0 : index
    %get3A_26 = arith.constant 0 : index
    %get3A_27 = vector.load %arg4[%get3A_25, %get3A_26] : memref<128x128xf32, #tpu.memory_space<vmem>>, vector<128x128xf32>
    %dot_general3A = arith.constant dense<0.000000e+00> : vector<2000x128xf32>
    %dot_general3A_28 = tpu.matmul %mul3A_24, %get3A_27, %dot_general3A {dimension_numbers = #tpu.dot_dimension_numbers<[1], [0], [0], [1], [0, 0, 1, 1], [], []>, precision = #tpu.contract_precision<fp32>, transpose_lhs_hint = false} : vector<2000x128xf32>, vector<128x128xf32>, vector<2000x128xf32> -> vector<2000x128xf32>
    %get3A_29 = arith.constant 0 : index
    %get3A_30 = arith.constant 0 : index
    %get3A_31 = vector.load %arg1[%get3A_29, %get3A_30] : memref<2000x128xf32, #tpu.memory_space<vmem>>, vector<2000x128xf32>
    %get3A_32 = arith.constant 0 : index
    %get3A_33 = arith.constant 0 : index
    %get3A_34 = vector.load %arg6[%get3A_32, %get3A_33] : memref<128x128xf32, #tpu.memory_space<vmem>>, vector<128x128xf32>
    %dot_general3A_35 = arith.constant dense<0.000000e+00> : vector<2000x128xf32>
    %dot_general3A_36 = tpu.matmul %get3A_31, %get3A_34, %dot_general3A_35 {dimension_numbers = #tpu.dot_dimension_numbers<[1], [0], [0], [1], [0, 0, 1, 1], [], []>, precision = #tpu.contract_precision<fp32>, transpose_lhs_hint = false} : vector<2000x128xf32>, vector<128x128xf32>, vector<2000x128xf32> -> vector<2000x128xf32>
    %add3A_37 = arith.addf %dot_general3A_28, %dot_general3A_36 : vector<2000x128xf32>
    %get3A_38 = arith.constant 0 : index
    %get3A_39 = arith.constant 0 : index
    %get3A_40 = vector.load %arg5[%get3A_38, %get3A_39] : memref<1x128xf32, #tpu.memory_space<vmem>>, vector<1x128xf32>
    %add3A_41 = vector.broadcast %get3A_40 : vector<1x128xf32> to vector<2000x128xf32>
    %add3A_42 = arith.addf %add3A_37, %add3A_41 : vector<2000x128xf32>
    %swap3A = arith.constant 0 : index
    %swap3A_43 = arith.constant 0 : index
    %swap3A_44 = vector.load %arg7[%swap3A, %swap3A_43] : memref<2000x128xf32, #tpu.memory_space<vmem>>, vector<2000x128xf32>
    tpu.vector_store %arg7[%swap3A, %swap3A_43], %add3A_42 {strides = array<i32>} : memref<2000x128xf32, #tpu.memory_space<vmem>>, vector<2000x128xf32>,
    %eq3A = arith.constant 0 : i32
    %eq3A_45 = arith.cmpi eq, %arg0, %eq3A : i32
    %convert_element_type3A = arith.extui %eq3A_45 : i1 to i32
    %cond3A = arith.constant 0 : i32
    %cond3A_46 = arith.cmpi ne, %convert_element_type3A, %cond3A : i32
    scf.if %cond3A_46 {
      %broadcast_in_dim3A_71 = arith.constant 0.000000e+00 : f32
      %broadcast_in_dim3A_72 = vector.broadcast %broadcast_in_dim3A_71 : f32 to vector<2x128xf32>
      %swap3A_73 = arith.constant 0 : index
      %swap3A_74 = arith.constant 0 : index
      %swap3A_75 = vector.load %arg9[%swap3A_73, %swap3A_74] : memref<2x128xf32, #tpu.memory_space<vmem>>, vector<2x128xf32>
      tpu.vector_store %arg9[%swap3A_73, %swap3A_74], %broadcast_in_dim3A_72 {strides = array<i32>} : memref<2x128xf32, #tpu.memory_space<vmem>>, vector<2x128xf32>,
    } else {
    }
    %get3A_47 = arith.constant 0 : index
    %get3A_48 = arith.constant 0 : index
    %get3A_49 = vector.load %arg9[%get3A_47, %get3A_48] : memref<2x128xf32, #tpu.memory_space<vmem>>, vector<1x128xf32>
    %reduce_sum3A = arith.constant dense<0.000000e+00> : vector<128xf32>
    %reduce_sum3A_50 = vector.multi_reduction <add>, %add3A_42, %reduce_sum3A [0] : vector<2000x128xf32> to vector<128xf32>
    %broadcast_in_dim3A = vector.shape_cast %reduce_sum3A_50 : vector<128xf32> to vector<1x128xf32>
    %add3A_51 = arith.addf %get3A_49, %broadcast_in_dim3A : vector<1x128xf32>
    %swap3A_52 = arith.constant 0 : index
    %swap3A_53 = arith.constant 0 : index
    %swap3A_54 = vector.load %arg9[%swap3A_52, %swap3A_53] : memref<2x128xf32, #tpu.memory_space<vmem>>, vector<1x128xf32>
    tpu.vector_store %arg9[%swap3A_52, %swap3A_53], %add3A_51 {strides = array<i32>} : memref<2x128xf32, #tpu.memory_space<vmem>>, vector<1x128xf32>,
    %get3A_55 = arith.constant 1 : index
    %get3A_56 = arith.constant 0 : index
    %get3A_57 = vector.load %arg9[%get3A_55, %get3A_56] : memref<2x128xf32, #tpu.memory_space<vmem>>, vector<1x128xf32>
    %mul3A_58 = arith.mulf %add3A_42, %add3A_42 : vector<2000x128xf32>
    %reduce_sum3A_59 = arith.constant dense<0.000000e+00> : vector<128xf32>
    %reduce_sum3A_60 = vector.multi_reduction <add>, %mul3A_58, %reduce_sum3A_59 [0] : vector<2000x128xf32> to vector<128xf32>
    %broadcast_in_dim3A_61 = vector.shape_cast %reduce_sum3A_60 : vector<128xf32> to vector<1x128xf32>
    %add3A_62 = arith.addf %get3A_57, %broadcast_in_dim3A_61 : vector<1x128xf32>
    %swap3A_63 = arith.constant 1 : index
    %swap3A_64 = arith.constant 0 : index
    %swap3A_65 = vector.load %arg9[%swap3A_63, %swap3A_64] : memref<2x128xf32, #tpu.memory_space<vmem>>, vector<1x128xf32>
    tpu.vector_store %arg9[%swap3A_63, %swap3A_64], %add3A_62 {strides = array<i32>} : memref<2x128xf32, #tpu.memory_space<vmem>>, vector<1x128xf32>,
    %eq3A_66 = arith.constant 4 : i32
    %eq3A_67 = arith.cmpi eq, %arg0, %eq3A_66 : i32
    %convert_element_type3A_68 = arith.extui %eq3A_67 : i1 to i32
    %cond3A_69 = arith.constant 0 : i32
    %cond3A_70 = arith.cmpi ne, %convert_element_type3A_68, %cond3A_69 : i32
    scf.if %cond3A_70 {
      %get3A_71 = arith.constant 0 : index
      %get3A_72 = arith.constant 0 : index
      %get3A_73 = vector.load %arg9[%get3A_71, %get3A_72] : memref<2x128xf32, #tpu.memory_space<vmem>>, vector<1x128xf32>
      %mul3A_74 = arith.constant 9.99999974E-5 : f32
      %mul3A_75 = vector.broadcast %mul3A_74 : f32 to vector<1x128xf32>
      %mul3A_76 = arith.mulf %get3A_73, %mul3A_75 : vector<1x128xf32>
      %swap3A_77 = arith.constant 0 : index
      %swap3A_78 = arith.constant 0 : index
      %swap3A_79 = vector.load %arg8[%swap3A_77, %swap3A_78] : memref<2x128xf32, #tpu.memory_space<vmem>>, vector<1x128xf32>
      tpu.vector_store %arg8[%swap3A_77, %swap3A_78], %mul3A_76 {strides = array<i32>} : memref<2x128xf32, #tpu.memory_space<vmem>>, vector<1x128xf32>,
      %get3A_80 = arith.constant 1 : index
      %get3A_81 = arith.constant 0 : index
      %get3A_82 = vector.load %arg9[%get3A_80, %get3A_81] : memref<2x128xf32, #tpu.memory_space<vmem>>, vector<1x128xf32>
      %mul3A_83 = arith.constant 9.99999974E-5 : f32
      %mul3A_84 = vector.broadcast %mul3A_83 : f32 to vector<1x128xf32>
      %mul3A_85 = arith.mulf %get3A_82, %mul3A_84 : vector<1x128xf32>
      %mul3A_86 = arith.mulf %mul3A_76, %mul3A_76 : vector<1x128xf32>
      %sub3A = arith.subf %mul3A_85, %mul3A_86 : vector<1x128xf32>
      %swap3A_87 = arith.constant 1 : index
      %swap3A_88 = arith.constant 0 : index
      %swap3A_89 = vector.load %arg8[%swap3A_87, %swap3A_88] : memref<2x128xf32, #tpu.memory_space<vmem>>, vector<1x128xf32>
      tpu.vector_store %arg8[%swap3A_87, %swap3A_88], %sub3A {strides = array<i32>} : memref<2x128xf32, #tpu.memory_space<vmem>>, vector<1x128xf32>,
    } else {
    }
    return
  }
  func.func @transform_0(%arg0: i32) -> (i32, i32) {
    %c0_i32 = arith.constant 0 : i32
    %c0_i32_0 = arith.constant 0 : i32
    return %arg0, %c0_i32 : i32, i32
  }
  func.func @transform_1(%arg0: i32) -> (i32, i32, i32) {
    %c0_i32 = arith.constant 0 : i32
    %c0_i32_0 = arith.constant 0 : i32
    %c0_i32_1 = arith.constant 0 : i32
    return %c0_i32, %arg0, %c0_i32_0 : i32, i32, i32
  }
  func.func @transform_2(%arg0: i32) -> (i32, i32, i32) {
    %c0_i32 = arith.constant 0 : i32
    %c0_i32_0 = arith.constant 0 : i32
    %c0_i32_1 = arith.constant 0 : i32
    return %c0_i32, %arg0, %c0_i32_0 : i32, i32, i32
  }
  func.func @transform_3(%arg0: i32) -> (i32, i32) {
    %c0_i32 = arith.constant 0 : i32
    %c0_i32_0 = arith.constant 0 : i32
    %c0_i32_1 = arith.constant 0 : i32
    return %c0_i32, %c0_i32_0 : i32, i32
  }
  func.func @transform_4(%arg0: i32) -> (i32, i32) {
    %c0_i32 = arith.constant 0 : i32
    %c0_i32_0 = arith.constant 0 : i32
    %c0_i32_1 = arith.constant 0 : i32
    return %c0_i32, %c0_i32_0 : i32, i32
  }
  func.func @transform_5(%arg0: i32) -> (i32, i32) {
    %c0_i32 = arith.constant 0 : i32
    %c0_i32_0 = arith.constant 0 : i32
    %c0_i32_1 = arith.constant 0 : i32
    return %c0_i32, %c0_i32_0 : i32, i32
  }
  func.func @transform_6(%arg0: i32) -> (i32, i32) {
    %c0_i32 = arith.constant 0 : i32
    %c0_i32_0 = arith.constant 0 : i32
    return %arg0, %c0_i32 : i32, i32
  }
  func.func @transform_7(%arg0: i32) -> (i32, i32) {
    %c0_i32 = arith.constant 0 : i32
    %c0_i32_0 = arith.constant 0 : i32
    %c0_i32_1 = arith.constant 0 : i32
    return %c0_i32, %c0_i32_0 : i32, i32
  }
}

module attributes {stable_mosaic.version = 14 : i64} {
  func.func @_bn_body(%arg0: i32, %arg1: memref<2000x128xf32, #tpu.memory_space<vmem>>, %arg2: memref<2x128xf32, #tpu.memory_space<vmem>>, %arg3: memref<1x128xf32, #tpu.memory_space<vmem>>, %arg4: memref<1x128xf32, #tpu.memory_space<vmem>>, %arg5: memref<128x128xf32, #tpu.memory_space<vmem>>, %arg6: memref<1x128xf32, #tpu.memory_space<vmem>>, %arg7: memref<2000x128xf32, #tpu.memory_space<vmem>>) attributes {dimension_semantics = [#tpu.dimension_semantics<arbitrary>], iteration_bounds = array<i64: 5>, scalar_prefetch = 0 : i64, scratch_operands = 0 : i64, tpu.core_type = #tpu.core_type<tc>, window_params = [{transform_indices = @transform_0, window_bounds = array<i64: 2000, 128>}, {pipeline_mode = #tpu.pipeline_mode<synchronous>, transform_indices = @transform_1, window_bounds = array<i64: 2, 128>}, {pipeline_mode = #tpu.pipeline_mode<synchronous>, transform_indices = @transform_2, window_bounds = array<i64: 1, 128>}, {pipeline_mode = #tpu.pipeline_mode<synchronous>, transform_indices = @transform_3, window_bounds = array<i64: 1, 128>}, {pipeline_mode = #tpu.pipeline_mode<synchronous>, transform_indices = @transform_4, window_bounds = array<i64: 128, 128>}, {pipeline_mode = #tpu.pipeline_mode<synchronous>, transform_indices = @transform_5, window_bounds = array<i64: 1, 128>}, {transform_indices = @transform_6, window_bounds = array<i64: 2000, 128>}]} {
    %get3A = arith.constant 0 : index
    %get3A_0 = arith.constant 0 : index
    %get3A_1 = vector.load %arg2[%get3A, %get3A_0] : memref<2x128xf32, #tpu.memory_space<vmem>>, vector<1x128xf32>
    %get3A_2 = arith.constant 1 : index
    %get3A_3 = arith.constant 0 : index
    %get3A_4 = vector.load %arg2[%get3A_2, %get3A_3] : memref<2x128xf32, #tpu.memory_space<vmem>>, vector<1x128xf32>
    %get3A_5 = arith.constant 0 : index
    %get3A_6 = arith.constant 0 : index
    %get3A_7 = vector.load %arg1[%get3A_5, %get3A_6] : memref<2000x128xf32, #tpu.memory_space<vmem>>, vector<2000x128xf32>
    %sub3A = vector.broadcast %get3A_1 : vector<1x128xf32> to vector<2000x128xf32>
    %sub3A_8 = arith.subf %get3A_7, %sub3A : vector<2000x128xf32>
    %add3A = arith.constant 9.99999974E-6 : f32
    %add3A_9 = vector.broadcast %add3A : f32 to vector<1x128xf32>
    %add3A_10 = arith.addf %get3A_4, %add3A_9 : vector<1x128xf32>
    %rsqrt3A = math.rsqrt %add3A_10 : vector<1x128xf32>
    %mul3A = vector.broadcast %rsqrt3A : vector<1x128xf32> to vector<2000x128xf32>
    %mul3A_11 = arith.mulf %sub3A_8, %mul3A : vector<2000x128xf32>
    %get3A_12 = arith.constant 0 : index
    %get3A_13 = arith.constant 0 : index
    %get3A_14 = vector.load %arg3[%get3A_12, %get3A_13] : memref<1x128xf32, #tpu.memory_space<vmem>>, vector<1x128xf32>
    %mul3A_15 = vector.broadcast %get3A_14 : vector<1x128xf32> to vector<2000x128xf32>
    %mul3A_16 = arith.mulf %mul3A_11, %mul3A_15 : vector<2000x128xf32>
    %get3A_17 = arith.constant 0 : index
    %get3A_18 = arith.constant 0 : index
    %get3A_19 = vector.load %arg4[%get3A_17, %get3A_18] : memref<1x128xf32, #tpu.memory_space<vmem>>, vector<1x128xf32>
    %add3A_20 = vector.broadcast %get3A_19 : vector<1x128xf32> to vector<2000x128xf32>
    %add3A_21 = arith.addf %mul3A_16, %add3A_20 : vector<2000x128xf32>
    %max3A = arith.constant 0.000000e+00 : f32
    %max3A_22 = vector.broadcast %max3A : f32 to vector<2000x128xf32>
    %max3A_23 = arith.maximumf %add3A_21, %max3A_22 : vector<2000x128xf32>
    %swap3A = arith.constant 0 : index
    %swap3A_24 = arith.constant 0 : index
    %swap3A_25 = vector.load %arg7[%swap3A, %swap3A_24] : memref<2000x128xf32, #tpu.memory_space<vmem>>, vector<2000x128xf32>
    tpu.vector_store %arg7[%swap3A, %swap3A_24], %max3A_23 {strides = array<i32>} : memref<2000x128xf32, #tpu.memory_space<vmem>>, vector<2000x128xf32>,
    return
  }
  func.func @transform_0(%arg0: i32) -> (i32, i32) {
    %c0_i32 = arith.constant 0 : i32
    %c0_i32_0 = arith.constant 0 : i32
    return %arg0, %c0_i32 : i32, i32
  }
  func.func @transform_1(%arg0: i32) -> (i32, i32) {
    %c0_i32 = arith.constant 0 : i32
    %c0_i32_0 = arith.constant 0 : i32
    %c0_i32_1 = arith.constant 0 : i32
    return %c0_i32, %c0_i32_0 : i32, i32
  }
  func.func @transform_2(%arg0: i32) -> (i32, i32) {
    %c0_i32 = arith.constant 0 : i32
    %c0_i32_0 = arith.constant 0 : i32
    %c0_i32_1 = arith.constant 0 : i32
    return %c0_i32, %c0_i32_0 : i32, i32
  }
  func.func @transform_3(%arg0: i32) -> (i32, i32) {
    %c0_i32 = arith.constant 0 : i32
    %c0_i32_0 = arith.constant 0 : i32
    %c0_i32_1 = arith.constant 0 : i32
    return %c0_i32, %c0_i32_0 : i32, i32
  }
  func.func @transform_4(%arg0: i32) -> (i32, i32) {
    %c0_i32 = arith.constant 0 : i32
    %c0_i32_0 = arith.constant 0 : i32
    %c0_i32_1 = arith.constant 0 : i32
    return %c0_i32, %c0_i32_0 : i32, i32
  }
  func.func @transform_5(%arg0: i32) -> (i32, i32) {
    %c0_i32 = arith.constant 0 : i32
    %c0_i32_0 = arith.constant 0 : i32
    %c0_i32_1 = arith.constant 0 : i32
    return %c0_i32, %c0_i32_0 : i32, i32
  }
  func.func @transform_6(%arg0: i32) -> (i32, i32) {
    %c0_i32 = arith.constant 0 : i32
    %c0_i32_0 = arith.constant 0 : i32
    return %arg0, %c0_i32 : i32, i32
  }
}

module attributes {stable_mosaic.version = 14 : i64} {
  func.func @_bn_body(%arg0: i32, %arg1: memref<2000x128xf32, #tpu.memory_space<vmem>>, %arg2: memref<2x128xf32, #tpu.memory_space<vmem>>, %arg3: memref<1x128xf32, #tpu.memory_space<vmem>>, %arg4: memref<1x128xf32, #tpu.memory_space<vmem>>, %arg5: memref<128x128xf32, #tpu.memory_space<vmem>>, %arg6: memref<1x128xf32, #tpu.memory_space<vmem>>, %arg7: memref<2000x128xf32, #tpu.memory_space<vmem>>) attributes {dimension_semantics = [#tpu.dimension_semantics<arbitrary>], iteration_bounds = array<i64: 5>, scalar_prefetch = 0 : i64, scratch_operands = 0 : i64, tpu.core_type = #tpu.core_type<tc>, window_params = [{transform_indices = @transform_0, window_bounds = array<i64: 2000, 128>}, {pipeline_mode = #tpu.pipeline_mode<synchronous>, transform_indices = @transform_1, window_bounds = array<i64: 2, 128>}, {pipeline_mode = #tpu.pipeline_mode<synchronous>, transform_indices = @transform_2, window_bounds = array<i64: 1, 128>}, {pipeline_mode = #tpu.pipeline_mode<synchronous>, transform_indices = @transform_3, window_bounds = array<i64: 1, 128>}, {pipeline_mode = #tpu.pipeline_mode<synchronous>, transform_indices = @transform_4, window_bounds = array<i64: 128, 128>}, {pipeline_mode = #tpu.pipeline_mode<synchronous>, transform_indices = @transform_5, window_bounds = array<i64: 1, 128>}, {transform_indices = @transform_6, window_bounds = array<i64: 2000, 128>}]} {
    %get3A = arith.constant 0 : index
    %get3A_0 = arith.constant 0 : index
    %get3A_1 = vector.load %arg2[%get3A, %get3A_0] : memref<2x128xf32, #tpu.memory_space<vmem>>, vector<1x128xf32>
    %get3A_2 = arith.constant 1 : index
    %get3A_3 = arith.constant 0 : index
    %get3A_4 = vector.load %arg2[%get3A_2, %get3A_3] : memref<2x128xf32, #tpu.memory_space<vmem>>, vector<1x128xf32>
    %get3A_5 = arith.constant 0 : index
    %get3A_6 = arith.constant 0 : index
    %get3A_7 = vector.load %arg1[%get3A_5, %get3A_6] : memref<2000x128xf32, #tpu.memory_space<vmem>>, vector<2000x128xf32>
    %sub3A = vector.broadcast %get3A_1 : vector<1x128xf32> to vector<2000x128xf32>
    %sub3A_8 = arith.subf %get3A_7, %sub3A : vector<2000x128xf32>
    %add3A = arith.constant 9.99999974E-6 : f32
    %add3A_9 = vector.broadcast %add3A : f32 to vector<1x128xf32>
    %add3A_10 = arith.addf %get3A_4, %add3A_9 : vector<1x128xf32>
    %rsqrt3A = math.rsqrt %add3A_10 : vector<1x128xf32>
    %mul3A = vector.broadcast %rsqrt3A : vector<1x128xf32> to vector<2000x128xf32>
    %mul3A_11 = arith.mulf %sub3A_8, %mul3A : vector<2000x128xf32>
    %get3A_12 = arith.constant 0 : index
    %get3A_13 = arith.constant 0 : index
    %get3A_14 = vector.load %arg3[%get3A_12, %get3A_13] : memref<1x128xf32, #tpu.memory_space<vmem>>, vector<1x128xf32>
    %mul3A_15 = vector.broadcast %get3A_14 : vector<1x128xf32> to vector<2000x128xf32>
    %mul3A_16 = arith.mulf %mul3A_11, %mul3A_15 : vector<2000x128xf32>
    %get3A_17 = arith.constant 0 : index
    %get3A_18 = arith.constant 0 : index
    %get3A_19 = vector.load %arg4[%get3A_17, %get3A_18] : memref<1x128xf32, #tpu.memory_space<vmem>>, vector<1x128xf32>
    %add3A_20 = vector.broadcast %get3A_19 : vector<1x128xf32> to vector<2000x128xf32>
    %add3A_21 = arith.addf %mul3A_16, %add3A_20 : vector<2000x128xf32>
    %max3A = arith.constant 0.000000e+00 : f32
    %max3A_22 = vector.broadcast %max3A : f32 to vector<2000x128xf32>
    %max3A_23 = arith.maximumf %add3A_21, %max3A_22 : vector<2000x128xf32>
    %get3A_24 = arith.constant 0 : index
    %get3A_25 = arith.constant 0 : index
    %get3A_26 = vector.load %arg5[%get3A_24, %get3A_25] : memref<128x128xf32, #tpu.memory_space<vmem>>, vector<128x128xf32>
    %dot_general3A = arith.constant dense<0.000000e+00> : vector<2000x128xf32>
    %dot_general3A_27 = tpu.matmul %max3A_23, %get3A_26, %dot_general3A {dimension_numbers = #tpu.dot_dimension_numbers<[1], [0], [0], [1], [0, 0, 1, 1], [], []>, precision = #tpu.contract_precision<fp32>, transpose_lhs_hint = false} : vector<2000x128xf32>, vector<128x128xf32>, vector<2000x128xf32> -> vector<2000x128xf32>
    %get3A_28 = arith.constant 0 : index
    %get3A_29 = arith.constant 0 : index
    %get3A_30 = vector.load %arg6[%get3A_28, %get3A_29] : memref<1x128xf32, #tpu.memory_space<vmem>>, vector<1x128xf32>
    %add3A_31 = vector.broadcast %get3A_30 : vector<1x128xf32> to vector<2000x128xf32>
    %add3A_32 = arith.addf %dot_general3A_27, %add3A_31 : vector<2000x128xf32>
    %swap3A = arith.constant 0 : index
    %swap3A_33 = arith.constant 0 : index
    %swap3A_34 = vector.load %arg7[%swap3A, %swap3A_33] : memref<2000x128xf32, #tpu.memory_space<vmem>>, vector<2000x128xf32>
    tpu.vector_store %arg7[%swap3A, %swap3A_33], %add3A_32 {strides = array<i32>} : memref<2000x128xf32, #tpu.memory_space<vmem>>, vector<2000x128xf32>,
    return
  }
  func.func @transform_0(%arg0: i32) -> (i32, i32) {
    %c0_i32 = arith.constant 0 : i32
    %c0_i32_0 = arith.constant 0 : i32
    return %arg0, %c0_i32 : i32, i32
  }
  func.func @transform_1(%arg0: i32) -> (i32, i32) {
    %c0_i32 = arith.constant 0 : i32
    %c0_i32_0 = arith.constant 0 : i32
    %c0_i32_1 = arith.constant 0 : i32
    return %c0_i32, %c0_i32_0 : i32, i32
  }
  func.func @transform_2(%arg0: i32) -> (i32, i32) {
    %c0_i32 = arith.constant 0 : i32
    %c0_i32_0 = arith.constant 0 : i32
    %c0_i32_1 = arith.constant 0 : i32
    return %c0_i32, %c0_i32_0 : i32, i32
  }
  func.func @transform_3(%arg0: i32) -> (i32, i32) {
    %c0_i32 = arith.constant 0 : i32
    %c0_i32_0 = arith.constant 0 : i32
    %c0_i32_1 = arith.constant 0 : i32
    return %c0_i32, %c0_i32_0 : i32, i32
  }
  func.func @transform_4(%arg0: i32) -> (i32, i32) {
    %c0_i32 = arith.constant 0 : i32
    %c0_i32_0 = arith.constant 0 : i32
    %c0_i32_1 = arith.constant 0 : i32
    return %c0_i32, %c0_i32_0 : i32, i32
  }
  func.func @transform_5(%arg0: i32) -> (i32, i32) {
    %c0_i32 = arith.constant 0 : i32
    %c0_i32_0 = arith.constant 0 : i32
    %c0_i32_1 = arith.constant 0 : i32
    return %c0_i32, %c0_i32_0 : i32, i32
  }
  func.func @transform_6(%arg0: i32) -> (i32, i32) {
    %c0_i32 = arith.constant 0 : i32
    %c0_i32_0 = arith.constant 0 : i32
    return %arg0, %c0_i32 : i32, i32
  }
}

</mosaic_0001>

<sc_bundles>
// kernel: kernel.12.cloned.1.call-start
scs
__scs_entry_jumppad:
0x0: {  	(pc) =	sbr.rel $0x88, $3  }
0x1: {  	(tag) =	ssettag $0x0;
	lr =	simm.s32 $0x1  }
0x2: {  	[smem:$0x3F8E] =	sst lr;
	_ =	strace $0xD0000000  }
0x3: {  	_ = 	snop  }
0x4: {  	_ = 	snop  }
0x5: {  	_ = 	snop  }
0x6: {  	_ = 	snop  }
0x7: {  	_ = 	snop  }
__scs_overlays_trampoline_lowered:
0x8: {  	[smem:$0x3F9D] =	sst s0  }
0x9: {  	[smem:$0x3F9E] =	sst s1  }
0xa: {  	[smem:$0x3F9F] =	sst s2  }
0xb: {  	[smem:$0x3FA0] =	sst s3  }
0xc: {  	[smem:$0x3FA1] =	sst s4  }
0xd: {  	[smem:$0x3FA2] =	sst s5  }
0xe: {  	[smem:$0x3FA3] =	sst s6  }
0xf: {  	[smem:$0x3FA4] =	sst s7  }
0x10: {  	[smem:$0x3FA5] =	sst s8  }
0x11: {  	[smem:$0x3FA6] =	sst s9;
	s0 =	simm.s32 @!p0 $0x0  }
0x12: {  	s1 =	sld [smem:$0x3F8C];
	s0 =	simm.s32 @p0 $0x1  }
0x13: {  	[smem:$0x3FA7] =	sst s0;
	s0 =	simm.s32 @!p1 $0x0  }
0x14: {  	s2 =	sld [smem:$0x3F8B];
	s0 =	simm.s32 @p1 $0x1  }
0x15: {  	[smem:$0x3FA8] =	sst s0;
	s0 =	simm.s32 @!p2 $0x0  }
0x16: {  	s3 =	sld [smem:$0x3FDB];
	s0 =	simm.s32 @p2 $0x1  }
0x17: {  	s4 =	simm.s32 $0x1BF5;
	[smem:$0x3FAA] =	sst s0  }
0x18: {  	s0 =	sld [smem:$0x3F8D];
	_ =	swait.ge [sflag:s4], $0x0  }
0x19: {  	s7 =	sld [smem:$0x3F8E]  }
0x1a: {  	s8 =	sadd.s32 $0xFFFFE003, lr  }
0x1b: {  	s9 =	sadd.s32 $0xFFFFFEF7, lr;
	s5 =	simm.s32 $0xFFFFFFFF;
	p2 =	slt.u32 s8, $0xFFFFF086  }
0x1c: {  	p1 =	slt.u32 s9, $0xF7A;
	s5 =	simm.s32 @!p2 $0x0  }
0x1d: {  	s5 =	simm.s32 @p1 $0x1;
	p0 =	seq.s32 s7, s2  }
0x1e: {  	s7 =	smul.u32 @!p0 $0xF7A, s2;
	p2 =	seq.s32 @!p0 s5, $0x0  }
0x1f: {  	s9 =	smul.u32 $0xF7A, s1;
	s8 =	simm.s32 @!p0 $0x1BF5;
	p2 =	por !p2, p0  }
0x20: {  	[sflag:s8] =	ssyncset.s32 @!p0 $0xFFFFF086;
	s6 =	sadd.s32 @!p0 s3, s7;
	s7 =	simm.s32 @!p0 $0x108  }
0x21: {  	s3 =	sadd.s32 s3, s9;
	s6 =	sadd.s32 @!p0 $0x88, s6;
	s7 =	simm.s32 @p2 $0x1082  }
0x22: {  	[simem:s7], [sflag:s8] =	dma.local @!p0 [hbm:s6], $0xF7A  }
0x23: {  	s9 =	sor.u32 $0xD0000000, s2;
	s6 =	simm.s32 $0x108;
	_ =	swait.ge @!p0 [sflag:s8], $0x0  }
0x24: {  	s3 =	sadd.s32 $0x88, s3;
	s6 =	simm.s32 @!p1 $0x1082;
	[sflag:s4] =	ssyncset.s32 $0xFFFFF086  }
0x25: {  	[simem:s6], [sflag:s4] =	dma.local [hbm:s3], $0xF7A  }
0x26: {  	[smem:$0x3F8E] =	sst s1;
	(tag) =	ssettag s2;
	_ =	strace s9  }
0x27: {  	s1 =	sld [smem:$0x3F9E]  }
0x28: {  	s2 =	sld [smem:$0x3F9F]  }
0x29: {  	s4 =	sld [smem:$0x3FA1]  }
0x2a: {  	p0 =	seq.s32 s5, $0x0;
	s5 =	sld [smem:$0x3FA2]  }
0x2b: {  	s6 =	sld [smem:$0x3FA3]  }
0x2c: {  	s7 =	sld [smem:$0x3FA4]  }
0x2d: {  	s3 =	simm.s32 $0x108;
	s8 =	sld [smem:$0x3FA5]  }
0x2e: {  	s3 =	simm.s32 @!p0 $0x1082;
	s9 =	sld [smem:$0x3FA6]  }
0x2f: {  	lr =	sadd.s32 s0, s3;
	s0 =	sld [smem:$0x3F9D]  }
0x30: {  	s3 =	sld [smem:$0x3FA0]  }
0x31: {  	[smem:$0x3FA9] =	sst s10  }
0x32: {  	s10 =	sld [smem:$0x3FA7];
	_ =	sdelay $0x3  }
0x33: {  	p0 =	seq.s32 s10, $0x1;
	s10 =	sld [smem:$0x3FA9];
	_ =	sdelay $0x3  }
0x34: {  	[smem:$0x3FA9] =	sst s10  }
0x35: {  	s10 =	sld [smem:$0x3FA8];
	_ =	sdelay $0x3  }
0x36: {  	p1 =	seq.s32 s10, $0x1;
	s10 =	sld [smem:$0x3FA9];
	_ =	sdelay $0x3  }
0x37: {  	[smem:$0x3FA9] =	sst s10  }
0x38: {  	s10 =	sld [smem:$0x3FAA]  }
0x39: {  	_ = 	snop;
	(pc) =	sbr.ind lr, $3  }
0x3a: {  	_ = 	snop  }
0x3b: {  	_ = 	snop  }
0x3c: {  	p2 =	seq.s32 s10, $0x1;
	s10 =	sld [smem:$0x3FA9]  }
0x3d: {  	_ =	shalt  }
0x3e: {  	_ =	shalt  }
0x3f: {  	_ =	shalt  }
0x40: {  	_ =	shalt  }
0x41: {  	_ =	shalt  }
0x42: {  	_ =	shalt  }
0x43: {  	_ =	shalt  }
0x44: {  	_ =	shalt  }
0x45: {  	_ =	shalt  }
0x46: {  	_ =	shalt  }
0x47: {  	_ =	shalt  }
0x48: {  	_ =	shalt  }
0x49: {  	_ =	shalt  }
0x4a: {  	_ =	shalt  }
0x4b: {  	_ =	shalt  }
0x4c: {  	_ =	shalt  }
0x4d: {  	_ =	shalt  }
0x4e: {  	_ =	shalt  }
0x4f: {  	_ =	shalt  }
0x50: {  	_ =	shalt  }
0x51: {  	_ =	shalt  }
0x52: {  	_ =	shalt  }
0x53: {  	_ =	shalt  }
0x54: {  	_ =	shalt  }
0x55: {  	_ =	shalt  }
0x56: {  	_ =	shalt  }
0x57: {  	_ =	shalt  }
0x58: {  	_ =	shalt  }
0x59: {  	_ =	shalt  }
0x5a: {  	_ =	shalt  }
0x5b: {  	_ =	shalt  }
0x5c: {  	_ =	shalt  }
0x5d: {  	_ =	shalt  }
0x5e: {  	_ =	shalt  }
0x5f: {  	_ =	shalt  }
0x60: {  	_ =	shalt  }
0x61: {  	_ =	shalt  }
0x62: {  	_ =	shalt  }
0x63: {  	_ =	shalt  }
0x64: {  	_ =	shalt  }
0x65: {  	_ =	shalt  }
0x66: {  	_ =	shalt  }
0x67: {  	_ =	shalt  }
0x68: {  	_ =	shalt  }
0x69: {  	_ =	shalt  }
0x6a: {  	_ =	shalt  }
0x6b: {  	_ =	shalt  }
0x6c: {  	_ =	shalt  }
0x6d: {  	_ =	shalt  }
0x6e: {  	_ =	shalt  }
0x6f: {  	_ =	shalt  }
0x70: {  	_ =	shalt  }
0x71: {  	_ =	shalt  }
0x72: {  	_ =	shalt  }
0x73: {  	_ =	shalt  }
0x74: {  	_ =	shalt  }
0x75: {  	_ =	shalt  }
0x76: {  	_ =	shalt  }
0x77: {  	_ =	shalt  }
0x78: {  	_ =	shalt  }
0x79: {  	_ =	shalt  }
0x7a: {  	_ =	shalt  }
0x7b: {  	_ =	shalt  }
0x7c: {  	_ =	shalt  }
0x7d: {  	_ =	shalt  }
0x7e: {  	_ =	shalt  }
0x7f: {  	_ =	shalt  }
0x80: {  	_ =	shalt  }
0x81: {  	_ =	shalt  }
0x82: {  	_ =	shalt  }
0x83: {  	_ =	shalt  }
0x84: {  	_ =	shalt  }
0x85: {  	_ =	shalt  }
0x86: {  	_ =	shalt  }
0x87: {  	_ =	shalt  }
.Lfunc_end0:
.L_simem_size_0:
called_computation_lowered:
.L_overlay_start_0:
0x88: {  	s2 =	sld [smem:$0x3FD9]  }
0x89: {  	s3 =	sld [smem:$0x3FFE];
	_ =	sdelay $0x1  }
0x8a: {  	s1 =	srdreg.scid  }
0x8b: {  	s0 =	sand.u32 $0x1, s1  }
0x8c: {  	s17 =	sshll.u32 s0, $0xA;
	s2 =	sadd.s32 s3, s2  }
0x8d: {  	s2 =	sadd.s32 s2, s17  }
0x8e: {  	[smem:$0x3FB5] =	sst s2  }
0x8f: {  	_ = 	snop  }
0x90: {  	(tm) =	ssettm $0x1  }
0x91: {  	s18 =	sld [smem:$0x3FFB];
	_ =	sdelay $0x3  }
0x92: {  	_ =	strace s18  }
0x93: {  	s2 =	sld [smem:$0x3FFC];
	_ =	sdelay $0x3  }
0x94: {  	_ =	strace s2  }
0x95: {  	s2 =	sld [smem:$0x3FFD];
	_ =	sdelay $0x3  }
0x96: {  	_ =	strace s2  }
0x97: {  	_ =	strace $0x8FFFFFFF  }
0x98: {  	s19 =	sld [smem:$0x3FDB];
	_ =	sdelay $0x1  }
0x99: {  	s20 =	simm.s32 $_scs_section_size  }
0x9a: {  	s4 =	simm.s32 $_size__tile_overlayer_lowered;
	s5 =	simm.s32 $_tile_overlayer_lowered  }
0x9b: {  	s6 =	simm.s32 $0x1BFF;
	s21 =	sshll.u32 s5, $0x1;
	s3 =	sadd.s32 s20, s19  }
0x9c: {  	s22 =	simm.s32 $0x0;
	s4 =	sshll.u32 s4, $0x1;
	s5 =	sadd.s32 s21, s3  }
0x9d: {  	[timem:s22], [sflag:s6] =	dma.local [hbm:s5], s4  }
0x9e: {  	_ =	swait.ge [sflag:s6], s4  }
0x9f: {  	s4 =	ssub.s32 $0x0, s4;
	[sflag:s6] =	ssyncset.done $0x0  }
0xa0: {  	[sflag:s6] =	ssyncadd.s32 s4;
	_ =	sdelay $0x1  }
0xa1: {  	s23 =	simm.s32 $0x1B8B  }
0xa2: {  	_ =	swait.ge [sflag:s23], $0x1  }
0xa3: {  	[sflag:s23] =	ssyncset.done $0x0  }
0xa4: {  	[sflag:s23] =	ssyncadd.s32 $0xFFFFFFFF  }
0xa5: {  	s4 =	sld [smem:$0x0]  }
0xa6: {  	s5 =	sand.u32 $0xFFFFFFFE, s1  }
0xa7: {  	p0 =	sne.s32 s1, s5  }
0xa8: {  	s5 =	sshll.u32 @p0 s5, $0xE  }
0xa9: {  	s5 =	sadd.s32 @p0 $0x11B8D, s5;
	s6 =	sshll.u32 @p0 s4, $0x11  }
0xaa: {  	s5 =	sor.u32 @p0 s6, s5  }
0xab: {  	[sflag:s5] =	ssyncadd.remote.s32 @p0 $0x1;
	_ =	sdelay $0x1  }
0xac: {  	s5 =	simm.s32 @p0 $0x1B8D  }
0xad: {  	_ =	swait.eq @p0 [sflag:s5], $0x1  }
0xae: {  	[sflag:s5] =	ssyncadd.s32 @p0 $0xFFFFFFFF  }
0xaf: {  	s6 =	sshll.u32 @!p0 s1, $0xE  }
0xb0: {  	s6 =	sor.u32 @!p0 $0x4000, s6;
	s5 =	simm.s32 @!p0 $0x1B8D  }
0xb1: {  	s4 =	sshll.u32 @!p0 s4, $0x11;
	s6 =	sadd.s32 @!p0 $0x11B8D, s6;
	_ =	swait.eq @!p0 [sflag:s5], $0x1  }
0xb2: {  	s4 =	sor.u32 @!p0 s4, s6;
	[sflag:s5] =	ssyncadd.s32 @!p0 $0xFFFFFFFF  }
0xb3: {  	s25 =	simm.s32 $0x1B8E;
	s24 =	sld [smem:$0x3FFE];
	[sflag:s4] =	ssyncadd.remote.s32 @!p0 $0x1  }
0xb4: {  	s26 =	simm.s32 $execute0_lowered;
	[smem:$0x3FD2] =	sst s25  }
0xb5: {  	s5 =	sshll.u32 s26, $0x1;
	_ =	strace $0x80000049;
	[dreg:$0x1] =	wrdreg $0xFFFFFFFF  }
0xb6: {  	s28 =	simm.s32 $_size_execute0_lowered;
	s3 =	sadd.s32 s3, s5;
	[dreg:$0x0] =	wrdreg $0x0  }
0xb7: {  	s5 =	sshll.u32 s28, $0x1;
	[dreg:$0x2] =	wrdreg s3  }
0xb8: {  	[dreg:$0x3] =	wrdreg s5  }
0xb9: {  	[dreg:$0x4] =	wrdreg $0xC0  }
0xba: {  	_ =	task [dreg:s22], $0x5FFFF  }
0xbb: {  	[dreg:$0x1] =	wrdreg $0xFFFFFFFF  }
0xbc: {  	[dreg:$0x0] =	wrdreg $0x60  }
0xbd: {  	[dreg:$0x2] =	wrdreg s24  }
0xbe: {  	[dreg:$0x3] =	wrdreg $0xA8000  }
0xbf: {  	[dreg:$0x4] =	wrdreg $0x9  }
0xc0: {  	_ =	task.clear_ibuf [dreg:s22], $0x5FFFF;
	_ =	strace $0x90000049  }
0xc1: {  	s29 =	simm.s32 $0x9;
	_ =	strace $0x8000004B  }
0xc2: {  	_ =	swait.ge [sflag:s29], $0x1  }
0xc3: {  	[sflag:s29] =	ssyncadd.s32 $0xFFFFFFFF  }
0xc4: {  	_ =	strace $0x9000004B  }
0xc5: {  	_ =	sfence  }
0xc6: {  	s30 =	sld [smem:$0x0];
	_ =	sdelay $0x2  }
0xc7: {  	s31 =	sshll.u32 s1, $0xD;
	s1 =	sshrl.u32 s1, $0x2  }
0xc8: {  	s4 =	sand.u32 $0x4000, s31;
	s1 =	sadd.s32 s1, s30  }
0xc9: {  	s0 =	sor.u32 s4, s0;
	s1 =	sshll.u32 s1, $0x11  }
0xca: {  	s0 =	sor.u32 s1, s0  }
0xcb: {  	s0 =	sadd.s32 $0x8F2B, s0  }
0xcc: {  	[sflag:s0] =	ssyncadd.remote.s32 $0x1  }
0xcd: {  	_ =	sfence.sel $0xFFFF  }
0xce: {  	[dreg:$0x0] =	wrdreg $0xFFFFFFFF;
	(pc) =	sbr.abs _section_cstart, $3  }
0xcf: {  	[dreg:$0x1] =	wrdreg $0xFFFFFFFF  }
0xd0: {  	_ =	task.clear_ibuf [dreg:s22], $0x2FFFF;
	_ =	strace $0x9FFFFFFF  }
0xd1: {  	(tm) =	ssettm $0x7FFFFFFF  }
tec
execute0_lowered:
.L_overlay_start_1:
0x0: {  	(tag) =	ssettag $0x1  }
0x1: {  	s0 =	srdreg.scid  }
0x2: {  	s5 =	rddreg [dreg:$0x0];
	s4 =	sand.u32 $0x1, s0  }
0x3: {  	s0 =	stileid.u32;
	s7 =	smul.u32 $0x27800, s4  }
0x4: {  	s2 =	rddreg [dreg:$0x1];
	s8 =	smul.u32 $0x278, s0  }
0x5: {  	s3 =	simm.s32 $0x0;
	s1 =	sshll.u32 s4, $0x4;
	s9 =	smul.u32 $0x4F000, s0  }
0x6: {  	s4 =	ssub.s32 $0x2, s4;
	s16 =	smul.u32 $0x2780, s0;
	s1 =	sor.u32 s0, s1  }
0x7: {  	[smem:$0x7FF] =	sst s3;
	s25 =	sshrl.u32 s4, $0x1;
	s6 =	smul.u32 $0x500, s1  }
0x8: {  	s1 =	rddreg [dreg:$0x2];
	_ =	strace $0x8000004A;
	s10 =	sadd.s32 s7, s5  }
0x9: {  	s11 =	ssub.s32 s4, s25;
	s26 =	sshrl.u32 s9, $0x2;
	s12 =	sadd.s32 $0x80, s8  }
0xa: {  	s13 =	sadd.s32 $0x100, s8;
	s14 =	sadd.s32 $0x180, s8;
	s15 =	sadd.s32 $0x200, s8  }
0xb: {  	s28 =	sshll.u32 s12, $0x7;
	s29 =	sshll.u32 s13, $0x7;
	s30 =	sshll.u32 s14, $0x7  }
0xc: {  	s31 =	sshll.u32 s15, $0x7;
	s19 =	sadd.s32 $0x5D000, s10;
	s17 =	sshll.u32 s12, $0x4  }
0xd: {  	s18 =	sshll.u32 s13, $0x4;
	s20 =	sshll.u32 s14, $0x4;
	s21 =	sshll.u32 s15, $0x4  }
0xe: {  	s10 =	smax.u32 s11, $0x1;
	s11 =	simm.s32 $0x1;
	s12 =	simm.s32 $0x6800  }
0xf: {  	s13 =	simm.s32 $0x80;
	s14 =	simm.s32 $0x2800;
	s6 =	sadd.s32 s6, s5  }
0x10: {  	s5 =	sadd.s32 s26, s2;
	s7 =	sadd.s32 s29, s2;
	s8 =	sadd.s32 s30, s2  }
0x11: {  	s9 =	sadd.s32 s31, s2;
	s15 =	sadd.s32 s16, s19;
	s16 =	sadd.s32 s17, s19  }
0x12: {  	s17 =	sadd.s32 s18, s19;
	s18 =	sadd.s32 s20, s19;
	s19 =	sadd.s32 s21, s19  }
0x13: {  	v0 =	vimm.f32 $1.000000000e+00;
	v1 =	vimm.f32 $0.0e+00;
	s20 =	simm.s32 $0x0;
	s4 =	sadd.s32 $0x4000, s6;
	s6 =	sadd.s32 s28, s2  }
.LBB2_1:
0x14: {  	[tilespmem:s3], [sflag:$0x1] =	stream.linear.gather [hbm4b:s4+s3], $0x2780, $0x38;
	[tilespmem:$0x1E400] =	vst v63  }
0x15: {  	_ =	swait.ge [sflag:s11], $0x2780  }
0x16: {  	[sflag:s11] =	ssyncset.done $0x0  }
0x17: {  	s21 =	simm.s32 $0x0;
	s22 =	simm.s32 $0x200;
	[sflag:s11] =	ssyncadd.s32 $0xFFFFD880  }
.LBB2_2:
0x18: {  	p0 =	sne.s32 s22, $0xFE00;
	[tilespmem:s21+$0x6870] =	vst v1  }
0x19: {  	[tilespmem:s21+$0x2800] =	vst v0  }
0x1a: {  	[tilespmem:s21+$0x6800] =	vst v1  }
0x1b: {  	[tilespmem:s21+$0x2810] =	vst v0  }
0x1c: {  	[tilespmem:s21+$0x6810] =	vst v1  }
0x1d: {  	[tilespmem:s21+$0x2820] =	vst v0  }
0x1e: {  	[tilespmem:s21+$0x6820] =	vst v1  }
0x1f: {  	[tilespmem:s21+$0x2830] =	vst v0  }
0x20: {  	[tilespmem:s21+$0x6830] =	vst v1  }
0x21: {  	[tilespmem:s21+$0x2840] =	vst v0  }
0x22: {  	[tilespmem:s21+$0x6840] =	vst v1  }
.Ltmp0:
0x23: {  	[tilespmem:s21+$0x2850] =	vst v0;
	(pc) =	sbr.rel @p0 .LBB2_2-.Ltmp0, $4  }
0x24: {  	[tilespmem:s21+$0x6850] =	vst v1  }
0x25: {  	[tilespmem:s21+$0x2860] =	vst v0  }
0x26: {  	[tilespmem:s21+$0x6860] =	vst v1  }
0x27: {  	[tilespmem:s21+$0x2870] =	vst v0;
	s21 =	sshra.s32 s22, $0x2;
	s22 =	sadd.s32 $0x200, s22  }
0x28: {  	[tilespmem:s21+$0x6870] =	vst v1  }
0x29: {  	[tilespmem:s21+$0x2800] =	vst v0  }
0x2a: {  	[tilespmem:s21+$0x6800] =	vst v1  }
0x2b: {  	[tilespmem:s21+$0x2810] =	vst v0  }
0x2c: {  	[tilespmem:s21+$0x6810] =	vst v1  }
0x2d: {  	[tilespmem:s21+$0x2820] =	vst v0  }
0x2e: {  	[tilespmem:s21+$0x6820] =	vst v1  }
0x2f: {  	[tilespmem:s21+$0x2830] =	vst v0  }
0x30: {  	[tilespmem:s21+$0x6830] =	vst v1  }
0x31: {  	[tilespmem:s21+$0x2840] =	vst v0  }
0x32: {  	[tilespmem:s21+$0x6840] =	vst v1  }
0x33: {  	[tilespmem:s21+$0x2850] =	vst v0  }
0x34: {  	[tilespmem:s21+$0x6850] =	vst v1  }
0x35: {  	[tilespmem:s21+$0x2860] =	vst v0  }
0x36: {  	[tilespmem:s21+$0x6860] =	vst v1  }
0x37: {  	[tilespmem:s21+$0x2870] =	vst v0  }
0x38: {  	[spmem:s5] =	stream.linear.scatter [tilespmem:s12], [sflag:$0x1], $0x4000, $0x38;
	[tilespmem:$0x1E400] =	vst v63  }
0x39: {  	_ =	swait.ge [sflag:s11], $0x4000  }
0x3a: {  	[sflag:s11] =	ssyncset.done $0x0  }
0x3b: {  	[sflag:s11] =	ssyncadd.s32 $0xFFFFC000  }
0x3c: {  	[spmem:s6] =	stream.linear.scatter [tilespmem:s12], [sflag:$0x1], $0x4000, $0x38;
	[tilespmem:$0x1E400] =	vst v63  }
0x3d: {  	_ =	swait.ge [sflag:s11], $0x4000  }
0x3e: {  	[sflag:s11] =	ssyncset.done $0x0  }
0x3f: {  	[sflag:s11] =	ssyncadd.s32 $0xFFFFC000  }
0x40: {  	[spmem:s7] =	stream.linear.scatter [tilespmem:s12], [sflag:$0x1], $0x4000, $0x38;
	[tilespmem:$0x1E400] =	vst v63  }
0x41: {  	_ =	swait.ge [sflag:s11], $0x4000  }
0x42: {  	[sflag:s11] =	ssyncset.done $0x0  }
0x43: {  	[sflag:s11] =	ssyncadd.s32 $0xFFFFC000  }
0x44: {  	[spmem:s8] =	stream.linear.scatter [tilespmem:s12], [sflag:$0x1], $0x4000, $0x38;
	[tilespmem:$0x1E400] =	vst v63  }
0x45: {  	_ =	swait.ge [sflag:s11], $0x4000  }
0x46: {  	[sflag:s11] =	ssyncset.done $0x0  }
0x47: {  	[sflag:s11] =	ssyncadd.s32 $0xFFFFC000  }
0x48: {  	[spmem:s9] =	stream.linear.scatter [tilespmem:s12], [sflag:$0x1], $0x3C00, $0x38;
	[tilespmem:$0x1E400] =	vst v63  }
0x49: {  	_ =	swait.ge [sflag:s11], $0x3C00  }
0x4a: {  	[sflag:s11] =	ssyncset.done $0x0  }
0x4b: {  	[sflag:s11] =	ssyncadd.s32 $0xFFFFC400  }
0x4c: {  	s31 =	simm.s32 $0x0;
	[bflag:$0x0] =	sbarrier.arrive $0xFFFF  }
0x4d: {  	[spmem:s2] =	stream.indirect.scatter.add.f32 [tilespmem:s14], [sflag:$0x1], $0x80, s31, s13, $0xb8;
	[tilespmem:$0x1E400] =	vst v63  }
0x4e: {  	_ =	swait.ge [sflag:s11], $0x4000  }
0x4f: {  	s21 =	simm.s32 $0x200;
	[sflag:s11] =	ssyncset.done $0x0  }
.LBB2_4:
0x50: {  	s22 =	sshra.s32 s21, $0x2;
	[sflag:s11] =	ssyncadd.s32 $0xFFFFC000;
	p0 =	sne.s32 s21, $0x9C00  }
0x51: {  	[spmem:s2] =	stream.indirect.scatter.add.f32 [tilespmem:s14], [sflag:$0x1], $0x80, s22, s13, $0xb8;
	[tilespmem:$0x1E400] =	vst v63  }
.Ltmp1:
0x52: {  	_ = 	snop;
	(pc) =	sbr.rel @p0 .LBB2_4-.Ltmp1, $4  }
0x53: {  	_ = 	snop  }
0x54: {  	s21 =	sadd.s32 $0x200, s21  }
0x55: {  	_ =	swait.ge [sflag:s11], $0x4000  }
0x56: {  	[sflag:s11] =	ssyncset.done $0x0  }
0x57: {  	[sflag:s11] =	ssyncadd.s32 $0xFFFFC000  }
0x58: {  	[bflag:$0x0] =	sbarrier.arrive $0xFFFF  }
0x59: {  	[tilespmem:s12], [sflag:$0x1] =	stream.linear.gather [spmem:s5], $0x4000, $0x38;
	[tilespmem:$0x1E400] =	vst v63  }
0x5a: {  	_ =	swait.ge [sflag:s11], $0x4000  }
0x5b: {  	[sflag:s11] =	ssyncset.done $0x0  }
0x5c: {  	[sflag:s11] =	ssyncadd.s32 $0xFFFFC000  }
0x5d: {  	[hbm4b:s15+s3] =	stream.linear.scatter [tilespmem:s12], [sflag:$0x1], $0x4000, $0x38;
	[tilespmem:$0x1E400] =	vst v63  }
0x5e: {  	_ =	swait.ge [sflag:s11], $0x4000  }
0x5f: {  	[sflag:s11] =	ssyncset.done $0x0  }
0x60: {  	[sflag:s11] =	ssyncadd.s32 $0xFFFFC000  }
0x61: {  	[tilespmem:s12], [sflag:$0x1] =	stream.linear.gather [spmem:s6], $0x4000, $0x38;
	[tilespmem:$0x1E400] =	vst v63  }
0x62: {  	_ =	swait.ge [sflag:s11], $0x4000  }
0x63: {  	[sflag:s11] =	ssyncset.done $0x0  }
0x64: {  	[sflag:s11] =	ssyncadd.s32 $0xFFFFC000  }
0x65: {  	[hbm4b:s16+s3] =	stream.linear.scatter [tilespmem:s12], [sflag:$0x1], $0x4000, $0x38;
	[tilespmem:$0x1E400] =	vst v63  }
0x66: {  	_ =	swait.ge [sflag:s11], $0x4000  }
0x67: {  	[sflag:s11] =	ssyncset.done $0x0  }
0x68: {  	[sflag:s11] =	ssyncadd.s32 $0xFFFFC000  }
0x69: {  	[tilespmem:s12], [sflag:$0x1] =	stream.linear.gather [spmem:s7], $0x4000, $0x38;
	[tilespmem:$0x1E400] =	vst v63  }
0x6a: {  	_ =	swait.ge [sflag:s11], $0x4000  }
0x6b: {  	[sflag:s11] =	ssyncset.done $0x0  }
0x6c: {  	[sflag:s11] =	ssyncadd.s32 $0xFFFFC000  }
0x6d: {  	[hbm4b:s17+s3] =	stream.linear.scatter [tilespmem:s12], [sflag:$0x1], $0x4000, $0x38;
	[tilespmem:$0x1E400] =	vst v63  }
0x6e: {  	_ =	swait.ge [sflag:s11], $0x4000  }
0x6f: {  	[sflag:s11] =	ssyncset.done $0x0  }
0x70: {  	[sflag:s11] =	ssyncadd.s32 $0xFFFFC000  }
0x71: {  	[tilespmem:s12], [sflag:$0x1] =	stream.linear.gather [spmem:s8], $0x4000, $0x38;
	[tilespmem:$0x1E400] =	vst v63  }
0x72: {  	_ =	swait.ge [sflag:s11], $0x4000  }
0x73: {  	[sflag:s11] =	ssyncset.done $0x0  }
0x74: {  	[sflag:s11] =	ssyncadd.s32 $0xFFFFC000  }
0x75: {  	[hbm4b:s18+s3] =	stream.linear.scatter [tilespmem:s12], [sflag:$0x1], $0x4000, $0x38;
	[tilespmem:$0x1E400] =	vst v63  }
0x76: {  	_ =	swait.ge [sflag:s11], $0x4000  }
0x77: {  	[sflag:s11] =	ssyncset.done $0x0  }
0x78: {  	[sflag:s11] =	ssyncadd.s32 $0xFFFFC000  }
0x79: {  	[tilespmem:s12], [sflag:$0x1] =	stream.linear.gather [spmem:s9], $0x3C00, $0x38;
	[tilespmem:$0x1E400] =	vst v63  }
0x7a: {  	s20 =	sadd.s32 $0x1, s20;
	_ =	swait.ge [sflag:s11], $0x3C00  }
0x7b: {  	p0 =	sne.s32 s20, s10;
	[sflag:s11] =	ssyncset.done $0x0  }
.Ltmp2:
0x7c: {  	[sflag:s11] =	ssyncadd.s32 $0xFFFFC400;
	(pc) =	sbr.rel @p0 .LBB2_1-.Ltmp2, $4  }
0x7d: {  	[hbm4b:s19+s3] =	stream.linear.scatter [tilespmem:s12], [sflag:$0x1], $0x3C00, $0x38;
	[tilespmem:$0x1E400] =	vst v63  }
0x7e: {  	_ =	swait.ge [sflag:s11], $0x3C00  }
0x7f: {  	[sflag:s11] =	ssyncset.done $0x0  }
0x80: {  	[sflag:s11] =	ssyncadd.s32 $0xFFFFC400  }
0x81: {  	_ =	sfence.sel $0x180000  }
0x82: {  	[bflag:$0x0] =	sbarrier.arrive $0xFFFF  }
0x83: {  	p0 =	sne.s32 s0, $0x0;
	_ =	strace $0x9000004A  }
0x84: {  	s0 =	sadd.s32 @!p0 $0x100000, s1;
	[bflag:$0x2] =	sbarrier.arrive $0xFFFF  }
0x85: {  	[sflag:s0] =	ssyncadd.tile.s32 @!p0 $0x1;
	_ =	shalt  }
.Lfunc_end2:
_tile_overlayer_lowered:
.L_overlay_start_2:
0x86: {  	(tag) =	ssettag $0x2  }
0x87: {  	s0 =	rddreg [dreg:$0x0];
	s2 =	stileid.u32  }
0x88: {  	s1 =	rddreg [dreg:$0x1];
	p0 =	sne.s32 s2, $0x0  }
0x89: {  	s3 =	rddreg [dreg:$0x2];
	[bflag:$0x3] =	sbarrier.arrive $0xFFFF;
	s2 =	simm.s32 @!p0 $0x1C01  }
0x8a: {  	[timem:s3], [sflag:s2] =	dma.local @!p0 [hbm:s0], s1  }
0x8b: {  	s0 =	simm.s32 @!p0 $0x1  }
0x8c: {  	_ =	swait.ge @!p0 [sflag:s0], s1  }
0x8d: {  	s1 =	ssub.s32 @!p0 $0x0, s1;
	[sflag:s0] =	ssyncset.done @!p0 $0x0  }
0x8e: {  	[sflag:s0] =	ssyncadd.s32 @!p0 s1  }
0x8f: {  	[bflag:$0x3] =	sbarrier.arrive $0xFFFF  }
0x90: {  	_ =	shalt  }

// kernel: kernel.15.cloned.1.call-start
scs
__scs_entry_jumppad:
0x0: {  	(pc) =	sbr.rel $0x88, $3  }
0x1: {  	(tag) =	ssettag $0x0;
	lr =	simm.s32 $0x1  }
0x2: {  	[smem:$0x3F8E] =	sst lr;
	_ =	strace $0xD0000000  }
0x3: {  	_ = 	snop  }
0x4: {  	_ = 	snop  }
0x5: {  	_ = 	snop  }
0x6: {  	_ = 	snop  }
0x7: {  	_ = 	snop  }
__scs_overlays_trampoline_lowered:
0x8: {  	[smem:$0x3F9D] =	sst s0  }
0x9: {  	[smem:$0x3F9E] =	sst s1  }
0xa: {  	[smem:$0x3F9F] =	sst s2  }
0xb: {  	[smem:$0x3FA0] =	sst s3  }
0xc: {  	[smem:$0x3FA1] =	sst s4  }
0xd: {  	[smem:$0x3FA2] =	sst s5  }
0xe: {  	[smem:$0x3FA3] =	sst s6  }
0xf: {  	[smem:$0x3FA4] =	sst s7  }
0x10: {  	[smem:$0x3FA5] =	sst s8  }
0x11: {  	[smem:$0x3FA6] =	sst s9;
	s0 =	simm.s32 @!p0 $0x0  }
0x12: {  	s1 =	sld [smem:$0x3F8C];
	s0 =	simm.s32 @p0 $0x1  }
0x13: {  	[smem:$0x3FA7] =	sst s0;
	s0 =	simm.s32 @!p1 $0x0  }
0x14: {  	s2 =	sld [smem:$0x3F8B];
	s0 =	simm.s32 @p1 $0x1  }
0x15: {  	[smem:$0x3FA8] =	sst s0;
	s0 =	simm.s32 @!p2 $0x0  }
0x16: {  	s3 =	sld [smem:$0x3FDB];
	s0 =	simm.s32 @p2 $0x1  }
0x17: {  	s4 =	simm.s32 $0x1BF5;
	[smem:$0x3FAA] =	sst s0  }
0x18: {  	s0 =	sld [smem:$0x3F8D];
	_ =	swait.ge [sflag:s4], $0x0  }
0x19: {  	s7 =	sld [smem:$0x3F8E]  }
0x1a: {  	s8 =	sadd.s32 $0xFFFFE003, lr  }
0x1b: {  	s9 =	sadd.s32 $0xFFFFFEF7, lr;
	s5 =	simm.s32 $0xFFFFFFFF;
	p2 =	slt.u32 s8, $0xFFFFF086  }
0x1c: {  	p1 =	slt.u32 s9, $0xF7A;
	s5 =	simm.s32 @!p2 $0x0  }
0x1d: {  	s5 =	simm.s32 @p1 $0x1;
	p0 =	seq.s32 s7, s2  }
0x1e: {  	s7 =	smul.u32 @!p0 $0xF7A, s2;
	p2 =	seq.s32 @!p0 s5, $0x0  }
0x1f: {  	s9 =	smul.u32 $0xF7A, s1;
	s8 =	simm.s32 @!p0 $0x1BF5;
	p2 =	por !p2, p0  }
0x20: {  	[sflag:s8] =	ssyncset.s32 @!p0 $0xFFFFF086;
	s6 =	sadd.s32 @!p0 s3, s7;
	s7 =	simm.s32 @!p0 $0x108  }
0x21: {  	s3 =	sadd.s32 s3, s9;
	s6 =	sadd.s32 @!p0 $0x88, s6;
	s7 =	simm.s32 @p2 $0x1082  }
0x22: {  	[simem:s7], [sflag:s8] =	dma.local @!p0 [hbm:s6], $0xF7A  }
0x23: {  	s9 =	sor.u32 $0xD0000000, s2;
	s6 =	simm.s32 $0x108;
	_ =	swait.ge @!p0 [sflag:s8], $0x0  }
0x24: {  	s3 =	sadd.s32 $0x88, s3;
	s6 =	simm.s32 @!p1 $0x1082;
	[sflag:s4] =	ssyncset.s32 $0xFFFFF086  }
0x25: {  	[simem:s6], [sflag:s4] =	dma.local [hbm:s3], $0xF7A  }
0x26: {  	[smem:$0x3F8E] =	sst s1;
	(tag) =	ssettag s2;
	_ =	strace s9  }
0x27: {  	s1 =	sld [smem:$0x3F9E]  }
0x28: {  	s2 =	sld [smem:$0x3F9F]  }
0x29: {  	s4 =	sld [smem:$0x3FA1]  }
0x2a: {  	p0 =	seq.s32 s5, $0x0;
	s5 =	sld [smem:$0x3FA2]  }
0x2b: {  	s6 =	sld [smem:$0x3FA3]  }
0x2c: {  	s7 =	sld [smem:$0x3FA4]  }
0x2d: {  	s3 =	simm.s32 $0x108;
	s8 =	sld [smem:$0x3FA5]  }
0x2e: {  	s3 =	simm.s32 @!p0 $0x1082;
	s9 =	sld [smem:$0x3FA6]  }
0x2f: {  	lr =	sadd.s32 s0, s3;
	s0 =	sld [smem:$0x3F9D]  }
0x30: {  	s3 =	sld [smem:$0x3FA0]  }
0x31: {  	[smem:$0x3FA9] =	sst s10  }
0x32: {  	s10 =	sld [smem:$0x3FA7];
	_ =	sdelay $0x3  }
0x33: {  	p0 =	seq.s32 s10, $0x1;
	s10 =	sld [smem:$0x3FA9];
	_ =	sdelay $0x3  }
0x34: {  	[smem:$0x3FA9] =	sst s10  }
0x35: {  	s10 =	sld [smem:$0x3FA8];
	_ =	sdelay $0x3  }
0x36: {  	p1 =	seq.s32 s10, $0x1;
	s10 =	sld [smem:$0x3FA9];
	_ =	sdelay $0x3  }
0x37: {  	[smem:$0x3FA9] =	sst s10  }
0x38: {  	s10 =	sld [smem:$0x3FAA]  }
0x39: {  	_ = 	snop;
	(pc) =	sbr.ind lr, $3  }
0x3a: {  	_ = 	snop  }
0x3b: {  	_ = 	snop  }
0x3c: {  	p2 =	seq.s32 s10, $0x1;
	s10 =	sld [smem:$0x3FA9]  }
0x3d: {  	_ =	shalt  }
0x3e: {  	_ =	shalt  }
0x3f: {  	_ =	shalt  }
0x40: {  	_ =	shalt  }
0x41: {  	_ =	shalt  }
0x42: {  	_ =	shalt  }
0x43: {  	_ =	shalt  }
0x44: {  	_ =	shalt  }
0x45: {  	_ =	shalt  }
0x46: {  	_ =	shalt  }
0x47: {  	_ =	shalt  }
0x48: {  	_ =	shalt  }
0x49: {  	_ =	shalt  }
0x4a: {  	_ =	shalt  }
0x4b: {  	_ =	shalt  }
0x4c: {  	_ =	shalt  }
0x4d: {  	_ =	shalt  }
0x4e: {  	_ =	shalt  }
0x4f: {  	_ =	shalt  }
0x50: {  	_ =	shalt  }
0x51: {  	_ =	shalt  }
0x52: {  	_ =	shalt  }
0x53: {  	_ =	shalt  }
0x54: {  	_ =	shalt  }
0x55: {  	_ =	shalt  }
0x56: {  	_ =	shalt  }
0x57: {  	_ =	shalt  }
0x58: {  	_ =	shalt  }
0x59: {  	_ =	shalt  }
0x5a: {  	_ =	shalt  }
0x5b: {  	_ =	shalt  }
0x5c: {  	_ =	shalt  }
0x5d: {  	_ =	shalt  }
0x5e: {  	_ =	shalt  }
0x5f: {  	_ =	shalt  }
0x60: {  	_ =	shalt  }
0x61: {  	_ =	shalt  }
0x62: {  	_ =	shalt  }
0x63: {  	_ =	shalt  }
0x64: {  	_ =	shalt  }
0x65: {  	_ =	shalt  }
0x66: {  	_ =	shalt  }
0x67: {  	_ =	shalt  }
0x68: {  	_ =	shalt  }
0x69: {  	_ =	shalt  }
0x6a: {  	_ =	shalt  }
0x6b: {  	_ =	shalt  }
0x6c: {  	_ =	shalt  }
0x6d: {  	_ =	shalt  }
0x6e: {  	_ =	shalt  }
0x6f: {  	_ =	shalt  }
0x70: {  	_ =	shalt  }
0x71: {  	_ =	shalt  }
0x72: {  	_ =	shalt  }
0x73: {  	_ =	shalt  }
0x74: {  	_ =	shalt  }
0x75: {  	_ =	shalt  }
0x76: {  	_ =	shalt  }
0x77: {  	_ =	shalt  }
0x78: {  	_ =	shalt  }
0x79: {  	_ =	shalt  }
0x7a: {  	_ =	shalt  }
0x7b: {  	_ =	shalt  }
0x7c: {  	_ =	shalt  }
0x7d: {  	_ =	shalt  }
0x7e: {  	_ =	shalt  }
0x7f: {  	_ =	shalt  }
0x80: {  	_ =	shalt  }
0x81: {  	_ =	shalt  }
0x82: {  	_ =	shalt  }
0x83: {  	_ =	shalt  }
0x84: {  	_ =	shalt  }
0x85: {  	_ =	shalt  }
0x86: {  	_ =	shalt  }
0x87: {  	_ =	shalt  }
.Lfunc_end0:
.L_simem_size_0:
called_computation.1_lowered:
.L_overlay_start_0:
0x88: {  	s2 =	sld [smem:$0x3FD9]  }
0x89: {  	s3 =	sld [smem:$0x3FFE];
	_ =	sdelay $0x1  }
0x8a: {  	s1 =	srdreg.scid  }
0x8b: {  	s0 =	sand.u32 $0x1, s1  }
0x8c: {  	s17 =	sshll.u32 s0, $0xA;
	s2 =	sadd.s32 s3, s2  }
0x8d: {  	s2 =	sadd.s32 s2, s17  }
0x8e: {  	[smem:$0x3FB5] =	sst s2  }
0x8f: {  	_ = 	snop  }
0x90: {  	s2 =	sld [smem:$0x3FC9]  }
0x91: {  	s18 =	sld [smem:$0x3FD0];
	(tm) =	ssettm $0x1  }
0x92: {  	s4 =	sld [smem:$0x3FFB];
	_ =	sdelay $0x3  }
0x93: {  	_ =	strace s4  }
0x94: {  	s4 =	sld [smem:$0x3FFC];
	_ =	sdelay $0x3  }
0x95: {  	_ =	strace s4  }
0x96: {  	s4 =	sld [smem:$0x3FFD];
	_ =	sdelay $0x3  }
0x97: {  	_ =	strace s4  }
0x98: {  	_ =	strace $0x8FFFFFFF  }
0x99: {  	s19 =	sld [smem:$0x3FDB];
	_ =	sdelay $0x1  }
0x9a: {  	s5 =	simm.s32 $_scs_section_size  }
0x9b: {  	s6 =	simm.s32 $_size__tile_overlayer_lowered;
	s7 =	simm.s32 $_tile_overlayer_lowered  }
0x9c: {  	s22 =	simm.s32 $0x1BFF;
	s21 =	sshll.u32 s7, $0x1;
	s4 =	sadd.s32 s5, s19  }
0x9d: {  	s8 =	simm.s32 $0x0;
	s20 =	sshll.u32 s6, $0x1;
	s6 =	sadd.s32 s21, s4  }
0x9e: {  	[timem:s8], [sflag:s22] =	dma.local [hbm:s6], s20  }
0x9f: {  	_ =	swait.ge [sflag:s22], s20  }
0xa0: {  	s5 =	ssub.s32 $0x0, s20;
	[sflag:s22] =	ssyncset.done $0x0  }
0xa1: {  	[sflag:s22] =	ssyncadd.s32 s5;
	_ =	sdelay $0x1  }
0xa2: {  	s23 =	simm.s32 $0x1B8B  }
0xa3: {  	_ =	swait.ge [sflag:s23], $0x1  }
0xa4: {  	[sflag:s23] =	ssyncset.done $0x0  }
0xa5: {  	s25 =	simm.s32 $0x1B8E;
	s24 =	sld [smem:$0x3FFE];
	[sflag:s23] =	ssyncadd.s32 $0xFFFFFFFF  }
0xa6: {  	s26 =	simm.s32 $execute0_lowered;
	[smem:$0x3FD2] =	sst s25  }
0xa7: {  	s6 =	sshll.u32 s26, $0x1;
	_ =	strace $0x80000046;
	[dreg:$0x1] =	wrdreg $0xFFFFFFFF  }
0xa8: {  	s28 =	simm.s32 $_size_execute0_lowered;
	s4 =	sadd.s32 s4, s6;
	[dreg:$0x0] =	wrdreg $0x0  }
0xa9: {  	s6 =	sshll.u32 s28, $0x1;
	[dreg:$0x2] =	wrdreg s4  }
0xaa: {  	[dreg:$0x3] =	wrdreg s6  }
0xab: {  	[dreg:$0x4] =	wrdreg $0xC0  }
0xac: {  	_ =	task [dreg:s8], $0x5FFFF  }
0xad: {  	[dreg:$0x1] =	wrdreg $0xFFFFFFFF  }
0xae: {  	[dreg:$0x0] =	wrdreg $0x60  }
0xaf: {  	[dreg:$0x2] =	wrdreg s2  }
0xb0: {  	[dreg:$0x3] =	wrdreg s18  }
0xb1: {  	[dreg:$0x4] =	wrdreg s24  }
0xb2: {  	[dreg:$0x5] =	wrdreg $0x90000  }
0xb3: {  	[dreg:$0x6] =	wrdreg $0xA  }
0xb4: {  	_ =	task.clear_ibuf [dreg:s8], $0x7FFFF;
	_ =	strace $0x90000046  }
0xb5: {  	s29 =	simm.s32 $0xA;
	_ =	strace $0x80000048  }
0xb6: {  	_ =	swait.ge [sflag:s29], $0x1  }
0xb7: {  	[sflag:s29] =	ssyncadd.s32 $0xFFFFFFFF  }
0xb8: {  	_ =	strace $0x90000048  }
0xb9: {  	_ =	sfence  }
0xba: {  	s30 =	sld [smem:$0x0];
	_ =	sdelay $0x2  }
0xbb: {  	s31 =	sshll.u32 s1, $0xD;
	s1 =	sshrl.u32 s1, $0x2  }
0xbc: {  	s3 =	sand.u32 $0x4000, s31;
	s1 =	sadd.s32 s1, s30  }
0xbd: {  	s0 =	sor.u32 s3, s0;
	s1 =	sshll.u32 s1, $0x11  }
0xbe: {  	s0 =	sor.u32 s1, s0  }
0xbf: {  	s0 =	sadd.s32 $0x8F2B, s0  }
0xc0: {  	[sflag:s0] =	ssyncadd.remote.s32 $0x1  }
0xc1: {  	_ =	sfence.sel $0xFFFF  }
0xc2: {  	[dreg:$0x0] =	wrdreg $0xFFFFFFFF;
	(pc) =	sbr.abs _section_cstart, $3  }
0xc3: {  	[dreg:$0x1] =	wrdreg $0xFFFFFFFF  }
0xc4: {  	_ =	task.clear_ibuf [dreg:s8], $0x2FFFF;
	_ =	strace $0x9FFFFFFF  }
0xc5: {  	(tm) =	ssettm $0x7FFFFFFF  }
tec
execute0_lowered:
.L_overlay_start_1:
0x0: {  	(tag) =	ssettag $0x1  }
0x1: {  	s1 =	rddreg [dreg:$0x0]  }
0x2: {  	s0 =	srdreg.scid;
	s6 =	rddreg [dreg:$0x1]  }
0x3: {  	s7 =	rddreg [dreg:$0x2];
	s5 =	sand.u32 $0x1, s0  }
0x4: {  	s0 =	stileid.u32;
	s9 =	smul.u32 $0x27800, s5  }
0x5: {  	s3 =	rddreg [dreg:$0x3];
	s4 =	simm.s32 $0x0;
	s10 =	smul.u32 $0x278, s0  }
0x6: {  	[smem:$0x7FF] =	sst s4;
	s2 =	sshll.u32 s5, $0x4;
	s12 =	smul.u32 $0x4F000, s0  }
0x7: {  	s5 =	ssub.s32 $0x2, s5;
	s18 =	smul.u32 $0x2780, s0;
	s2 =	sor.u32 s0, s2  }
0x8: {  	s11 =	sshrl.u32 s5, $0x1;
	s8 =	smul.u32 $0x500, s2;
	s2 =	rddreg [dreg:$0x4]  }
0x9: {  	_ =	strace $0x80000047;
	s14 =	sadd.s32 s9, s7;
	s15 =	ssub.s32 s5, s11  }
0xa: {  	s24 =	sshrl.u32 s12, $0x2;
	s25 =	sadd.s32 $0x80, s10;
	s28 =	sadd.s32 $0x100, s10  }
0xb: {  	s16 =	sadd.s32 $0x180, s10;
	s17 =	sadd.s32 $0x200, s10;
	s26 =	sshll.u32 s25, $0x7  }
0xc: {  	s29 =	sshll.u32 s28, $0x7;
	s30 =	sshll.u32 s16, $0x7;
	s31 =	sshll.u32 s17, $0x7  }
0xd: {  	s21 =	sadd.s32 $0xE000, s14;
	s19 =	sshll.u32 s25, $0x4;
	s20 =	sshll.u32 s28, $0x4  }
0xe: {  	s22 =	sshll.u32 s16, $0x4;
	s23 =	sshll.u32 s17, $0x4;
	s12 =	smax.u32 s15, $0x1  }
0xf: {  	s14 =	simm.s32 $0x2800;
	s15 =	simm.s32 $0x5000;
	s16 =	simm.s32 $0x80  }
0x10: {  	s13 =	sadd.s32 s8, s7;
	s5 =	sadd.s32 s6, s8;
	s7 =	sadd.s32 s24, s3  }
0x11: {  	s8 =	sadd.s32 s26, s3;
	s9 =	sadd.s32 s29, s3;
	s10 =	sadd.s32 s30, s3  }
0x12: {  	s11 =	sadd.s32 s31, s3;
	s17 =	sadd.s32 s18, s21;
	s18 =	sadd.s32 s19, s21  }
0x13: {  	s19 =	sadd.s32 s20, s21;
	s20 =	sadd.s32 s22, s21;
	s21 =	sadd.s32 s23, s21  }
0x14: {  	v0 =	vimm.f32 $0.0e+00;
	s22 =	simm.s32 $0x0;
	s6 =	sadd.s32 $0x4000, s13;
	s13 =	simm.s32 $0x1  }
.LBB2_1:
0x15: {  	[tilespmem:s4], [sflag:$0x1] =	stream.linear.gather [hbm4b:s5+s4], $0x2780, $0x38;
	[tilespmem:$0x1CC00] =	vst v63  }
0x16: {  	_ =	swait.ge [sflag:s13], $0x2780  }
0x17: {  	[sflag:s13] =	ssyncset.done $0x0  }
0x18: {  	[sflag:s13] =	ssyncadd.s32 $0xFFFFD880  }
0x19: {  	[tilespmem:s14], [sflag:$0x1] =	stream.linear.gather [hbm4b:s6+s4], $0x2780, $0x38;
	[tilespmem:$0x1CC00] =	vst v63  }
0x1a: {  	_ =	swait.ge [sflag:s13], $0x2780  }
0x1b: {  	[sflag:s13] =	ssyncset.done $0x0  }
0x1c: {  	s23 =	simm.s32 $0x0;
	s24 =	simm.s32 $0x200;
	[sflag:s13] =	ssyncadd.s32 $0xFFFFD880  }
.LBB2_2:
0x1d: {  	p0 =	sne.s32 s24, $0xFE00;
	[tilespmem:s23+$0x5070] =	vst v0  }
0x1e: {  	[tilespmem:s23+$0x5000] =	vst v0  }
0x1f: {  	[tilespmem:s23+$0x5010] =	vst v0  }
.Ltmp0:
0x20: {  	[tilespmem:s23+$0x5020] =	vst v0;
	(pc) =	sbr.rel @p0 .LBB2_2-.Ltmp0, $4  }
0x21: {  	[tilespmem:s23+$0x5030] =	vst v0  }
0x22: {  	[tilespmem:s23+$0x5040] =	vst v0  }
0x23: {  	[tilespmem:s23+$0x5050] =	vst v0  }
0x24: {  	[tilespmem:s23+$0x5060] =	vst v0;
	s23 =	sshra.s32 s24, $0x2;
	s24 =	sadd.s32 $0x200, s24  }
0x25: {  	[tilespmem:s23+$0x5070] =	vst v0  }
0x26: {  	[tilespmem:s23+$0x5000] =	vst v0  }
0x27: {  	[tilespmem:s23+$0x5010] =	vst v0  }
0x28: {  	[tilespmem:s23+$0x5020] =	vst v0  }
0x29: {  	[tilespmem:s23+$0x5030] =	vst v0  }
0x2a: {  	[tilespmem:s23+$0x5040] =	vst v0  }
0x2b: {  	[tilespmem:s23+$0x5050] =	vst v0  }
0x2c: {  	[tilespmem:s23+$0x5060] =	vst v0  }
0x2d: {  	[spmem:s7] =	stream.linear.scatter [tilespmem:s15], [sflag:$0x1], $0x4000, $0x38;
	[tilespmem:$0x1CC00] =	vst v63  }
0x2e: {  	_ =	swait.ge [sflag:s13], $0x4000  }
0x2f: {  	[sflag:s13] =	ssyncset.done $0x0  }
0x30: {  	[sflag:s13] =	ssyncadd.s32 $0xFFFFC000  }
0x31: {  	[spmem:s8] =	stream.linear.scatter [tilespmem:s15], [sflag:$0x1], $0x4000, $0x38;
	[tilespmem:$0x1CC00] =	vst v63  }
0x32: {  	_ =	swait.ge [sflag:s13], $0x4000  }
0x33: {  	[sflag:s13] =	ssyncset.done $0x0  }
0x34: {  	[sflag:s13] =	ssyncadd.s32 $0xFFFFC000  }
0x35: {  	[spmem:s9] =	stream.linear.scatter [tilespmem:s15], [sflag:$0x1], $0x4000, $0x38;
	[tilespmem:$0x1CC00] =	vst v63  }
0x36: {  	_ =	swait.ge [sflag:s13], $0x4000  }
0x37: {  	[sflag:s13] =	ssyncset.done $0x0  }
0x38: {  	[sflag:s13] =	ssyncadd.s32 $0xFFFFC000  }
0x39: {  	[spmem:s10] =	stream.linear.scatter [tilespmem:s15], [sflag:$0x1], $0x4000, $0x38;
	[tilespmem:$0x1CC00] =	vst v63  }
0x3a: {  	_ =	swait.ge [sflag:s13], $0x4000  }
0x3b: {  	[sflag:s13] =	ssyncset.done $0x0  }
0x3c: {  	[sflag:s13] =	ssyncadd.s32 $0xFFFFC000  }
0x3d: {  	[spmem:s11] =	stream.linear.scatter [tilespmem:s15], [sflag:$0x1], $0x3C00, $0x38;
	[tilespmem:$0x1CC00] =	vst v63  }
0x3e: {  	_ =	swait.ge [sflag:s13], $0x3C00  }
0x3f: {  	[sflag:s13] =	ssyncset.done $0x0  }
0x40: {  	[sflag:s13] =	ssyncadd.s32 $0xFFFFC400  }
0x41: {  	s30 =	simm.s32 $0x0;
	[bflag:$0x0] =	sbarrier.arrive $0xFFFF  }
0x42: {  	[tilespmem:s15], [sflag:$0x1] =	stream.indirect.gather [hbm4b:s1+s16], $0x80, s30, s16, $0xb8;
	[tilespmem:$0x1CC00] =	vst v63  }
0x43: {  	_ =	swait.ge [sflag:s13], $0x4000  }
0x44: {  	[sflag:s13] =	ssyncset.done $0x0  }
0x45: {  	s31 =	simm.s32 $0x2800;
	[sflag:s13] =	ssyncadd.s32 $0xFFFFC000  }
0x46: {  	[spmem:s3] =	stream.indirect.scatter.add.f32 [tilespmem:s15], [sflag:$0x1], $0x80, s31, s16, $0xb8;
	[tilespmem:$0x1CC00] =	vst v63  }
0x47: {  	_ =	swait.ge [sflag:s13], $0x4000  }
0x48: {  	s23 =	simm.s32 $0x200;
	s24 =	simm.s32 $0x400;
	[sflag:s13] =	ssyncset.done $0x0  }
.LBB2_4:
0x49: {  	s25 =	sshra.s32 s23, $0x2  }
0x4a: {  	[sflag:s13] =	ssyncadd.s32 $0xFFFFC000;
	s23 =	smov.u32 s24;
	s26 =	sadd.s32 $0x200, s24  }
0x4b: {  	[tilespmem:s15], [sflag:$0x1] =	stream.indirect.gather [hbm4b:s1+s16], $0x80, s25, s16, $0xb8;
	[tilespmem:$0x1CC00] =	vst v63  }
0x4c: {  	p0 =	sne.s32 s24, $0x9C00;
	_ =	swait.ge [sflag:s13], $0x4000  }
.Ltmp1:
0x4d: {  	[sflag:s13] =	ssyncset.done $0x0;
	(pc) =	sbr.rel @p0 .LBB2_4-.Ltmp1, $4  }
0x4e: {  	s24 =	sadd.s32 $0x2800, s25;
	[sflag:s13] =	ssyncadd.s32 $0xFFFFC000  }
0x4f: {  	[spmem:s3] =	stream.indirect.scatter.add.f32 [tilespmem:s15], [sflag:$0x1], $0x80, s24, s16, $0xb8;
	[tilespmem:$0x1CC00] =	vst v63  }
0x50: {  	_ =	swait.ge [sflag:s13], $0x4000  }
0x51: {  	s24 =	smov.u32 s26;
	[sflag:s13] =	ssyncset.done $0x0  }
0x52: {  	s23 =	sshra.s32 s23, $0x2;
	[sflag:s13] =	ssyncadd.s32 $0xFFFFC000  }
0x53: {  	[tilespmem:s15], [sflag:$0x1] =	stream.indirect.gather [hbm4b:s1+s16], $0x80, s23, s16, $0xb8;
	[tilespmem:$0x1CC00] =	vst v63  }
0x54: {  	_ =	swait.ge [sflag:s13], $0x4000  }
0x55: {  	[sflag:s13] =	ssyncset.done $0x0  }
0x56: {  	s23 =	sadd.s32 $0x2800, s23;
	[sflag:s13] =	ssyncadd.s32 $0xFFFFC000  }
0x57: {  	[spmem:s3] =	stream.indirect.scatter.add.f32 [tilespmem:s15], [sflag:$0x1], $0x80, s23, s16, $0xb8;
	[tilespmem:$0x1CC00] =	vst v63  }
0x58: {  	_ =	swait.ge [sflag:s13], $0x4000  }
0x59: {  	[sflag:s13] =	ssyncset.done $0x0  }
0x5a: {  	[sflag:s13] =	ssyncadd.s32 $0xFFFFC000  }
0x5b: {  	[bflag:$0x0] =	sbarrier.arrive $0xFFFF  }
0x5c: {  	[tilespmem:s15], [sflag:$0x1] =	stream.linear.gather [spmem:s7], $0x4000, $0x38;
	[tilespmem:$0x1CC00] =	vst v63  }
0x5d: {  	_ =	swait.ge [sflag:s13], $0x4000  }
0x5e: {  	[sflag:s13] =	ssyncset.done $0x0  }
0x5f: {  	[sflag:s13] =	ssyncadd.s32 $0xFFFFC000  }
0x60: {  	[hbm4b:s17+s4] =	stream.linear.scatter [tilespmem:s15], [sflag:$0x1], $0x4000, $0x38;
	[tilespmem:$0x1CC00] =	vst v63  }
0x61: {  	_ =	swait.ge [sflag:s13], $0x4000  }
0x62: {  	[sflag:s13] =	ssyncset.done $0x0  }
0x63: {  	[sflag:s13] =	ssyncadd.s32 $0xFFFFC000  }
0x64: {  	[tilespmem:s15], [sflag:$0x1] =	stream.linear.gather [spmem:s8], $0x4000, $0x38;
	[tilespmem:$0x1CC00] =	vst v63  }
0x65: {  	_ =	swait.ge [sflag:s13], $0x4000  }
0x66: {  	[sflag:s13] =	ssyncset.done $0x0  }
0x67: {  	[sflag:s13] =	ssyncadd.s32 $0xFFFFC000  }
0x68: {  	[hbm4b:s18+s4] =	stream.linear.scatter [tilespmem:s15], [sflag:$0x1], $0x4000, $0x38;
	[tilespmem:$0x1CC00] =	vst v63  }
0x69: {  	_ =	swait.ge [sflag:s13], $0x4000  }
0x6a: {  	[sflag:s13] =	ssyncset.done $0x0  }
0x6b: {  	[sflag:s13] =	ssyncadd.s32 $0xFFFFC000  }
0x6c: {  	[tilespmem:s15], [sflag:$0x1] =	stream.linear.gather [spmem:s9], $0x4000, $0x38;
	[tilespmem:$0x1CC00] =	vst v63  }
0x6d: {  	_ =	swait.ge [sflag:s13], $0x4000  }
0x6e: {  	[sflag:s13] =	ssyncset.done $0x0  }
0x6f: {  	[sflag:s13] =	ssyncadd.s32 $0xFFFFC000  }
0x70: {  	[hbm4b:s19+s4] =	stream.linear.scatter [tilespmem:s15], [sflag:$0x1], $0x4000, $0x38;
	[tilespmem:$0x1CC00] =	vst v63  }
0x71: {  	_ =	swait.ge [sflag:s13], $0x4000  }
0x72: {  	[sflag:s13] =	ssyncset.done $0x0  }
0x73: {  	[sflag:s13] =	ssyncadd.s32 $0xFFFFC000  }
0x74: {  	[tilespmem:s15], [sflag:$0x1] =	stream.linear.gather [spmem:s10], $0x4000, $0x38;
	[tilespmem:$0x1CC00] =	vst v63  }
0x75: {  	_ =	swait.ge [sflag:s13], $0x4000  }
0x76: {  	[sflag:s13] =	ssyncset.done $0x0  }
0x77: {  	[sflag:s13] =	ssyncadd.s32 $0xFFFFC000  }
0x78: {  	[hbm4b:s20+s4] =	stream.linear.scatter [tilespmem:s15], [sflag:$0x1], $0x4000, $0x38;
	[tilespmem:$0x1CC00] =	vst v63  }
0x79: {  	_ =	swait.ge [sflag:s13], $0x4000  }
0x7a: {  	[sflag:s13] =	ssyncset.done $0x0  }
0x7b: {  	[sflag:s13] =	ssyncadd.s32 $0xFFFFC000  }
0x7c: {  	[tilespmem:s15], [sflag:$0x1] =	stream.linear.gather [spmem:s11], $0x3C00, $0x38;
	[tilespmem:$0x1CC00] =	vst v63  }
0x7d: {  	s22 =	sadd.s32 $0x1, s22;
	_ =	swait.ge [sflag:s13], $0x3C00  }
0x7e: {  	p0 =	sne.s32 s22, s12;
	[sflag:s13] =	ssyncset.done $0x0  }
.Ltmp2:
0x7f: {  	[sflag:s13] =	ssyncadd.s32 $0xFFFFC400;
	(pc) =	sbr.rel @p0 .LBB2_1-.Ltmp2, $4  }
0x80: {  	[hbm4b:s21+s4] =	stream.linear.scatter [tilespmem:s15], [sflag:$0x1], $0x3C00, $0x38;
	[tilespmem:$0x1CC00] =	vst v63  }
0x81: {  	_ =	swait.ge [sflag:s13], $0x3C00  }
0x82: {  	[sflag:s13] =	ssyncset.done $0x0  }
0x83: {  	[sflag:s13] =	ssyncadd.s32 $0xFFFFC400  }
0x84: {  	_ =	sfence.sel $0x180000  }
0x85: {  	[bflag:$0x0] =	sbarrier.arrive $0xFFFF  }
0x86: {  	p0 =	sne.s32 s0, $0x0;
	_ =	strace $0x90000047  }
0x87: {  	s0 =	sadd.s32 @!p0 $0x100000, s2;
	[bflag:$0x2] =	sbarrier.arrive $0xFFFF  }
0x88: {  	[sflag:s0] =	ssyncadd.tile.s32 @!p0 $0x1;
	_ =	shalt  }
.Lfunc_end2:
_tile_overlayer_lowered:
.L_overlay_start_2:
0x89: {  	(tag) =	ssettag $0x2  }
0x8a: {  	s0 =	rddreg [dreg:$0x0];
	s2 =	stileid.u32  }
0x8b: {  	s1 =	rddreg [dreg:$0x1];
	p0 =	sne.s32 s2, $0x0  }
0x8c: {  	s3 =	rddreg [dreg:$0x2];
	[bflag:$0x3] =	sbarrier.arrive $0xFFFF;
	s2 =	simm.s32 @!p0 $0x1C01  }
0x8d: {  	[timem:s3], [sflag:s2] =	dma.local @!p0 [hbm:s0], s1  }
0x8e: {  	s0 =	simm.s32 @!p0 $0x1  }
0x8f: {  	_ =	swait.ge @!p0 [sflag:s0], s1  }
0x90: {  	s1 =	ssub.s32 @!p0 $0x0, s1;
	[sflag:s0] =	ssyncset.done @!p0 $0x0  }
0x91: {  	[sflag:s0] =	ssyncadd.s32 @!p0 s1  }
0x92: {  	[bflag:$0x3] =	sbarrier.arrive $0xFFFF  }
0x93: {  	_ =	shalt  }

// kernel: kernel.18.cloned.1.call-start
scs
__scs_entry_jumppad:
0x0: {  	(pc) =	sbr.rel $0x88, $3  }
0x1: {  	(tag) =	ssettag $0x0;
	lr =	simm.s32 $0x1  }
0x2: {  	[smem:$0x3F8E] =	sst lr;
	_ =	strace $0xD0000000  }
0x3: {  	_ = 	snop  }
0x4: {  	_ = 	snop  }
0x5: {  	_ = 	snop  }
0x6: {  	_ = 	snop  }
0x7: {  	_ = 	snop  }
__scs_overlays_trampoline_lowered:
0x8: {  	[smem:$0x3F9D] =	sst s0  }
0x9: {  	[smem:$0x3F9E] =	sst s1  }
0xa: {  	[smem:$0x3F9F] =	sst s2  }
0xb: {  	[smem:$0x3FA0] =	sst s3  }
0xc: {  	[smem:$0x3FA1] =	sst s4  }
0xd: {  	[smem:$0x3FA2] =	sst s5  }
0xe: {  	[smem:$0x3FA3] =	sst s6  }
0xf: {  	[smem:$0x3FA4] =	sst s7  }
0x10: {  	[smem:$0x3FA5] =	sst s8  }
0x11: {  	[smem:$0x3FA6] =	sst s9;
	s0 =	simm.s32 @!p0 $0x0  }
0x12: {  	s1 =	sld [smem:$0x3F8C];
	s0 =	simm.s32 @p0 $0x1  }
0x13: {  	[smem:$0x3FA7] =	sst s0;
	s0 =	simm.s32 @!p1 $0x0  }
0x14: {  	s2 =	sld [smem:$0x3F8B];
	s0 =	simm.s32 @p1 $0x1  }
0x15: {  	[smem:$0x3FA8] =	sst s0;
	s0 =	simm.s32 @!p2 $0x0  }
0x16: {  	s3 =	sld [smem:$0x3FDB];
	s0 =	simm.s32 @p2 $0x1  }
0x17: {  	s4 =	simm.s32 $0x1BF5;
	[smem:$0x3FAA] =	sst s0  }
0x18: {  	s0 =	sld [smem:$0x3F8D];
	_ =	swait.ge [sflag:s4], $0x0  }
0x19: {  	s7 =	sld [smem:$0x3F8E]  }
0x1a: {  	s8 =	sadd.s32 $0xFFFFE003, lr  }
0x1b: {  	s9 =	sadd.s32 $0xFFFFFEF7, lr;
	s5 =	simm.s32 $0xFFFFFFFF;
	p2 =	slt.u32 s8, $0xFFFFF086  }
0x1c: {  	p1 =	slt.u32 s9, $0xF7A;
	s5 =	simm.s32 @!p2 $0x0  }
0x1d: {  	s5 =	simm.s32 @p1 $0x1;
	p0 =	seq.s32 s7, s2  }
0x1e: {  	s7 =	smul.u32 @!p0 $0xF7A, s2;
	p2 =	seq.s32 @!p0 s5, $0x0  }
0x1f: {  	s9 =	smul.u32 $0xF7A, s1;
	s8 =	simm.s32 @!p0 $0x1BF5;
	p2 =	por !p2, p0  }
0x20: {  	[sflag:s8] =	ssyncset.s32 @!p0 $0xFFFFF086;
	s6 =	sadd.s32 @!p0 s3, s7;
	s7 =	simm.s32 @!p0 $0x108  }
0x21: {  	s3 =	sadd.s32 s3, s9;
	s6 =	sadd.s32 @!p0 $0x88, s6;
	s7 =	simm.s32 @p2 $0x1082  }
0x22: {  	[simem:s7], [sflag:s8] =	dma.local @!p0 [hbm:s6], $0xF7A  }
0x23: {  	s9 =	sor.u32 $0xD0000000, s2;
	s6 =	simm.s32 $0x108;
	_ =	swait.ge @!p0 [sflag:s8], $0x0  }
0x24: {  	s3 =	sadd.s32 $0x88, s3;
	s6 =	simm.s32 @!p1 $0x1082;
	[sflag:s4] =	ssyncset.s32 $0xFFFFF086  }
0x25: {  	[simem:s6], [sflag:s4] =	dma.local [hbm:s3], $0xF7A  }
0x26: {  	[smem:$0x3F8E] =	sst s1;
	(tag) =	ssettag s2;
	_ =	strace s9  }
0x27: {  	s1 =	sld [smem:$0x3F9E]  }
0x28: {  	s2 =	sld [smem:$0x3F9F]  }
0x29: {  	s4 =	sld [smem:$0x3FA1]  }
0x2a: {  	p0 =	seq.s32 s5, $0x0;
	s5 =	sld [smem:$0x3FA2]  }
0x2b: {  	s6 =	sld [smem:$0x3FA3]  }
0x2c: {  	s7 =	sld [smem:$0x3FA4]  }
0x2d: {  	s3 =	simm.s32 $0x108;
	s8 =	sld [smem:$0x3FA5]  }
0x2e: {  	s3 =	simm.s32 @!p0 $0x1082;
	s9 =	sld [smem:$0x3FA6]  }
0x2f: {  	lr =	sadd.s32 s0, s3;
	s0 =	sld [smem:$0x3F9D]  }
0x30: {  	s3 =	sld [smem:$0x3FA0]  }
0x31: {  	[smem:$0x3FA9] =	sst s10  }
0x32: {  	s10 =	sld [smem:$0x3FA7];
	_ =	sdelay $0x3  }
0x33: {  	p0 =	seq.s32 s10, $0x1;
	s10 =	sld [smem:$0x3FA9];
	_ =	sdelay $0x3  }
0x34: {  	[smem:$0x3FA9] =	sst s10  }
0x35: {  	s10 =	sld [smem:$0x3FA8];
	_ =	sdelay $0x3  }
0x36: {  	p1 =	seq.s32 s10, $0x1;
	s10 =	sld [smem:$0x3FA9];
	_ =	sdelay $0x3  }
0x37: {  	[smem:$0x3FA9] =	sst s10  }
0x38: {  	s10 =	sld [smem:$0x3FAA]  }
0x39: {  	_ = 	snop;
	(pc) =	sbr.ind lr, $3  }
0x3a: {  	_ = 	snop  }
0x3b: {  	_ = 	snop  }
0x3c: {  	p2 =	seq.s32 s10, $0x1;
	s10 =	sld [smem:$0x3FA9]  }
0x3d: {  	_ =	shalt  }
0x3e: {  	_ =	shalt  }
0x3f: {  	_ =	shalt  }
0x40: {  	_ =	shalt  }
0x41: {  	_ =	shalt  }
0x42: {  	_ =	shalt  }
0x43: {  	_ =	shalt  }
0x44: {  	_ =	shalt  }
0x45: {  	_ =	shalt  }
0x46: {  	_ =	shalt  }
0x47: {  	_ =	shalt  }
0x48: {  	_ =	shalt  }
0x49: {  	_ =	shalt  }
0x4a: {  	_ =	shalt  }
0x4b: {  	_ =	shalt  }
0x4c: {  	_ =	shalt  }
0x4d: {  	_ =	shalt  }
0x4e: {  	_ =	shalt  }
0x4f: {  	_ =	shalt  }
0x50: {  	_ =	shalt  }
0x51: {  	_ =	shalt  }
0x52: {  	_ =	shalt  }
0x53: {  	_ =	shalt  }
0x54: {  	_ =	shalt  }
0x55: {  	_ =	shalt  }
0x56: {  	_ =	shalt  }
0x57: {  	_ =	shalt  }
0x58: {  	_ =	shalt  }
0x59: {  	_ =	shalt  }
0x5a: {  	_ =	shalt  }
0x5b: {  	_ =	shalt  }
0x5c: {  	_ =	shalt  }
0x5d: {  	_ =	shalt  }
0x5e: {  	_ =	shalt  }
0x5f: {  	_ =	shalt  }
0x60: {  	_ =	shalt  }
0x61: {  	_ =	shalt  }
0x62: {  	_ =	shalt  }
0x63: {  	_ =	shalt  }
0x64: {  	_ =	shalt  }
0x65: {  	_ =	shalt  }
0x66: {  	_ =	shalt  }
0x67: {  	_ =	shalt  }
0x68: {  	_ =	shalt  }
0x69: {  	_ =	shalt  }
0x6a: {  	_ =	shalt  }
0x6b: {  	_ =	shalt  }
0x6c: {  	_ =	shalt  }
0x6d: {  	_ =	shalt  }
0x6e: {  	_ =	shalt  }
0x6f: {  	_ =	shalt  }
0x70: {  	_ =	shalt  }
0x71: {  	_ =	shalt  }
0x72: {  	_ =	shalt  }
0x73: {  	_ =	shalt  }
0x74: {  	_ =	shalt  }
0x75: {  	_ =	shalt  }
0x76: {  	_ =	shalt  }
0x77: {  	_ =	shalt  }
0x78: {  	_ =	shalt  }
0x79: {  	_ =	shalt  }
0x7a: {  	_ =	shalt  }
0x7b: {  	_ =	shalt  }
0x7c: {  	_ =	shalt  }
0x7d: {  	_ =	shalt  }
0x7e: {  	_ =	shalt  }
0x7f: {  	_ =	shalt  }
0x80: {  	_ =	shalt  }
0x81: {  	_ =	shalt  }
0x82: {  	_ =	shalt  }
0x83: {  	_ =	shalt  }
0x84: {  	_ =	shalt  }
0x85: {  	_ =	shalt  }
0x86: {  	_ =	shalt  }
0x87: {  	_ =	shalt  }
.Lfunc_end0:
.L_simem_size_0:
called_computation.2_lowered:
.L_overlay_start_0:
0x88: {  	s2 =	sld [smem:$0x3FD9]  }
0x89: {  	s3 =	sld [smem:$0x3FFE];
	_ =	sdelay $0x1  }
0x8a: {  	s1 =	srdreg.scid  }
0x8b: {  	s0 =	sand.u32 $0x1, s1  }
0x8c: {  	s17 =	sshll.u32 s0, $0xA;
	s2 =	sadd.s32 s3, s2  }
0x8d: {  	s2 =	sadd.s32 s2, s17  }
0x8e: {  	[smem:$0x3FB5] =	sst s2  }
0x8f: {  	_ = 	snop  }
0x90: {  	s2 =	sld [smem:$0x3FD0];
	(tm) =	ssettm $0x1  }
0x91: {  	s18 =	sld [smem:$0x3FFB];
	_ =	sdelay $0x3  }
0x92: {  	_ =	strace s18  }
0x93: {  	s3 =	sld [smem:$0x3FFC];
	_ =	sdelay $0x3  }
0x94: {  	_ =	strace s3  }
0x95: {  	s3 =	sld [smem:$0x3FFD];
	_ =	sdelay $0x3  }
0x96: {  	_ =	strace s3  }
0x97: {  	_ =	strace $0x8FFFFFFF  }
0x98: {  	s19 =	sld [smem:$0x3FDB];
	_ =	sdelay $0x1  }
0x99: {  	s4 =	simm.s32 $_scs_section_size  }
0x9a: {  	s5 =	simm.s32 $_size__tile_overlayer_lowered;
	s6 =	simm.s32 $_tile_overlayer_lowered  }
0x9b: {  	s22 =	simm.s32 $0x1BFF;
	s21 =	sshll.u32 s6, $0x1;
	s3 =	sadd.s32 s4, s19  }
0x9c: {  	s7 =	simm.s32 $0x0;
	s20 =	sshll.u32 s5, $0x1;
	s5 =	sadd.s32 s21, s3  }
0x9d: {  	[timem:s7], [sflag:s22] =	dma.local [hbm:s5], s20  }
0x9e: {  	_ =	swait.ge [sflag:s22], s20  }
0x9f: {  	s4 =	ssub.s32 $0x0, s20;
	[sflag:s22] =	ssyncset.done $0x0  }
0xa0: {  	[sflag:s22] =	ssyncadd.s32 s4;
	_ =	sdelay $0x1  }
0xa1: {  	s23 =	simm.s32 $0x1B8B  }
0xa2: {  	_ =	swait.ge [sflag:s23], $0x1  }
0xa3: {  	[sflag:s23] =	ssyncset.done $0x0  }
0xa4: {  	s25 =	simm.s32 $0x1B8E;
	s24 =	sld [smem:$0x3FFE];
	[sflag:s23] =	ssyncadd.s32 $0xFFFFFFFF  }
0xa5: {  	s26 =	simm.s32 $execute0_lowered;
	[smem:$0x3FD2] =	sst s25  }
0xa6: {  	s5 =	sshll.u32 s26, $0x1;
	_ =	strace $0x8000004C;
	[dreg:$0x1] =	wrdreg $0xFFFFFFFF  }
0xa7: {  	s28 =	simm.s32 $_size_execute0_lowered;
	s3 =	sadd.s32 s3, s5;
	[dreg:$0x0] =	wrdreg $0x0  }
0xa8: {  	s5 =	sshll.u32 s28, $0x1;
	[dreg:$0x2] =	wrdreg s3  }
0xa9: {  	[dreg:$0x3] =	wrdreg s5  }
0xaa: {  	[dreg:$0x4] =	wrdreg $0xC0  }
0xab: {  	_ =	task [dreg:s7], $0x5FFFF  }
0xac: {  	[dreg:$0x1] =	wrdreg $0xFFFFFFFF  }
0xad: {  	[dreg:$0x0] =	wrdreg $0x60  }
0xae: {  	[dreg:$0x2] =	wrdreg s24  }
0xaf: {  	[dreg:$0x3] =	wrdreg s2  }
0xb0: {  	[dreg:$0x4] =	wrdreg $0x90000  }
0xb1: {  	[dreg:$0x5] =	wrdreg $0x9  }
0xb2: {  	_ =	task.clear_ibuf [dreg:s7], $0x6FFFF;
	_ =	strace $0x9000004C  }
0xb3: {  	s29 =	simm.s32 $0x9;
	_ =	strace $0x8000004E  }
0xb4: {  	_ =	swait.ge [sflag:s29], $0x1  }
0xb5: {  	[sflag:s29] =	ssyncadd.s32 $0xFFFFFFFF  }
0xb6: {  	_ =	strace $0x9000004E  }
0xb7: {  	_ =	sfence  }
0xb8: {  	s30 =	sld [smem:$0x0];
	_ =	sdelay $0x2  }
0xb9: {  	s31 =	sshll.u32 s1, $0xD;
	s1 =	sshrl.u32 s1, $0x2  }
0xba: {  	s3 =	sand.u32 $0x4000, s31;
	s1 =	sadd.s32 s1, s30  }
0xbb: {  	s0 =	sor.u32 s3, s0;
	s1 =	sshll.u32 s1, $0x11  }
0xbc: {  	s0 =	sor.u32 s1, s0  }
0xbd: {  	s0 =	sadd.s32 $0x8F2B, s0  }
0xbe: {  	[sflag:s0] =	ssyncadd.remote.s32 $0x1  }
0xbf: {  	_ =	sfence.sel $0xFFFF  }
0xc0: {  	[dreg:$0x0] =	wrdreg $0xFFFFFFFF;
	(pc) =	sbr.abs _section_cstart, $3  }
0xc1: {  	[dreg:$0x1] =	wrdreg $0xFFFFFFFF  }
0xc2: {  	_ =	task.clear_ibuf [dreg:s7], $0x2FFFF;
	_ =	strace $0x9FFFFFFF  }
0xc3: {  	(tm) =	ssettm $0x7FFFFFFF  }
tec
execute0_lowered:
.L_overlay_start_1:
0x0: {  	(tag) =	ssettag $0x1  }
0x1: {  	s5 =	rddreg [dreg:$0x0]  }
0x2: {  	s0 =	srdreg.scid;
	s6 =	rddreg [dreg:$0x1]  }
0x3: {  	s2 =	rddreg [dreg:$0x2];
	s4 =	sand.u32 $0x1, s0  }
0x4: {  	s3 =	simm.s32 $0x0;
	s0 =	stileid.u32;
	s8 =	smul.u32 $0x27800, s4  }
0x5: {  	[smem:$0x7FF] =	sst s3;
	s10 =	smul.u32 $0x278, s0  }
0x6: {  	s1 =	sshll.u32 s4, $0x4;
	s9 =	ssub.s32 $0x2, s4;
	s12 =	smul.u32 $0x4F000, s0  }
0x7: {  	s4 =	sadd.s32 $0xE000, s5;
	s18 =	smul.u32 $0x2780, s0;
	s7 =	sor.u32 s0, s1  }
0x8: {  	s1 =	rddreg [dreg:$0x3];
	_ =	strace $0x8000004D;
	s11 =	sshrl.u32 s9, $0x1  }
0x9: {  	s7 =	smul.u32 $0x500, s7;
	s14 =	sadd.s32 s8, s5;
	s15 =	ssub.s32 s9, s11  }
0xa: {  	s24 =	sshrl.u32 s12, $0x2;
	s25 =	sadd.s32 $0x80, s10;
	s28 =	sadd.s32 $0x100, s10  }
0xb: {  	s16 =	sadd.s32 $0x180, s10;
	s17 =	sadd.s32 $0x200, s10;
	s26 =	sshll.u32 s25, $0x7  }
0xc: {  	s29 =	sshll.u32 s28, $0x7;
	s30 =	sshll.u32 s16, $0x7;
	s31 =	sshll.u32 s17, $0x7  }
0xd: {  	s21 =	sadd.s32 $0xAC000, s14;
	s19 =	sshll.u32 s25, $0x4;
	s20 =	sshll.u32 s28, $0x4  }
0xe: {  	s22 =	sshll.u32 s16, $0x4;
	s23 =	sshll.u32 s17, $0x4;
	s12 =	smax.u32 s15, $0x1  }
0xf: {  	s14 =	simm.s32 $0x2800;
	s15 =	simm.s32 $0x5000;
	s16 =	simm.s32 $0x80  }
0x10: {  	s13 =	sadd.s32 s7, s5;
	s5 =	sadd.s32 s6, s7;
	s7 =	sadd.s32 s24, s2  }
0x11: {  	s8 =	sadd.s32 s26, s2;
	s9 =	sadd.s32 s29, s2;
	s10 =	sadd.s32 s30, s2  }
0x12: {  	s11 =	sadd.s32 s31, s2;
	s17 =	sadd.s32 s18, s21;
	s18 =	sadd.s32 s19, s21  }
0x13: {  	s19 =	sadd.s32 s20, s21;
	s20 =	sadd.s32 s22, s21;
	s21 =	sadd.s32 s23, s21  }
0x14: {  	v0 =	vimm.f32 $0.0e+00;
	s22 =	simm.s32 $0x0;
	s6 =	sadd.s32 $0x4000, s13;
	s13 =	simm.s32 $0x1  }
.LBB2_1:
0x15: {  	[tilespmem:s3], [sflag:$0x1] =	stream.linear.gather [hbm4b:s5+s3], $0x2780, $0x38;
	[tilespmem:$0x1CC00] =	vst v63  }
0x16: {  	_ =	swait.ge [sflag:s13], $0x2780  }
0x17: {  	[sflag:s13] =	ssyncset.done $0x0  }
0x18: {  	[sflag:s13] =	ssyncadd.s32 $0xFFFFD880  }
0x19: {  	[tilespmem:s14], [sflag:$0x1] =	stream.linear.gather [hbm4b:s6+s3], $0x2780, $0x38;
	[tilespmem:$0x1CC00] =	vst v63  }
0x1a: {  	_ =	swait.ge [sflag:s13], $0x2780  }
0x1b: {  	[sflag:s13] =	ssyncset.done $0x0  }
0x1c: {  	s23 =	simm.s32 $0x0;
	s24 =	simm.s32 $0x200;
	[sflag:s13] =	ssyncadd.s32 $0xFFFFD880  }
.LBB2_2:
0x1d: {  	p0 =	sne.s32 s24, $0xFE00;
	[tilespmem:s23+$0x5070] =	vst v0  }
0x1e: {  	[tilespmem:s23+$0x5000] =	vst v0  }
0x1f: {  	[tilespmem:s23+$0x5010] =	vst v0  }
.Ltmp0:
0x20: {  	[tilespmem:s23+$0x5020] =	vst v0;
	(pc) =	sbr.rel @p0 .LBB2_2-.Ltmp0, $4  }
0x21: {  	[tilespmem:s23+$0x5030] =	vst v0  }
0x22: {  	[tilespmem:s23+$0x5040] =	vst v0  }
0x23: {  	[tilespmem:s23+$0x5050] =	vst v0  }
0x24: {  	[tilespmem:s23+$0x5060] =	vst v0;
	s23 =	sshra.s32 s24, $0x2;
	s24 =	sadd.s32 $0x200, s24  }
0x25: {  	[tilespmem:s23+$0x5070] =	vst v0  }
0x26: {  	[tilespmem:s23+$0x5000] =	vst v0  }
0x27: {  	[tilespmem:s23+$0x5010] =	vst v0  }
0x28: {  	[tilespmem:s23+$0x5020] =	vst v0  }
0x29: {  	[tilespmem:s23+$0x5030] =	vst v0  }
0x2a: {  	[tilespmem:s23+$0x5040] =	vst v0  }
0x2b: {  	[tilespmem:s23+$0x5050] =	vst v0  }
0x2c: {  	[tilespmem:s23+$0x5060] =	vst v0  }
0x2d: {  	[spmem:s7] =	stream.linear.scatter [tilespmem:s15], [sflag:$0x1], $0x4000, $0x38;
	[tilespmem:$0x1CC00] =	vst v63  }
0x2e: {  	_ =	swait.ge [sflag:s13], $0x4000  }
0x2f: {  	[sflag:s13] =	ssyncset.done $0x0  }
0x30: {  	[sflag:s13] =	ssyncadd.s32 $0xFFFFC000  }
0x31: {  	[spmem:s8] =	stream.linear.scatter [tilespmem:s15], [sflag:$0x1], $0x4000, $0x38;
	[tilespmem:$0x1CC00] =	vst v63  }
0x32: {  	_ =	swait.ge [sflag:s13], $0x4000  }
0x33: {  	[sflag:s13] =	ssyncset.done $0x0  }
0x34: {  	[sflag:s13] =	ssyncadd.s32 $0xFFFFC000  }
0x35: {  	[spmem:s9] =	stream.linear.scatter [tilespmem:s15], [sflag:$0x1], $0x4000, $0x38;
	[tilespmem:$0x1CC00] =	vst v63  }
0x36: {  	_ =	swait.ge [sflag:s13], $0x4000  }
0x37: {  	[sflag:s13] =	ssyncset.done $0x0  }
0x38: {  	[sflag:s13] =	ssyncadd.s32 $0xFFFFC000  }
0x39: {  	[spmem:s10] =	stream.linear.scatter [tilespmem:s15], [sflag:$0x1], $0x4000, $0x38;
	[tilespmem:$0x1CC00] =	vst v63  }
0x3a: {  	_ =	swait.ge [sflag:s13], $0x4000  }
0x3b: {  	[sflag:s13] =	ssyncset.done $0x0  }
0x3c: {  	[sflag:s13] =	ssyncadd.s32 $0xFFFFC000  }
0x3d: {  	[spmem:s11] =	stream.linear.scatter [tilespmem:s15], [sflag:$0x1], $0x3C00, $0x38;
	[tilespmem:$0x1CC00] =	vst v63  }
0x3e: {  	_ =	swait.ge [sflag:s13], $0x3C00  }
0x3f: {  	[sflag:s13] =	ssyncset.done $0x0  }
0x40: {  	[sflag:s13] =	ssyncadd.s32 $0xFFFFC400  }
0x41: {  	s30 =	simm.s32 $0x0;
	[bflag:$0x0] =	sbarrier.arrive $0xFFFF  }
0x42: {  	[tilespmem:s15], [sflag:$0x1] =	stream.indirect.gather [hbm4b:s4+s16], $0x80, s30, s16, $0xb8;
	[tilespmem:$0x1CC00] =	vst v63  }
0x43: {  	_ =	swait.ge [sflag:s13], $0x4000  }
0x44: {  	[sflag:s13] =	ssyncset.done $0x0  }
0x45: {  	s31 =	simm.s32 $0x2800;
	[sflag:s13] =	ssyncadd.s32 $0xFFFFC000  }
0x46: {  	[spmem:s2] =	stream.indirect.scatter.add.f32 [tilespmem:s15], [sflag:$0x1], $0x80, s31, s16, $0xb8;
	[tilespmem:$0x1CC00] =	vst v63  }
0x47: {  	_ =	swait.ge [sflag:s13], $0x4000  }
0x48: {  	s23 =	simm.s32 $0x200;
	s24 =	simm.s32 $0x400;
	[sflag:s13] =	ssyncset.done $0x0  }
.LBB2_4:
0x49: {  	s25 =	sshra.s32 s23, $0x2  }
0x4a: {  	[sflag:s13] =	ssyncadd.s32 $0xFFFFC000;
	s23 =	smov.u32 s24;
	s26 =	sadd.s32 $0x200, s24  }
0x4b: {  	[tilespmem:s15], [sflag:$0x1] =	stream.indirect.gather [hbm4b:s4+s16], $0x80, s25, s16, $0xb8;
	[tilespmem:$0x1CC00] =	vst v63  }
0x4c: {  	p0 =	sne.s32 s24, $0x9C00;
	_ =	swait.ge [sflag:s13], $0x4000  }
.Ltmp1:
0x4d: {  	[sflag:s13] =	ssyncset.done $0x0;
	(pc) =	sbr.rel @p0 .LBB2_4-.Ltmp1, $4  }
0x4e: {  	s24 =	sadd.s32 $0x2800, s25;
	[sflag:s13] =	ssyncadd.s32 $0xFFFFC000  }
0x4f: {  	[spmem:s2] =	stream.indirect.scatter.add.f32 [tilespmem:s15], [sflag:$0x1], $0x80, s24, s16, $0xb8;
	[tilespmem:$0x1CC00] =	vst v63  }
0x50: {  	_ =	swait.ge [sflag:s13], $0x4000  }
0x51: {  	s24 =	smov.u32 s26;
	[sflag:s13] =	ssyncset.done $0x0  }
0x52: {  	s23 =	sshra.s32 s23, $0x2;
	[sflag:s13] =	ssyncadd.s32 $0xFFFFC000  }
0x53: {  	[tilespmem:s15], [sflag:$0x1] =	stream.indirect.gather [hbm4b:s4+s16], $0x80, s23, s16, $0xb8;
	[tilespmem:$0x1CC00] =	vst v63  }
0x54: {  	_ =	swait.ge [sflag:s13], $0x4000  }
0x55: {  	[sflag:s13] =	ssyncset.done $0x0  }
0x56: {  	s23 =	sadd.s32 $0x2800, s23;
	[sflag:s13] =	ssyncadd.s32 $0xFFFFC000  }
0x57: {  	[spmem:s2] =	stream.indirect.scatter.add.f32 [tilespmem:s15], [sflag:$0x1], $0x80, s23, s16, $0xb8;
	[tilespmem:$0x1CC00] =	vst v63  }
0x58: {  	_ =	swait.ge [sflag:s13], $0x4000  }
0x59: {  	[sflag:s13] =	ssyncset.done $0x0  }
0x5a: {  	[sflag:s13] =	ssyncadd.s32 $0xFFFFC000  }
0x5b: {  	[bflag:$0x0] =	sbarrier.arrive $0xFFFF  }
0x5c: {  	[tilespmem:s15], [sflag:$0x1] =	stream.linear.gather [spmem:s7], $0x4000, $0x38;
	[tilespmem:$0x1CC00] =	vst v63  }
0x5d: {  	_ =	swait.ge [sflag:s13], $0x4000  }
0x5e: {  	[sflag:s13] =	ssyncset.done $0x0  }
0x5f: {  	[sflag:s13] =	ssyncadd.s32 $0xFFFFC000  }
0x60: {  	[hbm4b:s17+s3] =	stream.linear.scatter [tilespmem:s15], [sflag:$0x1], $0x4000, $0x38;
	[tilespmem:$0x1CC00] =	vst v63  }
0x61: {  	_ =	swait.ge [sflag:s13], $0x4000  }
0x62: {  	[sflag:s13] =	ssyncset.done $0x0  }
0x63: {  	[sflag:s13] =	ssyncadd.s32 $0xFFFFC000  }
0x64: {  	[tilespmem:s15], [sflag:$0x1] =	stream.linear.gather [spmem:s8], $0x4000, $0x38;
	[tilespmem:$0x1CC00] =	vst v63  }
0x65: {  	_ =	swait.ge [sflag:s13], $0x4000  }
0x66: {  	[sflag:s13] =	ssyncset.done $0x0  }
0x67: {  	[sflag:s13] =	ssyncadd.s32 $0xFFFFC000  }
0x68: {  	[hbm4b:s18+s3] =	stream.linear.scatter [tilespmem:s15], [sflag:$0x1], $0x4000, $0x38;
	[tilespmem:$0x1CC00] =	vst v63  }
0x69: {  	_ =	swait.ge [sflag:s13], $0x4000  }
0x6a: {  	[sflag:s13] =	ssyncset.done $0x0  }
0x6b: {  	[sflag:s13] =	ssyncadd.s32 $0xFFFFC000  }
0x6c: {  	[tilespmem:s15], [sflag:$0x1] =	stream.linear.gather [spmem:s9], $0x4000, $0x38;
	[tilespmem:$0x1CC00] =	vst v63  }
0x6d: {  	_ =	swait.ge [sflag:s13], $0x4000  }
0x6e: {  	[sflag:s13] =	ssyncset.done $0x0  }
0x6f: {  	[sflag:s13] =	ssyncadd.s32 $0xFFFFC000  }
0x70: {  	[hbm4b:s19+s3] =	stream.linear.scatter [tilespmem:s15], [sflag:$0x1], $0x4000, $0x38;
	[tilespmem:$0x1CC00] =	vst v63  }
0x71: {  	_ =	swait.ge [sflag:s13], $0x4000  }
0x72: {  	[sflag:s13] =	ssyncset.done $0x0  }
0x73: {  	[sflag:s13] =	ssyncadd.s32 $0xFFFFC000  }
0x74: {  	[tilespmem:s15], [sflag:$0x1] =	stream.linear.gather [spmem:s10], $0x4000, $0x38;
	[tilespmem:$0x1CC00] =	vst v63  }
0x75: {  	_ =	swait.ge [sflag:s13], $0x4000  }
0x76: {  	[sflag:s13] =	ssyncset.done $0x0  }
0x77: {  	[sflag:s13] =	ssyncadd.s32 $0xFFFFC000  }
0x78: {  	[hbm4b:s20+s3] =	stream.linear.scatter [tilespmem:s15], [sflag:$0x1], $0x4000, $0x38;
	[tilespmem:$0x1CC00] =	vst v63  }
0x79: {  	_ =	swait.ge [sflag:s13], $0x4000  }
0x7a: {  	[sflag:s13] =	ssyncset.done $0x0  }
0x7b: {  	[sflag:s13] =	ssyncadd.s32 $0xFFFFC000  }
0x7c: {  	[tilespmem:s15], [sflag:$0x1] =	stream.linear.gather [spmem:s11], $0x3C00, $0x38;
	[tilespmem:$0x1CC00] =	vst v63  }
0x7d: {  	s22 =	sadd.s32 $0x1, s22;
	_ =	swait.ge [sflag:s13], $0x3C00  }
0x7e: {  	p0 =	sne.s32 s22, s12;
	[sflag:s13] =	ssyncset.done $0x0  }
.Ltmp2:
0x7f: {  	[sflag:s13] =	ssyncadd.s32 $0xFFFFC400;
	(pc) =	sbr.rel @p0 .LBB2_1-.Ltmp2, $4  }
0x80: {  	[hbm4b:s21+s3] =	stream.linear.scatter [tilespmem:s15], [sflag:$0x1], $0x3C00, $0x38;
	[tilespmem:$0x1CC00] =	vst v63  }
0x81: {  	_ =	swait.ge [sflag:s13], $0x3C00  }
0x82: {  	[sflag:s13] =	ssyncset.done $0x0  }
0x83: {  	[sflag:s13] =	ssyncadd.s32 $0xFFFFC400  }
0x84: {  	_ =	sfence.sel $0x180000  }
0x85: {  	[bflag:$0x0] =	sbarrier.arrive $0xFFFF  }
0x86: {  	p0 =	sne.s32 s0, $0x0;
	_ =	strace $0x9000004D  }
0x87: {  	s0 =	sadd.s32 @!p0 $0x100000, s1;
	[bflag:$0x2] =	sbarrier.arrive $0xFFFF  }
0x88: {  	[sflag:s0] =	ssyncadd.tile.s32 @!p0 $0x1;
	_ =	shalt  }
.Lfunc_end2:
_tile_overlayer_lowered:
.L_overlay_start_2:
0x89: {  	(tag) =	ssettag $0x2  }
0x8a: {  	s0 =	rddreg [dreg:$0x0];
	s2 =	stileid.u32  }
0x8b: {  	s1 =	rddreg [dreg:$0x1];
	p0 =	sne.s32 s2, $0x0  }
0x8c: {  	s3 =	rddreg [dreg:$0x2];
	[bflag:$0x3] =	sbarrier.arrive $0xFFFF;
	s2 =	simm.s32 @!p0 $0x1C01  }
0x8d: {  	[timem:s3], [sflag:s2] =	dma.local @!p0 [hbm:s0], s1  }
0x8e: {  	s0 =	simm.s32 @!p0 $0x1  }
0x8f: {  	_ =	swait.ge @!p0 [sflag:s0], s1  }
0x90: {  	s1 =	ssub.s32 @!p0 $0x0, s1;
	[sflag:s0] =	ssyncset.done @!p0 $0x0  }
0x91: {  	[sflag:s0] =	ssyncadd.s32 @!p0 s1  }
0x92: {  	[bflag:$0x3] =	sbarrier.arrive $0xFFFF  }
0x93: {  	_ =	shalt  }

// kernel: kernel.21.cloned.1.call-start
scs
__scs_entry_jumppad:
0x0: {  	(pc) =	sbr.rel $0x88, $3  }
0x1: {  	(tag) =	ssettag $0x0;
	lr =	simm.s32 $0x1  }
0x2: {  	[smem:$0x3F8E] =	sst lr;
	_ =	strace $0xD0000000  }
0x3: {  	_ = 	snop  }
0x4: {  	_ = 	snop  }
0x5: {  	_ = 	snop  }
0x6: {  	_ = 	snop  }
0x7: {  	_ = 	snop  }
__scs_overlays_trampoline_lowered:
0x8: {  	[smem:$0x3F9D] =	sst s0  }
0x9: {  	[smem:$0x3F9E] =	sst s1  }
0xa: {  	[smem:$0x3F9F] =	sst s2  }
0xb: {  	[smem:$0x3FA0] =	sst s3  }
0xc: {  	[smem:$0x3FA1] =	sst s4  }
0xd: {  	[smem:$0x3FA2] =	sst s5  }
0xe: {  	[smem:$0x3FA3] =	sst s6  }
0xf: {  	[smem:$0x3FA4] =	sst s7  }
0x10: {  	[smem:$0x3FA5] =	sst s8  }
0x11: {  	[smem:$0x3FA6] =	sst s9;
	s0 =	simm.s32 @!p0 $0x0  }
0x12: {  	s1 =	sld [smem:$0x3F8C];
	s0 =	simm.s32 @p0 $0x1  }
0x13: {  	[smem:$0x3FA7] =	sst s0;
	s0 =	simm.s32 @!p1 $0x0  }
0x14: {  	s2 =	sld [smem:$0x3F8B];
	s0 =	simm.s32 @p1 $0x1  }
0x15: {  	[smem:$0x3FA8] =	sst s0;
	s0 =	simm.s32 @!p2 $0x0  }
0x16: {  	s3 =	sld [smem:$0x3FDB];
	s0 =	simm.s32 @p2 $0x1  }
0x17: {  	s4 =	simm.s32 $0x1BF5;
	[smem:$0x3FAA] =	sst s0  }
0x18: {  	s0 =	sld [smem:$0x3F8D];
	_ =	swait.ge [sflag:s4], $0x0  }
0x19: {  	s7 =	sld [smem:$0x3F8E]  }
0x1a: {  	s8 =	sadd.s32 $0xFFFFE003, lr  }
0x1b: {  	s9 =	sadd.s32 $0xFFFFFEF7, lr;
	s5 =	simm.s32 $0xFFFFFFFF;
	p2 =	slt.u32 s8, $0xFFFFF086  }
0x1c: {  	p1 =	slt.u32 s9, $0xF7A;
	s5 =	simm.s32 @!p2 $0x0  }
0x1d: {  	s5 =	simm.s32 @p1 $0x1;
	p0 =	seq.s32 s7, s2  }
0x1e: {  	s7 =	smul.u32 @!p0 $0xF7A, s2;
	p2 =	seq.s32 @!p0 s5, $0x0  }
0x1f: {  	s9 =	smul.u32 $0xF7A, s1;
	s8 =	simm.s32 @!p0 $0x1BF5;
	p2 =	por !p2, p0  }
0x20: {  	[sflag:s8] =	ssyncset.s32 @!p0 $0xFFFFF086;
	s6 =	sadd.s32 @!p0 s3, s7;
	s7 =	simm.s32 @!p0 $0x108  }
0x21: {  	s3 =	sadd.s32 s3, s9;
	s6 =	sadd.s32 @!p0 $0x88, s6;
	s7 =	simm.s32 @p2 $0x1082  }
0x22: {  	[simem:s7], [sflag:s8] =	dma.local @!p0 [hbm:s6], $0xF7A  }
0x23: {  	s9 =	sor.u32 $0xD0000000, s2;
	s6 =	simm.s32 $0x108;
	_ =	swait.ge @!p0 [sflag:s8], $0x0  }
0x24: {  	s3 =	sadd.s32 $0x88, s3;
	s6 =	simm.s32 @!p1 $0x1082;
	[sflag:s4] =	ssyncset.s32 $0xFFFFF086  }
0x25: {  	[simem:s6], [sflag:s4] =	dma.local [hbm:s3], $0xF7A  }
0x26: {  	[smem:$0x3F8E] =	sst s1;
	(tag) =	ssettag s2;
	_ =	strace s9  }
0x27: {  	s1 =	sld [smem:$0x3F9E]  }
0x28: {  	s2 =	sld [smem:$0x3F9F]  }
0x29: {  	s4 =	sld [smem:$0x3FA1]  }
0x2a: {  	p0 =	seq.s32 s5, $0x0;
	s5 =	sld [smem:$0x3FA2]  }
0x2b: {  	s6 =	sld [smem:$0x3FA3]  }
0x2c: {  	s7 =	sld [smem:$0x3FA4]  }
0x2d: {  	s3 =	simm.s32 $0x108;
	s8 =	sld [smem:$0x3FA5]  }
0x2e: {  	s3 =	simm.s32 @!p0 $0x1082;
	s9 =	sld [smem:$0x3FA6]  }
0x2f: {  	lr =	sadd.s32 s0, s3;
	s0 =	sld [smem:$0x3F9D]  }
0x30: {  	s3 =	sld [smem:$0x3FA0]  }
0x31: {  	[smem:$0x3FA9] =	sst s10  }
0x32: {  	s10 =	sld [smem:$0x3FA7];
	_ =	sdelay $0x3  }
0x33: {  	p0 =	seq.s32 s10, $0x1;
	s10 =	sld [smem:$0x3FA9];
	_ =	sdelay $0x3  }
0x34: {  	[smem:$0x3FA9] =	sst s10  }
0x35: {  	s10 =	sld [smem:$0x3FA8];
	_ =	sdelay $0x3  }
0x36: {  	p1 =	seq.s32 s10, $0x1;
	s10 =	sld [smem:$0x3FA9];
	_ =	sdelay $0x3  }
0x37: {  	[smem:$0x3FA9] =	sst s10  }
0x38: {  	s10 =	sld [smem:$0x3FAA]  }
0x39: {  	_ = 	snop;
	(pc) =	sbr.ind lr, $3  }
0x3a: {  	_ = 	snop  }
0x3b: {  	_ = 	snop  }
0x3c: {  	p2 =	seq.s32 s10, $0x1;
	s10 =	sld [smem:$0x3FA9]  }
0x3d: {  	_ =	shalt  }
0x3e: {  	_ =	shalt  }
0x3f: {  	_ =	shalt  }
0x40: {  	_ =	shalt  }
0x41: {  	_ =	shalt  }
0x42: {  	_ =	shalt  }
0x43: {  	_ =	shalt  }
0x44: {  	_ =	shalt  }
0x45: {  	_ =	shalt  }
0x46: {  	_ =	shalt  }
0x47: {  	_ =	shalt  }
0x48: {  	_ =	shalt  }
0x49: {  	_ =	shalt  }
0x4a: {  	_ =	shalt  }
0x4b: {  	_ =	shalt  }
0x4c: {  	_ =	shalt  }
0x4d: {  	_ =	shalt  }
0x4e: {  	_ =	shalt  }
0x4f: {  	_ =	shalt  }
0x50: {  	_ =	shalt  }
0x51: {  	_ =	shalt  }
0x52: {  	_ =	shalt  }
0x53: {  	_ =	shalt  }
0x54: {  	_ =	shalt  }
0x55: {  	_ =	shalt  }
0x56: {  	_ =	shalt  }
0x57: {  	_ =	shalt  }
0x58: {  	_ =	shalt  }
0x59: {  	_ =	shalt  }
0x5a: {  	_ =	shalt  }
0x5b: {  	_ =	shalt  }
0x5c: {  	_ =	shalt  }
0x5d: {  	_ =	shalt  }
0x5e: {  	_ =	shalt  }
0x5f: {  	_ =	shalt  }
0x60: {  	_ =	shalt  }
0x61: {  	_ =	shalt  }
0x62: {  	_ =	shalt  }
0x63: {  	_ =	shalt  }
0x64: {  	_ =	shalt  }
0x65: {  	_ =	shalt  }
0x66: {  	_ =	shalt  }
0x67: {  	_ =	shalt  }
0x68: {  	_ =	shalt  }
0x69: {  	_ =	shalt  }
0x6a: {  	_ =	shalt  }
0x6b: {  	_ =	shalt  }
0x6c: {  	_ =	shalt  }
0x6d: {  	_ =	shalt  }
0x6e: {  	_ =	shalt  }
0x6f: {  	_ =	shalt  }
0x70: {  	_ =	shalt  }
0x71: {  	_ =	shalt  }
0x72: {  	_ =	shalt  }
0x73: {  	_ =	shalt  }
0x74: {  	_ =	shalt  }
0x75: {  	_ =	shalt  }
0x76: {  	_ =	shalt  }
0x77: {  	_ =	shalt  }
0x78: {  	_ =	shalt  }
0x79: {  	_ =	shalt  }
0x7a: {  	_ =	shalt  }
0x7b: {  	_ =	shalt  }
0x7c: {  	_ =	shalt  }
0x7d: {  	_ =	shalt  }
0x7e: {  	_ =	shalt  }
0x7f: {  	_ =	shalt  }
0x80: {  	_ =	shalt  }
0x81: {  	_ =	shalt  }
0x82: {  	_ =	shalt  }
0x83: {  	_ =	shalt  }
0x84: {  	_ =	shalt  }
0x85: {  	_ =	shalt  }
0x86: {  	_ =	shalt  }
0x87: {  	_ =	shalt  }
.Lfunc_end0:
.L_simem_size_0:
called_computation.3_lowered:
.L_overlay_start_0:
0x88: {  	s2 =	sld [smem:$0x3FD9]  }
0x89: {  	s3 =	sld [smem:$0x3FFE];
	_ =	sdelay $0x1  }
0x8a: {  	s1 =	srdreg.scid  }
0x8b: {  	s0 =	sand.u32 $0x1, s1  }
0x8c: {  	s17 =	sshll.u32 s0, $0xA;
	s2 =	sadd.s32 s3, s2  }
0x8d: {  	s2 =	sadd.s32 s2, s17  }
0x8e: {  	[smem:$0x3FB5] =	sst s2  }
0x8f: {  	_ = 	snop  }
0x90: {  	s2 =	sld [smem:$0x3FD0];
	(tm) =	ssettm $0x1  }
0x91: {  	s18 =	sld [smem:$0x3FFB];
	_ =	sdelay $0x3  }
0x92: {  	_ =	strace s18  }
0x93: {  	s3 =	sld [smem:$0x3FFC];
	_ =	sdelay $0x3  }
0x94: {  	_ =	strace s3  }
0x95: {  	s3 =	sld [smem:$0x3FFD];
	_ =	sdelay $0x3  }
0x96: {  	_ =	strace s3  }
0x97: {  	_ =	strace $0x8FFFFFFF  }
0x98: {  	s19 =	sld [smem:$0x3FDB];
	_ =	sdelay $0x1  }
0x99: {  	s4 =	simm.s32 $_scs_section_size  }
0x9a: {  	s5 =	simm.s32 $_size__tile_overlayer_lowered;
	s6 =	simm.s32 $_tile_overlayer_lowered  }
0x9b: {  	s22 =	simm.s32 $0x1BFF;
	s21 =	sshll.u32 s6, $0x1;
	s3 =	sadd.s32 s4, s19  }
0x9c: {  	s7 =	simm.s32 $0x0;
	s20 =	sshll.u32 s5, $0x1;
	s5 =	sadd.s32 s21, s3  }
0x9d: {  	[timem:s7], [sflag:s22] =	dma.local [hbm:s5], s20  }
0x9e: {  	_ =	swait.ge [sflag:s22], s20  }
0x9f: {  	s4 =	ssub.s32 $0x0, s20;
	[sflag:s22] =	ssyncset.done $0x0  }
0xa0: {  	[sflag:s22] =	ssyncadd.s32 s4;
	_ =	sdelay $0x1  }
0xa1: {  	s23 =	simm.s32 $0x1B8B  }
0xa2: {  	_ =	swait.ge [sflag:s23], $0x1  }
0xa3: {  	[sflag:s23] =	ssyncset.done $0x0  }
0xa4: {  	s25 =	simm.s32 $0x1B8E;
	s24 =	sld [smem:$0x3FFE];
	[sflag:s23] =	ssyncadd.s32 $0xFFFFFFFF  }
0xa5: {  	s26 =	simm.s32 $execute0_lowered;
	[smem:$0x3FD2] =	sst s25  }
0xa6: {  	s5 =	sshll.u32 s26, $0x1;
	_ =	strace $0x8000004F;
	[dreg:$0x1] =	wrdreg $0xFFFFFFFF  }
0xa7: {  	s28 =	simm.s32 $_size_execute0_lowered;
	s3 =	sadd.s32 s3, s5;
	[dreg:$0x0] =	wrdreg $0x0  }
0xa8: {  	s5 =	sshll.u32 s28, $0x1;
	[dreg:$0x2] =	wrdreg s3  }
0xa9: {  	[dreg:$0x3] =	wrdreg s5  }
0xaa: {  	[dreg:$0x4] =	wrdreg $0xC0  }
0xab: {  	_ =	task [dreg:s7], $0x5FFFF  }
0xac: {  	[dreg:$0x1] =	wrdreg $0xFFFFFFFF  }
0xad: {  	[dreg:$0x0] =	wrdreg $0x60  }
0xae: {  	[dreg:$0x2] =	wrdreg s24  }
0xaf: {  	[dreg:$0x3] =	wrdreg s2  }
0xb0: {  	[dreg:$0x4] =	wrdreg $0x90000  }
0xb1: {  	[dreg:$0x5] =	wrdreg $0x9  }
0xb2: {  	_ =	task.clear_ibuf [dreg:s7], $0x6FFFF;
	_ =	strace $0x9000004F  }
0xb3: {  	s29 =	simm.s32 $0x9;
	_ =	strace $0x80000051  }
0xb4: {  	_ =	swait.ge [sflag:s29], $0x1  }
0xb5: {  	[sflag:s29] =	ssyncadd.s32 $0xFFFFFFFF  }
0xb6: {  	_ =	strace $0x90000051  }
0xb7: {  	_ =	sfence  }
0xb8: {  	s30 =	sld [smem:$0x0];
	_ =	sdelay $0x2  }
0xb9: {  	s31 =	sshll.u32 s1, $0xD;
	s1 =	sshrl.u32 s1, $0x2  }
0xba: {  	s3 =	sand.u32 $0x4000, s31;
	s1 =	sadd.s32 s1, s30  }
0xbb: {  	s0 =	sor.u32 s3, s0;
	s1 =	sshll.u32 s1, $0x11  }
0xbc: {  	s0 =	sor.u32 s1, s0  }
0xbd: {  	s0 =	sadd.s32 $0x8F2B, s0  }
0xbe: {  	[sflag:s0] =	ssyncadd.remote.s32 $0x1  }
0xbf: {  	_ =	sfence.sel $0xFFFF  }
0xc0: {  	[dreg:$0x0] =	wrdreg $0xFFFFFFFF;
	(pc) =	sbr.abs _section_cstart, $3  }
0xc1: {  	[dreg:$0x1] =	wrdreg $0xFFFFFFFF  }
0xc2: {  	_ =	task.clear_ibuf [dreg:s7], $0x2FFFF;
	_ =	strace $0x9FFFFFFF  }
0xc3: {  	(tm) =	ssettm $0x7FFFFFFF  }
tec
execute0_lowered:
.L_overlay_start_1:
0x0: {  	(tag) =	ssettag $0x1  }
0x1: {  	s5 =	rddreg [dreg:$0x0]  }
0x2: {  	s0 =	srdreg.scid;
	s6 =	rddreg [dreg:$0x1]  }
0x3: {  	s2 =	rddreg [dreg:$0x2];
	s4 =	sand.u32 $0x1, s0  }
0x4: {  	s3 =	simm.s32 $0x0;
	s0 =	stileid.u32;
	s8 =	smul.u32 $0x27800, s4  }
0x5: {  	[smem:$0x7FF] =	sst s3;
	s10 =	smul.u32 $0x278, s0  }
0x6: {  	s1 =	sshll.u32 s4, $0x4;
	s9 =	ssub.s32 $0x2, s4;
	s12 =	smul.u32 $0x4F000, s0  }
0x7: {  	s4 =	sadd.s32 $0xE000, s5;
	s18 =	smul.u32 $0x2780, s0;
	s7 =	sor.u32 s0, s1  }
0x8: {  	s1 =	rddreg [dreg:$0x3];
	_ =	strace $0x80000050;
	s11 =	sshrl.u32 s9, $0x1  }
0x9: {  	s7 =	smul.u32 $0x500, s7;
	s14 =	sadd.s32 s8, s5;
	s15 =	ssub.s32 s9, s11  }
0xa: {  	s24 =	sshrl.u32 s12, $0x2;
	s25 =	sadd.s32 $0x80, s10;
	s28 =	sadd.s32 $0x100, s10  }
0xb: {  	s16 =	sadd.s32 $0x180, s10;
	s17 =	sadd.s32 $0x200, s10;
	s26 =	sshll.u32 s25, $0x7  }
0xc: {  	s29 =	sshll.u32 s28, $0x7;
	s30 =	sshll.u32 s16, $0x7;
	s31 =	sshll.u32 s17, $0x7  }
0xd: {  	s21 =	sadd.s32 $0xAC000, s14;
	s19 =	sshll.u32 s25, $0x4;
	s20 =	sshll.u32 s28, $0x4  }
0xe: {  	s22 =	sshll.u32 s16, $0x4;
	s23 =	sshll.u32 s17, $0x4;
	s12 =	smax.u32 s15, $0x1  }
0xf: {  	s14 =	simm.s32 $0x2800;
	s15 =	simm.s32 $0x5000;
	s16 =	simm.s32 $0x80  }
0x10: {  	s13 =	sadd.s32 s7, s5;
	s5 =	sadd.s32 s6, s7;
	s7 =	sadd.s32 s24, s2  }
0x11: {  	s8 =	sadd.s32 s26, s2;
	s9 =	sadd.s32 s29, s2;
	s10 =	sadd.s32 s30, s2  }
0x12: {  	s11 =	sadd.s32 s31, s2;
	s17 =	sadd.s32 s18, s21;
	s18 =	sadd.s32 s19, s21  }
0x13: {  	s19 =	sadd.s32 s20, s21;
	s20 =	sadd.s32 s22, s21;
	s21 =	sadd.s32 s23, s21  }
0x14: {  	v0 =	vimm.f32 $0.0e+00;
	s22 =	simm.s32 $0x0;
	s6 =	sadd.s32 $0x4000, s13;
	s13 =	simm.s32 $0x1  }
.LBB2_1:
0x15: {  	[tilespmem:s3], [sflag:$0x1] =	stream.linear.gather [hbm4b:s5+s3], $0x2780, $0x38;
	[tilespmem:$0x1CC00] =	vst v63  }
0x16: {  	_ =	swait.ge [sflag:s13], $0x2780  }
0x17: {  	[sflag:s13] =	ssyncset.done $0x0  }
0x18: {  	[sflag:s13] =	ssyncadd.s32 $0xFFFFD880  }
0x19: {  	[tilespmem:s14], [sflag:$0x1] =	stream.linear.gather [hbm4b:s6+s3], $0x2780, $0x38;
	[tilespmem:$0x1CC00] =	vst v63  }
0x1a: {  	_ =	swait.ge [sflag:s13], $0x2780  }
0x1b: {  	[sflag:s13] =	ssyncset.done $0x0  }
0x1c: {  	s23 =	simm.s32 $0x0;
	s24 =	simm.s32 $0x200;
	[sflag:s13] =	ssyncadd.s32 $0xFFFFD880  }
.LBB2_2:
0x1d: {  	p0 =	sne.s32 s24, $0xFE00;
	[tilespmem:s23+$0x5070] =	vst v0  }
0x1e: {  	[tilespmem:s23+$0x5000] =	vst v0  }
0x1f: {  	[tilespmem:s23+$0x5010] =	vst v0  }
.Ltmp0:
0x20: {  	[tilespmem:s23+$0x5020] =	vst v0;
	(pc) =	sbr.rel @p0 .LBB2_2-.Ltmp0, $4  }
0x21: {  	[tilespmem:s23+$0x5030] =	vst v0  }
0x22: {  	[tilespmem:s23+$0x5040] =	vst v0  }
0x23: {  	[tilespmem:s23+$0x5050] =	vst v0  }
0x24: {  	[tilespmem:s23+$0x5060] =	vst v0;
	s23 =	sshra.s32 s24, $0x2;
	s24 =	sadd.s32 $0x200, s24  }
0x25: {  	[tilespmem:s23+$0x5070] =	vst v0  }
0x26: {  	[tilespmem:s23+$0x5000] =	vst v0  }
0x27: {  	[tilespmem:s23+$0x5010] =	vst v0  }
0x28: {  	[tilespmem:s23+$0x5020] =	vst v0  }
0x29: {  	[tilespmem:s23+$0x5030] =	vst v0  }
0x2a: {  	[tilespmem:s23+$0x5040] =	vst v0  }
0x2b: {  	[tilespmem:s23+$0x5050] =	vst v0  }
0x2c: {  	[tilespmem:s23+$0x5060] =	vst v0  }
0x2d: {  	[spmem:s7] =	stream.linear.scatter [tilespmem:s15], [sflag:$0x1], $0x4000, $0x38;
	[tilespmem:$0x1CC00] =	vst v63  }
0x2e: {  	_ =	swait.ge [sflag:s13], $0x4000  }
0x2f: {  	[sflag:s13] =	ssyncset.done $0x0  }
0x30: {  	[sflag:s13] =	ssyncadd.s32 $0xFFFFC000  }
0x31: {  	[spmem:s8] =	stream.linear.scatter [tilespmem:s15], [sflag:$0x1], $0x4000, $0x38;
	[tilespmem:$0x1CC00] =	vst v63  }
0x32: {  	_ =	swait.ge [sflag:s13], $0x4000  }
0x33: {  	[sflag:s13] =	ssyncset.done $0x0  }
0x34: {  	[sflag:s13] =	ssyncadd.s32 $0xFFFFC000  }
0x35: {  	[spmem:s9] =	stream.linear.scatter [tilespmem:s15], [sflag:$0x1], $0x4000, $0x38;
	[tilespmem:$0x1CC00] =	vst v63  }
0x36: {  	_ =	swait.ge [sflag:s13], $0x4000  }
0x37: {  	[sflag:s13] =	ssyncset.done $0x0  }
0x38: {  	[sflag:s13] =	ssyncadd.s32 $0xFFFFC000  }
0x39: {  	[spmem:s10] =	stream.linear.scatter [tilespmem:s15], [sflag:$0x1], $0x4000, $0x38;
	[tilespmem:$0x1CC00] =	vst v63  }
0x3a: {  	_ =	swait.ge [sflag:s13], $0x4000  }
0x3b: {  	[sflag:s13] =	ssyncset.done $0x0  }
0x3c: {  	[sflag:s13] =	ssyncadd.s32 $0xFFFFC000  }
0x3d: {  	[spmem:s11] =	stream.linear.scatter [tilespmem:s15], [sflag:$0x1], $0x3C00, $0x38;
	[tilespmem:$0x1CC00] =	vst v63  }
0x3e: {  	_ =	swait.ge [sflag:s13], $0x3C00  }
0x3f: {  	[sflag:s13] =	ssyncset.done $0x0  }
0x40: {  	[sflag:s13] =	ssyncadd.s32 $0xFFFFC400  }
0x41: {  	s30 =	simm.s32 $0x0;
	[bflag:$0x0] =	sbarrier.arrive $0xFFFF  }
0x42: {  	[tilespmem:s15], [sflag:$0x1] =	stream.indirect.gather [hbm4b:s4+s16], $0x80, s30, s16, $0xb8;
	[tilespmem:$0x1CC00] =	vst v63  }
0x43: {  	_ =	swait.ge [sflag:s13], $0x4000  }
0x44: {  	[sflag:s13] =	ssyncset.done $0x0  }
0x45: {  	s31 =	simm.s32 $0x2800;
	[sflag:s13] =	ssyncadd.s32 $0xFFFFC000  }
0x46: {  	[spmem:s2] =	stream.indirect.scatter.add.f32 [tilespmem:s15], [sflag:$0x1], $0x80, s31, s16, $0xb8;
	[tilespmem:$0x1CC00] =	vst v63  }
0x47: {  	_ =	swait.ge [sflag:s13], $0x4000  }
0x48: {  	s23 =	simm.s32 $0x200;
	s24 =	simm.s32 $0x400;
	[sflag:s13] =	ssyncset.done $0x0  }
.LBB2_4:
0x49: {  	s25 =	sshra.s32 s23, $0x2  }
0x4a: {  	[sflag:s13] =	ssyncadd.s32 $0xFFFFC000;
	s23 =	smov.u32 s24;
	s26 =	sadd.s32 $0x200, s24  }
0x4b: {  	[tilespmem:s15], [sflag:$0x1] =	stream.indirect.gather [hbm4b:s4+s16], $0x80, s25, s16, $0xb8;
	[tilespmem:$0x1CC00] =	vst v63  }
0x4c: {  	p0 =	sne.s32 s24, $0x9C00;
	_ =	swait.ge [sflag:s13], $0x4000  }
.Ltmp1:
0x4d: {  	[sflag:s13] =	ssyncset.done $0x0;
	(pc) =	sbr.rel @p0 .LBB2_4-.Ltmp1, $4  }
0x4e: {  	s24 =	sadd.s32 $0x2800, s25;
	[sflag:s13] =	ssyncadd.s32 $0xFFFFC000  }
0x4f: {  	[spmem:s2] =	stream.indirect.scatter.add.f32 [tilespmem:s15], [sflag:$0x1], $0x80, s24, s16, $0xb8;
	[tilespmem:$0x1CC00] =	vst v63  }
0x50: {  	_ =	swait.ge [sflag:s13], $0x4000  }
0x51: {  	s24 =	smov.u32 s26;
	[sflag:s13] =	ssyncset.done $0x0  }
0x52: {  	s23 =	sshra.s32 s23, $0x2;
	[sflag:s13] =	ssyncadd.s32 $0xFFFFC000  }
0x53: {  	[tilespmem:s15], [sflag:$0x1] =	stream.indirect.gather [hbm4b:s4+s16], $0x80, s23, s16, $0xb8;
	[tilespmem:$0x1CC00] =	vst v63  }
0x54: {  	_ =	swait.ge [sflag:s13], $0x4000  }
0x55: {  	[sflag:s13] =	ssyncset.done $0x0  }
0x56: {  	s23 =	sadd.s32 $0x2800, s23;
	[sflag:s13] =	ssyncadd.s32 $0xFFFFC000  }
0x57: {  	[spmem:s2] =	stream.indirect.scatter.add.f32 [tilespmem:s15], [sflag:$0x1], $0x80, s23, s16, $0xb8;
	[tilespmem:$0x1CC00] =	vst v63  }
0x58: {  	_ =	swait.ge [sflag:s13], $0x4000  }
0x59: {  	[sflag:s13] =	ssyncset.done $0x0  }
0x5a: {  	[sflag:s13] =	ssyncadd.s32 $0xFFFFC000  }
0x5b: {  	[bflag:$0x0] =	sbarrier.arrive $0xFFFF  }
0x5c: {  	[tilespmem:s15], [sflag:$0x1] =	stream.linear.gather [spmem:s7], $0x4000, $0x38;
	[tilespmem:$0x1CC00] =	vst v63  }
0x5d: {  	_ =	swait.ge [sflag:s13], $0x4000  }
0x5e: {  	[sflag:s13] =	ssyncset.done $0x0  }
0x5f: {  	[sflag:s13] =	ssyncadd.s32 $0xFFFFC000  }
0x60: {  	[hbm4b:s17+s3] =	stream.linear.scatter [tilespmem:s15], [sflag:$0x1], $0x4000, $0x38;
	[tilespmem:$0x1CC00] =	vst v63  }
0x61: {  	_ =	swait.ge [sflag:s13], $0x4000  }
0x62: {  	[sflag:s13] =	ssyncset.done $0x0  }
0x63: {  	[sflag:s13] =	ssyncadd.s32 $0xFFFFC000  }
0x64: {  	[tilespmem:s15], [sflag:$0x1] =	stream.linear.gather [spmem:s8], $0x4000, $0x38;
	[tilespmem:$0x1CC00] =	vst v63  }
0x65: {  	_ =	swait.ge [sflag:s13], $0x4000  }
0x66: {  	[sflag:s13] =	ssyncset.done $0x0  }
0x67: {  	[sflag:s13] =	ssyncadd.s32 $0xFFFFC000  }
0x68: {  	[hbm4b:s18+s3] =	stream.linear.scatter [tilespmem:s15], [sflag:$0x1], $0x4000, $0x38;
	[tilespmem:$0x1CC00] =	vst v63  }
0x69: {  	_ =	swait.ge [sflag:s13], $0x4000  }
0x6a: {  	[sflag:s13] =	ssyncset.done $0x0  }
0x6b: {  	[sflag:s13] =	ssyncadd.s32 $0xFFFFC000  }
0x6c: {  	[tilespmem:s15], [sflag:$0x1] =	stream.linear.gather [spmem:s9], $0x4000, $0x38;
	[tilespmem:$0x1CC00] =	vst v63  }
0x6d: {  	_ =	swait.ge [sflag:s13], $0x4000  }
0x6e: {  	[sflag:s13] =	ssyncset.done $0x0  }
0x6f: {  	[sflag:s13] =	ssyncadd.s32 $0xFFFFC000  }
0x70: {  	[hbm4b:s19+s3] =	stream.linear.scatter [tilespmem:s15], [sflag:$0x1], $0x4000, $0x38;
	[tilespmem:$0x1CC00] =	vst v63  }
0x71: {  	_ =	swait.ge [sflag:s13], $0x4000  }
0x72: {  	[sflag:s13] =	ssyncset.done $0x0  }
0x73: {  	[sflag:s13] =	ssyncadd.s32 $0xFFFFC000  }
0x74: {  	[tilespmem:s15], [sflag:$0x1] =	stream.linear.gather [spmem:s10], $0x4000, $0x38;
	[tilespmem:$0x1CC00] =	vst v63  }
0x75: {  	_ =	swait.ge [sflag:s13], $0x4000  }
0x76: {  	[sflag:s13] =	ssyncset.done $0x0  }
0x77: {  	[sflag:s13] =	ssyncadd.s32 $0xFFFFC000  }
0x78: {  	[hbm4b:s20+s3] =	stream.linear.scatter [tilespmem:s15], [sflag:$0x1], $0x4000, $0x38;
	[tilespmem:$0x1CC00] =	vst v63  }
0x79: {  	_ =	swait.ge [sflag:s13], $0x4000  }
0x7a: {  	[sflag:s13] =	ssyncset.done $0x0  }
0x7b: {  	[sflag:s13] =	ssyncadd.s32 $0xFFFFC000  }
0x7c: {  	[tilespmem:s15], [sflag:$0x1] =	stream.linear.gather [spmem:s11], $0x3C00, $0x38;
	[tilespmem:$0x1CC00] =	vst v63  }
0x7d: {  	s22 =	sadd.s32 $0x1, s22;
	_ =	swait.ge [sflag:s13], $0x3C00  }
0x7e: {  	p0 =	sne.s32 s22, s12;
	[sflag:s13] =	ssyncset.done $0x0  }
.Ltmp2:
0x7f: {  	[sflag:s13] =	ssyncadd.s32 $0xFFFFC400;
	(pc) =	sbr.rel @p0 .LBB2_1-.Ltmp2, $4  }
0x80: {  	[hbm4b:s21+s3] =	stream.linear.scatter [tilespmem:s15], [sflag:$0x1], $0x3C00, $0x38;
	[tilespmem:$0x1CC00] =	vst v63  }
0x81: {  	_ =	swait.ge [sflag:s13], $0x3C00  }
0x82: {  	[sflag:s13] =	ssyncset.done $0x0  }
0x83: {  	[sflag:s13] =	ssyncadd.s32 $0xFFFFC400  }
0x84: {  	_ =	sfence.sel $0x180000  }
0x85: {  	[bflag:$0x0] =	sbarrier.arrive $0xFFFF  }
0x86: {  	p0 =	sne.s32 s0, $0x0;
	_ =	strace $0x90000050  }
0x87: {  	s0 =	sadd.s32 @!p0 $0x100000, s1;
	[bflag:$0x2] =	sbarrier.arrive $0xFFFF  }
0x88: {  	[sflag:s0] =	ssyncadd.tile.s32 @!p0 $0x1;
	_ =	shalt  }
.Lfunc_end2:
_tile_overlayer_lowered:
.L_overlay_start_2:
0x89: {  	(tag) =	ssettag $0x2  }
0x8a: {  	s0 =	rddreg [dreg:$0x0];
	s2 =	stileid.u32  }
0x8b: {  	s1 =	rddreg [dreg:$0x1];
	p0 =	sne.s32 s2, $0x0  }
0x8c: {  	s3 =	rddreg [dreg:$0x2];
	[bflag:$0x3] =	sbarrier.arrive $0xFFFF;
	s2 =	simm.s32 @!p0 $0x1C01  }
0x8d: {  	[timem:s3], [sflag:s2] =	dma.local @!p0 [hbm:s0], s1  }
0x8e: {  	s0 =	simm.s32 @!p0 $0x1  }
0x8f: {  	_ =	swait.ge @!p0 [sflag:s0], s1  }
0x90: {  	s1 =	ssub.s32 @!p0 $0x0, s1;
	[sflag:s0] =	ssyncset.done @!p0 $0x0  }
0x91: {  	[sflag:s0] =	ssyncadd.s32 @!p0 s1  }
0x92: {  	[bflag:$0x3] =	sbarrier.arrive $0xFFFF  }
0x93: {  	_ =	shalt  }

</sc_bundles>
